<compile_context>
chip_gen: v7x
topology: tpu7x:2x2x1
jax: 0.10.2.dev20260603
libtpu: 0.0.44.dev20260713+nightly
codegen_flags: <defaults>
</compile_context>

<pallas_src>
import functools

import jax
import jax.numpy as jnp
from jax import lax
from jax.experimental import pallas as pl
from jax.experimental.pallas import tpu as pltpu
from jax.experimental.pallas import tpu_sc as plsc

N = 10000
E = 320000
D = 128
B = 16

NUM_TILES = 16
EDGES_PER_TILE = E // NUM_TILES
NPAD = 10240
ROWS_PER_TILE = NPAD // NUM_TILES
DEG_PAD = 10240
ECHUNK = 125

_HIGH = lax.Precision.DEFAULT



def _sc_mesh():
    return plsc.VectorSubcoreMesh(core_axis_name="c", subcore_axis_name="s")


DFIRE = 8


@functools.partial(
    pl.kernel,
    out_type=jax.ShapeDtypeStruct((2 * DEG_PAD,), jnp.float32),
    mesh=_sc_mesh(),
    scratch_types=[
        pltpu.VMEM_SHARED((DEG_PAD,), jnp.float32),
        pltpu.VMEM((EDGES_PER_TILE // ECHUNK, ECHUNK), jnp.int32),
        pltpu.VMEM((128,), jnp.float32),
        pltpu.VMEM((640,), jnp.float32),
        pltpu.SemaphoreType.DMA,
    ],
)
def _sc_degree(dst_hbm, out_hbm, acc, didx, ones_v, zbuf, sem):
    c = lax.axis_index("c")
    s = lax.axis_index("s")
    nrows = EDGES_PER_TILE // ECHUNK
    for j in range(640 // 16):
        zbuf[pl.ds(j * 16, 16)] = jnp.zeros((16,), jnp.float32)
    for j in range(128 // 16):
        ones_v[pl.ds(j * 16, 16)] = jnp.ones((16,), jnp.float32)
    rowbase = pl.multiple_of(c * (E // ECHUNK) + s * nrows, 8)
    pltpu.sync_copy(dst_hbm.at[pl.ds(rowbase, nrows)], didx)
    pltpu.sync_copy(zbuf, acc.at[pl.ds(s * 640, 640)])
    plsc.subcore_barrier()

    ones100 = ones_v.at[pl.ds(0, ECHUNK)]

    def body(i, carry):
        for k in range(DFIRE):
            pltpu.async_copy(ones100, acc.at[didx.at[i * DFIRE + k]], sem,
                             add=True)
        for k in range(DFIRE):
            pltpu.make_async_copy(ones100, acc.at[didx.at[i * DFIRE + k]],
                                  sem).wait()
        return carry

    lax.fori_loop(0, nrows // DFIRE, body, 0)
    plsc.subcore_barrier()
    obase = pl.multiple_of(c * DEG_PAD + s * 640, 8)
    pltpu.sync_copy(acc.at[pl.ds(s * 640, 640)], out_hbm.at[pl.ds(obase, 640)])


EROWS = EDGES_PER_TILE // ECHUNK
ROWS_PER_SC = E // ECHUNK
SB = 16


@functools.partial(
    pl.kernel,
    out_type=jax.ShapeDtypeStruct((2, NPAD, D), jnp.float32),
    mesh=_sc_mesh(),
    scratch_types=[
        pltpu.VMEM_SHARED((NPAD, D), jnp.float32),
        pltpu.VMEM((2, SB, ECHUNK), jnp.int32),
        pltpu.VMEM((2, SB, ECHUNK), jnp.int32),
        pltpu.VMEM((ECHUNK, D), jnp.float32),
        pltpu.VMEM((ECHUNK, D), jnp.float32),
        pltpu.SemaphoreType.DMA,
        pltpu.SemaphoreType.DMA,
        pltpu.SemaphoreType.DMA,
    ],
)
def _sc_edge_agg(y_hbm, src_hbm, dst_hbm, zeros_hbm, out_hbm,
                 acc, sidx, didx, rows_a, rows_b, sem_a, sem_b, sem_i):
    c = lax.axis_index("c")
    s = lax.axis_index("s")
    tilebase = c * ROWS_PER_SC + s * EROWS
    pltpu.sync_copy(src_hbm.at[pl.ds(pl.multiple_of(tilebase, 8), SB)],
                    sidx.at[0])
    pltpu.sync_copy(dst_hbm.at[pl.ds(pl.multiple_of(tilebase, 8), SB)],
                    didx.at[0])
    pltpu.sync_copy(zeros_hbm.at[pl.ds(s * ROWS_PER_TILE, ROWS_PER_TILE)],
                    acc.at[pl.ds(s * ROWS_PER_TILE, ROWS_PER_TILE)])
    plsc.subcore_barrier()

    def superblock(ob, carry):
        b = jnp.bitwise_and(ob, 1)
        nb = 1 - b
        sb = sidx.at[b]
        db = didx.at[b]

        @pl.when(ob > 0)
        def _():
            rb = pl.multiple_of(tilebase + ob * SB, 8)
            pltpu.make_async_copy(src_hbm.at[pl.ds(rb, SB)], sidx.at[b],
                                  sem_i).wait()
            pltpu.make_async_copy(dst_hbm.at[pl.ds(rb, SB)], didx.at[b],
                                  sem_i).wait()

        @pl.when(ob < EROWS // SB - 1)
        def _():
            rb = pl.multiple_of(tilebase + (ob + 1) * SB, 8)
            pltpu.async_copy(src_hbm.at[pl.ds(rb, SB)], sidx.at[nb], sem_i)
            pltpu.async_copy(dst_hbm.at[pl.ds(rb, SB)], didx.at[nb], sem_i)

        pltpu.async_copy(y_hbm.at[sb.at[0]], rows_a, sem_a)

        def pair(p, carry2):
            j0 = 2 * p
            pltpu.async_copy(y_hbm.at[sb.at[j0 + 1]], rows_b, sem_b)
            pltpu.make_async_copy(y_hbm.at[sb.at[j0]], rows_a, sem_a).wait()
            pltpu.sync_copy(rows_a, acc.at[db.at[j0]], add=True)

            @pl.when(p < SB // 2 - 1)
            def _():
                pltpu.async_copy(y_hbm.at[sb.at[j0 + 2]], rows_a, sem_a)

            pltpu.make_async_copy(y_hbm.at[sb.at[j0 + 1]], rows_b, sem_b).wait()
            pltpu.sync_copy(rows_b, acc.at[db.at[j0 + 1]], add=True)
            return carry2

        lax.fori_loop(0, SB // 2, pair, 0)
        return carry

    lax.fori_loop(0, EROWS // SB, superblock, 0)
    plsc.subcore_barrier()
    pltpu.sync_copy(acc.at[pl.ds(s * ROWS_PER_TILE, ROWS_PER_TILE)],
                    out_hbm.at[c, pl.ds(s * ROWS_PER_TILE, ROWS_PER_TILE)])



ROW_BLK = 2000
NROW = N // ROW_BLK


def _pre_body(x_ref, w0t_ref, b0_ref, cw_ref, deg_ref, h0_ref, dinv_ref, y_ref):
    x = x_ref[0]
    out0 = jnp.maximum(
        jnp.dot(x, w0t_ref[0], precision=_HIGH) + b0_ref[0], 0.0)
    dinv = lax.rsqrt(1.0 + deg_ref[0])
    h0_ref[0] = out0
    dinv_ref[0] = dinv
    y_ref[0] = dinv * jnp.dot(out0, cw_ref[0], precision=_HIGH)


def _tc_pre(x, w0t, b0, cw, deg):
    eb = lambda e, r: (e, 0, 0)
    rb = lambda e, r: (e, r, 0)
    return pl.pallas_call(
        _pre_body,
        grid=(2, NROW),
        in_specs=[
            pl.BlockSpec((1, ROW_BLK, D), rb),
            pl.BlockSpec((1, D, D), eb),
            pl.BlockSpec((1, 1, D), eb),
            pl.BlockSpec((1, D, D), eb),
            pl.BlockSpec((1, ROW_BLK, 1), rb),
        ],
        out_specs=[
            pl.BlockSpec((1, ROW_BLK, D), rb),
            pl.BlockSpec((1, ROW_BLK, 1), rb),
            pl.BlockSpec((1, ROW_BLK, D), rb),
        ],
        out_shape=[
            jax.ShapeDtypeStruct((2, N, D), jnp.float32),
            jax.ShapeDtypeStruct((2, N, 1), jnp.float32),
            jax.ShapeDtypeStruct((2, N, D), jnp.float32),
        ],
    )(x, w0t, b0, cw, deg)


def _gru_body(want_y, y_ref, agg_ref, dinv_ref, cb_ref, h_ref,
              wiht_ref, whht_ref, bih_ref, bhh_ref, cw_ref, *out_refs):
    dinv = dinv_ref[0]
    m = jnp.maximum(dinv * (y_ref[0] + agg_ref[0]) + cb_ref[0], 0.0)
    gi = jnp.dot(m, wiht_ref[0], precision=_HIGH) + bih_ref[0]
    gh = jnp.dot(h_ref[0], whht_ref[0], precision=_HIGH) + bhh_ref[0]
    r = jax.nn.sigmoid(gi[:, :D] + gh[:, :D])
    z = jax.nn.sigmoid(gi[:, D:2 * D] + gh[:, D:2 * D])
    n = jnp.tanh(gi[:, 2 * D:] + r * gh[:, 2 * D:])
    h_new = (1.0 - z) * n + z * h_ref[0]
    out_refs[0][0] = h_new
    if want_y:
        out_refs[1][0] = dinv * jnp.dot(h_new, cw_ref[0], precision=_HIGH)


def _tc_gru(y, agg, dinv, cb, h, wiht, whht, bih, bhh, cw, want_y):
    eb = lambda e, r: (e, 0, 0)
    rb = lambda e, r: (e, r, 0)
    out_specs = [pl.BlockSpec((1, ROW_BLK, D), rb)]
    out_shape = [jax.ShapeDtypeStruct((2, N, D), jnp.float32)]
    if want_y:
        out_specs.append(pl.BlockSpec((1, ROW_BLK, D), rb))
        out_shape.append(jax.ShapeDtypeStruct((2, N, D), jnp.float32))
    return pl.pallas_call(
        functools.partial(_gru_body, want_y),
        grid=(2, NROW),
        in_specs=[
            pl.BlockSpec((1, ROW_BLK, D), rb),
            pl.BlockSpec((1, ROW_BLK, D), rb),
            pl.BlockSpec((1, ROW_BLK, 1), rb),
            pl.BlockSpec((1, 1, D), eb),
            pl.BlockSpec((1, ROW_BLK, D), rb),
            pl.BlockSpec((1, D, 3 * D), eb),
            pl.BlockSpec((1, D, 3 * D), eb),
            pl.BlockSpec((1, 1, 3 * D), eb),
            pl.BlockSpec((1, 1, 3 * D), eb),
            pl.BlockSpec((1, D, D), eb),
        ],
        out_specs=out_specs,
        out_shape=out_shape,
    )(y, agg, dinv, cb, h, wiht, whht, bih, bhh, cw)


def _final_body(h_ref, brow_ref, wiht_ref, whht_ref, bih_ref, bhh_ref,
                f1t_ref, f1b_ref, f2t_ref, f2b_ref, out_ref):
    q_stars = []
    for e in range(2):
        x = h_ref[e]
        brow = brow_ref[e]
        gid = lax.broadcasted_iota(jnp.int32, (B, N), 0)
        maskT = brow == gid
        hl = jnp.zeros((B, D), jnp.float32)
        cl = jnp.zeros((B, D), jnp.float32)
        q_star = jnp.zeros((B, 2 * D), jnp.float32)
        for _ in range(3):
            gates = (jnp.dot(q_star, wiht_ref[e], precision=_HIGH) + bih_ref[e]
                     + jnp.dot(hl, whht_ref[e], precision=_HIGH) + bhh_ref[e])
            ii = jax.nn.sigmoid(gates[:, :D])
            ff = jax.nn.sigmoid(gates[:, D:2 * D])
            gg = jnp.tanh(gates[:, 2 * D:3 * D])
            oo = jax.nn.sigmoid(gates[:, 3 * D:])
            cl = ff * cl + ii * gg
            hl = oo * jnp.tanh(cl)
            q = hl
            st = lax.dot_general(q, x, (((1,), (1,)), ((), ())),
                                 precision=_HIGH)
            smt = jnp.where(maskT, st, -jnp.inf)
            emax = jnp.max(smt, axis=1, keepdims=True)
            emax = jnp.where(jnp.isfinite(emax), emax, 0.0)
            pt = jnp.exp(smt - emax)
            denom = jnp.sum(pt, axis=1, keepdims=True)
            at = pt / (denom + 1e-16)
            r = jnp.dot(at, x, precision=_HIGH)
            q_star = jnp.concatenate([q, r], axis=1)
        q_stars.append(q_star)
    cat = jnp.concatenate(q_stars, axis=1)
    hfc = jnp.maximum(jnp.dot(cat, f1t_ref[...], precision=_HIGH)
                      + f1b_ref[...], 0.0)
    out_ref[...] = jnp.dot(hfc, f2t_ref[...], precision=_HIGH) + f2b_ref[...]


def _tc_final(h, brow, wiht, whht, bih, bhh, f1t, f1b, f2t, f2b):
    return pl.pallas_call(
        _final_body,
        out_shape=jax.ShapeDtypeStruct((B, 1), jnp.float32),
    )(h, brow, wiht, whht, bih, bhh, f1t, f1b, f2t, f2b)



def kernel(x1, x2, edge_index1, edge_index2, x1_batch, x2_batch,
           e1_lin0_W, e1_lin0_b, e1_conv_W, e1_conv_b,
           e1_gru_Wih, e1_gru_Whh, e1_gru_bih, e1_gru_bhh,
           e1_lstm_Wih, e1_lstm_Whh, e1_lstm_bih, e1_lstm_bhh,
           e2_lin0_W, e2_lin0_b, e2_conv_W, e2_conv_b,
           e2_gru_Wih, e2_gru_Whh, e2_gru_bih, e2_gru_bhh,
           e2_lstm_Wih, e2_lstm_Whh, e2_lstm_bih, e2_lstm_bhh,
           fc1_W, fc1_b, fc2_W, fc2_b):
    x = jnp.stack([x1, x2])
    src = jnp.concatenate([edge_index1[0], edge_index2[0] + N])
    dst = jnp.concatenate([edge_index1[1], edge_index2[1]])
    brow = jnp.stack([x1_batch, x2_batch])[:, None, :]

    w0t = jnp.stack([e1_lin0_W.T, e2_lin0_W.T])
    b0 = jnp.stack([e1_lin0_b, e2_lin0_b])[:, None, :]
    cw = jnp.stack([e1_conv_W, e2_conv_W])
    cb = jnp.stack([e1_conv_b, e2_conv_b])[:, None, :]
    wiht = jnp.stack([e1_gru_Wih.T, e2_gru_Wih.T])
    whht = jnp.stack([e1_gru_Whh.T, e2_gru_Whh.T])
    bih = jnp.stack([e1_gru_bih, e2_gru_bih])[:, None, :]
    bhh = jnp.stack([e1_gru_bhh, e2_gru_bhh])[:, None, :]
    lwiht = jnp.stack([e1_lstm_Wih.T, e2_lstm_Wih.T])
    lwhht = jnp.stack([e1_lstm_Whh.T, e2_lstm_Whh.T])
    lbih = jnp.stack([e1_lstm_bih, e2_lstm_bih])[:, None, :]
    lbhh = jnp.stack([e1_lstm_bhh, e2_lstm_bhh])[:, None, :]

    zeros_mat = jnp.zeros((NPAD, D), jnp.float32)

    src2d = src.reshape(-1, ECHUNK)
    dst2d = dst.reshape(-1, ECHUNK)

    deg = _sc_degree(dst2d)
    deg = deg.reshape(2, DEG_PAD)[:, :N, None]

    h, dinv, y = _tc_pre(x, w0t, b0, cw, deg)
    for layer in range(3):
        agg = _sc_edge_agg(y.reshape(2 * N, D), src2d, dst2d, zeros_mat)
        want_y = layer < 2
        outs = _tc_gru(y, agg, dinv, cb, h, wiht, whht, bih, bhh, cw, want_y)
        if want_y:
            h, y = outs
        else:
            h = outs[0]

    out = _tc_final(h, brow, lwiht, lwhht, lbih, lbhh,
                    fc1_W.T, fc1_b[None, :], fc2_W.T, fc2_b[None, :])
    return out.reshape(-1)

# --- scband reference (transcript-rebuilt; emitter-appended) ---
"""Pipeline reference for scband-net-10075993276853 (READ-ONLY COPY).

The authoritative reference and input builder live on the scoring server;
editing this copy changes nothing except your own understanding.
"""

import jax, jax.numpy as jnp
import numpy as np

N = 10000
E = 320000
D = 128
F_IN = 128
B = 16


def _gcn(x, src, dst, W, b, n):
    xw = x @ W
    loop = jnp.arange(n, dtype=src.dtype)
    src2 = jnp.concatenate([src, loop])
    dst2 = jnp.concatenate([dst, loop])
    deg = jax.ops.segment_sum(jnp.ones(src2.shape[0], dtype=xw.dtype), dst2, num_segments=n)
    dinv = jax.lax.rsqrt(deg)
    norm = dinv[src2] * dinv[dst2]
    msg = xw[src2] * norm[:, None]
    return jax.ops.segment_sum(msg, dst2, num_segments=n) + b


def _gru(x, h, Wih, Whh, bih, bhh):
    gi = x @ Wih.T + bih
    gh = h @ Whh.T + bhh
    i_r, i_z, i_n = jnp.split(gi, 3, axis=-1)
    h_r, h_z, h_n = jnp.split(gh, 3, axis=-1)
    r = jax.nn.sigmoid(i_r + h_r)
    z = jax.nn.sigmoid(i_z + h_z)
    nn_ = jnp.tanh(i_n + r * h_n)
    return (1.0 - z) * nn_ + z * h


def _set2set(x, batch, Wih, Whh, bih, bhh, num_graphs, d):
    h = jnp.zeros((num_graphs, d), x.dtype)
    c = jnp.zeros((num_graphs, d), x.dtype)
    q_star = jnp.zeros((num_graphs, 2 * d), x.dtype)
    for _ in range(3):
        gates = q_star @ Wih.T + bih + h @ Whh.T + bhh
        ii, ff, gg, oo = jnp.split(gates, 4, axis=-1)
        ii = jax.nn.sigmoid(ii)
        ff = jax.nn.sigmoid(ff)
        gg = jnp.tanh(gg)
        oo = jax.nn.sigmoid(oo)
        c = ff * c + ii * gg
        h = oo * jnp.tanh(c)
        q = h
        e = jnp.sum(x * q[batch], axis=-1)
        emax = jax.ops.segment_max(e, batch, num_segments=num_graphs)
        emax = jnp.where(jnp.isfinite(emax), emax, 0.0)
        ex = jnp.exp(e - emax[batch])
        denom = jax.ops.segment_sum(ex, batch, num_segments=num_graphs)
        a = ex / (denom[batch] + 1e-16)
        r = jax.ops.segment_sum(a[:, None] * x, batch, num_segments=num_graphs)
        q_star = jnp.concatenate([q, r], axis=-1)
    return q_star


def _encoder(x, edge_index, batch, p, num_graphs):
    n = x.shape[0]
    out = jax.nn.relu(x @ p["lin0_W"].T + p["lin0_b"])
    h = out
    for _ in range(3):
        m = jax.nn.relu(_gcn(out, edge_index[0], edge_index[1], p["conv_W"], p["conv_b"], n))
        h = _gru(m, h, p["gru_Wih"], p["gru_Whh"], p["gru_bih"], p["gru_bhh"])
        out = h
    g = _set2set(out, batch, p["lstm_Wih"], p["lstm_Whh"], p["lstm_bih"], p["lstm_bhh"], num_graphs, out.shape[1])
    return g, out


_PARAM_SHAPES = [
    ("lin0_W", (D, F_IN)), ("lin0_b", (D,)),
    ("conv_W", (D, D)), ("conv_b", (D,)),
    ("gru_Wih", (3 * D, D)), ("gru_Whh", (3 * D, D)), ("gru_bih", (3 * D,)), ("gru_bhh", (3 * D,)),
    ("lstm_Wih", (4 * D, 2 * D)), ("lstm_Whh", (4 * D, D)), ("lstm_bih", (4 * D,)), ("lstm_bhh", (4 * D,)),
]


def setup_inputs(seed: int = 0) -> dict:
    key = jax.random.key(seed)
    ks = iter(jax.random.split(key, 64))
    inp = {}
    inp["x1"] = jax.random.normal(next(ks), (N, F_IN), dtype=jnp.float32)
    inp["x2"] = jax.random.normal(next(ks), (N, F_IN), dtype=jnp.float32)
    inp["edge_index1"] = jax.random.randint(next(ks), (2, E), 0, N, dtype=jnp.int32)
    inp["edge_index2"] = jax.random.randint(next(ks), (2, E), 0, N, dtype=jnp.int32)
    inp["x1_batch"] = jnp.sort(jax.random.randint(next(ks), (N,), 0, B, dtype=jnp.int32))
    inp["x2_batch"] = jnp.sort(jax.random.randint(next(ks), (N,), 0, B, dtype=jnp.int32))
    for pref in ("e1", "e2"):
        for name, shp in _PARAM_SHAPES:
            inp[pref + "_" + name] = jax.random.normal(next(ks), shp, dtype=jnp.float32) * 0.05
    inp["fc1_W"] = jax.random.normal(next(ks), (D, 4 * D), dtype=jnp.float32) * 0.05
    inp["fc1_b"] = jnp.zeros((D,), jnp.float32)
    inp["fc2_W"] = jax.random.normal(next(ks), (1, D), dtype=jnp.float32) * 0.05
    inp["fc2_b"] = jnp.zeros((1,), jnp.float32)
    return inp


def reference(x1, x2, edge_index1, edge_index2, x1_batch, x2_batch,
              e1_lin0_W, e1_lin0_b, e1_conv_W, e1_conv_b,
              e1_gru_Wih, e1_gru_Whh, e1_gru_bih, e1_gru_bhh,
              e1_lstm_Wih, e1_lstm_Whh, e1_lstm_bih, e1_lstm_bhh,
              e2_lin0_W, e2_lin0_b, e2_conv_W, e2_conv_b,
              e2_gru_Wih, e2_gru_Whh, e2_gru_bih, e2_gru_bhh,
              e2_lstm_Wih, e2_lstm_Whh, e2_lstm_bih, e2_lstm_bhh,
              fc1_W, fc1_b, fc2_W, fc2_b):
    ei1 = edge_index1
    ei2 = edge_index2
    b1 = x1_batch
    b2 = x2_batch
    p1 = {
        "lin0_W": e1_lin0_W, "lin0_b": e1_lin0_b,
        "conv_W": e1_conv_W, "conv_b": e1_conv_b,
        "gru_Wih": e1_gru_Wih, "gru_Whh": e1_gru_Whh, "gru_bih": e1_gru_bih, "gru_bhh": e1_gru_bhh,
        "lstm_Wih": e1_lstm_Wih, "lstm_Whh": e1_lstm_Whh, "lstm_bih": e1_lstm_bih, "lstm_bhh": e1_lstm_bhh,
    }
    p2 = {
        "lin0_W": e2_lin0_W, "lin0_b": e2_lin0_b,
        "conv_W": e2_conv_W, "conv_b": e2_conv_b,
        "gru_Wih": e2_gru_Wih, "gru_Whh": e2_gru_Whh, "gru_bih": e2_gru_bih, "gru_bhh": e2_gru_bhh,
        "lstm_Wih": e2_lstm_Wih, "lstm_Whh": e2_lstm_Whh, "lstm_bih": e2_lstm_bih, "lstm_bhh": e2_lstm_bhh,
    }
    out1, M1 = _encoder(x1, ei1, b1, p1, B)
    out2, M2 = _encoder(x2, ei2, b2, p2, B)
    cat = jnp.concatenate([out1, out2], axis=1)
    hfc = jax.nn.relu(cat @ fc1_W.T + fc1_b)
    out = hfc @ fc2_W.T + fc2_b
    return out.reshape(-1)

if __name__ == "__main__":
    import jax
    _d = setup_inputs()
    print(jax.jit(kernel)(*tuple(_d.values())))

</pallas_src>

<mosaic_0001>
#map = affine_map<(d0, d1) -> (0, 0)>
#map1 = affine_map<(d0, d1) -> (0)>
module attributes {stable_mosaic.version = 14 : i64} {
  func.func @_sc_degree(%arg0: i32, %arg1: i32, %arg2: memref<5120x125xi32, #tpu.memory_space<hbm>>, %arg3: memref<20480xf32, #tpu.memory_space<hbm>>, %arg4: memref<10240xf32, #tpu.memory_space<vmem_shared>>, %arg5: memref<160x125xi32, #tpu.memory_space<vmem>>, %arg6: memref<128xf32, #tpu.memory_space<vmem>>, %arg7: memref<640xf32, #tpu.memory_space<vmem>>, %arg8: memref<!tpu.dma_semaphore, #tpu.memory_space<semaphore_mem>>) attributes {dimension_semantics = [#tpu.dimension_semantics<core_parallel>, #tpu.dimension_semantics<subcore_parallel>], iteration_bounds = array<i64: 2, 16>, scalar_prefetch = 0 : i64, scratch_operands = 5 : i64, tpu.core_type = #tpu.core_type<sc_vector_subcore>, window_params = [{transform_indices = #map}, {transform_indices = #map1}]} {
    %broadcast_in_dim3A = arith.constant 0.000000e+00 : f32
    %broadcast_in_dim3A_0 = vector.broadcast %broadcast_in_dim3A : f32 to vector<16xf32>
    %swap3A = arith.constant 0 : index
    %swap3A_1 = tpu.vector_load %arg7[%swap3A] {strides = array<i32>} : memref<640xf32, #tpu.memory_space<vmem>>, vector<16xf32>,
    %swap3A_2 = vector.shape_cast %swap3A_1 : vector<16xf32> to vector<16xf32>
    %swap3A_3 = vector.shape_cast %broadcast_in_dim3A_0 : vector<16xf32> to vector<16xf32>
    tpu.vector_store %arg7[%swap3A], %swap3A_3 {strides = array<i32>} : memref<640xf32, #tpu.memory_space<vmem>>, vector<16xf32>,
    %broadcast_in_dim3A_4 = arith.constant 0.000000e+00 : f32
    %broadcast_in_dim3A_5 = vector.broadcast %broadcast_in_dim3A_4 : f32 to vector<16xf32>
    %swap3A_6 = arith.constant 16 : index
    %swap3A_7 = tpu.vector_load %arg7[%swap3A_6] {strides = array<i32>} : memref<640xf32, #tpu.memory_space<vmem>>, vector<16xf32>,
    %swap3A_8 = vector.shape_cast %swap3A_7 : vector<16xf32> to vector<16xf32>
    %swap3A_9 = vector.shape_cast %broadcast_in_dim3A_5 : vector<16xf32> to vector<16xf32>
    tpu.vector_store %arg7[%swap3A_6], %swap3A_9 {strides = array<i32>} : memref<640xf32, #tpu.memory_space<vmem>>, vector<16xf32>,
    %broadcast_in_dim3A_10 = arith.constant 0.000000e+00 : f32
    %broadcast_in_dim3A_11 = vector.broadcast %broadcast_in_dim3A_10 : f32 to vector<16xf32>
    %swap3A_12 = arith.constant 32 : index
    %swap3A_13 = tpu.vector_load %arg7[%swap3A_12] {strides = array<i32>} : memref<640xf32, #tpu.memory_space<vmem>>, vector<16xf32>,
    %swap3A_14 = vector.shape_cast %swap3A_13 : vector<16xf32> to vector<16xf32>
    %swap3A_15 = vector.shape_cast %broadcast_in_dim3A_11 : vector<16xf32> to vector<16xf32>
    tpu.vector_store %arg7[%swap3A_12], %swap3A_15 {strides = array<i32>} : memref<640xf32, #tpu.memory_space<vmem>>, vector<16xf32>,
    %broadcast_in_dim3A_16 = arith.constant 0.000000e+00 : f32
    %broadcast_in_dim3A_17 = vector.broadcast %broadcast_in_dim3A_16 : f32 to vector<16xf32>
    %swap3A_18 = arith.constant 48 : index
    %swap3A_19 = tpu.vector_load %arg7[%swap3A_18] {strides = array<i32>} : memref<640xf32, #tpu.memory_space<vmem>>, vector<16xf32>,
    %swap3A_20 = vector.shape_cast %swap3A_19 : vector<16xf32> to vector<16xf32>
    %swap3A_21 = vector.shape_cast %broadcast_in_dim3A_17 : vector<16xf32> to vector<16xf32>
    tpu.vector_store %arg7[%swap3A_18], %swap3A_21 {strides = array<i32>} : memref<640xf32, #tpu.memory_space<vmem>>, vector<16xf32>,
    %broadcast_in_dim3A_22 = arith.constant 0.000000e+00 : f32
    %broadcast_in_dim3A_23 = vector.broadcast %broadcast_in_dim3A_22 : f32 to vector<16xf32>
    %swap3A_24 = arith.constant 64 : index
    %swap3A_25 = tpu.vector_load %arg7[%swap3A_24] {strides = array<i32>} : memref<640xf32, #tpu.memory_space<vmem>>, vector<16xf32>,
    %swap3A_26 = vector.shape_cast %swap3A_25 : vector<16xf32> to vector<16xf32>
    %swap3A_27 = vector.shape_cast %broadcast_in_dim3A_23 : vector<16xf32> to vector<16xf32>
    tpu.vector_store %arg7[%swap3A_24], %swap3A_27 {strides = array<i32>} : memref<640xf32, #tpu.memory_space<vmem>>, vector<16xf32>,
    %broadcast_in_dim3A_28 = arith.constant 0.000000e+00 : f32
    %broadcast_in_dim3A_29 = vector.broadcast %broadcast_in_dim3A_28 : f32 to vector<16xf32>
    %swap3A_30 = arith.constant 80 : index
    %swap3A_31 = tpu.vector_load %arg7[%swap3A_30] {strides = array<i32>} : memref<640xf32, #tpu.memory_space<vmem>>, vector<16xf32>,
    %swap3A_32 = vector.shape_cast %swap3A_31 : vector<16xf32> to vector<16xf32>
    %swap3A_33 = vector.shape_cast %broadcast_in_dim3A_29 : vector<16xf32> to vector<16xf32>
    tpu.vector_store %arg7[%swap3A_30], %swap3A_33 {strides = array<i32>} : memref<640xf32, #tpu.memory_space<vmem>>, vector<16xf32>,
    %broadcast_in_dim3A_34 = arith.constant 0.000000e+00 : f32
    %broadcast_in_dim3A_35 = vector.broadcast %broadcast_in_dim3A_34 : f32 to vector<16xf32>
    %swap3A_36 = arith.constant 96 : index
    %swap3A_37 = tpu.vector_load %arg7[%swap3A_36] {strides = array<i32>} : memref<640xf32, #tpu.memory_space<vmem>>, vector<16xf32>,
    %swap3A_38 = vector.shape_cast %swap3A_37 : vector<16xf32> to vector<16xf32>
    %swap3A_39 = vector.shape_cast %broadcast_in_dim3A_35 : vector<16xf32> to vector<16xf32>
    tpu.vector_store %arg7[%swap3A_36], %swap3A_39 {strides = array<i32>} : memref<640xf32, #tpu.memory_space<vmem>>, vector<16xf32>,
    %broadcast_in_dim3A_40 = arith.constant 0.000000e+00 : f32
    %broadcast_in_dim3A_41 = vector.broadcast %broadcast_in_dim3A_40 : f32 to vector<16xf32>
    %swap3A_42 = arith.constant 112 : index
    %swap3A_43 = tpu.vector_load %arg7[%swap3A_42] {strides = array<i32>} : memref<640xf32, #tpu.memory_space<vmem>>, vector<16xf32>,
    %swap3A_44 = vector.shape_cast %swap3A_43 : vector<16xf32> to vector<16xf32>
    %swap3A_45 = vector.shape_cast %broadcast_in_dim3A_41 : vector<16xf32> to vector<16xf32>
    tpu.vector_store %arg7[%swap3A_42], %swap3A_45 {strides = array<i32>} : memref<640xf32, #tpu.memory_space<vmem>>, vector<16xf32>,
    %broadcast_in_dim3A_46 = arith.constant 0.000000e+00 : f32
    %broadcast_in_dim3A_47 = vector.broadcast %broadcast_in_dim3A_46 : f32 to vector<16xf32>
    %swap3A_48 = arith.constant 128 : index
    %swap3A_49 = tpu.vector_load %arg7[%swap3A_48] {strides = array<i32>} : memref<640xf32, #tpu.memory_space<vmem>>, vector<16xf32>,
    %swap3A_50 = vector.shape_cast %swap3A_49 : vector<16xf32> to vector<16xf32>
    %swap3A_51 = vector.shape_cast %broadcast_in_dim3A_47 : vector<16xf32> to vector<16xf32>
    tpu.vector_store %arg7[%swap3A_48], %swap3A_51 {strides = array<i32>} : memref<640xf32, #tpu.memory_space<vmem>>, vector<16xf32>,
    %broadcast_in_dim3A_52 = arith.constant 0.000000e+00 : f32
    %broadcast_in_dim3A_53 = vector.broadcast %broadcast_in_dim3A_52 : f32 to vector<16xf32>
    %swap3A_54 = arith.constant 144 : index
    %swap3A_55 = tpu.vector_load %arg7[%swap3A_54] {strides = array<i32>} : memref<640xf32, #tpu.memory_space<vmem>>, vector<16xf32>,
    %swap3A_56 = vector.shape_cast %swap3A_55 : vector<16xf32> to vector<16xf32>
    %swap3A_57 = vector.shape_cast %broadcast_in_dim3A_53 : vector<16xf32> to vector<16xf32>
    tpu.vector_store %arg7[%swap3A_54], %swap3A_57 {strides = array<i32>} : memref<640xf32, #tpu.memory_space<vmem>>, vector<16xf32>,
    %broadcast_in_dim3A_58 = arith.constant 0.000000e+00 : f32
    %broadcast_in_dim3A_59 = vector.broadcast %broadcast_in_dim3A_58 : f32 to vector<16xf32>
    %swap3A_60 = arith.constant 160 : index
    %swap3A_61 = tpu.vector_load %arg7[%swap3A_60] {strides = array<i32>} : memref<640xf32, #tpu.memory_space<vmem>>, vector<16xf32>,
    %swap3A_62 = vector.shape_cast %swap3A_61 : vector<16xf32> to vector<16xf32>
    %swap3A_63 = vector.shape_cast %broadcast_in_dim3A_59 : vector<16xf32> to vector<16xf32>
    tpu.vector_store %arg7[%swap3A_60], %swap3A_63 {strides = array<i32>} : memref<640xf32, #tpu.memory_space<vmem>>, vector<16xf32>,
    %broadcast_in_dim3A_64 = arith.constant 0.000000e+00 : f32
    %broadcast_in_dim3A_65 = vector.broadcast %broadcast_in_dim3A_64 : f32 to vector<16xf32>
    %swap3A_66 = arith.constant 176 : index
    %swap3A_67 = tpu.vector_load %arg7[%swap3A_66] {strides = array<i32>} : memref<640xf32, #tpu.memory_space<vmem>>, vector<16xf32>,
    %swap3A_68 = vector.shape_cast %swap3A_67 : vector<16xf32> to vector<16xf32>
    %swap3A_69 = vector.shape_cast %broadcast_in_dim3A_65 : vector<16xf32> to vector<16xf32>
    tpu.vector_store %arg7[%swap3A_66], %swap3A_69 {strides = array<i32>} : memref<640xf32, #tpu.memory_space<vmem>>, vector<16xf32>,
    %broadcast_in_dim3A_70 = arith.constant 0.000000e+00 : f32
    %broadcast_in_dim3A_71 = vector.broadcast %broadcast_in_dim3A_70 : f32 to vector<16xf32>
    %swap3A_72 = arith.constant 192 : index
    %swap3A_73 = tpu.vector_load %arg7[%swap3A_72] {strides = array<i32>} : memref<640xf32, #tpu.memory_space<vmem>>, vector<16xf32>,
    %swap3A_74 = vector.shape_cast %swap3A_73 : vector<16xf32> to vector<16xf32>
    %swap3A_75 = vector.shape_cast %broadcast_in_dim3A_71 : vector<16xf32> to vector<16xf32>
    tpu.vector_store %arg7[%swap3A_72], %swap3A_75 {strides = array<i32>} : memref<640xf32, #tpu.memory_space<vmem>>, vector<16xf32>,
    %broadcast_in_dim3A_76 = arith.constant 0.000000e+00 : f32
    %broadcast_in_dim3A_77 = vector.broadcast %broadcast_in_dim3A_76 : f32 to vector<16xf32>
    %swap3A_78 = arith.constant 208 : index
    %swap3A_79 = tpu.vector_load %arg7[%swap3A_78] {strides = array<i32>} : memref<640xf32, #tpu.memory_space<vmem>>, vector<16xf32>,
    %swap3A_80 = vector.shape_cast %swap3A_79 : vector<16xf32> to vector<16xf32>
    %swap3A_81 = vector.shape_cast %broadcast_in_dim3A_77 : vector<16xf32> to vector<16xf32>
    tpu.vector_store %arg7[%swap3A_78], %swap3A_81 {strides = array<i32>} : memref<640xf32, #tpu.memory_space<vmem>>, vector<16xf32>,
    %broadcast_in_dim3A_82 = arith.constant 0.000000e+00 : f32
    %broadcast_in_dim3A_83 = vector.broadcast %broadcast_in_dim3A_82 : f32 to vector<16xf32>
    %swap3A_84 = arith.constant 224 : index
    %swap3A_85 = tpu.vector_load %arg7[%swap3A_84] {strides = array<i32>} : memref<640xf32, #tpu.memory_space<vmem>>, vector<16xf32>,
    %swap3A_86 = vector.shape_cast %swap3A_85 : vector<16xf32> to vector<16xf32>
    %swap3A_87 = vector.shape_cast %broadcast_in_dim3A_83 : vector<16xf32> to vector<16xf32>
    tpu.vector_store %arg7[%swap3A_84], %swap3A_87 {strides = array<i32>} : memref<640xf32, #tpu.memory_space<vmem>>, vector<16xf32>,
    %broadcast_in_dim3A_88 = arith.constant 0.000000e+00 : f32
    %broadcast_in_dim3A_89 = vector.broadcast %broadcast_in_dim3A_88 : f32 to vector<16xf32>
    %swap3A_90 = arith.constant 240 : index
    %swap3A_91 = tpu.vector_load %arg7[%swap3A_90] {strides = array<i32>} : memref<640xf32, #tpu.memory_space<vmem>>, vector<16xf32>,
    %swap3A_92 = vector.shape_cast %swap3A_91 : vector<16xf32> to vector<16xf32>
    %swap3A_93 = vector.shape_cast %broadcast_in_dim3A_89 : vector<16xf32> to vector<16xf32>
    tpu.vector_store %arg7[%swap3A_90], %swap3A_93 {strides = array<i32>} : memref<640xf32, #tpu.memory_space<vmem>>, vector<16xf32>,
    %broadcast_in_dim3A_94 = arith.constant 0.000000e+00 : f32
    %broadcast_in_dim3A_95 = vector.broadcast %broadcast_in_dim3A_94 : f32 to vector<16xf32>
    %swap3A_96 = arith.constant 256 : index
    %swap3A_97 = tpu.vector_load %arg7[%swap3A_96] {strides = array<i32>} : memref<640xf32, #tpu.memory_space<vmem>>, vector<16xf32>,
    %swap3A_98 = vector.shape_cast %swap3A_97 : vector<16xf32> to vector<16xf32>
    %swap3A_99 = vector.shape_cast %broadcast_in_dim3A_95 : vector<16xf32> to vector<16xf32>
    tpu.vector_store %arg7[%swap3A_96], %swap3A_99 {strides = array<i32>} : memref<640xf32, #tpu.memory_space<vmem>>, vector<16xf32>,
    %broadcast_in_dim3A_100 = arith.constant 0.000000e+00 : f32
    %broadcast_in_dim3A_101 = vector.broadcast %broadcast_in_dim3A_100 : f32 to vector<16xf32>
    %swap3A_102 = arith.constant 272 : index
    %swap3A_103 = tpu.vector_load %arg7[%swap3A_102] {strides = array<i32>} : memref<640xf32, #tpu.memory_space<vmem>>, vector<16xf32>,
    %swap3A_104 = vector.shape_cast %swap3A_103 : vector<16xf32> to vector<16xf32>
    %swap3A_105 = vector.shape_cast %broadcast_in_dim3A_101 : vector<16xf32> to vector<16xf32>
    tpu.vector_store %arg7[%swap3A_102], %swap3A_105 {strides = array<i32>} : memref<640xf32, #tpu.memory_space<vmem>>, vector<16xf32>,
    %broadcast_in_dim3A_106 = arith.constant 0.000000e+00 : f32
    %broadcast_in_dim3A_107 = vector.broadcast %broadcast_in_dim3A_106 : f32 to vector<16xf32>
    %swap3A_108 = arith.constant 288 : index
    %swap3A_109 = tpu.vector_load %arg7[%swap3A_108] {strides = array<i32>} : memref<640xf32, #tpu.memory_space<vmem>>, vector<16xf32>,
    %swap3A_110 = vector.shape_cast %swap3A_109 : vector<16xf32> to vector<16xf32>
    %swap3A_111 = vector.shape_cast %broadcast_in_dim3A_107 : vector<16xf32> to vector<16xf32>
    tpu.vector_store %arg7[%swap3A_108], %swap3A_111 {strides = array<i32>} : memref<640xf32, #tpu.memory_space<vmem>>, vector<16xf32>,
    %broadcast_in_dim3A_112 = arith.constant 0.000000e+00 : f32
    %broadcast_in_dim3A_113 = vector.broadcast %broadcast_in_dim3A_112 : f32 to vector<16xf32>
    %swap3A_114 = arith.constant 304 : index
    %swap3A_115 = tpu.vector_load %arg7[%swap3A_114] {strides = array<i32>} : memref<640xf32, #tpu.memory_space<vmem>>, vector<16xf32>,
    %swap3A_116 = vector.shape_cast %swap3A_115 : vector<16xf32> to vector<16xf32>
    %swap3A_117 = vector.shape_cast %broadcast_in_dim3A_113 : vector<16xf32> to vector<16xf32>
    tpu.vector_store %arg7[%swap3A_114], %swap3A_117 {strides = array<i32>} : memref<640xf32, #tpu.memory_space<vmem>>, vector<16xf32>,
    %broadcast_in_dim3A_118 = arith.constant 0.000000e+00 : f32
    %broadcast_in_dim3A_119 = vector.broadcast %broadcast_in_dim3A_118 : f32 to vector<16xf32>
    %swap3A_120 = arith.constant 320 : index
    %swap3A_121 = tpu.vector_load %arg7[%swap3A_120] {strides = array<i32>} : memref<640xf32, #tpu.memory_space<vmem>>, vector<16xf32>,
    %swap3A_122 = vector.shape_cast %swap3A_121 : vector<16xf32> to vector<16xf32>
    %swap3A_123 = vector.shape_cast %broadcast_in_dim3A_119 : vector<16xf32> to vector<16xf32>
    tpu.vector_store %arg7[%swap3A_120], %swap3A_123 {strides = array<i32>} : memref<640xf32, #tpu.memory_space<vmem>>, vector<16xf32>,
    %broadcast_in_dim3A_124 = arith.constant 0.000000e+00 : f32
    %broadcast_in_dim3A_125 = vector.broadcast %broadcast_in_dim3A_124 : f32 to vector<16xf32>
    %swap3A_126 = arith.constant 336 : index
    %swap3A_127 = tpu.vector_load %arg7[%swap3A_126] {strides = array<i32>} : memref<640xf32, #tpu.memory_space<vmem>>, vector<16xf32>,
    %swap3A_128 = vector.shape_cast %swap3A_127 : vector<16xf32> to vector<16xf32>
    %swap3A_129 = vector.shape_cast %broadcast_in_dim3A_125 : vector<16xf32> to vector<16xf32>
    tpu.vector_store %arg7[%swap3A_126], %swap3A_129 {strides = array<i32>} : memref<640xf32, #tpu.memory_space<vmem>>, vector<16xf32>,
    %broadcast_in_dim3A_130 = arith.constant 0.000000e+00 : f32
    %broadcast_in_dim3A_131 = vector.broadcast %broadcast_in_dim3A_130 : f32 to vector<16xf32>
    %swap3A_132 = arith.constant 352 : index
    %swap3A_133 = tpu.vector_load %arg7[%swap3A_132] {strides = array<i32>} : memref<640xf32, #tpu.memory_space<vmem>>, vector<16xf32>,
    %swap3A_134 = vector.shape_cast %swap3A_133 : vector<16xf32> to vector<16xf32>
    %swap3A_135 = vector.shape_cast %broadcast_in_dim3A_131 : vector<16xf32> to vector<16xf32>
    tpu.vector_store %arg7[%swap3A_132], %swap3A_135 {strides = array<i32>} : memref<640xf32, #tpu.memory_space<vmem>>, vector<16xf32>,
    %broadcast_in_dim3A_136 = arith.constant 0.000000e+00 : f32
    %broadcast_in_dim3A_137 = vector.broadcast %broadcast_in_dim3A_136 : f32 to vector<16xf32>
    %swap3A_138 = arith.constant 368 : index
    %swap3A_139 = tpu.vector_load %arg7[%swap3A_138] {strides = array<i32>} : memref<640xf32, #tpu.memory_space<vmem>>, vector<16xf32>,
    %swap3A_140 = vector.shape_cast %swap3A_139 : vector<16xf32> to vector<16xf32>
    %swap3A_141 = vector.shape_cast %broadcast_in_dim3A_137 : vector<16xf32> to vector<16xf32>
    tpu.vector_store %arg7[%swap3A_138], %swap3A_141 {strides = array<i32>} : memref<640xf32, #tpu.memory_space<vmem>>, vector<16xf32>,
    %broadcast_in_dim3A_142 = arith.constant 0.000000e+00 : f32
    %broadcast_in_dim3A_143 = vector.broadcast %broadcast_in_dim3A_142 : f32 to vector<16xf32>
    %swap3A_144 = arith.constant 384 : index
    %swap3A_145 = tpu.vector_load %arg7[%swap3A_144] {strides = array<i32>} : memref<640xf32, #tpu.memory_space<vmem>>, vector<16xf32>,
    %swap3A_146 = vector.shape_cast %swap3A_145 : vector<16xf32> to vector<16xf32>
    %swap3A_147 = vector.shape_cast %broadcast_in_dim3A_143 : vector<16xf32> to vector<16xf32>
    tpu.vector_store %arg7[%swap3A_144], %swap3A_147 {strides = array<i32>} : memref<640xf32, #tpu.memory_space<vmem>>, vector<16xf32>,
    %broadcast_in_dim3A_148 = arith.constant 0.000000e+00 : f32
    %broadcast_in_dim3A_149 = vector.broadcast %broadcast_in_dim3A_148 : f32 to vector<16xf32>
    %swap3A_150 = arith.constant 400 : index
    %swap3A_151 = tpu.vector_load %arg7[%swap3A_150] {strides = array<i32>} : memref<640xf32, #tpu.memory_space<vmem>>, vector<16xf32>,
    %swap3A_152 = vector.shape_cast %swap3A_151 : vector<16xf32> to vector<16xf32>
    %swap3A_153 = vector.shape_cast %broadcast_in_dim3A_149 : vector<16xf32> to vector<16xf32>
    tpu.vector_store %arg7[%swap3A_150], %swap3A_153 {strides = array<i32>} : memref<640xf32, #tpu.memory_space<vmem>>, vector<16xf32>,
    %broadcast_in_dim3A_154 = arith.constant 0.000000e+00 : f32
    %broadcast_in_dim3A_155 = vector.broadcast %broadcast_in_dim3A_154 : f32 to vector<16xf32>
    %swap3A_156 = arith.constant 416 : index
    %swap3A_157 = tpu.vector_load %arg7[%swap3A_156] {strides = array<i32>} : memref<640xf32, #tpu.memory_space<vmem>>, vector<16xf32>,
    %swap3A_158 = vector.shape_cast %swap3A_157 : vector<16xf32> to vector<16xf32>
    %swap3A_159 = vector.shape_cast %broadcast_in_dim3A_155 : vector<16xf32> to vector<16xf32>
    tpu.vector_store %arg7[%swap3A_156], %swap3A_159 {strides = array<i32>} : memref<640xf32, #tpu.memory_space<vmem>>, vector<16xf32>,
    %broadcast_in_dim3A_160 = arith.constant 0.000000e+00 : f32
    %broadcast_in_dim3A_161 = vector.broadcast %broadcast_in_dim3A_160 : f32 to vector<16xf32>
    %swap3A_162 = arith.constant 432 : index
    %swap3A_163 = tpu.vector_load %arg7[%swap3A_162] {strides = array<i32>} : memref<640xf32, #tpu.memory_space<vmem>>, vector<16xf32>,
    %swap3A_164 = vector.shape_cast %swap3A_163 : vector<16xf32> to vector<16xf32>
    %swap3A_165 = vector.shape_cast %broadcast_in_dim3A_161 : vector<16xf32> to vector<16xf32>
    tpu.vector_store %arg7[%swap3A_162], %swap3A_165 {strides = array<i32>} : memref<640xf32, #tpu.memory_space<vmem>>, vector<16xf32>,
    %broadcast_in_dim3A_166 = arith.constant 0.000000e+00 : f32
    %broadcast_in_dim3A_167 = vector.broadcast %broadcast_in_dim3A_166 : f32 to vector<16xf32>
    %swap3A_168 = arith.constant 448 : index
    %swap3A_169 = tpu.vector_load %arg7[%swap3A_168] {strides = array<i32>} : memref<640xf32, #tpu.memory_space<vmem>>, vector<16xf32>,
    %swap3A_170 = vector.shape_cast %swap3A_169 : vector<16xf32> to vector<16xf32>
    %swap3A_171 = vector.shape_cast %broadcast_in_dim3A_167 : vector<16xf32> to vector<16xf32>
    tpu.vector_store %arg7[%swap3A_168], %swap3A_171 {strides = array<i32>} : memref<640xf32, #tpu.memory_space<vmem>>, vector<16xf32>,
    %broadcast_in_dim3A_172 = arith.constant 0.000000e+00 : f32
    %broadcast_in_dim3A_173 = vector.broadcast %broadcast_in_dim3A_172 : f32 to vector<16xf32>
    %swap3A_174 = arith.constant 464 : index
    %swap3A_175 = tpu.vector_load %arg7[%swap3A_174] {strides = array<i32>} : memref<640xf32, #tpu.memory_space<vmem>>, vector<16xf32>,
    %swap3A_176 = vector.shape_cast %swap3A_175 : vector<16xf32> to vector<16xf32>
    %swap3A_177 = vector.shape_cast %broadcast_in_dim3A_173 : vector<16xf32> to vector<16xf32>
    tpu.vector_store %arg7[%swap3A_174], %swap3A_177 {strides = array<i32>} : memref<640xf32, #tpu.memory_space<vmem>>, vector<16xf32>,
    %broadcast_in_dim3A_178 = arith.constant 0.000000e+00 : f32
    %broadcast_in_dim3A_179 = vector.broadcast %broadcast_in_dim3A_178 : f32 to vector<16xf32>
    %swap3A_180 = arith.constant 480 : index
    %swap3A_181 = tpu.vector_load %arg7[%swap3A_180] {strides = array<i32>} : memref<640xf32, #tpu.memory_space<vmem>>, vector<16xf32>,
    %swap3A_182 = vector.shape_cast %swap3A_181 : vector<16xf32> to vector<16xf32>
    %swap3A_183 = vector.shape_cast %broadcast_in_dim3A_179 : vector<16xf32> to vector<16xf32>
    tpu.vector_store %arg7[%swap3A_180], %swap3A_183 {strides = array<i32>} : memref<640xf32, #tpu.memory_space<vmem>>, vector<16xf32>,
    %broadcast_in_dim3A_184 = arith.constant 0.000000e+00 : f32
    %broadcast_in_dim3A_185 = vector.broadcast %broadcast_in_dim3A_184 : f32 to vector<16xf32>
    %swap3A_186 = arith.constant 496 : index
    %swap3A_187 = tpu.vector_load %arg7[%swap3A_186] {strides = array<i32>} : memref<640xf32, #tpu.memory_space<vmem>>, vector<16xf32>,
    %swap3A_188 = vector.shape_cast %swap3A_187 : vector<16xf32> to vector<16xf32>
    %swap3A_189 = vector.shape_cast %broadcast_in_dim3A_185 : vector<16xf32> to vector<16xf32>
    tpu.vector_store %arg7[%swap3A_186], %swap3A_189 {strides = array<i32>} : memref<640xf32, #tpu.memory_space<vmem>>, vector<16xf32>,
    %broadcast_in_dim3A_190 = arith.constant 0.000000e+00 : f32
    %broadcast_in_dim3A_191 = vector.broadcast %broadcast_in_dim3A_190 : f32 to vector<16xf32>
    %swap3A_192 = arith.constant 512 : index
    %swap3A_193 = tpu.vector_load %arg7[%swap3A_192] {strides = array<i32>} : memref<640xf32, #tpu.memory_space<vmem>>, vector<16xf32>,
    %swap3A_194 = vector.shape_cast %swap3A_193 : vector<16xf32> to vector<16xf32>
    %swap3A_195 = vector.shape_cast %broadcast_in_dim3A_191 : vector<16xf32> to vector<16xf32>
    tpu.vector_store %arg7[%swap3A_192], %swap3A_195 {strides = array<i32>} : memref<640xf32, #tpu.memory_space<vmem>>, vector<16xf32>,
    %broadcast_in_dim3A_196 = arith.constant 0.000000e+00 : f32
    %broadcast_in_dim3A_197 = vector.broadcast %broadcast_in_dim3A_196 : f32 to vector<16xf32>
    %swap3A_198 = arith.constant 528 : index
    %swap3A_199 = tpu.vector_load %arg7[%swap3A_198] {strides = array<i32>} : memref<640xf32, #tpu.memory_space<vmem>>, vector<16xf32>,
    %swap3A_200 = vector.shape_cast %swap3A_199 : vector<16xf32> to vector<16xf32>
    %swap3A_201 = vector.shape_cast %broadcast_in_dim3A_197 : vector<16xf32> to vector<16xf32>
    tpu.vector_store %arg7[%swap3A_198], %swap3A_201 {strides = array<i32>} : memref<640xf32, #tpu.memory_space<vmem>>, vector<16xf32>,
    %broadcast_in_dim3A_202 = arith.constant 0.000000e+00 : f32
    %broadcast_in_dim3A_203 = vector.broadcast %broadcast_in_dim3A_202 : f32 to vector<16xf32>
    %swap3A_204 = arith.constant 544 : index
    %swap3A_205 = tpu.vector_load %arg7[%swap3A_204] {strides = array<i32>} : memref<640xf32, #tpu.memory_space<vmem>>, vector<16xf32>,
    %swap3A_206 = vector.shape_cast %swap3A_205 : vector<16xf32> to vector<16xf32>
    %swap3A_207 = vector.shape_cast %broadcast_in_dim3A_203 : vector<16xf32> to vector<16xf32>
    tpu.vector_store %arg7[%swap3A_204], %swap3A_207 {strides = array<i32>} : memref<640xf32, #tpu.memory_space<vmem>>, vector<16xf32>,
    %broadcast_in_dim3A_208 = arith.constant 0.000000e+00 : f32
    %broadcast_in_dim3A_209 = vector.broadcast %broadcast_in_dim3A_208 : f32 to vector<16xf32>
    %swap3A_210 = arith.constant 560 : index
    %swap3A_211 = tpu.vector_load %arg7[%swap3A_210] {strides = array<i32>} : memref<640xf32, #tpu.memory_space<vmem>>, vector<16xf32>,
    %swap3A_212 = vector.shape_cast %swap3A_211 : vector<16xf32> to vector<16xf32>
    %swap3A_213 = vector.shape_cast %broadcast_in_dim3A_209 : vector<16xf32> to vector<16xf32>
    tpu.vector_store %arg7[%swap3A_210], %swap3A_213 {strides = array<i32>} : memref<640xf32, #tpu.memory_space<vmem>>, vector<16xf32>,
    %broadcast_in_dim3A_214 = arith.constant 0.000000e+00 : f32
    %broadcast_in_dim3A_215 = vector.broadcast %broadcast_in_dim3A_214 : f32 to vector<16xf32>
    %swap3A_216 = arith.constant 576 : index
    %swap3A_217 = tpu.vector_load %arg7[%swap3A_216] {strides = array<i32>} : memref<640xf32, #tpu.memory_space<vmem>>, vector<16xf32>,
    %swap3A_218 = vector.shape_cast %swap3A_217 : vector<16xf32> to vector<16xf32>
    %swap3A_219 = vector.shape_cast %broadcast_in_dim3A_215 : vector<16xf32> to vector<16xf32>
    tpu.vector_store %arg7[%swap3A_216], %swap3A_219 {strides = array<i32>} : memref<640xf32, #tpu.memory_space<vmem>>, vector<16xf32>,
    %broadcast_in_dim3A_220 = arith.constant 0.000000e+00 : f32
    %broadcast_in_dim3A_221 = vector.broadcast %broadcast_in_dim3A_220 : f32 to vector<16xf32>
    %swap3A_222 = arith.constant 592 : index
    %swap3A_223 = tpu.vector_load %arg7[%swap3A_222] {strides = array<i32>} : memref<640xf32, #tpu.memory_space<vmem>>, vector<16xf32>,
    %swap3A_224 = vector.shape_cast %swap3A_223 : vector<16xf32> to vector<16xf32>
    %swap3A_225 = vector.shape_cast %broadcast_in_dim3A_221 : vector<16xf32> to vector<16xf32>
    tpu.vector_store %arg7[%swap3A_222], %swap3A_225 {strides = array<i32>} : memref<640xf32, #tpu.memory_space<vmem>>, vector<16xf32>,
    %broadcast_in_dim3A_226 = arith.constant 0.000000e+00 : f32
    %broadcast_in_dim3A_227 = vector.broadcast %broadcast_in_dim3A_226 : f32 to vector<16xf32>
    %swap3A_228 = arith.constant 608 : index
    %swap3A_229 = tpu.vector_load %arg7[%swap3A_228] {strides = array<i32>} : memref<640xf32, #tpu.memory_space<vmem>>, vector<16xf32>,
    %swap3A_230 = vector.shape_cast %swap3A_229 : vector<16xf32> to vector<16xf32>
    %swap3A_231 = vector.shape_cast %broadcast_in_dim3A_227 : vector<16xf32> to vector<16xf32>
    tpu.vector_store %arg7[%swap3A_228], %swap3A_231 {strides = array<i32>} : memref<640xf32, #tpu.memory_space<vmem>>, vector<16xf32>,
    %broadcast_in_dim3A_232 = arith.constant 0.000000e+00 : f32
    %broadcast_in_dim3A_233 = vector.broadcast %broadcast_in_dim3A_232 : f32 to vector<16xf32>
    %swap3A_234 = arith.constant 624 : index
    %swap3A_235 = tpu.vector_load %arg7[%swap3A_234] {strides = array<i32>} : memref<640xf32, #tpu.memory_space<vmem>>, vector<16xf32>,
    %swap3A_236 = vector.shape_cast %swap3A_235 : vector<16xf32> to vector<16xf32>
    %swap3A_237 = vector.shape_cast %broadcast_in_dim3A_233 : vector<16xf32> to vector<16xf32>
    tpu.vector_store %arg7[%swap3A_234], %swap3A_237 {strides = array<i32>} : memref<640xf32, #tpu.memory_space<vmem>>, vector<16xf32>,
    %broadcast_in_dim3A_238 = arith.constant 1.000000e+00 : f32
    %broadcast_in_dim3A_239 = vector.broadcast %broadcast_in_dim3A_238 : f32 to vector<16xf32>
    %swap3A_240 = arith.constant 0 : index
    %swap3A_241 = tpu.vector_load %arg6[%swap3A_240] {strides = array<i32>} : memref<128xf32, #tpu.memory_space<vmem>>, vector<16xf32>,
    %swap3A_242 = vector.shape_cast %swap3A_241 : vector<16xf32> to vector<16xf32>
    %swap3A_243 = vector.shape_cast %broadcast_in_dim3A_239 : vector<16xf32> to vector<16xf32>
    tpu.vector_store %arg6[%swap3A_240], %swap3A_243 {strides = array<i32>} : memref<128xf32, #tpu.memory_space<vmem>>, vector<16xf32>,
    %broadcast_in_dim3A_244 = arith.constant 1.000000e+00 : f32
    %broadcast_in_dim3A_245 = vector.broadcast %broadcast_in_dim3A_244 : f32 to vector<16xf32>
    %swap3A_246 = arith.constant 16 : index
    %swap3A_247 = tpu.vector_load %arg6[%swap3A_246] {strides = array<i32>} : memref<128xf32, #tpu.memory_space<vmem>>, vector<16xf32>,
    %swap3A_248 = vector.shape_cast %swap3A_247 : vector<16xf32> to vector<16xf32>
    %swap3A_249 = vector.shape_cast %broadcast_in_dim3A_245 : vector<16xf32> to vector<16xf32>
    tpu.vector_store %arg6[%swap3A_246], %swap3A_249 {strides = array<i32>} : memref<128xf32, #tpu.memory_space<vmem>>, vector<16xf32>,
    %broadcast_in_dim3A_250 = arith.constant 1.000000e+00 : f32
    %broadcast_in_dim3A_251 = vector.broadcast %broadcast_in_dim3A_250 : f32 to vector<16xf32>
    %swap3A_252 = arith.constant 32 : index
    %swap3A_253 = tpu.vector_load %arg6[%swap3A_252] {strides = array<i32>} : memref<128xf32, #tpu.memory_space<vmem>>, vector<16xf32>,
    %swap3A_254 = vector.shape_cast %swap3A_253 : vector<16xf32> to vector<16xf32>
    %swap3A_255 = vector.shape_cast %broadcast_in_dim3A_251 : vector<16xf32> to vector<16xf32>
    tpu.vector_store %arg6[%swap3A_252], %swap3A_255 {strides = array<i32>} : memref<128xf32, #tpu.memory_space<vmem>>, vector<16xf32>,
    %broadcast_in_dim3A_256 = arith.constant 1.000000e+00 : f32
    %broadcast_in_dim3A_257 = vector.broadcast %broadcast_in_dim3A_256 : f32 to vector<16xf32>
    %swap3A_258 = arith.constant 48 : index
    %swap3A_259 = tpu.vector_load %arg6[%swap3A_258] {strides = array<i32>} : memref<128xf32, #tpu.memory_space<vmem>>, vector<16xf32>,
    %swap3A_260 = vector.shape_cast %swap3A_259 : vector<16xf32> to vector<16xf32>
    %swap3A_261 = vector.shape_cast %broadcast_in_dim3A_257 : vector<16xf32> to vector<16xf32>
    tpu.vector_store %arg6[%swap3A_258], %swap3A_261 {strides = array<i32>} : memref<128xf32, #tpu.memory_space<vmem>>, vector<16xf32>,
    %broadcast_in_dim3A_262 = arith.constant 1.000000e+00 : f32
    %broadcast_in_dim3A_263 = vector.broadcast %broadcast_in_dim3A_262 : f32 to vector<16xf32>
    %swap3A_264 = arith.constant 64 : index
    %swap3A_265 = tpu.vector_load %arg6[%swap3A_264] {strides = array<i32>} : memref<128xf32, #tpu.memory_space<vmem>>, vector<16xf32>,
    %swap3A_266 = vector.shape_cast %swap3A_265 : vector<16xf32> to vector<16xf32>
    %swap3A_267 = vector.shape_cast %broadcast_in_dim3A_263 : vector<16xf32> to vector<16xf32>
    tpu.vector_store %arg6[%swap3A_264], %swap3A_267 {strides = array<i32>} : memref<128xf32, #tpu.memory_space<vmem>>, vector<16xf32>,
    %broadcast_in_dim3A_268 = arith.constant 1.000000e+00 : f32
    %broadcast_in_dim3A_269 = vector.broadcast %broadcast_in_dim3A_268 : f32 to vector<16xf32>
    %swap3A_270 = arith.constant 80 : index
    %swap3A_271 = tpu.vector_load %arg6[%swap3A_270] {strides = array<i32>} : memref<128xf32, #tpu.memory_space<vmem>>, vector<16xf32>,
    %swap3A_272 = vector.shape_cast %swap3A_271 : vector<16xf32> to vector<16xf32>
    %swap3A_273 = vector.shape_cast %broadcast_in_dim3A_269 : vector<16xf32> to vector<16xf32>
    tpu.vector_store %arg6[%swap3A_270], %swap3A_273 {strides = array<i32>} : memref<128xf32, #tpu.memory_space<vmem>>, vector<16xf32>,
    %broadcast_in_dim3A_274 = arith.constant 1.000000e+00 : f32
    %broadcast_in_dim3A_275 = vector.broadcast %broadcast_in_dim3A_274 : f32 to vector<16xf32>
    %swap3A_276 = arith.constant 96 : index
    %swap3A_277 = tpu.vector_load %arg6[%swap3A_276] {strides = array<i32>} : memref<128xf32, #tpu.memory_space<vmem>>, vector<16xf32>,
    %swap3A_278 = vector.shape_cast %swap3A_277 : vector<16xf32> to vector<16xf32>
    %swap3A_279 = vector.shape_cast %broadcast_in_dim3A_275 : vector<16xf32> to vector<16xf32>
    tpu.vector_store %arg6[%swap3A_276], %swap3A_279 {strides = array<i32>} : memref<128xf32, #tpu.memory_space<vmem>>, vector<16xf32>,
    %broadcast_in_dim3A_280 = arith.constant 1.000000e+00 : f32
    %broadcast_in_dim3A_281 = vector.broadcast %broadcast_in_dim3A_280 : f32 to vector<16xf32>
    %swap3A_282 = arith.constant 112 : index
    %swap3A_283 = tpu.vector_load %arg6[%swap3A_282] {strides = array<i32>} : memref<128xf32, #tpu.memory_space<vmem>>, vector<16xf32>,
    %swap3A_284 = vector.shape_cast %swap3A_283 : vector<16xf32> to vector<16xf32>
    %swap3A_285 = vector.shape_cast %broadcast_in_dim3A_281 : vector<16xf32> to vector<16xf32>
    tpu.vector_store %arg6[%swap3A_282], %swap3A_285 {strides = array<i32>} : memref<128xf32, #tpu.memory_space<vmem>>, vector<16xf32>,
    %mul3A = arith.constant 2560 : i32
    %mul3A_286 = arith.muli %arg0, %mul3A : i32
    %mul3A_287 = arith.constant 160 : i32
    %mul3A_288 = arith.muli %arg1, %mul3A_287 : i32
    %add3A = arith.addi %mul3A_286, %mul3A_288 : i32
    %multiple_of3A = tpu.assume_multiple %add3A, 8 : i32
    "tpu.region"() ({
      %run_scoped3A = tpu.sem_alloc : memref<!tpu.dma_semaphore, #tpu.memory_space<semaphore_mem>>
      %dma_start3A = arith.constant 0 : i32
      %dma_start3A_305 = tpu.memref_slice %arg2[%multiple_of3A, %dma_start3A] : memref<5120x125xi32, #tpu.memory_space<hbm>> -> memref<160x125xi32, #tpu.memory_space<hbm>>
      %dma_start3A_306 = arith.constant 0 : i32
      %dma_start3A_307 = tpu.memref_slice %arg2[%multiple_of3A, %dma_start3A_306] : memref<5120x125xi32, #tpu.memory_space<hbm>> -> memref<160x125xi32, #tpu.memory_space<hbm>>
      tpu.enqueue_dma source(%dma_start3A_307 : memref<160x125xi32, #tpu.memory_space<hbm>>) target(%arg5 : memref<160x125xi32, #tpu.memory_space<vmem>>) target_semaphore(%run_scoped3A : memref<!tpu.dma_semaphore, #tpu.memory_space<semaphore_mem>>)
      %dma_wait3A = arith.constant 0 : i32
      %dma_wait3A_308 = tpu.memref_slice %arg2[%multiple_of3A, %dma_wait3A] : memref<5120x125xi32, #tpu.memory_space<hbm>> -> memref<160x125xi32, #tpu.memory_space<hbm>>
      %dma_wait3A_309 = arith.constant 0 : i32
      %dma_wait3A_310 = tpu.memref_slice %arg2[%multiple_of3A, %dma_wait3A_309] : memref<5120x125xi32, #tpu.memory_space<hbm>> -> memref<160x125xi32, #tpu.memory_space<hbm>>
      tpu.wait_dma2 semaphore(%run_scoped3A : memref<!tpu.dma_semaphore, #tpu.memory_space<semaphore_mem>>) src(%dma_wait3A_310 : memref<160x125xi32, #tpu.memory_space<hbm>>) dst(%arg5 : memref<160x125xi32, #tpu.memory_space<vmem>>)
      tpu.yield
    }) : () -> ()
    %mul3A_289 = arith.constant 640 : i32
    %mul3A_290 = arith.muli %arg1, %mul3A_289 : i32
    "tpu.region"() ({
      %run_scoped3A = tpu.sem_alloc : memref<!tpu.dma_semaphore, #tpu.memory_space<semaphore_mem>>
      %dma_start3A = tpu.memref_slice %arg4[%mul3A_290] : memref<10240xf32, #tpu.memory_space<vmem_shared>> -> memref<640xf32, #tpu.memory_space<vmem_shared>>
      %dma_start3A_305 = tpu.memref_slice %arg4[%mul3A_290] : memref<10240xf32, #tpu.memory_space<vmem_shared>> -> memref<640xf32, #tpu.memory_space<vmem_shared>>
      tpu.enqueue_dma source(%arg7 : memref<640xf32, #tpu.memory_space<vmem>>) target(%dma_start3A_305 : memref<640xf32, #tpu.memory_space<vmem_shared>>) target_semaphore(%run_scoped3A : memref<!tpu.dma_semaphore, #tpu.memory_space<semaphore_mem>>)
      %dma_wait3A = tpu.memref_slice %arg4[%mul3A_290] : memref<10240xf32, #tpu.memory_space<vmem_shared>> -> memref<640xf32, #tpu.memory_space<vmem_shared>>
      %dma_wait3A_306 = tpu.memref_slice %arg4[%mul3A_290] : memref<10240xf32, #tpu.memory_space<vmem_shared>> -> memref<640xf32, #tpu.memory_space<vmem_shared>>
      tpu.wait_dma2 semaphore(%run_scoped3A : memref<!tpu.dma_semaphore, #tpu.memory_space<semaphore_mem>>) src(%arg7 : memref<640xf32, #tpu.memory_space<vmem>>) dst(%dma_wait3A_306 : memref<640xf32, #tpu.memory_space<vmem_shared>>)
      tpu.yield
    }) : () -> ()
    %barrier3A = arith.constant 0 : index
    tpu.barrier barrier_id(%barrier3A)
    %scan3A = arith.constant 0 : i32
    %scan3A_291 = arith.constant 0 : i32
    %scan3A_292 = arith.constant 20 : i32
    %scan3A_293 = arith.addi %scan3A_291, %scan3A_292 : i32
    %scan3A_294 = arith.constant 1 : i32
    scf.for %scan3A_305 = %scan3A_291 to %scan3A_293 step %scan3A_294  : i32 {
      %mul3A_306 = arith.constant 8 : i32
      %mul3A_307 = arith.muli %scan3A_305, %mul3A_306 : i32
      %add3A_308 = arith.constant 0 : i32
      %add3A_309 = arith.addi %mul3A_307, %add3A_308 : i32
      %dma_start3A = arith.constant 0 : i32
      %dma_start3A_310 = tpu.memref_slice %arg6[%dma_start3A] : memref<128xf32, #tpu.memory_space<vmem>> -> memref<125xf32, #tpu.memory_space<vmem>>
      %dma_start3A_311 = arith.constant 0 : i32
      %dma_start3A_312 = tpu.memref_slice %arg5[%add3A_309, %dma_start3A_311] : memref<160x125xi32, #tpu.memory_space<vmem>> -> memref<1x125xi32, #tpu.memory_space<vmem>>
      %dma_start3A_313 = tpu.memref_squeeze %dma_start3A_312 : memref<1x125xi32, #tpu.memory_space<vmem>> -> memref<125xi32, #tpu.memory_space<vmem>>
      %dma_start3A_314 = arith.constant 0 : i32
      %dma_start3A_315 = tpu.memref_slice %arg4[%dma_start3A_314] : memref<10240xf32, #tpu.memory_space<vmem_shared>> -> memref<10240xf32, #tpu.memory_space<vmem_shared>>
      tpu.enqueue_indirect_dma source(%dma_start3A_310 : memref<125xf32, #tpu.memory_space<vmem>>) target(%dma_start3A_315 : memref<10240xf32, #tpu.memory_space<vmem_shared>>) offsets(%dma_start3A_313 : memref<125xi32, #tpu.memory_space<vmem>>) semaphore(%arg8 : memref<!tpu.dma_semaphore, #tpu.memory_space<semaphore_mem>>) {add = true}
      %mul3A_316 = arith.constant 8 : i32
      %mul3A_317 = arith.muli %scan3A_305, %mul3A_316 : i32
      %add3A_318 = arith.constant 1 : i32
      %add3A_319 = arith.addi %mul3A_317, %add3A_318 : i32
      %dma_start3A_320 = arith.constant 0 : i32
      %dma_start3A_321 = tpu.memref_slice %arg6[%dma_start3A_320] : memref<128xf32, #tpu.memory_space<vmem>> -> memref<125xf32, #tpu.memory_space<vmem>>
      %dma_start3A_322 = arith.constant 0 : i32
      %dma_start3A_323 = tpu.memref_slice %arg5[%add3A_319, %dma_start3A_322] : memref<160x125xi32, #tpu.memory_space<vmem>> -> memref<1x125xi32, #tpu.memory_space<vmem>>
      %dma_start3A_324 = tpu.memref_squeeze %dma_start3A_323 : memref<1x125xi32, #tpu.memory_space<vmem>> -> memref<125xi32, #tpu.memory_space<vmem>>
      %dma_start3A_325 = arith.constant 0 : i32
      %dma_start3A_326 = tpu.memref_slice %arg4[%dma_start3A_325] : memref<10240xf32, #tpu.memory_space<vmem_shared>> -> memref<10240xf32, #tpu.memory_space<vmem_shared>>
      tpu.enqueue_indirect_dma source(%dma_start3A_321 : memref<125xf32, #tpu.memory_space<vmem>>) target(%dma_start3A_326 : memref<10240xf32, #tpu.memory_space<vmem_shared>>) offsets(%dma_start3A_324 : memref<125xi32, #tpu.memory_space<vmem>>) semaphore(%arg8 : memref<!tpu.dma_semaphore, #tpu.memory_space<semaphore_mem>>) {add = true}
      %mul3A_327 = arith.constant 8 : i32
      %mul3A_328 = arith.muli %scan3A_305, %mul3A_327 : i32
      %add3A_329 = arith.constant 2 : i32
      %add3A_330 = arith.addi %mul3A_328, %add3A_329 : i32
      %dma_start3A_331 = arith.constant 0 : i32
      %dma_start3A_332 = tpu.memref_slice %arg6[%dma_start3A_331] : memref<128xf32, #tpu.memory_space<vmem>> -> memref<125xf32, #tpu.memory_space<vmem>>
      %dma_start3A_333 = arith.constant 0 : i32
      %dma_start3A_334 = tpu.memref_slice %arg5[%add3A_330, %dma_start3A_333] : memref<160x125xi32, #tpu.memory_space<vmem>> -> memref<1x125xi32, #tpu.memory_space<vmem>>
      %dma_start3A_335 = tpu.memref_squeeze %dma_start3A_334 : memref<1x125xi32, #tpu.memory_space<vmem>> -> memref<125xi32, #tpu.memory_space<vmem>>
      %dma_start3A_336 = arith.constant 0 : i32
      %dma_start3A_337 = tpu.memref_slice %arg4[%dma_start3A_336] : memref<10240xf32, #tpu.memory_space<vmem_shared>> -> memref<10240xf32, #tpu.memory_space<vmem_shared>>
      tpu.enqueue_indirect_dma source(%dma_start3A_332 : memref<125xf32, #tpu.memory_space<vmem>>) target(%dma_start3A_337 : memref<10240xf32, #tpu.memory_space<vmem_shared>>) offsets(%dma_start3A_335 : memref<125xi32, #tpu.memory_space<vmem>>) semaphore(%arg8 : memref<!tpu.dma_semaphore, #tpu.memory_space<semaphore_mem>>) {add = true}
      %mul3A_338 = arith.constant 8 : i32
      %mul3A_339 = arith.muli %scan3A_305, %mul3A_338 : i32
      %add3A_340 = arith.constant 3 : i32
      %add3A_341 = arith.addi %mul3A_339, %add3A_340 : i32
      %dma_start3A_342 = arith.constant 0 : i32
      %dma_start3A_343 = tpu.memref_slice %arg6[%dma_start3A_342] : memref<128xf32, #tpu.memory_space<vmem>> -> memref<125xf32, #tpu.memory_space<vmem>>
      %dma_start3A_344 = arith.constant 0 : i32
      %dma_start3A_345 = tpu.memref_slice %arg5[%add3A_341, %dma_start3A_344] : memref<160x125xi32, #tpu.memory_space<vmem>> -> memref<1x125xi32, #tpu.memory_space<vmem>>
      %dma_start3A_346 = tpu.memref_squeeze %dma_start3A_345 : memref<1x125xi32, #tpu.memory_space<vmem>> -> memref<125xi32, #tpu.memory_space<vmem>>
      %dma_start3A_347 = arith.constant 0 : i32
      %dma_start3A_348 = tpu.memref_slice %arg4[%dma_start3A_347] : memref<10240xf32, #tpu.memory_space<vmem_shared>> -> memref<10240xf32, #tpu.memory_space<vmem_shared>>
      tpu.enqueue_indirect_dma source(%dma_start3A_343 : memref<125xf32, #tpu.memory_space<vmem>>) target(%dma_start3A_348 : memref<10240xf32, #tpu.memory_space<vmem_shared>>) offsets(%dma_start3A_346 : memref<125xi32, #tpu.memory_space<vmem>>) semaphore(%arg8 : memref<!tpu.dma_semaphore, #tpu.memory_space<semaphore_mem>>) {add = true}
      %mul3A_349 = arith.constant 8 : i32
      %mul3A_350 = arith.muli %scan3A_305, %mul3A_349 : i32
      %add3A_351 = arith.constant 4 : i32
      %add3A_352 = arith.addi %mul3A_350, %add3A_351 : i32
      %dma_start3A_353 = arith.constant 0 : i32
      %dma_start3A_354 = tpu.memref_slice %arg6[%dma_start3A_353] : memref<128xf32, #tpu.memory_space<vmem>> -> memref<125xf32, #tpu.memory_space<vmem>>
      %dma_start3A_355 = arith.constant 0 : i32
      %dma_start3A_356 = tpu.memref_slice %arg5[%add3A_352, %dma_start3A_355] : memref<160x125xi32, #tpu.memory_space<vmem>> -> memref<1x125xi32, #tpu.memory_space<vmem>>
      %dma_start3A_357 = tpu.memref_squeeze %dma_start3A_356 : memref<1x125xi32, #tpu.memory_space<vmem>> -> memref<125xi32, #tpu.memory_space<vmem>>
      %dma_start3A_358 = arith.constant 0 : i32
      %dma_start3A_359 = tpu.memref_slice %arg4[%dma_start3A_358] : memref<10240xf32, #tpu.memory_space<vmem_shared>> -> memref<10240xf32, #tpu.memory_space<vmem_shared>>
      tpu.enqueue_indirect_dma source(%dma_start3A_354 : memref<125xf32, #tpu.memory_space<vmem>>) target(%dma_start3A_359 : memref<10240xf32, #tpu.memory_space<vmem_shared>>) offsets(%dma_start3A_357 : memref<125xi32, #tpu.memory_space<vmem>>) semaphore(%arg8 : memref<!tpu.dma_semaphore, #tpu.memory_space<semaphore_mem>>) {add = true}
      %mul3A_360 = arith.constant 8 : i32
      %mul3A_361 = arith.muli %scan3A_305, %mul3A_360 : i32
      %add3A_362 = arith.constant 5 : i32
      %add3A_363 = arith.addi %mul3A_361, %add3A_362 : i32
      %dma_start3A_364 = arith.constant 0 : i32
      %dma_start3A_365 = tpu.memref_slice %arg6[%dma_start3A_364] : memref<128xf32, #tpu.memory_space<vmem>> -> memref<125xf32, #tpu.memory_space<vmem>>
      %dma_start3A_366 = arith.constant 0 : i32
      %dma_start3A_367 = tpu.memref_slice %arg5[%add3A_363, %dma_start3A_366] : memref<160x125xi32, #tpu.memory_space<vmem>> -> memref<1x125xi32, #tpu.memory_space<vmem>>
      %dma_start3A_368 = tpu.memref_squeeze %dma_start3A_367 : memref<1x125xi32, #tpu.memory_space<vmem>> -> memref<125xi32, #tpu.memory_space<vmem>>
      %dma_start3A_369 = arith.constant 0 : i32
      %dma_start3A_370 = tpu.memref_slice %arg4[%dma_start3A_369] : memref<10240xf32, #tpu.memory_space<vmem_shared>> -> memref<10240xf32, #tpu.memory_space<vmem_shared>>
      tpu.enqueue_indirect_dma source(%dma_start3A_365 : memref<125xf32, #tpu.memory_space<vmem>>) target(%dma_start3A_370 : memref<10240xf32, #tpu.memory_space<vmem_shared>>) offsets(%dma_start3A_368 : memref<125xi32, #tpu.memory_space<vmem>>) semaphore(%arg8 : memref<!tpu.dma_semaphore, #tpu.memory_space<semaphore_mem>>) {add = true}
      %mul3A_371 = arith.constant 8 : i32
      %mul3A_372 = arith.muli %scan3A_305, %mul3A_371 : i32
      %add3A_373 = arith.constant 6 : i32
      %add3A_374 = arith.addi %mul3A_372, %add3A_373 : i32
      %dma_start3A_375 = arith.constant 0 : i32
      %dma_start3A_376 = tpu.memref_slice %arg6[%dma_start3A_375] : memref<128xf32, #tpu.memory_space<vmem>> -> memref<125xf32, #tpu.memory_space<vmem>>
      %dma_start3A_377 = arith.constant 0 : i32
      %dma_start3A_378 = tpu.memref_slice %arg5[%add3A_374, %dma_start3A_377] : memref<160x125xi32, #tpu.memory_space<vmem>> -> memref<1x125xi32, #tpu.memory_space<vmem>>
      %dma_start3A_379 = tpu.memref_squeeze %dma_start3A_378 : memref<1x125xi32, #tpu.memory_space<vmem>> -> memref<125xi32, #tpu.memory_space<vmem>>
      %dma_start3A_380 = arith.constant 0 : i32
      %dma_start3A_381 = tpu.memref_slice %arg4[%dma_start3A_380] : memref<10240xf32, #tpu.memory_space<vmem_shared>> -> memref<10240xf32, #tpu.memory_space<vmem_shared>>
      tpu.enqueue_indirect_dma source(%dma_start3A_376 : memref<125xf32, #tpu.memory_space<vmem>>) target(%dma_start3A_381 : memref<10240xf32, #tpu.memory_space<vmem_shared>>) offsets(%dma_start3A_379 : memref<125xi32, #tpu.memory_space<vmem>>) semaphore(%arg8 : memref<!tpu.dma_semaphore, #tpu.memory_space<semaphore_mem>>) {add = true}
      %mul3A_382 = arith.constant 8 : i32
      %mul3A_383 = arith.muli %scan3A_305, %mul3A_382 : i32
      %add3A_384 = arith.constant 7 : i32
      %add3A_385 = arith.addi %mul3A_383, %add3A_384 : i32
      %dma_start3A_386 = arith.constant 0 : i32
      %dma_start3A_387 = tpu.memref_slice %arg6[%dma_start3A_386] : memref<128xf32, #tpu.memory_space<vmem>> -> memref<125xf32, #tpu.memory_space<vmem>>
      %dma_start3A_388 = arith.constant 0 : i32
      %dma_start3A_389 = tpu.memref_slice %arg5[%add3A_385, %dma_start3A_388] : memref<160x125xi32, #tpu.memory_space<vmem>> -> memref<1x125xi32, #tpu.memory_space<vmem>>
      %dma_start3A_390 = tpu.memref_squeeze %dma_start3A_389 : memref<1x125xi32, #tpu.memory_space<vmem>> -> memref<125xi32, #tpu.memory_space<vmem>>
      %dma_start3A_391 = arith.constant 0 : i32
      %dma_start3A_392 = tpu.memref_slice %arg4[%dma_start3A_391] : memref<10240xf32, #tpu.memory_space<vmem_shared>> -> memref<10240xf32, #tpu.memory_space<vmem_shared>>
      tpu.enqueue_indirect_dma source(%dma_start3A_387 : memref<125xf32, #tpu.memory_space<vmem>>) target(%dma_start3A_392 : memref<10240xf32, #tpu.memory_space<vmem_shared>>) offsets(%dma_start3A_390 : memref<125xi32, #tpu.memory_space<vmem>>) semaphore(%arg8 : memref<!tpu.dma_semaphore, #tpu.memory_space<semaphore_mem>>) {add = true}
      %mul3A_393 = arith.constant 8 : i32
      %mul3A_394 = arith.muli %scan3A_305, %mul3A_393 : i32
      %add3A_395 = arith.constant 0 : i32
      %add3A_396 = arith.addi %mul3A_394, %add3A_395 : i32
      %dma_wait3A = arith.constant 0 : i32
      %dma_wait3A_397 = tpu.memref_slice %arg6[%dma_wait3A] : memref<128xf32, #tpu.memory_space<vmem>> -> memref<125xf32, #tpu.memory_space<vmem>>
      %dma_wait3A_398 = arith.constant 0 : i32
      %dma_wait3A_399 = tpu.memref_slice %arg5[%add3A_396, %dma_wait3A_398] : memref<160x125xi32, #tpu.memory_space<vmem>> -> memref<1x125xi32, #tpu.memory_space<vmem>>
      %dma_wait3A_400 = tpu.memref_squeeze %dma_wait3A_399 : memref<1x125xi32, #tpu.memory_space<vmem>> -> memref<125xi32, #tpu.memory_space<vmem>>
      %dma_wait3A_401 = arith.constant 0 : i32
      %dma_wait3A_402 = tpu.memref_slice %arg4[%dma_wait3A_401] : memref<10240xf32, #tpu.memory_space<vmem_shared>> -> memref<10240xf32, #tpu.memory_space<vmem_shared>>
      tpu.wait_indirect_dma semaphore(%arg8 : memref<!tpu.dma_semaphore, #tpu.memory_space<semaphore_mem>>) src(%dma_wait3A_397 : memref<125xf32, #tpu.memory_space<vmem>>) dst(%dma_wait3A_402 : memref<10240xf32, #tpu.memory_space<vmem_shared>>)
      %mul3A_403 = arith.constant 8 : i32
      %mul3A_404 = arith.muli %scan3A_305, %mul3A_403 : i32
      %add3A_405 = arith.constant 1 : i32
      %add3A_406 = arith.addi %mul3A_404, %add3A_405 : i32
      %dma_wait3A_407 = arith.constant 0 : i32
      %dma_wait3A_408 = tpu.memref_slice %arg6[%dma_wait3A_407] : memref<128xf32, #tpu.memory_space<vmem>> -> memref<125xf32, #tpu.memory_space<vmem>>
      %dma_wait3A_409 = arith.constant 0 : i32
      %dma_wait3A_410 = tpu.memref_slice %arg5[%add3A_406, %dma_wait3A_409] : memref<160x125xi32, #tpu.memory_space<vmem>> -> memref<1x125xi32, #tpu.memory_space<vmem>>
      %dma_wait3A_411 = tpu.memref_squeeze %dma_wait3A_410 : memref<1x125xi32, #tpu.memory_space<vmem>> -> memref<125xi32, #tpu.memory_space<vmem>>
      %dma_wait3A_412 = arith.constant 0 : i32
      %dma_wait3A_413 = tpu.memref_slice %arg4[%dma_wait3A_412] : memref<10240xf32, #tpu.memory_space<vmem_shared>> -> memref<10240xf32, #tpu.memory_space<vmem_shared>>
      tpu.wait_indirect_dma semaphore(%arg8 : memref<!tpu.dma_semaphore, #tpu.memory_space<semaphore_mem>>) src(%dma_wait3A_408 : memref<125xf32, #tpu.memory_space<vmem>>) dst(%dma_wait3A_413 : memref<10240xf32, #tpu.memory_space<vmem_shared>>)
      %mul3A_414 = arith.constant 8 : i32
      %mul3A_415 = arith.muli %scan3A_305, %mul3A_414 : i32
      %add3A_416 = arith.constant 2 : i32
      %add3A_417 = arith.addi %mul3A_415, %add3A_416 : i32
      %dma_wait3A_418 = arith.constant 0 : i32
      %dma_wait3A_419 = tpu.memref_slice %arg6[%dma_wait3A_418] : memref<128xf32, #tpu.memory_space<vmem>> -> memref<125xf32, #tpu.memory_space<vmem>>
      %dma_wait3A_420 = arith.constant 0 : i32
      %dma_wait3A_421 = tpu.memref_slice %arg5[%add3A_417, %dma_wait3A_420] : memref<160x125xi32, #tpu.memory_space<vmem>> -> memref<1x125xi32, #tpu.memory_space<vmem>>
      %dma_wait3A_422 = tpu.memref_squeeze %dma_wait3A_421 : memref<1x125xi32, #tpu.memory_space<vmem>> -> memref<125xi32, #tpu.memory_space<vmem>>
      %dma_wait3A_423 = arith.constant 0 : i32
      %dma_wait3A_424 = tpu.memref_slice %arg4[%dma_wait3A_423] : memref<10240xf32, #tpu.memory_space<vmem_shared>> -> memref<10240xf32, #tpu.memory_space<vmem_shared>>
      tpu.wait_indirect_dma semaphore(%arg8 : memref<!tpu.dma_semaphore, #tpu.memory_space<semaphore_mem>>) src(%dma_wait3A_419 : memref<125xf32, #tpu.memory_space<vmem>>) dst(%dma_wait3A_424 : memref<10240xf32, #tpu.memory_space<vmem_shared>>)
      %mul3A_425 = arith.constant 8 : i32
      %mul3A_426 = arith.muli %scan3A_305, %mul3A_425 : i32
      %add3A_427 = arith.constant 3 : i32
      %add3A_428 = arith.addi %mul3A_426, %add3A_427 : i32
      %dma_wait3A_429 = arith.constant 0 : i32
      %dma_wait3A_430 = tpu.memref_slice %arg6[%dma_wait3A_429] : memref<128xf32, #tpu.memory_space<vmem>> -> memref<125xf32, #tpu.memory_space<vmem>>
      %dma_wait3A_431 = arith.constant 0 : i32
      %dma_wait3A_432 = tpu.memref_slice %arg5[%add3A_428, %dma_wait3A_431] : memref<160x125xi32, #tpu.memory_space<vmem>> -> memref<1x125xi32, #tpu.memory_space<vmem>>
      %dma_wait3A_433 = tpu.memref_squeeze %dma_wait3A_432 : memref<1x125xi32, #tpu.memory_space<vmem>> -> memref<125xi32, #tpu.memory_space<vmem>>
      %dma_wait3A_434 = arith.constant 0 : i32
      %dma_wait3A_435 = tpu.memref_slice %arg4[%dma_wait3A_434] : memref<10240xf32, #tpu.memory_space<vmem_shared>> -> memref<10240xf32, #tpu.memory_space<vmem_shared>>
      tpu.wait_indirect_dma semaphore(%arg8 : memref<!tpu.dma_semaphore, #tpu.memory_space<semaphore_mem>>) src(%dma_wait3A_430 : memref<125xf32, #tpu.memory_space<vmem>>) dst(%dma_wait3A_435 : memref<10240xf32, #tpu.memory_space<vmem_shared>>)
      %mul3A_436 = arith.constant 8 : i32
      %mul3A_437 = arith.muli %scan3A_305, %mul3A_436 : i32
      %add3A_438 = arith.constant 4 : i32
      %add3A_439 = arith.addi %mul3A_437, %add3A_438 : i32
      %dma_wait3A_440 = arith.constant 0 : i32
      %dma_wait3A_441 = tpu.memref_slice %arg6[%dma_wait3A_440] : memref<128xf32, #tpu.memory_space<vmem>> -> memref<125xf32, #tpu.memory_space<vmem>>
      %dma_wait3A_442 = arith.constant 0 : i32
      %dma_wait3A_443 = tpu.memref_slice %arg5[%add3A_439, %dma_wait3A_442] : memref<160x125xi32, #tpu.memory_space<vmem>> -> memref<1x125xi32, #tpu.memory_space<vmem>>
      %dma_wait3A_444 = tpu.memref_squeeze %dma_wait3A_443 : memref<1x125xi32, #tpu.memory_space<vmem>> -> memref<125xi32, #tpu.memory_space<vmem>>
      %dma_wait3A_445 = arith.constant 0 : i32
      %dma_wait3A_446 = tpu.memref_slice %arg4[%dma_wait3A_445] : memref<10240xf32, #tpu.memory_space<vmem_shared>> -> memref<10240xf32, #tpu.memory_space<vmem_shared>>
      tpu.wait_indirect_dma semaphore(%arg8 : memref<!tpu.dma_semaphore, #tpu.memory_space<semaphore_mem>>) src(%dma_wait3A_441 : memref<125xf32, #tpu.memory_space<vmem>>) dst(%dma_wait3A_446 : memref<10240xf32, #tpu.memory_space<vmem_shared>>)
      %mul3A_447 = arith.constant 8 : i32
      %mul3A_448 = arith.muli %scan3A_305, %mul3A_447 : i32
      %add3A_449 = arith.constant 5 : i32
      %add3A_450 = arith.addi %mul3A_448, %add3A_449 : i32
      %dma_wait3A_451 = arith.constant 0 : i32
      %dma_wait3A_452 = tpu.memref_slice %arg6[%dma_wait3A_451] : memref<128xf32, #tpu.memory_space<vmem>> -> memref<125xf32, #tpu.memory_space<vmem>>
      %dma_wait3A_453 = arith.constant 0 : i32
      %dma_wait3A_454 = tpu.memref_slice %arg5[%add3A_450, %dma_wait3A_453] : memref<160x125xi32, #tpu.memory_space<vmem>> -> memref<1x125xi32, #tpu.memory_space<vmem>>
      %dma_wait3A_455 = tpu.memref_squeeze %dma_wait3A_454 : memref<1x125xi32, #tpu.memory_space<vmem>> -> memref<125xi32, #tpu.memory_space<vmem>>
      %dma_wait3A_456 = arith.constant 0 : i32
      %dma_wait3A_457 = tpu.memref_slice %arg4[%dma_wait3A_456] : memref<10240xf32, #tpu.memory_space<vmem_shared>> -> memref<10240xf32, #tpu.memory_space<vmem_shared>>
      tpu.wait_indirect_dma semaphore(%arg8 : memref<!tpu.dma_semaphore, #tpu.memory_space<semaphore_mem>>) src(%dma_wait3A_452 : memref<125xf32, #tpu.memory_space<vmem>>) dst(%dma_wait3A_457 : memref<10240xf32, #tpu.memory_space<vmem_shared>>)
      %mul3A_458 = arith.constant 8 : i32
      %mul3A_459 = arith.muli %scan3A_305, %mul3A_458 : i32
      %add3A_460 = arith.constant 6 : i32
      %add3A_461 = arith.addi %mul3A_459, %add3A_460 : i32
      %dma_wait3A_462 = arith.constant 0 : i32
      %dma_wait3A_463 = tpu.memref_slice %arg6[%dma_wait3A_462] : memref<128xf32, #tpu.memory_space<vmem>> -> memref<125xf32, #tpu.memory_space<vmem>>
      %dma_wait3A_464 = arith.constant 0 : i32
      %dma_wait3A_465 = tpu.memref_slice %arg5[%add3A_461, %dma_wait3A_464] : memref<160x125xi32, #tpu.memory_space<vmem>> -> memref<1x125xi32, #tpu.memory_space<vmem>>
      %dma_wait3A_466 = tpu.memref_squeeze %dma_wait3A_465 : memref<1x125xi32, #tpu.memory_space<vmem>> -> memref<125xi32, #tpu.memory_space<vmem>>
      %dma_wait3A_467 = arith.constant 0 : i32
      %dma_wait3A_468 = tpu.memref_slice %arg4[%dma_wait3A_467] : memref<10240xf32, #tpu.memory_space<vmem_shared>> -> memref<10240xf32, #tpu.memory_space<vmem_shared>>
      tpu.wait_indirect_dma semaphore(%arg8 : memref<!tpu.dma_semaphore, #tpu.memory_space<semaphore_mem>>) src(%dma_wait3A_463 : memref<125xf32, #tpu.memory_space<vmem>>) dst(%dma_wait3A_468 : memref<10240xf32, #tpu.memory_space<vmem_shared>>)
      %mul3A_469 = arith.constant 8 : i32
      %mul3A_470 = arith.muli %scan3A_305, %mul3A_469 : i32
      %add3A_471 = arith.constant 7 : i32
      %add3A_472 = arith.addi %mul3A_470, %add3A_471 : i32
      %dma_wait3A_473 = arith.constant 0 : i32
      %dma_wait3A_474 = tpu.memref_slice %arg6[%dma_wait3A_473] : memref<128xf32, #tpu.memory_space<vmem>> -> memref<125xf32, #tpu.memory_space<vmem>>
      %dma_wait3A_475 = arith.constant 0 : i32
      %dma_wait3A_476 = tpu.memref_slice %arg5[%add3A_472, %dma_wait3A_475] : memref<160x125xi32, #tpu.memory_space<vmem>> -> memref<1x125xi32, #tpu.memory_space<vmem>>
      %dma_wait3A_477 = tpu.memref_squeeze %dma_wait3A_476 : memref<1x125xi32, #tpu.memory_space<vmem>> -> memref<125xi32, #tpu.memory_space<vmem>>
      %dma_wait3A_478 = arith.constant 0 : i32
      %dma_wait3A_479 = tpu.memref_slice %arg4[%dma_wait3A_478] : memref<10240xf32, #tpu.memory_space<vmem_shared>> -> memref<10240xf32, #tpu.memory_space<vmem_shared>>
      tpu.wait_indirect_dma semaphore(%arg8 : memref<!tpu.dma_semaphore, #tpu.memory_space<semaphore_mem>>) src(%dma_wait3A_474 : memref<125xf32, #tpu.memory_space<vmem>>) dst(%dma_wait3A_479 : memref<10240xf32, #tpu.memory_space<vmem_shared>>)
    }
    %scan3A_295 = arith.constant 20 : i32
    %barrier3A_296 = arith.constant 0 : index
    tpu.barrier barrier_id(%barrier3A_296)
    %mul3A_297 = arith.constant 10240 : i32
    %mul3A_298 = arith.muli %arg0, %mul3A_297 : i32
    %mul3A_299 = arith.constant 640 : i32
    %mul3A_300 = arith.muli %arg1, %mul3A_299 : i32
    %add3A_301 = arith.addi %mul3A_298, %mul3A_300 : i32
    %multiple_of3A_302 = tpu.assume_multiple %add3A_301, 8 : i32
    %mul3A_303 = arith.constant 640 : i32
    %mul3A_304 = arith.muli %arg1, %mul3A_303 : i32
    "tpu.region"() ({
      %run_scoped3A = tpu.sem_alloc : memref<!tpu.dma_semaphore, #tpu.memory_space<semaphore_mem>>
      %dma_start3A = tpu.memref_slice %arg3[%multiple_of3A_302] : memref<20480xf32, #tpu.memory_space<hbm>> -> memref<640xf32, #tpu.memory_space<hbm>>
      %dma_start3A_305 = tpu.memref_slice %arg4[%mul3A_304] : memref<10240xf32, #tpu.memory_space<vmem_shared>> -> memref<640xf32, #tpu.memory_space<vmem_shared>>
      tpu.enqueue_dma source(%dma_start3A_305 : memref<640xf32, #tpu.memory_space<vmem_shared>>) target(%dma_start3A : memref<640xf32, #tpu.memory_space<hbm>>) target_semaphore(%run_scoped3A : memref<!tpu.dma_semaphore, #tpu.memory_space<semaphore_mem>>)
      %dma_wait3A = tpu.memref_slice %arg3[%multiple_of3A_302] : memref<20480xf32, #tpu.memory_space<hbm>> -> memref<640xf32, #tpu.memory_space<hbm>>
      %dma_wait3A_306 = tpu.memref_slice %arg4[%mul3A_304] : memref<10240xf32, #tpu.memory_space<vmem_shared>> -> memref<640xf32, #tpu.memory_space<vmem_shared>>
      tpu.wait_dma2 semaphore(%run_scoped3A : memref<!tpu.dma_semaphore, #tpu.memory_space<semaphore_mem>>) src(%dma_wait3A_306 : memref<640xf32, #tpu.memory_space<vmem_shared>>) dst(%dma_wait3A : memref<640xf32, #tpu.memory_space<hbm>>)
      tpu.yield
    }) : () -> ()
    return
  }
}

#map = affine_map<(d0, d1) -> (0, 0)>
#map1 = affine_map<(d0, d1) -> (0, 0, 0)>
module attributes {stable_mosaic.version = 14 : i64} {
  func.func @_sc_edge_agg(%arg0: i32, %arg1: i32, %arg2: memref<20000x128xf32, #tpu.memory_space<hbm>>, %arg3: memref<5120x125xi32, #tpu.memory_space<hbm>>, %arg4: memref<5120x125xi32, #tpu.memory_space<hbm>>, %arg5: memref<10240x128xf32, #tpu.memory_space<hbm>>, %arg6: memref<2x10240x128xf32, #tpu.memory_space<hbm>>, %arg7: memref<10240x128xf32, #tpu.memory_space<vmem_shared>>, %arg8: memref<2x16x125xi32, #tpu.memory_space<vmem>>, %arg9: memref<2x16x125xi32, #tpu.memory_space<vmem>>, %arg10: memref<125x128xf32, #tpu.memory_space<vmem>>, %arg11: memref<125x128xf32, #tpu.memory_space<vmem>>, %arg12: memref<!tpu.dma_semaphore, #tpu.memory_space<semaphore_mem>>, %arg13: memref<!tpu.dma_semaphore, #tpu.memory_space<semaphore_mem>>, %arg14: memref<!tpu.dma_semaphore, #tpu.memory_space<semaphore_mem>>) attributes {dimension_semantics = [#tpu.dimension_semantics<core_parallel>, #tpu.dimension_semantics<subcore_parallel>], iteration_bounds = array<i64: 2, 16>, scalar_prefetch = 0 : i64, scratch_operands = 8 : i64, tpu.core_type = #tpu.core_type<sc_vector_subcore>, window_params = [{transform_indices = #map}, {transform_indices = #map}, {transform_indices = #map}, {transform_indices = #map}, {transform_indices = #map1}]} {
    %mul3A = arith.constant 2560 : i32
    %mul3A_0 = arith.muli %arg0, %mul3A : i32
    %mul3A_1 = arith.constant 160 : i32
    %mul3A_2 = arith.muli %arg1, %mul3A_1 : i32
    %add3A = arith.addi %mul3A_0, %mul3A_2 : i32
    %multiple_of3A = tpu.assume_multiple %add3A, 8 : i32
    %run_scoped3A = arith.constant 0 : i32
    "tpu.region"() ({
      %run_scoped3A_19 = tpu.sem_alloc : memref<!tpu.dma_semaphore, #tpu.memory_space<semaphore_mem>>
      %dma_start3A = arith.constant 0 : i32
      %dma_start3A_20 = arith.constant 0 : i32
      %dma_start3A_21 = tpu.memref_slice %arg8[%run_scoped3A, %dma_start3A, %dma_start3A_20] : memref<2x16x125xi32, #tpu.memory_space<vmem>> -> memref<1x16x125xi32, #tpu.memory_space<vmem>>
      %dma_start3A_22 = tpu.memref_squeeze %dma_start3A_21 : memref<1x16x125xi32, #tpu.memory_space<vmem>> -> memref<16x125xi32, #tpu.memory_space<vmem>>
      %dma_start3A_23 = arith.constant 0 : i32
      %dma_start3A_24 = tpu.memref_slice %arg3[%multiple_of3A, %dma_start3A_23] : memref<5120x125xi32, #tpu.memory_space<hbm>> -> memref<16x125xi32, #tpu.memory_space<hbm>>
      %dma_start3A_25 = arith.constant 0 : i32
      %dma_start3A_26 = arith.constant 0 : i32
      %dma_start3A_27 = tpu.memref_slice %arg8[%run_scoped3A, %dma_start3A_25, %dma_start3A_26] : memref<2x16x125xi32, #tpu.memory_space<vmem>> -> memref<1x16x125xi32, #tpu.memory_space<vmem>>
      %dma_start3A_28 = tpu.memref_squeeze %dma_start3A_27 : memref<1x16x125xi32, #tpu.memory_space<vmem>> -> memref<16x125xi32, #tpu.memory_space<vmem>>
      %dma_start3A_29 = arith.constant 0 : i32
      %dma_start3A_30 = tpu.memref_slice %arg3[%multiple_of3A, %dma_start3A_29] : memref<5120x125xi32, #tpu.memory_space<hbm>> -> memref<16x125xi32, #tpu.memory_space<hbm>>
      tpu.enqueue_dma source(%dma_start3A_30 : memref<16x125xi32, #tpu.memory_space<hbm>>) target(%dma_start3A_28 : memref<16x125xi32, #tpu.memory_space<vmem>>) target_semaphore(%run_scoped3A_19 : memref<!tpu.dma_semaphore, #tpu.memory_space<semaphore_mem>>)
      %dma_wait3A = arith.constant 0 : i32
      %dma_wait3A_31 = arith.constant 0 : i32
      %dma_wait3A_32 = tpu.memref_slice %arg8[%run_scoped3A, %dma_wait3A, %dma_wait3A_31] : memref<2x16x125xi32, #tpu.memory_space<vmem>> -> memref<1x16x125xi32, #tpu.memory_space<vmem>>
      %dma_wait3A_33 = tpu.memref_squeeze %dma_wait3A_32 : memref<1x16x125xi32, #tpu.memory_space<vmem>> -> memref<16x125xi32, #tpu.memory_space<vmem>>
      %dma_wait3A_34 = arith.constant 0 : i32
      %dma_wait3A_35 = tpu.memref_slice %arg3[%multiple_of3A, %dma_wait3A_34] : memref<5120x125xi32, #tpu.memory_space<hbm>> -> memref<16x125xi32, #tpu.memory_space<hbm>>
      %dma_wait3A_36 = arith.constant 0 : i32
      %dma_wait3A_37 = arith.constant 0 : i32
      %dma_wait3A_38 = tpu.memref_slice %arg8[%run_scoped3A, %dma_wait3A_36, %dma_wait3A_37] : memref<2x16x125xi32, #tpu.memory_space<vmem>> -> memref<1x16x125xi32, #tpu.memory_space<vmem>>
      %dma_wait3A_39 = tpu.memref_squeeze %dma_wait3A_38 : memref<1x16x125xi32, #tpu.memory_space<vmem>> -> memref<16x125xi32, #tpu.memory_space<vmem>>
      %dma_wait3A_40 = arith.constant 0 : i32
      %dma_wait3A_41 = tpu.memref_slice %arg3[%multiple_of3A, %dma_wait3A_40] : memref<5120x125xi32, #tpu.memory_space<hbm>> -> memref<16x125xi32, #tpu.memory_space<hbm>>
      tpu.wait_dma2 semaphore(%run_scoped3A_19 : memref<!tpu.dma_semaphore, #tpu.memory_space<semaphore_mem>>) src(%dma_wait3A_41 : memref<16x125xi32, #tpu.memory_space<hbm>>) dst(%dma_wait3A_39 : memref<16x125xi32, #tpu.memory_space<vmem>>)
      tpu.yield
    }) : () -> ()
    %multiple_of3A_3 = tpu.assume_multiple %add3A, 8 : i32
    %run_scoped3A_4 = arith.constant 0 : i32
    "tpu.region"() ({
      %run_scoped3A_19 = tpu.sem_alloc : memref<!tpu.dma_semaphore, #tpu.memory_space<semaphore_mem>>
      %dma_start3A = arith.constant 0 : i32
      %dma_start3A_20 = arith.constant 0 : i32
      %dma_start3A_21 = tpu.memref_slice %arg9[%run_scoped3A_4, %dma_start3A, %dma_start3A_20] : memref<2x16x125xi32, #tpu.memory_space<vmem>> -> memref<1x16x125xi32, #tpu.memory_space<vmem>>
      %dma_start3A_22 = tpu.memref_squeeze %dma_start3A_21 : memref<1x16x125xi32, #tpu.memory_space<vmem>> -> memref<16x125xi32, #tpu.memory_space<vmem>>
      %dma_start3A_23 = arith.constant 0 : i32
      %dma_start3A_24 = tpu.memref_slice %arg4[%multiple_of3A_3, %dma_start3A_23] : memref<5120x125xi32, #tpu.memory_space<hbm>> -> memref<16x125xi32, #tpu.memory_space<hbm>>
      %dma_start3A_25 = arith.constant 0 : i32
      %dma_start3A_26 = arith.constant 0 : i32
      %dma_start3A_27 = tpu.memref_slice %arg9[%run_scoped3A_4, %dma_start3A_25, %dma_start3A_26] : memref<2x16x125xi32, #tpu.memory_space<vmem>> -> memref<1x16x125xi32, #tpu.memory_space<vmem>>
      %dma_start3A_28 = tpu.memref_squeeze %dma_start3A_27 : memref<1x16x125xi32, #tpu.memory_space<vmem>> -> memref<16x125xi32, #tpu.memory_space<vmem>>
      %dma_start3A_29 = arith.constant 0 : i32
      %dma_start3A_30 = tpu.memref_slice %arg4[%multiple_of3A_3, %dma_start3A_29] : memref<5120x125xi32, #tpu.memory_space<hbm>> -> memref<16x125xi32, #tpu.memory_space<hbm>>
      tpu.enqueue_dma source(%dma_start3A_30 : memref<16x125xi32, #tpu.memory_space<hbm>>) target(%dma_start3A_28 : memref<16x125xi32, #tpu.memory_space<vmem>>) target_semaphore(%run_scoped3A_19 : memref<!tpu.dma_semaphore, #tpu.memory_space<semaphore_mem>>)
      %dma_wait3A = arith.constant 0 : i32
      %dma_wait3A_31 = arith.constant 0 : i32
      %dma_wait3A_32 = tpu.memref_slice %arg9[%run_scoped3A_4, %dma_wait3A, %dma_wait3A_31] : memref<2x16x125xi32, #tpu.memory_space<vmem>> -> memref<1x16x125xi32, #tpu.memory_space<vmem>>
      %dma_wait3A_33 = tpu.memref_squeeze %dma_wait3A_32 : memref<1x16x125xi32, #tpu.memory_space<vmem>> -> memref<16x125xi32, #tpu.memory_space<vmem>>
      %dma_wait3A_34 = arith.constant 0 : i32
      %dma_wait3A_35 = tpu.memref_slice %arg4[%multiple_of3A_3, %dma_wait3A_34] : memref<5120x125xi32, #tpu.memory_space<hbm>> -> memref<16x125xi32, #tpu.memory_space<hbm>>
      %dma_wait3A_36 = arith.constant 0 : i32
      %dma_wait3A_37 = arith.constant 0 : i32
      %dma_wait3A_38 = tpu.memref_slice %arg9[%run_scoped3A_4, %dma_wait3A_36, %dma_wait3A_37] : memref<2x16x125xi32, #tpu.memory_space<vmem>> -> memref<1x16x125xi32, #tpu.memory_space<vmem>>
      %dma_wait3A_39 = tpu.memref_squeeze %dma_wait3A_38 : memref<1x16x125xi32, #tpu.memory_space<vmem>> -> memref<16x125xi32, #tpu.memory_space<vmem>>
      %dma_wait3A_40 = arith.constant 0 : i32
      %dma_wait3A_41 = tpu.memref_slice %arg4[%multiple_of3A_3, %dma_wait3A_40] : memref<5120x125xi32, #tpu.memory_space<hbm>> -> memref<16x125xi32, #tpu.memory_space<hbm>>
      tpu.wait_dma2 semaphore(%run_scoped3A_19 : memref<!tpu.dma_semaphore, #tpu.memory_space<semaphore_mem>>) src(%dma_wait3A_41 : memref<16x125xi32, #tpu.memory_space<hbm>>) dst(%dma_wait3A_39 : memref<16x125xi32, #tpu.memory_space<vmem>>)
      tpu.yield
    }) : () -> ()
    %mul3A_5 = arith.constant 640 : i32
    %mul3A_6 = arith.muli %arg1, %mul3A_5 : i32
    %mul3A_7 = arith.constant 640 : i32
    %mul3A_8 = arith.muli %arg1, %mul3A_7 : i32
    "tpu.region"() ({
      %run_scoped3A_19 = tpu.sem_alloc : memref<!tpu.dma_semaphore, #tpu.memory_space<semaphore_mem>>
      %dma_start3A = arith.constant 0 : i32
      %dma_start3A_20 = tpu.memref_slice %arg7[%mul3A_8, %dma_start3A] : memref<10240x128xf32, #tpu.memory_space<vmem_shared>> -> memref<640x128xf32, #tpu.memory_space<vmem_shared>>
      %dma_start3A_21 = arith.constant 0 : i32
      %dma_start3A_22 = tpu.memref_slice %arg5[%mul3A_6, %dma_start3A_21] : memref<10240x128xf32, #tpu.memory_space<hbm>> -> memref<640x128xf32, #tpu.memory_space<hbm>>
      tpu.enqueue_dma source(%dma_start3A_22 : memref<640x128xf32, #tpu.memory_space<hbm>>) target(%dma_start3A_20 : memref<640x128xf32, #tpu.memory_space<vmem_shared>>) target_semaphore(%run_scoped3A_19 : memref<!tpu.dma_semaphore, #tpu.memory_space<semaphore_mem>>)
      %dma_wait3A = arith.constant 0 : i32
      %dma_wait3A_23 = tpu.memref_slice %arg7[%mul3A_8, %dma_wait3A] : memref<10240x128xf32, #tpu.memory_space<vmem_shared>> -> memref<640x128xf32, #tpu.memory_space<vmem_shared>>
      %dma_wait3A_24 = arith.constant 0 : i32
      %dma_wait3A_25 = tpu.memref_slice %arg5[%mul3A_6, %dma_wait3A_24] : memref<10240x128xf32, #tpu.memory_space<hbm>> -> memref<640x128xf32, #tpu.memory_space<hbm>>
      tpu.wait_dma2 semaphore(%run_scoped3A_19 : memref<!tpu.dma_semaphore, #tpu.memory_space<semaphore_mem>>) src(%dma_wait3A_25 : memref<640x128xf32, #tpu.memory_space<hbm>>) dst(%dma_wait3A_23 : memref<640x128xf32, #tpu.memory_space<vmem_shared>>)
      tpu.yield
    }) : () -> ()
    %barrier3A = arith.constant 0 : index
    tpu.barrier barrier_id(%barrier3A)
    %scan3A = arith.constant 0 : i32
    %scan3A_9 = arith.constant 0 : i32
    %scan3A_10 = arith.constant 10 : i32
    %scan3A_11 = arith.addi %scan3A_9, %scan3A_10 : i32
    %scan3A_12 = arith.constant 1 : i32
    scf.for %scan3A_19 = %scan3A_9 to %scan3A_11 step %scan3A_12  : i32 {
      %and3A = arith.constant 1 : i32
      %and3A_20 = arith.andi %scan3A_19, %and3A : i32
      %sub3A = arith.constant 1 : i32
      %sub3A_21 = arith.subi %sub3A, %and3A_20 : i32
      %gt3A = arith.constant 0 : i32
      %gt3A_22 = arith.cmpi sgt, %scan3A_19, %gt3A : i32
      %convert_element_type3A = arith.extui %gt3A_22 : i1 to i32
      %cond3A = arith.constant 0 : i32
      %cond3A_23 = arith.cmpi ne, %convert_element_type3A, %cond3A : i32
      scf.if %cond3A_23 {
        %mul3A_44 = arith.constant 16 : i32
        %mul3A_45 = arith.muli %scan3A_19, %mul3A_44 : i32
        %add3A_46 = arith.addi %add3A, %mul3A_45 : i32
        %multiple_of3A_47 = tpu.assume_multiple %add3A_46, 8 : i32
        %dma_wait3A = arith.constant 0 : i32
        %dma_wait3A_48 = arith.constant 0 : i32
        %dma_wait3A_49 = tpu.memref_slice %arg8[%and3A_20, %dma_wait3A, %dma_wait3A_48] : memref<2x16x125xi32, #tpu.memory_space<vmem>> -> memref<1x16x125xi32, #tpu.memory_space<vmem>>
        %dma_wait3A_50 = tpu.memref_squeeze %dma_wait3A_49 : memref<1x16x125xi32, #tpu.memory_space<vmem>> -> memref<16x125xi32, #tpu.memory_space<vmem>>
        %dma_wait3A_51 = arith.constant 0 : i32
        %dma_wait3A_52 = tpu.memref_slice %arg3[%multiple_of3A_47, %dma_wait3A_51] : memref<5120x125xi32, #tpu.memory_space<hbm>> -> memref<16x125xi32, #tpu.memory_space<hbm>>
        %dma_wait3A_53 = arith.constant 0 : i32
        %dma_wait3A_54 = arith.constant 0 : i32
        %dma_wait3A_55 = tpu.memref_slice %arg8[%and3A_20, %dma_wait3A_53, %dma_wait3A_54] : memref<2x16x125xi32, #tpu.memory_space<vmem>> -> memref<1x16x125xi32, #tpu.memory_space<vmem>>
        %dma_wait3A_56 = tpu.memref_squeeze %dma_wait3A_55 : memref<1x16x125xi32, #tpu.memory_space<vmem>> -> memref<16x125xi32, #tpu.memory_space<vmem>>
        %dma_wait3A_57 = arith.constant 0 : i32
        %dma_wait3A_58 = tpu.memref_slice %arg3[%multiple_of3A_47, %dma_wait3A_57] : memref<5120x125xi32, #tpu.memory_space<hbm>> -> memref<16x125xi32, #tpu.memory_space<hbm>>
        tpu.wait_dma2 semaphore(%arg14 : memref<!tpu.dma_semaphore, #tpu.memory_space<semaphore_mem>>) src(%dma_wait3A_58 : memref<16x125xi32, #tpu.memory_space<hbm>>) dst(%dma_wait3A_56 : memref<16x125xi32, #tpu.memory_space<vmem>>)
        %dma_wait3A_59 = arith.constant 0 : i32
        %dma_wait3A_60 = arith.constant 0 : i32
        %dma_wait3A_61 = tpu.memref_slice %arg9[%and3A_20, %dma_wait3A_59, %dma_wait3A_60] : memref<2x16x125xi32, #tpu.memory_space<vmem>> -> memref<1x16x125xi32, #tpu.memory_space<vmem>>
        %dma_wait3A_62 = tpu.memref_squeeze %dma_wait3A_61 : memref<1x16x125xi32, #tpu.memory_space<vmem>> -> memref<16x125xi32, #tpu.memory_space<vmem>>
        %dma_wait3A_63 = arith.constant 0 : i32
        %dma_wait3A_64 = tpu.memref_slice %arg4[%multiple_of3A_47, %dma_wait3A_63] : memref<5120x125xi32, #tpu.memory_space<hbm>> -> memref<16x125xi32, #tpu.memory_space<hbm>>
        %dma_wait3A_65 = arith.constant 0 : i32
        %dma_wait3A_66 = arith.constant 0 : i32
        %dma_wait3A_67 = tpu.memref_slice %arg9[%and3A_20, %dma_wait3A_65, %dma_wait3A_66] : memref<2x16x125xi32, #tpu.memory_space<vmem>> -> memref<1x16x125xi32, #tpu.memory_space<vmem>>
        %dma_wait3A_68 = tpu.memref_squeeze %dma_wait3A_67 : memref<1x16x125xi32, #tpu.memory_space<vmem>> -> memref<16x125xi32, #tpu.memory_space<vmem>>
        %dma_wait3A_69 = arith.constant 0 : i32
        %dma_wait3A_70 = tpu.memref_slice %arg4[%multiple_of3A_47, %dma_wait3A_69] : memref<5120x125xi32, #tpu.memory_space<hbm>> -> memref<16x125xi32, #tpu.memory_space<hbm>>
        tpu.wait_dma2 semaphore(%arg14 : memref<!tpu.dma_semaphore, #tpu.memory_space<semaphore_mem>>) src(%dma_wait3A_70 : memref<16x125xi32, #tpu.memory_space<hbm>>) dst(%dma_wait3A_68 : memref<16x125xi32, #tpu.memory_space<vmem>>)
      } else {
      }
      %lt3A = arith.constant 9 : i32
      %lt3A_24 = arith.cmpi slt, %scan3A_19, %lt3A : i32
      %convert_element_type3A_25 = arith.extui %lt3A_24 : i1 to i32
      %cond3A_26 = arith.constant 0 : i32
      %cond3A_27 = arith.cmpi ne, %convert_element_type3A_25, %cond3A_26 : i32
      scf.if %cond3A_27 {
        %add3A_44 = arith.constant 1 : i32
        %add3A_45 = arith.addi %scan3A_19, %add3A_44 : i32
        %mul3A_46 = arith.constant 16 : i32
        %mul3A_47 = arith.muli %add3A_45, %mul3A_46 : i32
        %add3A_48 = arith.addi %add3A, %mul3A_47 : i32
        %multiple_of3A_49 = tpu.assume_multiple %add3A_48, 8 : i32
        %dma_start3A_50 = arith.constant 0 : i32
        %dma_start3A_51 = arith.constant 0 : i32
        %dma_start3A_52 = tpu.memref_slice %arg8[%sub3A_21, %dma_start3A_50, %dma_start3A_51] : memref<2x16x125xi32, #tpu.memory_space<vmem>> -> memref<1x16x125xi32, #tpu.memory_space<vmem>>
        %dma_start3A_53 = tpu.memref_squeeze %dma_start3A_52 : memref<1x16x125xi32, #tpu.memory_space<vmem>> -> memref<16x125xi32, #tpu.memory_space<vmem>>
        %dma_start3A_54 = arith.constant 0 : i32
        %dma_start3A_55 = tpu.memref_slice %arg3[%multiple_of3A_49, %dma_start3A_54] : memref<5120x125xi32, #tpu.memory_space<hbm>> -> memref<16x125xi32, #tpu.memory_space<hbm>>
        %dma_start3A_56 = arith.constant 0 : i32
        %dma_start3A_57 = arith.constant 0 : i32
        %dma_start3A_58 = tpu.memref_slice %arg8[%sub3A_21, %dma_start3A_56, %dma_start3A_57] : memref<2x16x125xi32, #tpu.memory_space<vmem>> -> memref<1x16x125xi32, #tpu.memory_space<vmem>>
        %dma_start3A_59 = tpu.memref_squeeze %dma_start3A_58 : memref<1x16x125xi32, #tpu.memory_space<vmem>> -> memref<16x125xi32, #tpu.memory_space<vmem>>
        %dma_start3A_60 = arith.constant 0 : i32
        %dma_start3A_61 = tpu.memref_slice %arg3[%multiple_of3A_49, %dma_start3A_60] : memref<5120x125xi32, #tpu.memory_space<hbm>> -> memref<16x125xi32, #tpu.memory_space<hbm>>
        tpu.enqueue_dma source(%dma_start3A_61 : memref<16x125xi32, #tpu.memory_space<hbm>>) target(%dma_start3A_59 : memref<16x125xi32, #tpu.memory_space<vmem>>) target_semaphore(%arg14 : memref<!tpu.dma_semaphore, #tpu.memory_space<semaphore_mem>>)
        %dma_start3A_62 = arith.constant 0 : i32
        %dma_start3A_63 = arith.constant 0 : i32
        %dma_start3A_64 = tpu.memref_slice %arg9[%sub3A_21, %dma_start3A_62, %dma_start3A_63] : memref<2x16x125xi32, #tpu.memory_space<vmem>> -> memref<1x16x125xi32, #tpu.memory_space<vmem>>
        %dma_start3A_65 = tpu.memref_squeeze %dma_start3A_64 : memref<1x16x125xi32, #tpu.memory_space<vmem>> -> memref<16x125xi32, #tpu.memory_space<vmem>>
        %dma_start3A_66 = arith.constant 0 : i32
        %dma_start3A_67 = tpu.memref_slice %arg4[%multiple_of3A_49, %dma_start3A_66] : memref<5120x125xi32, #tpu.memory_space<hbm>> -> memref<16x125xi32, #tpu.memory_space<hbm>>
        %dma_start3A_68 = arith.constant 0 : i32
        %dma_start3A_69 = arith.constant 0 : i32
        %dma_start3A_70 = tpu.memref_slice %arg9[%sub3A_21, %dma_start3A_68, %dma_start3A_69] : memref<2x16x125xi32, #tpu.memory_space<vmem>> -> memref<1x16x125xi32, #tpu.memory_space<vmem>>
        %dma_start3A_71 = tpu.memref_squeeze %dma_start3A_70 : memref<1x16x125xi32, #tpu.memory_space<vmem>> -> memref<16x125xi32, #tpu.memory_space<vmem>>
        %dma_start3A_72 = arith.constant 0 : i32
        %dma_start3A_73 = tpu.memref_slice %arg4[%multiple_of3A_49, %dma_start3A_72] : memref<5120x125xi32, #tpu.memory_space<hbm>> -> memref<16x125xi32, #tpu.memory_space<hbm>>
        tpu.enqueue_dma source(%dma_start3A_73 : memref<16x125xi32, #tpu.memory_space<hbm>>) target(%dma_start3A_71 : memref<16x125xi32, #tpu.memory_space<vmem>>) target_semaphore(%arg14 : memref<!tpu.dma_semaphore, #tpu.memory_space<semaphore_mem>>)
      } else {
      }
      %dma_start3A = arith.constant 0 : i32
      %dma_start3A_28 = arith.constant 0 : i32
      %dma_start3A_29 = arith.constant 0 : i32
      %dma_start3A_30 = tpu.memref_slice %arg8[%and3A_20, %dma_start3A_28, %dma_start3A_29] : memref<2x16x125xi32, #tpu.memory_space<vmem>> -> memref<1x16x125xi32, #tpu.memory_space<vmem>>
      %dma_start3A_31 = tpu.memref_squeeze %dma_start3A_30 : memref<1x16x125xi32, #tpu.memory_space<vmem>> -> memref<16x125xi32, #tpu.memory_space<vmem>>
      %dma_start3A_32 = arith.constant 0 : i32
      %dma_start3A_33 = tpu.memref_slice %dma_start3A_31[%dma_start3A, %dma_start3A_32] : memref<16x125xi32, #tpu.memory_space<vmem>> -> memref<1x125xi32, #tpu.memory_space<vmem>>
      %dma_start3A_34 = tpu.memref_squeeze %dma_start3A_33 : memref<1x125xi32, #tpu.memory_space<vmem>> -> memref<125xi32, #tpu.memory_space<vmem>>
      %dma_start3A_35 = arith.constant 0 : i32
      %dma_start3A_36 = arith.constant 0 : i32
      %dma_start3A_37 = tpu.memref_slice %arg2[%dma_start3A_35, %dma_start3A_36] : memref<20000x128xf32, #tpu.memory_space<hbm>> -> memref<20000x128xf32, #tpu.memory_space<hbm>>
      tpu.enqueue_indirect_dma source(%dma_start3A_37 : memref<20000x128xf32, #tpu.memory_space<hbm>>) target(%arg10 : memref<125x128xf32, #tpu.memory_space<vmem>>) offsets(%dma_start3A_34 : memref<125xi32, #tpu.memory_space<vmem>>) semaphore(%arg12 : memref<!tpu.dma_semaphore, #tpu.memory_space<semaphore_mem>>)
      %scan3A_38 = arith.constant 0 : i32
      %scan3A_39 = arith.constant 0 : i32
      %scan3A_40 = arith.constant 8 : i32
      %scan3A_41 = arith.addi %scan3A_39, %scan3A_40 : i32
      %scan3A_42 = arith.constant 1 : i32
      scf.for %scan3A_44 = %scan3A_39 to %scan3A_41 step %scan3A_42  : i32 {
        %mul3A_45 = arith.constant 2 : i32
        %mul3A_46 = arith.muli %mul3A_45, %scan3A_44 : i32
        %add3A_47 = arith.constant 1 : i32
        %add3A_48 = arith.addi %mul3A_46, %add3A_47 : i32
        %dma_start3A_49 = arith.constant 0 : i32
        %dma_start3A_50 = arith.constant 0 : i32
        %dma_start3A_51 = tpu.memref_slice %arg8[%and3A_20, %dma_start3A_49, %dma_start3A_50] : memref<2x16x125xi32, #tpu.memory_space<vmem>> -> memref<1x16x125xi32, #tpu.memory_space<vmem>>
        %dma_start3A_52 = tpu.memref_squeeze %dma_start3A_51 : memref<1x16x125xi32, #tpu.memory_space<vmem>> -> memref<16x125xi32, #tpu.memory_space<vmem>>
        %dma_start3A_53 = arith.constant 0 : i32
        %dma_start3A_54 = tpu.memref_slice %dma_start3A_52[%add3A_48, %dma_start3A_53] : memref<16x125xi32, #tpu.memory_space<vmem>> -> memref<1x125xi32, #tpu.memory_space<vmem>>
        %dma_start3A_55 = tpu.memref_squeeze %dma_start3A_54 : memref<1x125xi32, #tpu.memory_space<vmem>> -> memref<125xi32, #tpu.memory_space<vmem>>
        %dma_start3A_56 = arith.constant 0 : i32
        %dma_start3A_57 = arith.constant 0 : i32
        %dma_start3A_58 = tpu.memref_slice %arg2[%dma_start3A_56, %dma_start3A_57] : memref<20000x128xf32, #tpu.memory_space<hbm>> -> memref<20000x128xf32, #tpu.memory_space<hbm>>
        tpu.enqueue_indirect_dma source(%dma_start3A_58 : memref<20000x128xf32, #tpu.memory_space<hbm>>) target(%arg11 : memref<125x128xf32, #tpu.memory_space<vmem>>) offsets(%dma_start3A_55 : memref<125xi32, #tpu.memory_space<vmem>>) semaphore(%arg13 : memref<!tpu.dma_semaphore, #tpu.memory_space<semaphore_mem>>)
        %dma_wait3A = arith.constant 0 : i32
        %dma_wait3A_59 = arith.constant 0 : i32
        %dma_wait3A_60 = tpu.memref_slice %arg8[%and3A_20, %dma_wait3A, %dma_wait3A_59] : memref<2x16x125xi32, #tpu.memory_space<vmem>> -> memref<1x16x125xi32, #tpu.memory_space<vmem>>
        %dma_wait3A_61 = tpu.memref_squeeze %dma_wait3A_60 : memref<1x16x125xi32, #tpu.memory_space<vmem>> -> memref<16x125xi32, #tpu.memory_space<vmem>>
        %dma_wait3A_62 = arith.constant 0 : i32
        %dma_wait3A_63 = tpu.memref_slice %dma_wait3A_61[%mul3A_46, %dma_wait3A_62] : memref<16x125xi32, #tpu.memory_space<vmem>> -> memref<1x125xi32, #tpu.memory_space<vmem>>
        %dma_wait3A_64 = tpu.memref_squeeze %dma_wait3A_63 : memref<1x125xi32, #tpu.memory_space<vmem>> -> memref<125xi32, #tpu.memory_space<vmem>>
        %dma_wait3A_65 = arith.constant 0 : i32
        %dma_wait3A_66 = arith.constant 0 : i32
        %dma_wait3A_67 = tpu.memref_slice %arg2[%dma_wait3A_65, %dma_wait3A_66] : memref<20000x128xf32, #tpu.memory_space<hbm>> -> memref<20000x128xf32, #tpu.memory_space<hbm>>
        tpu.wait_indirect_dma semaphore(%arg12 : memref<!tpu.dma_semaphore, #tpu.memory_space<semaphore_mem>>) src(%dma_wait3A_67 : memref<20000x128xf32, #tpu.memory_space<hbm>>) dst(%arg10 : memref<125x128xf32, #tpu.memory_space<vmem>>)
        "tpu.region"() ({
          %run_scoped3A_87 = tpu.sem_alloc : memref<!tpu.dma_semaphore, #tpu.memory_space<semaphore_mem>>
          %dma_start3A_88 = arith.constant 0 : i32
          %dma_start3A_89 = arith.constant 0 : i32
          %dma_start3A_90 = tpu.memref_slice %arg9[%and3A_20, %dma_start3A_88, %dma_start3A_89] : memref<2x16x125xi32, #tpu.memory_space<vmem>> -> memref<1x16x125xi32, #tpu.memory_space<vmem>>
          %dma_start3A_91 = tpu.memref_squeeze %dma_start3A_90 : memref<1x16x125xi32, #tpu.memory_space<vmem>> -> memref<16x125xi32, #tpu.memory_space<vmem>>
          %dma_start3A_92 = arith.constant 0 : i32
          %dma_start3A_93 = tpu.memref_slice %dma_start3A_91[%mul3A_46, %dma_start3A_92] : memref<16x125xi32, #tpu.memory_space<vmem>> -> memref<1x125xi32, #tpu.memory_space<vmem>>
          %dma_start3A_94 = tpu.memref_squeeze %dma_start3A_93 : memref<1x125xi32, #tpu.memory_space<vmem>> -> memref<125xi32, #tpu.memory_space<vmem>>
          %dma_start3A_95 = arith.constant 0 : i32
          %dma_start3A_96 = arith.constant 0 : i32
          %dma_start3A_97 = tpu.memref_slice %arg7[%dma_start3A_95, %dma_start3A_96] : memref<10240x128xf32, #tpu.memory_space<vmem_shared>> -> memref<10240x128xf32, #tpu.memory_space<vmem_shared>>
          tpu.enqueue_indirect_dma source(%arg10 : memref<125x128xf32, #tpu.memory_space<vmem>>) target(%dma_start3A_97 : memref<10240x128xf32, #tpu.memory_space<vmem_shared>>) offsets(%dma_start3A_94 : memref<125xi32, #tpu.memory_space<vmem>>) semaphore(%run_scoped3A_87 : memref<!tpu.dma_semaphore, #tpu.memory_space<semaphore_mem>>) {add = true}
          %dma_wait3A_98 = arith.constant 0 : i32
          %dma_wait3A_99 = arith.constant 0 : i32
          %dma_wait3A_100 = tpu.memref_slice %arg9[%and3A_20, %dma_wait3A_98, %dma_wait3A_99] : memref<2x16x125xi32, #tpu.memory_space<vmem>> -> memref<1x16x125xi32, #tpu.memory_space<vmem>>
          %dma_wait3A_101 = tpu.memref_squeeze %dma_wait3A_100 : memref<1x16x125xi32, #tpu.memory_space<vmem>> -> memref<16x125xi32, #tpu.memory_space<vmem>>
          %dma_wait3A_102 = arith.constant 0 : i32
          %dma_wait3A_103 = tpu.memref_slice %dma_wait3A_101[%mul3A_46, %dma_wait3A_102] : memref<16x125xi32, #tpu.memory_space<vmem>> -> memref<1x125xi32, #tpu.memory_space<vmem>>
          %dma_wait3A_104 = tpu.memref_squeeze %dma_wait3A_103 : memref<1x125xi32, #tpu.memory_space<vmem>> -> memref<125xi32, #tpu.memory_space<vmem>>
          %dma_wait3A_105 = arith.constant 0 : i32
          %dma_wait3A_106 = arith.constant 0 : i32
          %dma_wait3A_107 = tpu.memref_slice %arg7[%dma_wait3A_105, %dma_wait3A_106] : memref<10240x128xf32, #tpu.memory_space<vmem_shared>> -> memref<10240x128xf32, #tpu.memory_space<vmem_shared>>
          tpu.wait_indirect_dma semaphore(%run_scoped3A_87 : memref<!tpu.dma_semaphore, #tpu.memory_space<semaphore_mem>>) src(%arg10 : memref<125x128xf32, #tpu.memory_space<vmem>>) dst(%dma_wait3A_107 : memref<10240x128xf32, #tpu.memory_space<vmem_shared>>)
          tpu.yield
        }) : () -> ()
        %lt3A_68 = arith.constant 7 : i32
        %lt3A_69 = arith.cmpi slt, %scan3A_44, %lt3A_68 : i32
        %convert_element_type3A_70 = arith.extui %lt3A_69 : i1 to i32
        %cond3A_71 = arith.constant 0 : i32
        %cond3A_72 = arith.cmpi ne, %convert_element_type3A_70, %cond3A_71 : i32
        scf.if %cond3A_72 {
          %add3A_87 = arith.constant 2 : i32
          %add3A_88 = arith.addi %mul3A_46, %add3A_87 : i32
          %dma_start3A_89 = arith.constant 0 : i32
          %dma_start3A_90 = arith.constant 0 : i32
          %dma_start3A_91 = tpu.memref_slice %arg8[%and3A_20, %dma_start3A_89, %dma_start3A_90] : memref<2x16x125xi32, #tpu.memory_space<vmem>> -> memref<1x16x125xi32, #tpu.memory_space<vmem>>
          %dma_start3A_92 = tpu.memref_squeeze %dma_start3A_91 : memref<1x16x125xi32, #tpu.memory_space<vmem>> -> memref<16x125xi32, #tpu.memory_space<vmem>>
          %dma_start3A_93 = arith.constant 0 : i32
          %dma_start3A_94 = tpu.memref_slice %dma_start3A_92[%add3A_88, %dma_start3A_93] : memref<16x125xi32, #tpu.memory_space<vmem>> -> memref<1x125xi32, #tpu.memory_space<vmem>>
          %dma_start3A_95 = tpu.memref_squeeze %dma_start3A_94 : memref<1x125xi32, #tpu.memory_space<vmem>> -> memref<125xi32, #tpu.memory_space<vmem>>
          %dma_start3A_96 = arith.constant 0 : i32
          %dma_start3A_97 = arith.constant 0 : i32
          %dma_start3A_98 = tpu.memref_slice %arg2[%dma_start3A_96, %dma_start3A_97] : memref<20000x128xf32, #tpu.memory_space<hbm>> -> memref<20000x128xf32, #tpu.memory_space<hbm>>
          tpu.enqueue_indirect_dma source(%dma_start3A_98 : memref<20000x128xf32, #tpu.memory_space<hbm>>) target(%arg10 : memref<125x128xf32, #tpu.memory_space<vmem>>) offsets(%dma_start3A_95 : memref<125xi32, #tpu.memory_space<vmem>>) semaphore(%arg12 : memref<!tpu.dma_semaphore, #tpu.memory_space<semaphore_mem>>)
        } else {
        }
        %add3A_73 = arith.constant 1 : i32
        %add3A_74 = arith.addi %mul3A_46, %add3A_73 : i32
        %dma_wait3A_75 = arith.constant 0 : i32
        %dma_wait3A_76 = arith.constant 0 : i32
        %dma_wait3A_77 = tpu.memref_slice %arg8[%and3A_20, %dma_wait3A_75, %dma_wait3A_76] : memref<2x16x125xi32, #tpu.memory_space<vmem>> -> memref<1x16x125xi32, #tpu.memory_space<vmem>>
        %dma_wait3A_78 = tpu.memref_squeeze %dma_wait3A_77 : memref<1x16x125xi32, #tpu.memory_space<vmem>> -> memref<16x125xi32, #tpu.memory_space<vmem>>
        %dma_wait3A_79 = arith.constant 0 : i32
        %dma_wait3A_80 = tpu.memref_slice %dma_wait3A_78[%add3A_74, %dma_wait3A_79] : memref<16x125xi32, #tpu.memory_space<vmem>> -> memref<1x125xi32, #tpu.memory_space<vmem>>
        %dma_wait3A_81 = tpu.memref_squeeze %dma_wait3A_80 : memref<1x125xi32, #tpu.memory_space<vmem>> -> memref<125xi32, #tpu.memory_space<vmem>>
        %dma_wait3A_82 = arith.constant 0 : i32
        %dma_wait3A_83 = arith.constant 0 : i32
        %dma_wait3A_84 = tpu.memref_slice %arg2[%dma_wait3A_82, %dma_wait3A_83] : memref<20000x128xf32, #tpu.memory_space<hbm>> -> memref<20000x128xf32, #tpu.memory_space<hbm>>
        tpu.wait_indirect_dma semaphore(%arg13 : memref<!tpu.dma_semaphore, #tpu.memory_space<semaphore_mem>>) src(%dma_wait3A_84 : memref<20000x128xf32, #tpu.memory_space<hbm>>) dst(%arg11 : memref<125x128xf32, #tpu.memory_space<vmem>>)
        %add3A_85 = arith.constant 1 : i32
        %add3A_86 = arith.addi %mul3A_46, %add3A_85 : i32
        "tpu.region"() ({
          %run_scoped3A_87 = tpu.sem_alloc : memref<!tpu.dma_semaphore, #tpu.memory_space<semaphore_mem>>
          %dma_start3A_88 = arith.constant 0 : i32
          %dma_start3A_89 = arith.constant 0 : i32
          %dma_start3A_90 = tpu.memref_slice %arg9[%and3A_20, %dma_start3A_88, %dma_start3A_89] : memref<2x16x125xi32, #tpu.memory_space<vmem>> -> memref<1x16x125xi32, #tpu.memory_space<vmem>>
          %dma_start3A_91 = tpu.memref_squeeze %dma_start3A_90 : memref<1x16x125xi32, #tpu.memory_space<vmem>> -> memref<16x125xi32, #tpu.memory_space<vmem>>
          %dma_start3A_92 = arith.constant 0 : i32
          %dma_start3A_93 = tpu.memref_slice %dma_start3A_91[%add3A_86, %dma_start3A_92] : memref<16x125xi32, #tpu.memory_space<vmem>> -> memref<1x125xi32, #tpu.memory_space<vmem>>
          %dma_start3A_94 = tpu.memref_squeeze %dma_start3A_93 : memref<1x125xi32, #tpu.memory_space<vmem>> -> memref<125xi32, #tpu.memory_space<vmem>>
          %dma_start3A_95 = arith.constant 0 : i32
          %dma_start3A_96 = arith.constant 0 : i32
          %dma_start3A_97 = tpu.memref_slice %arg7[%dma_start3A_95, %dma_start3A_96] : memref<10240x128xf32, #tpu.memory_space<vmem_shared>> -> memref<10240x128xf32, #tpu.memory_space<vmem_shared>>
          tpu.enqueue_indirect_dma source(%arg11 : memref<125x128xf32, #tpu.memory_space<vmem>>) target(%dma_start3A_97 : memref<10240x128xf32, #tpu.memory_space<vmem_shared>>) offsets(%dma_start3A_94 : memref<125xi32, #tpu.memory_space<vmem>>) semaphore(%run_scoped3A_87 : memref<!tpu.dma_semaphore, #tpu.memory_space<semaphore_mem>>) {add = true}
          %dma_wait3A_98 = arith.constant 0 : i32
          %dma_wait3A_99 = arith.constant 0 : i32
          %dma_wait3A_100 = tpu.memref_slice %arg9[%and3A_20, %dma_wait3A_98, %dma_wait3A_99] : memref<2x16x125xi32, #tpu.memory_space<vmem>> -> memref<1x16x125xi32, #tpu.memory_space<vmem>>
          %dma_wait3A_101 = tpu.memref_squeeze %dma_wait3A_100 : memref<1x16x125xi32, #tpu.memory_space<vmem>> -> memref<16x125xi32, #tpu.memory_space<vmem>>
          %dma_wait3A_102 = arith.constant 0 : i32
          %dma_wait3A_103 = tpu.memref_slice %dma_wait3A_101[%add3A_86, %dma_wait3A_102] : memref<16x125xi32, #tpu.memory_space<vmem>> -> memref<1x125xi32, #tpu.memory_space<vmem>>
          %dma_wait3A_104 = tpu.memref_squeeze %dma_wait3A_103 : memref<1x125xi32, #tpu.memory_space<vmem>> -> memref<125xi32, #tpu.memory_space<vmem>>
          %dma_wait3A_105 = arith.constant 0 : i32
          %dma_wait3A_106 = arith.constant 0 : i32
          %dma_wait3A_107 = tpu.memref_slice %arg7[%dma_wait3A_105, %dma_wait3A_106] : memref<10240x128xf32, #tpu.memory_space<vmem_shared>> -> memref<10240x128xf32, #tpu.memory_space<vmem_shared>>
          tpu.wait_indirect_dma semaphore(%run_scoped3A_87 : memref<!tpu.dma_semaphore, #tpu.memory_space<semaphore_mem>>) src(%arg11 : memref<125x128xf32, #tpu.memory_space<vmem>>) dst(%dma_wait3A_107 : memref<10240x128xf32, #tpu.memory_space<vmem_shared>>)
          tpu.yield
        }) : () -> ()
      }
      %scan3A_43 = arith.constant 8 : i32
    }
    %scan3A_13 = arith.constant 10 : i32
    %barrier3A_14 = arith.constant 0 : index
    tpu.barrier barrier_id(%barrier3A_14)
    %mul3A_15 = arith.constant 640 : i32
    %mul3A_16 = arith.muli %arg1, %mul3A_15 : i32
    %mul3A_17 = arith.constant 640 : i32
    %mul3A_18 = arith.muli %arg1, %mul3A_17 : i32
    "tpu.region"() ({
      %run_scoped3A_19 = tpu.sem_alloc : memref<!tpu.dma_semaphore, #tpu.memory_space<semaphore_mem>>
      %dma_start3A = arith.constant 0 : i32
      %dma_start3A_20 = tpu.memref_slice %arg6[%arg0, %mul3A_18, %dma_start3A] : memref<2x10240x128xf32, #tpu.memory_space<hbm>> -> memref<1x640x128xf32, #tpu.memory_space<hbm>>
      %dma_start3A_21 = tpu.memref_squeeze %dma_start3A_20 : memref<1x640x128xf32, #tpu.memory_space<hbm>> -> memref<640x128xf32, #tpu.memory_space<hbm>>
      %dma_start3A_22 = arith.constant 0 : i32
      %dma_start3A_23 = tpu.memref_slice %arg7[%mul3A_16, %dma_start3A_22] : memref<10240x128xf32, #tpu.memory_space<vmem_shared>> -> memref<640x128xf32, #tpu.memory_space<vmem_shared>>
      tpu.enqueue_dma source(%dma_start3A_23 : memref<640x128xf32, #tpu.memory_space<vmem_shared>>) target(%dma_start3A_21 : memref<640x128xf32, #tpu.memory_space<hbm>>) target_semaphore(%run_scoped3A_19 : memref<!tpu.dma_semaphore, #tpu.memory_space<semaphore_mem>>)
      %dma_wait3A = arith.constant 0 : i32
      %dma_wait3A_24 = tpu.memref_slice %arg6[%arg0, %mul3A_18, %dma_wait3A] : memref<2x10240x128xf32, #tpu.memory_space<hbm>> -> memref<1x640x128xf32, #tpu.memory_space<hbm>>
      %dma_wait3A_25 = tpu.memref_squeeze %dma_wait3A_24 : memref<1x640x128xf32, #tpu.memory_space<hbm>> -> memref<640x128xf32, #tpu.memory_space<hbm>>
      %dma_wait3A_26 = arith.constant 0 : i32
      %dma_wait3A_27 = tpu.memref_slice %arg7[%mul3A_16, %dma_wait3A_26] : memref<10240x128xf32, #tpu.memory_space<vmem_shared>> -> memref<640x128xf32, #tpu.memory_space<vmem_shared>>
      tpu.wait_dma2 semaphore(%run_scoped3A_19 : memref<!tpu.dma_semaphore, #tpu.memory_space<semaphore_mem>>) src(%dma_wait3A_27 : memref<640x128xf32, #tpu.memory_space<vmem_shared>>) dst(%dma_wait3A_25 : memref<640x128xf32, #tpu.memory_space<hbm>>)
      tpu.yield
    }) : () -> ()
    return
  }
}

#map = affine_map<(d0, d1) -> (0, 0)>
#map1 = affine_map<(d0, d1) -> (0, 0, 0)>
module attributes {stable_mosaic.version = 14 : i64} {
  func.func @_sc_edge_agg(%arg0: i32, %arg1: i32, %arg2: memref<20000x128xf32, #tpu.memory_space<hbm>>, %arg3: memref<5120x125xi32, #tpu.memory_space<hbm>>, %arg4: memref<5120x125xi32, #tpu.memory_space<hbm>>, %arg5: memref<10240x128xf32, #tpu.memory_space<hbm>>, %arg6: memref<2x10240x128xf32, #tpu.memory_space<hbm>>, %arg7: memref<10240x128xf32, #tpu.memory_space<vmem_shared>>, %arg8: memref<2x16x125xi32, #tpu.memory_space<vmem>>, %arg9: memref<2x16x125xi32, #tpu.memory_space<vmem>>, %arg10: memref<125x128xf32, #tpu.memory_space<vmem>>, %arg11: memref<125x128xf32, #tpu.memory_space<vmem>>, %arg12: memref<!tpu.dma_semaphore, #tpu.memory_space<semaphore_mem>>, %arg13: memref<!tpu.dma_semaphore, #tpu.memory_space<semaphore_mem>>, %arg14: memref<!tpu.dma_semaphore, #tpu.memory_space<semaphore_mem>>) attributes {dimension_semantics = [#tpu.dimension_semantics<core_parallel>, #tpu.dimension_semantics<subcore_parallel>], iteration_bounds = array<i64: 2, 16>, scalar_prefetch = 0 : i64, scratch_operands = 8 : i64, tpu.core_type = #tpu.core_type<sc_vector_subcore>, window_params = [{transform_indices = #map}, {transform_indices = #map}, {transform_indices = #map}, {transform_indices = #map}, {transform_indices = #map1}]} {
    %mul3A = arith.constant 2560 : i32
    %mul3A_0 = arith.muli %arg0, %mul3A : i32
    %mul3A_1 = arith.constant 160 : i32
    %mul3A_2 = arith.muli %arg1, %mul3A_1 : i32
    %add3A = arith.addi %mul3A_0, %mul3A_2 : i32
    %multiple_of3A = tpu.assume_multiple %add3A, 8 : i32
    %run_scoped3A = arith.constant 0 : i32
    "tpu.region"() ({
      %run_scoped3A_19 = tpu.sem_alloc : memref<!tpu.dma_semaphore, #tpu.memory_space<semaphore_mem>>
      %dma_start3A = arith.constant 0 : i32
      %dma_start3A_20 = arith.constant 0 : i32
      %dma_start3A_21 = tpu.memref_slice %arg8[%run_scoped3A, %dma_start3A, %dma_start3A_20] : memref<2x16x125xi32, #tpu.memory_space<vmem>> -> memref<1x16x125xi32, #tpu.memory_space<vmem>>
      %dma_start3A_22 = tpu.memref_squeeze %dma_start3A_21 : memref<1x16x125xi32, #tpu.memory_space<vmem>> -> memref<16x125xi32, #tpu.memory_space<vmem>>
      %dma_start3A_23 = arith.constant 0 : i32
      %dma_start3A_24 = tpu.memref_slice %arg3[%multiple_of3A, %dma_start3A_23] : memref<5120x125xi32, #tpu.memory_space<hbm>> -> memref<16x125xi32, #tpu.memory_space<hbm>>
      %dma_start3A_25 = arith.constant 0 : i32
      %dma_start3A_26 = arith.constant 0 : i32
      %dma_start3A_27 = tpu.memref_slice %arg8[%run_scoped3A, %dma_start3A_25, %dma_start3A_26] : memref<2x16x125xi32, #tpu.memory_space<vmem>> -> memref<1x16x125xi32, #tpu.memory_space<vmem>>
      %dma_start3A_28 = tpu.memref_squeeze %dma_start3A_27 : memref<1x16x125xi32, #tpu.memory_space<vmem>> -> memref<16x125xi32, #tpu.memory_space<vmem>>
      %dma_start3A_29 = arith.constant 0 : i32
      %dma_start3A_30 = tpu.memref_slice %arg3[%multiple_of3A, %dma_start3A_29] : memref<5120x125xi32, #tpu.memory_space<hbm>> -> memref<16x125xi32, #tpu.memory_space<hbm>>
      tpu.enqueue_dma source(%dma_start3A_30 : memref<16x125xi32, #tpu.memory_space<hbm>>) target(%dma_start3A_28 : memref<16x125xi32, #tpu.memory_space<vmem>>) target_semaphore(%run_scoped3A_19 : memref<!tpu.dma_semaphore, #tpu.memory_space<semaphore_mem>>)
      %dma_wait3A = arith.constant 0 : i32
      %dma_wait3A_31 = arith.constant 0 : i32
      %dma_wait3A_32 = tpu.memref_slice %arg8[%run_scoped3A, %dma_wait3A, %dma_wait3A_31] : memref<2x16x125xi32, #tpu.memory_space<vmem>> -> memref<1x16x125xi32, #tpu.memory_space<vmem>>
      %dma_wait3A_33 = tpu.memref_squeeze %dma_wait3A_32 : memref<1x16x125xi32, #tpu.memory_space<vmem>> -> memref<16x125xi32, #tpu.memory_space<vmem>>
      %dma_wait3A_34 = arith.constant 0 : i32
      %dma_wait3A_35 = tpu.memref_slice %arg3[%multiple_of3A, %dma_wait3A_34] : memref<5120x125xi32, #tpu.memory_space<hbm>> -> memref<16x125xi32, #tpu.memory_space<hbm>>
      %dma_wait3A_36 = arith.constant 0 : i32
      %dma_wait3A_37 = arith.constant 0 : i32
      %dma_wait3A_38 = tpu.memref_slice %arg8[%run_scoped3A, %dma_wait3A_36, %dma_wait3A_37] : memref<2x16x125xi32, #tpu.memory_space<vmem>> -> memref<1x16x125xi32, #tpu.memory_space<vmem>>
      %dma_wait3A_39 = tpu.memref_squeeze %dma_wait3A_38 : memref<1x16x125xi32, #tpu.memory_space<vmem>> -> memref<16x125xi32, #tpu.memory_space<vmem>>
      %dma_wait3A_40 = arith.constant 0 : i32
      %dma_wait3A_41 = tpu.memref_slice %arg3[%multiple_of3A, %dma_wait3A_40] : memref<5120x125xi32, #tpu.memory_space<hbm>> -> memref<16x125xi32, #tpu.memory_space<hbm>>
      tpu.wait_dma2 semaphore(%run_scoped3A_19 : memref<!tpu.dma_semaphore, #tpu.memory_space<semaphore_mem>>) src(%dma_wait3A_41 : memref<16x125xi32, #tpu.memory_space<hbm>>) dst(%dma_wait3A_39 : memref<16x125xi32, #tpu.memory_space<vmem>>)
      tpu.yield
    }) : () -> ()
    %multiple_of3A_3 = tpu.assume_multiple %add3A, 8 : i32
    %run_scoped3A_4 = arith.constant 0 : i32
    "tpu.region"() ({
      %run_scoped3A_19 = tpu.sem_alloc : memref<!tpu.dma_semaphore, #tpu.memory_space<semaphore_mem>>
      %dma_start3A = arith.constant 0 : i32
      %dma_start3A_20 = arith.constant 0 : i32
      %dma_start3A_21 = tpu.memref_slice %arg9[%run_scoped3A_4, %dma_start3A, %dma_start3A_20] : memref<2x16x125xi32, #tpu.memory_space<vmem>> -> memref<1x16x125xi32, #tpu.memory_space<vmem>>
      %dma_start3A_22 = tpu.memref_squeeze %dma_start3A_21 : memref<1x16x125xi32, #tpu.memory_space<vmem>> -> memref<16x125xi32, #tpu.memory_space<vmem>>
      %dma_start3A_23 = arith.constant 0 : i32
      %dma_start3A_24 = tpu.memref_slice %arg4[%multiple_of3A_3, %dma_start3A_23] : memref<5120x125xi32, #tpu.memory_space<hbm>> -> memref<16x125xi32, #tpu.memory_space<hbm>>
      %dma_start3A_25 = arith.constant 0 : i32
      %dma_start3A_26 = arith.constant 0 : i32
      %dma_start3A_27 = tpu.memref_slice %arg9[%run_scoped3A_4, %dma_start3A_25, %dma_start3A_26] : memref<2x16x125xi32, #tpu.memory_space<vmem>> -> memref<1x16x125xi32, #tpu.memory_space<vmem>>
      %dma_start3A_28 = tpu.memref_squeeze %dma_start3A_27 : memref<1x16x125xi32, #tpu.memory_space<vmem>> -> memref<16x125xi32, #tpu.memory_space<vmem>>
      %dma_start3A_29 = arith.constant 0 : i32
      %dma_start3A_30 = tpu.memref_slice %arg4[%multiple_of3A_3, %dma_start3A_29] : memref<5120x125xi32, #tpu.memory_space<hbm>> -> memref<16x125xi32, #tpu.memory_space<hbm>>
      tpu.enqueue_dma source(%dma_start3A_30 : memref<16x125xi32, #tpu.memory_space<hbm>>) target(%dma_start3A_28 : memref<16x125xi32, #tpu.memory_space<vmem>>) target_semaphore(%run_scoped3A_19 : memref<!tpu.dma_semaphore, #tpu.memory_space<semaphore_mem>>)
      %dma_wait3A = arith.constant 0 : i32
      %dma_wait3A_31 = arith.constant 0 : i32
      %dma_wait3A_32 = tpu.memref_slice %arg9[%run_scoped3A_4, %dma_wait3A, %dma_wait3A_31] : memref<2x16x125xi32, #tpu.memory_space<vmem>> -> memref<1x16x125xi32, #tpu.memory_space<vmem>>
      %dma_wait3A_33 = tpu.memref_squeeze %dma_wait3A_32 : memref<1x16x125xi32, #tpu.memory_space<vmem>> -> memref<16x125xi32, #tpu.memory_space<vmem>>
      %dma_wait3A_34 = arith.constant 0 : i32
      %dma_wait3A_35 = tpu.memref_slice %arg4[%multiple_of3A_3, %dma_wait3A_34] : memref<5120x125xi32, #tpu.memory_space<hbm>> -> memref<16x125xi32, #tpu.memory_space<hbm>>
      %dma_wait3A_36 = arith.constant 0 : i32
      %dma_wait3A_37 = arith.constant 0 : i32
      %dma_wait3A_38 = tpu.memref_slice %arg9[%run_scoped3A_4, %dma_wait3A_36, %dma_wait3A_37] : memref<2x16x125xi32, #tpu.memory_space<vmem>> -> memref<1x16x125xi32, #tpu.memory_space<vmem>>
      %dma_wait3A_39 = tpu.memref_squeeze %dma_wait3A_38 : memref<1x16x125xi32, #tpu.memory_space<vmem>> -> memref<16x125xi32, #tpu.memory_space<vmem>>
      %dma_wait3A_40 = arith.constant 0 : i32
      %dma_wait3A_41 = tpu.memref_slice %arg4[%multiple_of3A_3, %dma_wait3A_40] : memref<5120x125xi32, #tpu.memory_space<hbm>> -> memref<16x125xi32, #tpu.memory_space<hbm>>
      tpu.wait_dma2 semaphore(%run_scoped3A_19 : memref<!tpu.dma_semaphore, #tpu.memory_space<semaphore_mem>>) src(%dma_wait3A_41 : memref<16x125xi32, #tpu.memory_space<hbm>>) dst(%dma_wait3A_39 : memref<16x125xi32, #tpu.memory_space<vmem>>)
      tpu.yield
    }) : () -> ()
    %mul3A_5 = arith.constant 640 : i32
    %mul3A_6 = arith.muli %arg1, %mul3A_5 : i32
    %mul3A_7 = arith.constant 640 : i32
    %mul3A_8 = arith.muli %arg1, %mul3A_7 : i32
    "tpu.region"() ({
      %run_scoped3A_19 = tpu.sem_alloc : memref<!tpu.dma_semaphore, #tpu.memory_space<semaphore_mem>>
      %dma_start3A = arith.constant 0 : i32
      %dma_start3A_20 = tpu.memref_slice %arg7[%mul3A_8, %dma_start3A] : memref<10240x128xf32, #tpu.memory_space<vmem_shared>> -> memref<640x128xf32, #tpu.memory_space<vmem_shared>>
      %dma_start3A_21 = arith.constant 0 : i32
      %dma_start3A_22 = tpu.memref_slice %arg5[%mul3A_6, %dma_start3A_21] : memref<10240x128xf32, #tpu.memory_space<hbm>> -> memref<640x128xf32, #tpu.memory_space<hbm>>
      tpu.enqueue_dma source(%dma_start3A_22 : memref<640x128xf32, #tpu.memory_space<hbm>>) target(%dma_start3A_20 : memref<640x128xf32, #tpu.memory_space<vmem_shared>>) target_semaphore(%run_scoped3A_19 : memref<!tpu.dma_semaphore, #tpu.memory_space<semaphore_mem>>)
      %dma_wait3A = arith.constant 0 : i32
      %dma_wait3A_23 = tpu.memref_slice %arg7[%mul3A_8, %dma_wait3A] : memref<10240x128xf32, #tpu.memory_space<vmem_shared>> -> memref<640x128xf32, #tpu.memory_space<vmem_shared>>
      %dma_wait3A_24 = arith.constant 0 : i32
      %dma_wait3A_25 = tpu.memref_slice %arg5[%mul3A_6, %dma_wait3A_24] : memref<10240x128xf32, #tpu.memory_space<hbm>> -> memref<640x128xf32, #tpu.memory_space<hbm>>
      tpu.wait_dma2 semaphore(%run_scoped3A_19 : memref<!tpu.dma_semaphore, #tpu.memory_space<semaphore_mem>>) src(%dma_wait3A_25 : memref<640x128xf32, #tpu.memory_space<hbm>>) dst(%dma_wait3A_23 : memref<640x128xf32, #tpu.memory_space<vmem_shared>>)
      tpu.yield
    }) : () -> ()
    %barrier3A = arith.constant 0 : index
    tpu.barrier barrier_id(%barrier3A)
    %scan3A = arith.constant 0 : i32
    %scan3A_9 = arith.constant 0 : i32
    %scan3A_10 = arith.constant 10 : i32
    %scan3A_11 = arith.addi %scan3A_9, %scan3A_10 : i32
    %scan3A_12 = arith.constant 1 : i32
    scf.for %scan3A_19 = %scan3A_9 to %scan3A_11 step %scan3A_12  : i32 {
      %and3A = arith.constant 1 : i32
      %and3A_20 = arith.andi %scan3A_19, %and3A : i32
      %sub3A = arith.constant 1 : i32
      %sub3A_21 = arith.subi %sub3A, %and3A_20 : i32
      %gt3A = arith.constant 0 : i32
      %gt3A_22 = arith.cmpi sgt, %scan3A_19, %gt3A : i32
      %convert_element_type3A = arith.extui %gt3A_22 : i1 to i32
      %cond3A = arith.constant 0 : i32
      %cond3A_23 = arith.cmpi ne, %convert_element_type3A, %cond3A : i32
      scf.if %cond3A_23 {
        %mul3A_44 = arith.constant 16 : i32
        %mul3A_45 = arith.muli %scan3A_19, %mul3A_44 : i32
        %add3A_46 = arith.addi %add3A, %mul3A_45 : i32
        %multiple_of3A_47 = tpu.assume_multiple %add3A_46, 8 : i32
        %dma_wait3A = arith.constant 0 : i32
        %dma_wait3A_48 = arith.constant 0 : i32
        %dma_wait3A_49 = tpu.memref_slice %arg8[%and3A_20, %dma_wait3A, %dma_wait3A_48] : memref<2x16x125xi32, #tpu.memory_space<vmem>> -> memref<1x16x125xi32, #tpu.memory_space<vmem>>
        %dma_wait3A_50 = tpu.memref_squeeze %dma_wait3A_49 : memref<1x16x125xi32, #tpu.memory_space<vmem>> -> memref<16x125xi32, #tpu.memory_space<vmem>>
        %dma_wait3A_51 = arith.constant 0 : i32
        %dma_wait3A_52 = tpu.memref_slice %arg3[%multiple_of3A_47, %dma_wait3A_51] : memref<5120x125xi32, #tpu.memory_space<hbm>> -> memref<16x125xi32, #tpu.memory_space<hbm>>
        %dma_wait3A_53 = arith.constant 0 : i32
        %dma_wait3A_54 = arith.constant 0 : i32
        %dma_wait3A_55 = tpu.memref_slice %arg8[%and3A_20, %dma_wait3A_53, %dma_wait3A_54] : memref<2x16x125xi32, #tpu.memory_space<vmem>> -> memref<1x16x125xi32, #tpu.memory_space<vmem>>
        %dma_wait3A_56 = tpu.memref_squeeze %dma_wait3A_55 : memref<1x16x125xi32, #tpu.memory_space<vmem>> -> memref<16x125xi32, #tpu.memory_space<vmem>>
        %dma_wait3A_57 = arith.constant 0 : i32
        %dma_wait3A_58 = tpu.memref_slice %arg3[%multiple_of3A_47, %dma_wait3A_57] : memref<5120x125xi32, #tpu.memory_space<hbm>> -> memref<16x125xi32, #tpu.memory_space<hbm>>
        tpu.wait_dma2 semaphore(%arg14 : memref<!tpu.dma_semaphore, #tpu.memory_space<semaphore_mem>>) src(%dma_wait3A_58 : memref<16x125xi32, #tpu.memory_space<hbm>>) dst(%dma_wait3A_56 : memref<16x125xi32, #tpu.memory_space<vmem>>)
        %dma_wait3A_59 = arith.constant 0 : i32
        %dma_wait3A_60 = arith.constant 0 : i32
        %dma_wait3A_61 = tpu.memref_slice %arg9[%and3A_20, %dma_wait3A_59, %dma_wait3A_60] : memref<2x16x125xi32, #tpu.memory_space<vmem>> -> memref<1x16x125xi32, #tpu.memory_space<vmem>>
        %dma_wait3A_62 = tpu.memref_squeeze %dma_wait3A_61 : memref<1x16x125xi32, #tpu.memory_space<vmem>> -> memref<16x125xi32, #tpu.memory_space<vmem>>
        %dma_wait3A_63 = arith.constant 0 : i32
        %dma_wait3A_64 = tpu.memref_slice %arg4[%multiple_of3A_47, %dma_wait3A_63] : memref<5120x125xi32, #tpu.memory_space<hbm>> -> memref<16x125xi32, #tpu.memory_space<hbm>>
        %dma_wait3A_65 = arith.constant 0 : i32
        %dma_wait3A_66 = arith.constant 0 : i32
        %dma_wait3A_67 = tpu.memref_slice %arg9[%and3A_20, %dma_wait3A_65, %dma_wait3A_66] : memref<2x16x125xi32, #tpu.memory_space<vmem>> -> memref<1x16x125xi32, #tpu.memory_space<vmem>>
        %dma_wait3A_68 = tpu.memref_squeeze %dma_wait3A_67 : memref<1x16x125xi32, #tpu.memory_space<vmem>> -> memref<16x125xi32, #tpu.memory_space<vmem>>
        %dma_wait3A_69 = arith.constant 0 : i32
        %dma_wait3A_70 = tpu.memref_slice %arg4[%multiple_of3A_47, %dma_wait3A_69] : memref<5120x125xi32, #tpu.memory_space<hbm>> -> memref<16x125xi32, #tpu.memory_space<hbm>>
        tpu.wait_dma2 semaphore(%arg14 : memref<!tpu.dma_semaphore, #tpu.memory_space<semaphore_mem>>) src(%dma_wait3A_70 : memref<16x125xi32, #tpu.memory_space<hbm>>) dst(%dma_wait3A_68 : memref<16x125xi32, #tpu.memory_space<vmem>>)
      } else {
      }
      %lt3A = arith.constant 9 : i32
      %lt3A_24 = arith.cmpi slt, %scan3A_19, %lt3A : i32
      %convert_element_type3A_25 = arith.extui %lt3A_24 : i1 to i32
      %cond3A_26 = arith.constant 0 : i32
      %cond3A_27 = arith.cmpi ne, %convert_element_type3A_25, %cond3A_26 : i32
      scf.if %cond3A_27 {
        %add3A_44 = arith.constant 1 : i32
        %add3A_45 = arith.addi %scan3A_19, %add3A_44 : i32
        %mul3A_46 = arith.constant 16 : i32
        %mul3A_47 = arith.muli %add3A_45, %mul3A_46 : i32
        %add3A_48 = arith.addi %add3A, %mul3A_47 : i32
        %multiple_of3A_49 = tpu.assume_multiple %add3A_48, 8 : i32
        %dma_start3A_50 = arith.constant 0 : i32
        %dma_start3A_51 = arith.constant 0 : i32
        %dma_start3A_52 = tpu.memref_slice %arg8[%sub3A_21, %dma_start3A_50, %dma_start3A_51] : memref<2x16x125xi32, #tpu.memory_space<vmem>> -> memref<1x16x125xi32, #tpu.memory_space<vmem>>
        %dma_start3A_53 = tpu.memref_squeeze %dma_start3A_52 : memref<1x16x125xi32, #tpu.memory_space<vmem>> -> memref<16x125xi32, #tpu.memory_space<vmem>>
        %dma_start3A_54 = arith.constant 0 : i32
        %dma_start3A_55 = tpu.memref_slice %arg3[%multiple_of3A_49, %dma_start3A_54] : memref<5120x125xi32, #tpu.memory_space<hbm>> -> memref<16x125xi32, #tpu.memory_space<hbm>>
        %dma_start3A_56 = arith.constant 0 : i32
        %dma_start3A_57 = arith.constant 0 : i32
        %dma_start3A_58 = tpu.memref_slice %arg8[%sub3A_21, %dma_start3A_56, %dma_start3A_57] : memref<2x16x125xi32, #tpu.memory_space<vmem>> -> memref<1x16x125xi32, #tpu.memory_space<vmem>>
        %dma_start3A_59 = tpu.memref_squeeze %dma_start3A_58 : memref<1x16x125xi32, #tpu.memory_space<vmem>> -> memref<16x125xi32, #tpu.memory_space<vmem>>
        %dma_start3A_60 = arith.constant 0 : i32
        %dma_start3A_61 = tpu.memref_slice %arg3[%multiple_of3A_49, %dma_start3A_60] : memref<5120x125xi32, #tpu.memory_space<hbm>> -> memref<16x125xi32, #tpu.memory_space<hbm>>
        tpu.enqueue_dma source(%dma_start3A_61 : memref<16x125xi32, #tpu.memory_space<hbm>>) target(%dma_start3A_59 : memref<16x125xi32, #tpu.memory_space<vmem>>) target_semaphore(%arg14 : memref<!tpu.dma_semaphore, #tpu.memory_space<semaphore_mem>>)
        %dma_start3A_62 = arith.constant 0 : i32
        %dma_start3A_63 = arith.constant 0 : i32
        %dma_start3A_64 = tpu.memref_slice %arg9[%sub3A_21, %dma_start3A_62, %dma_start3A_63] : memref<2x16x125xi32, #tpu.memory_space<vmem>> -> memref<1x16x125xi32, #tpu.memory_space<vmem>>
        %dma_start3A_65 = tpu.memref_squeeze %dma_start3A_64 : memref<1x16x125xi32, #tpu.memory_space<vmem>> -> memref<16x125xi32, #tpu.memory_space<vmem>>
        %dma_start3A_66 = arith.constant 0 : i32
        %dma_start3A_67 = tpu.memref_slice %arg4[%multiple_of3A_49, %dma_start3A_66] : memref<5120x125xi32, #tpu.memory_space<hbm>> -> memref<16x125xi32, #tpu.memory_space<hbm>>
        %dma_start3A_68 = arith.constant 0 : i32
        %dma_start3A_69 = arith.constant 0 : i32
        %dma_start3A_70 = tpu.memref_slice %arg9[%sub3A_21, %dma_start3A_68, %dma_start3A_69] : memref<2x16x125xi32, #tpu.memory_space<vmem>> -> memref<1x16x125xi32, #tpu.memory_space<vmem>>
        %dma_start3A_71 = tpu.memref_squeeze %dma_start3A_70 : memref<1x16x125xi32, #tpu.memory_space<vmem>> -> memref<16x125xi32, #tpu.memory_space<vmem>>
        %dma_start3A_72 = arith.constant 0 : i32
        %dma_start3A_73 = tpu.memref_slice %arg4[%multiple_of3A_49, %dma_start3A_72] : memref<5120x125xi32, #tpu.memory_space<hbm>> -> memref<16x125xi32, #tpu.memory_space<hbm>>
        tpu.enqueue_dma source(%dma_start3A_73 : memref<16x125xi32, #tpu.memory_space<hbm>>) target(%dma_start3A_71 : memref<16x125xi32, #tpu.memory_space<vmem>>) target_semaphore(%arg14 : memref<!tpu.dma_semaphore, #tpu.memory_space<semaphore_mem>>)
      } else {
      }
      %dma_start3A = arith.constant 0 : i32
      %dma_start3A_28 = arith.constant 0 : i32
      %dma_start3A_29 = arith.constant 0 : i32
      %dma_start3A_30 = tpu.memref_slice %arg8[%and3A_20, %dma_start3A_28, %dma_start3A_29] : memref<2x16x125xi32, #tpu.memory_space<vmem>> -> memref<1x16x125xi32, #tpu.memory_space<vmem>>
      %dma_start3A_31 = tpu.memref_squeeze %dma_start3A_30 : memref<1x16x125xi32, #tpu.memory_space<vmem>> -> memref<16x125xi32, #tpu.memory_space<vmem>>
      %dma_start3A_32 = arith.constant 0 : i32
      %dma_start3A_33 = tpu.memref_slice %dma_start3A_31[%dma_start3A, %dma_start3A_32] : memref<16x125xi32, #tpu.memory_space<vmem>> -> memref<1x125xi32, #tpu.memory_space<vmem>>
      %dma_start3A_34 = tpu.memref_squeeze %dma_start3A_33 : memref<1x125xi32, #tpu.memory_space<vmem>> -> memref<125xi32, #tpu.memory_space<vmem>>
      %dma_start3A_35 = arith.constant 0 : i32
      %dma_start3A_36 = arith.constant 0 : i32
      %dma_start3A_37 = tpu.memref_slice %arg2[%dma_start3A_35, %dma_start3A_36] : memref<20000x128xf32, #tpu.memory_space<hbm>> -> memref<20000x128xf32, #tpu.memory_space<hbm>>
      tpu.enqueue_indirect_dma source(%dma_start3A_37 : memref<20000x128xf32, #tpu.memory_space<hbm>>) target(%arg10 : memref<125x128xf32, #tpu.memory_space<vmem>>) offsets(%dma_start3A_34 : memref<125xi32, #tpu.memory_space<vmem>>) semaphore(%arg12 : memref<!tpu.dma_semaphore, #tpu.memory_space<semaphore_mem>>)
      %scan3A_38 = arith.constant 0 : i32
      %scan3A_39 = arith.constant 0 : i32
      %scan3A_40 = arith.constant 8 : i32
      %scan3A_41 = arith.addi %scan3A_39, %scan3A_40 : i32
      %scan3A_42 = arith.constant 1 : i32
      scf.for %scan3A_44 = %scan3A_39 to %scan3A_41 step %scan3A_42  : i32 {
        %mul3A_45 = arith.constant 2 : i32
        %mul3A_46 = arith.muli %mul3A_45, %scan3A_44 : i32
        %add3A_47 = arith.constant 1 : i32
        %add3A_48 = arith.addi %mul3A_46, %add3A_47 : i32
        %dma_start3A_49 = arith.constant 0 : i32
        %dma_start3A_50 = arith.constant 0 : i32
        %dma_start3A_51 = tpu.memref_slice %arg8[%and3A_20, %dma_start3A_49, %dma_start3A_50] : memref<2x16x125xi32, #tpu.memory_space<vmem>> -> memref<1x16x125xi32, #tpu.memory_space<vmem>>
        %dma_start3A_52 = tpu.memref_squeeze %dma_start3A_51 : memref<1x16x125xi32, #tpu.memory_space<vmem>> -> memref<16x125xi32, #tpu.memory_space<vmem>>
        %dma_start3A_53 = arith.constant 0 : i32
        %dma_start3A_54 = tpu.memref_slice %dma_start3A_52[%add3A_48, %dma_start3A_53] : memref<16x125xi32, #tpu.memory_space<vmem>> -> memref<1x125xi32, #tpu.memory_space<vmem>>
        %dma_start3A_55 = tpu.memref_squeeze %dma_start3A_54 : memref<1x125xi32, #tpu.memory_space<vmem>> -> memref<125xi32, #tpu.memory_space<vmem>>
        %dma_start3A_56 = arith.constant 0 : i32
        %dma_start3A_57 = arith.constant 0 : i32
        %dma_start3A_58 = tpu.memref_slice %arg2[%dma_start3A_56, %dma_start3A_57] : memref<20000x128xf32, #tpu.memory_space<hbm>> -> memref<20000x128xf32, #tpu.memory_space<hbm>>
        tpu.enqueue_indirect_dma source(%dma_start3A_58 : memref<20000x128xf32, #tpu.memory_space<hbm>>) target(%arg11 : memref<125x128xf32, #tpu.memory_space<vmem>>) offsets(%dma_start3A_55 : memref<125xi32, #tpu.memory_space<vmem>>) semaphore(%arg13 : memref<!tpu.dma_semaphore, #tpu.memory_space<semaphore_mem>>)
        %dma_wait3A = arith.constant 0 : i32
        %dma_wait3A_59 = arith.constant 0 : i32
        %dma_wait3A_60 = tpu.memref_slice %arg8[%and3A_20, %dma_wait3A, %dma_wait3A_59] : memref<2x16x125xi32, #tpu.memory_space<vmem>> -> memref<1x16x125xi32, #tpu.memory_space<vmem>>
        %dma_wait3A_61 = tpu.memref_squeeze %dma_wait3A_60 : memref<1x16x125xi32, #tpu.memory_space<vmem>> -> memref<16x125xi32, #tpu.memory_space<vmem>>
        %dma_wait3A_62 = arith.constant 0 : i32
        %dma_wait3A_63 = tpu.memref_slice %dma_wait3A_61[%mul3A_46, %dma_wait3A_62] : memref<16x125xi32, #tpu.memory_space<vmem>> -> memref<1x125xi32, #tpu.memory_space<vmem>>
        %dma_wait3A_64 = tpu.memref_squeeze %dma_wait3A_63 : memref<1x125xi32, #tpu.memory_space<vmem>> -> memref<125xi32, #tpu.memory_space<vmem>>
        %dma_wait3A_65 = arith.constant 0 : i32
        %dma_wait3A_66 = arith.constant 0 : i32
        %dma_wait3A_67 = tpu.memref_slice %arg2[%dma_wait3A_65, %dma_wait3A_66] : memref<20000x128xf32, #tpu.memory_space<hbm>> -> memref<20000x128xf32, #tpu.memory_space<hbm>>
        tpu.wait_indirect_dma semaphore(%arg12 : memref<!tpu.dma_semaphore, #tpu.memory_space<semaphore_mem>>) src(%dma_wait3A_67 : memref<20000x128xf32, #tpu.memory_space<hbm>>) dst(%arg10 : memref<125x128xf32, #tpu.memory_space<vmem>>)
        "tpu.region"() ({
          %run_scoped3A_87 = tpu.sem_alloc : memref<!tpu.dma_semaphore, #tpu.memory_space<semaphore_mem>>
          %dma_start3A_88 = arith.constant 0 : i32
          %dma_start3A_89 = arith.constant 0 : i32
          %dma_start3A_90 = tpu.memref_slice %arg9[%and3A_20, %dma_start3A_88, %dma_start3A_89] : memref<2x16x125xi32, #tpu.memory_space<vmem>> -> memref<1x16x125xi32, #tpu.memory_space<vmem>>
          %dma_start3A_91 = tpu.memref_squeeze %dma_start3A_90 : memref<1x16x125xi32, #tpu.memory_space<vmem>> -> memref<16x125xi32, #tpu.memory_space<vmem>>
          %dma_start3A_92 = arith.constant 0 : i32
          %dma_start3A_93 = tpu.memref_slice %dma_start3A_91[%mul3A_46, %dma_start3A_92] : memref<16x125xi32, #tpu.memory_space<vmem>> -> memref<1x125xi32, #tpu.memory_space<vmem>>
          %dma_start3A_94 = tpu.memref_squeeze %dma_start3A_93 : memref<1x125xi32, #tpu.memory_space<vmem>> -> memref<125xi32, #tpu.memory_space<vmem>>
          %dma_start3A_95 = arith.constant 0 : i32
          %dma_start3A_96 = arith.constant 0 : i32
          %dma_start3A_97 = tpu.memref_slice %arg7[%dma_start3A_95, %dma_start3A_96] : memref<10240x128xf32, #tpu.memory_space<vmem_shared>> -> memref<10240x128xf32, #tpu.memory_space<vmem_shared>>
          tpu.enqueue_indirect_dma source(%arg10 : memref<125x128xf32, #tpu.memory_space<vmem>>) target(%dma_start3A_97 : memref<10240x128xf32, #tpu.memory_space<vmem_shared>>) offsets(%dma_start3A_94 : memref<125xi32, #tpu.memory_space<vmem>>) semaphore(%run_scoped3A_87 : memref<!tpu.dma_semaphore, #tpu.memory_space<semaphore_mem>>) {add = true}
          %dma_wait3A_98 = arith.constant 0 : i32
          %dma_wait3A_99 = arith.constant 0 : i32
          %dma_wait3A_100 = tpu.memref_slice %arg9[%and3A_20, %dma_wait3A_98, %dma_wait3A_99] : memref<2x16x125xi32, #tpu.memory_space<vmem>> -> memref<1x16x125xi32, #tpu.memory_space<vmem>>
          %dma_wait3A_101 = tpu.memref_squeeze %dma_wait3A_100 : memref<1x16x125xi32, #tpu.memory_space<vmem>> -> memref<16x125xi32, #tpu.memory_space<vmem>>
          %dma_wait3A_102 = arith.constant 0 : i32
          %dma_wait3A_103 = tpu.memref_slice %dma_wait3A_101[%mul3A_46, %dma_wait3A_102] : memref<16x125xi32, #tpu.memory_space<vmem>> -> memref<1x125xi32, #tpu.memory_space<vmem>>
          %dma_wait3A_104 = tpu.memref_squeeze %dma_wait3A_103 : memref<1x125xi32, #tpu.memory_space<vmem>> -> memref<125xi32, #tpu.memory_space<vmem>>
          %dma_wait3A_105 = arith.constant 0 : i32
          %dma_wait3A_106 = arith.constant 0 : i32
          %dma_wait3A_107 = tpu.memref_slice %arg7[%dma_wait3A_105, %dma_wait3A_106] : memref<10240x128xf32, #tpu.memory_space<vmem_shared>> -> memref<10240x128xf32, #tpu.memory_space<vmem_shared>>
          tpu.wait_indirect_dma semaphore(%run_scoped3A_87 : memref<!tpu.dma_semaphore, #tpu.memory_space<semaphore_mem>>) src(%arg10 : memref<125x128xf32, #tpu.memory_space<vmem>>) dst(%dma_wait3A_107 : memref<10240x128xf32, #tpu.memory_space<vmem_shared>>)
          tpu.yield
        }) : () -> ()
        %lt3A_68 = arith.constant 7 : i32
        %lt3A_69 = arith.cmpi slt, %scan3A_44, %lt3A_68 : i32
        %convert_element_type3A_70 = arith.extui %lt3A_69 : i1 to i32
        %cond3A_71 = arith.constant 0 : i32
        %cond3A_72 = arith.cmpi ne, %convert_element_type3A_70, %cond3A_71 : i32
        scf.if %cond3A_72 {
          %add3A_87 = arith.constant 2 : i32
          %add3A_88 = arith.addi %mul3A_46, %add3A_87 : i32
          %dma_start3A_89 = arith.constant 0 : i32
          %dma_start3A_90 = arith.constant 0 : i32
          %dma_start3A_91 = tpu.memref_slice %arg8[%and3A_20, %dma_start3A_89, %dma_start3A_90] : memref<2x16x125xi32, #tpu.memory_space<vmem>> -> memref<1x16x125xi32, #tpu.memory_space<vmem>>
          %dma_start3A_92 = tpu.memref_squeeze %dma_start3A_91 : memref<1x16x125xi32, #tpu.memory_space<vmem>> -> memref<16x125xi32, #tpu.memory_space<vmem>>
          %dma_start3A_93 = arith.constant 0 : i32
          %dma_start3A_94 = tpu.memref_slice %dma_start3A_92[%add3A_88, %dma_start3A_93] : memref<16x125xi32, #tpu.memory_space<vmem>> -> memref<1x125xi32, #tpu.memory_space<vmem>>
          %dma_start3A_95 = tpu.memref_squeeze %dma_start3A_94 : memref<1x125xi32, #tpu.memory_space<vmem>> -> memref<125xi32, #tpu.memory_space<vmem>>
          %dma_start3A_96 = arith.constant 0 : i32
          %dma_start3A_97 = arith.constant 0 : i32
          %dma_start3A_98 = tpu.memref_slice %arg2[%dma_start3A_96, %dma_start3A_97] : memref<20000x128xf32, #tpu.memory_space<hbm>> -> memref<20000x128xf32, #tpu.memory_space<hbm>>
          tpu.enqueue_indirect_dma source(%dma_start3A_98 : memref<20000x128xf32, #tpu.memory_space<hbm>>) target(%arg10 : memref<125x128xf32, #tpu.memory_space<vmem>>) offsets(%dma_start3A_95 : memref<125xi32, #tpu.memory_space<vmem>>) semaphore(%arg12 : memref<!tpu.dma_semaphore, #tpu.memory_space<semaphore_mem>>)
        } else {
        }
        %add3A_73 = arith.constant 1 : i32
        %add3A_74 = arith.addi %mul3A_46, %add3A_73 : i32
        %dma_wait3A_75 = arith.constant 0 : i32
        %dma_wait3A_76 = arith.constant 0 : i32
        %dma_wait3A_77 = tpu.memref_slice %arg8[%and3A_20, %dma_wait3A_75, %dma_wait3A_76] : memref<2x16x125xi32, #tpu.memory_space<vmem>> -> memref<1x16x125xi32, #tpu.memory_space<vmem>>
        %dma_wait3A_78 = tpu.memref_squeeze %dma_wait3A_77 : memref<1x16x125xi32, #tpu.memory_space<vmem>> -> memref<16x125xi32, #tpu.memory_space<vmem>>
        %dma_wait3A_79 = arith.constant 0 : i32
        %dma_wait3A_80 = tpu.memref_slice %dma_wait3A_78[%add3A_74, %dma_wait3A_79] : memref<16x125xi32, #tpu.memory_space<vmem>> -> memref<1x125xi32, #tpu.memory_space<vmem>>
        %dma_wait3A_81 = tpu.memref_squeeze %dma_wait3A_80 : memref<1x125xi32, #tpu.memory_space<vmem>> -> memref<125xi32, #tpu.memory_space<vmem>>
        %dma_wait3A_82 = arith.constant 0 : i32
        %dma_wait3A_83 = arith.constant 0 : i32
        %dma_wait3A_84 = tpu.memref_slice %arg2[%dma_wait3A_82, %dma_wait3A_83] : memref<20000x128xf32, #tpu.memory_space<hbm>> -> memref<20000x128xf32, #tpu.memory_space<hbm>>
        tpu.wait_indirect_dma semaphore(%arg13 : memref<!tpu.dma_semaphore, #tpu.memory_space<semaphore_mem>>) src(%dma_wait3A_84 : memref<20000x128xf32, #tpu.memory_space<hbm>>) dst(%arg11 : memref<125x128xf32, #tpu.memory_space<vmem>>)
        %add3A_85 = arith.constant 1 : i32
        %add3A_86 = arith.addi %mul3A_46, %add3A_85 : i32
        "tpu.region"() ({
          %run_scoped3A_87 = tpu.sem_alloc : memref<!tpu.dma_semaphore, #tpu.memory_space<semaphore_mem>>
          %dma_start3A_88 = arith.constant 0 : i32
          %dma_start3A_89 = arith.constant 0 : i32
          %dma_start3A_90 = tpu.memref_slice %arg9[%and3A_20, %dma_start3A_88, %dma_start3A_89] : memref<2x16x125xi32, #tpu.memory_space<vmem>> -> memref<1x16x125xi32, #tpu.memory_space<vmem>>
          %dma_start3A_91 = tpu.memref_squeeze %dma_start3A_90 : memref<1x16x125xi32, #tpu.memory_space<vmem>> -> memref<16x125xi32, #tpu.memory_space<vmem>>
          %dma_start3A_92 = arith.constant 0 : i32
          %dma_start3A_93 = tpu.memref_slice %dma_start3A_91[%add3A_86, %dma_start3A_92] : memref<16x125xi32, #tpu.memory_space<vmem>> -> memref<1x125xi32, #tpu.memory_space<vmem>>
          %dma_start3A_94 = tpu.memref_squeeze %dma_start3A_93 : memref<1x125xi32, #tpu.memory_space<vmem>> -> memref<125xi32, #tpu.memory_space<vmem>>
          %dma_start3A_95 = arith.constant 0 : i32
          %dma_start3A_96 = arith.constant 0 : i32
          %dma_start3A_97 = tpu.memref_slice %arg7[%dma_start3A_95, %dma_start3A_96] : memref<10240x128xf32, #tpu.memory_space<vmem_shared>> -> memref<10240x128xf32, #tpu.memory_space<vmem_shared>>
          tpu.enqueue_indirect_dma source(%arg11 : memref<125x128xf32, #tpu.memory_space<vmem>>) target(%dma_start3A_97 : memref<10240x128xf32, #tpu.memory_space<vmem_shared>>) offsets(%dma_start3A_94 : memref<125xi32, #tpu.memory_space<vmem>>) semaphore(%run_scoped3A_87 : memref<!tpu.dma_semaphore, #tpu.memory_space<semaphore_mem>>) {add = true}
          %dma_wait3A_98 = arith.constant 0 : i32
          %dma_wait3A_99 = arith.constant 0 : i32
          %dma_wait3A_100 = tpu.memref_slice %arg9[%and3A_20, %dma_wait3A_98, %dma_wait3A_99] : memref<2x16x125xi32, #tpu.memory_space<vmem>> -> memref<1x16x125xi32, #tpu.memory_space<vmem>>
          %dma_wait3A_101 = tpu.memref_squeeze %dma_wait3A_100 : memref<1x16x125xi32, #tpu.memory_space<vmem>> -> memref<16x125xi32, #tpu.memory_space<vmem>>
          %dma_wait3A_102 = arith.constant 0 : i32
          %dma_wait3A_103 = tpu.memref_slice %dma_wait3A_101[%add3A_86, %dma_wait3A_102] : memref<16x125xi32, #tpu.memory_space<vmem>> -> memref<1x125xi32, #tpu.memory_space<vmem>>
          %dma_wait3A_104 = tpu.memref_squeeze %dma_wait3A_103 : memref<1x125xi32, #tpu.memory_space<vmem>> -> memref<125xi32, #tpu.memory_space<vmem>>
          %dma_wait3A_105 = arith.constant 0 : i32
          %dma_wait3A_106 = arith.constant 0 : i32
          %dma_wait3A_107 = tpu.memref_slice %arg7[%dma_wait3A_105, %dma_wait3A_106] : memref<10240x128xf32, #tpu.memory_space<vmem_shared>> -> memref<10240x128xf32, #tpu.memory_space<vmem_shared>>
          tpu.wait_indirect_dma semaphore(%run_scoped3A_87 : memref<!tpu.dma_semaphore, #tpu.memory_space<semaphore_mem>>) src(%arg11 : memref<125x128xf32, #tpu.memory_space<vmem>>) dst(%dma_wait3A_107 : memref<10240x128xf32, #tpu.memory_space<vmem_shared>>)
          tpu.yield
        }) : () -> ()
      }
      %scan3A_43 = arith.constant 8 : i32
    }
    %scan3A_13 = arith.constant 10 : i32
    %barrier3A_14 = arith.constant 0 : index
    tpu.barrier barrier_id(%barrier3A_14)
    %mul3A_15 = arith.constant 640 : i32
    %mul3A_16 = arith.muli %arg1, %mul3A_15 : i32
    %mul3A_17 = arith.constant 640 : i32
    %mul3A_18 = arith.muli %arg1, %mul3A_17 : i32
    "tpu.region"() ({
      %run_scoped3A_19 = tpu.sem_alloc : memref<!tpu.dma_semaphore, #tpu.memory_space<semaphore_mem>>
      %dma_start3A = arith.constant 0 : i32
      %dma_start3A_20 = tpu.memref_slice %arg6[%arg0, %mul3A_18, %dma_start3A] : memref<2x10240x128xf32, #tpu.memory_space<hbm>> -> memref<1x640x128xf32, #tpu.memory_space<hbm>>
      %dma_start3A_21 = tpu.memref_squeeze %dma_start3A_20 : memref<1x640x128xf32, #tpu.memory_space<hbm>> -> memref<640x128xf32, #tpu.memory_space<hbm>>
      %dma_start3A_22 = arith.constant 0 : i32
      %dma_start3A_23 = tpu.memref_slice %arg7[%mul3A_16, %dma_start3A_22] : memref<10240x128xf32, #tpu.memory_space<vmem_shared>> -> memref<640x128xf32, #tpu.memory_space<vmem_shared>>
      tpu.enqueue_dma source(%dma_start3A_23 : memref<640x128xf32, #tpu.memory_space<vmem_shared>>) target(%dma_start3A_21 : memref<640x128xf32, #tpu.memory_space<hbm>>) target_semaphore(%run_scoped3A_19 : memref<!tpu.dma_semaphore, #tpu.memory_space<semaphore_mem>>)
      %dma_wait3A = arith.constant 0 : i32
      %dma_wait3A_24 = tpu.memref_slice %arg6[%arg0, %mul3A_18, %dma_wait3A] : memref<2x10240x128xf32, #tpu.memory_space<hbm>> -> memref<1x640x128xf32, #tpu.memory_space<hbm>>
      %dma_wait3A_25 = tpu.memref_squeeze %dma_wait3A_24 : memref<1x640x128xf32, #tpu.memory_space<hbm>> -> memref<640x128xf32, #tpu.memory_space<hbm>>
      %dma_wait3A_26 = arith.constant 0 : i32
      %dma_wait3A_27 = tpu.memref_slice %arg7[%mul3A_16, %dma_wait3A_26] : memref<10240x128xf32, #tpu.memory_space<vmem_shared>> -> memref<640x128xf32, #tpu.memory_space<vmem_shared>>
      tpu.wait_dma2 semaphore(%run_scoped3A_19 : memref<!tpu.dma_semaphore, #tpu.memory_space<semaphore_mem>>) src(%dma_wait3A_27 : memref<640x128xf32, #tpu.memory_space<vmem_shared>>) dst(%dma_wait3A_25 : memref<640x128xf32, #tpu.memory_space<hbm>>)
      tpu.yield
    }) : () -> ()
    return
  }
}

#map = affine_map<(d0, d1) -> (0, 0)>
#map1 = affine_map<(d0, d1) -> (0, 0, 0)>
module attributes {stable_mosaic.version = 14 : i64} {
  func.func @_sc_edge_agg(%arg0: i32, %arg1: i32, %arg2: memref<20000x128xf32, #tpu.memory_space<hbm>>, %arg3: memref<5120x125xi32, #tpu.memory_space<hbm>>, %arg4: memref<5120x125xi32, #tpu.memory_space<hbm>>, %arg5: memref<10240x128xf32, #tpu.memory_space<hbm>>, %arg6: memref<2x10240x128xf32, #tpu.memory_space<hbm>>, %arg7: memref<10240x128xf32, #tpu.memory_space<vmem_shared>>, %arg8: memref<2x16x125xi32, #tpu.memory_space<vmem>>, %arg9: memref<2x16x125xi32, #tpu.memory_space<vmem>>, %arg10: memref<125x128xf32, #tpu.memory_space<vmem>>, %arg11: memref<125x128xf32, #tpu.memory_space<vmem>>, %arg12: memref<!tpu.dma_semaphore, #tpu.memory_space<semaphore_mem>>, %arg13: memref<!tpu.dma_semaphore, #tpu.memory_space<semaphore_mem>>, %arg14: memref<!tpu.dma_semaphore, #tpu.memory_space<semaphore_mem>>) attributes {dimension_semantics = [#tpu.dimension_semantics<core_parallel>, #tpu.dimension_semantics<subcore_parallel>], iteration_bounds = array<i64: 2, 16>, scalar_prefetch = 0 : i64, scratch_operands = 8 : i64, tpu.core_type = #tpu.core_type<sc_vector_subcore>, window_params = [{transform_indices = #map}, {transform_indices = #map}, {transform_indices = #map}, {transform_indices = #map}, {transform_indices = #map1}]} {
    %mul3A = arith.constant 2560 : i32
    %mul3A_0 = arith.muli %arg0, %mul3A : i32
    %mul3A_1 = arith.constant 160 : i32
    %mul3A_2 = arith.muli %arg1, %mul3A_1 : i32
    %add3A = arith.addi %mul3A_0, %mul3A_2 : i32
    %multiple_of3A = tpu.assume_multiple %add3A, 8 : i32
    %run_scoped3A = arith.constant 0 : i32
    "tpu.region"() ({
      %run_scoped3A_19 = tpu.sem_alloc : memref<!tpu.dma_semaphore, #tpu.memory_space<semaphore_mem>>
      %dma_start3A = arith.constant 0 : i32
      %dma_start3A_20 = arith.constant 0 : i32
      %dma_start3A_21 = tpu.memref_slice %arg8[%run_scoped3A, %dma_start3A, %dma_start3A_20] : memref<2x16x125xi32, #tpu.memory_space<vmem>> -> memref<1x16x125xi32, #tpu.memory_space<vmem>>
      %dma_start3A_22 = tpu.memref_squeeze %dma_start3A_21 : memref<1x16x125xi32, #tpu.memory_space<vmem>> -> memref<16x125xi32, #tpu.memory_space<vmem>>
      %dma_start3A_23 = arith.constant 0 : i32
      %dma_start3A_24 = tpu.memref_slice %arg3[%multiple_of3A, %dma_start3A_23] : memref<5120x125xi32, #tpu.memory_space<hbm>> -> memref<16x125xi32, #tpu.memory_space<hbm>>
      %dma_start3A_25 = arith.constant 0 : i32
      %dma_start3A_26 = arith.constant 0 : i32
      %dma_start3A_27 = tpu.memref_slice %arg8[%run_scoped3A, %dma_start3A_25, %dma_start3A_26] : memref<2x16x125xi32, #tpu.memory_space<vmem>> -> memref<1x16x125xi32, #tpu.memory_space<vmem>>
      %dma_start3A_28 = tpu.memref_squeeze %dma_start3A_27 : memref<1x16x125xi32, #tpu.memory_space<vmem>> -> memref<16x125xi32, #tpu.memory_space<vmem>>
      %dma_start3A_29 = arith.constant 0 : i32
      %dma_start3A_30 = tpu.memref_slice %arg3[%multiple_of3A, %dma_start3A_29] : memref<5120x125xi32, #tpu.memory_space<hbm>> -> memref<16x125xi32, #tpu.memory_space<hbm>>
      tpu.enqueue_dma source(%dma_start3A_30 : memref<16x125xi32, #tpu.memory_space<hbm>>) target(%dma_start3A_28 : memref<16x125xi32, #tpu.memory_space<vmem>>) target_semaphore(%run_scoped3A_19 : memref<!tpu.dma_semaphore, #tpu.memory_space<semaphore_mem>>)
      %dma_wait3A = arith.constant 0 : i32
      %dma_wait3A_31 = arith.constant 0 : i32
      %dma_wait3A_32 = tpu.memref_slice %arg8[%run_scoped3A, %dma_wait3A, %dma_wait3A_31] : memref<2x16x125xi32, #tpu.memory_space<vmem>> -> memref<1x16x125xi32, #tpu.memory_space<vmem>>
      %dma_wait3A_33 = tpu.memref_squeeze %dma_wait3A_32 : memref<1x16x125xi32, #tpu.memory_space<vmem>> -> memref<16x125xi32, #tpu.memory_space<vmem>>
      %dma_wait3A_34 = arith.constant 0 : i32
      %dma_wait3A_35 = tpu.memref_slice %arg3[%multiple_of3A, %dma_wait3A_34] : memref<5120x125xi32, #tpu.memory_space<hbm>> -> memref<16x125xi32, #tpu.memory_space<hbm>>
      %dma_wait3A_36 = arith.constant 0 : i32
      %dma_wait3A_37 = arith.constant 0 : i32
      %dma_wait3A_38 = tpu.memref_slice %arg8[%run_scoped3A, %dma_wait3A_36, %dma_wait3A_37] : memref<2x16x125xi32, #tpu.memory_space<vmem>> -> memref<1x16x125xi32, #tpu.memory_space<vmem>>
      %dma_wait3A_39 = tpu.memref_squeeze %dma_wait3A_38 : memref<1x16x125xi32, #tpu.memory_space<vmem>> -> memref<16x125xi32, #tpu.memory_space<vmem>>
      %dma_wait3A_40 = arith.constant 0 : i32
      %dma_wait3A_41 = tpu.memref_slice %arg3[%multiple_of3A, %dma_wait3A_40] : memref<5120x125xi32, #tpu.memory_space<hbm>> -> memref<16x125xi32, #tpu.memory_space<hbm>>
      tpu.wait_dma2 semaphore(%run_scoped3A_19 : memref<!tpu.dma_semaphore, #tpu.memory_space<semaphore_mem>>) src(%dma_wait3A_41 : memref<16x125xi32, #tpu.memory_space<hbm>>) dst(%dma_wait3A_39 : memref<16x125xi32, #tpu.memory_space<vmem>>)
      tpu.yield
    }) : () -> ()
    %multiple_of3A_3 = tpu.assume_multiple %add3A, 8 : i32
    %run_scoped3A_4 = arith.constant 0 : i32
    "tpu.region"() ({
      %run_scoped3A_19 = tpu.sem_alloc : memref<!tpu.dma_semaphore, #tpu.memory_space<semaphore_mem>>
      %dma_start3A = arith.constant 0 : i32
      %dma_start3A_20 = arith.constant 0 : i32
      %dma_start3A_21 = tpu.memref_slice %arg9[%run_scoped3A_4, %dma_start3A, %dma_start3A_20] : memref<2x16x125xi32, #tpu.memory_space<vmem>> -> memref<1x16x125xi32, #tpu.memory_space<vmem>>
      %dma_start3A_22 = tpu.memref_squeeze %dma_start3A_21 : memref<1x16x125xi32, #tpu.memory_space<vmem>> -> memref<16x125xi32, #tpu.memory_space<vmem>>
      %dma_start3A_23 = arith.constant 0 : i32
      %dma_start3A_24 = tpu.memref_slice %arg4[%multiple_of3A_3, %dma_start3A_23] : memref<5120x125xi32, #tpu.memory_space<hbm>> -> memref<16x125xi32, #tpu.memory_space<hbm>>
      %dma_start3A_25 = arith.constant 0 : i32
      %dma_start3A_26 = arith.constant 0 : i32
      %dma_start3A_27 = tpu.memref_slice %arg9[%run_scoped3A_4, %dma_start3A_25, %dma_start3A_26] : memref<2x16x125xi32, #tpu.memory_space<vmem>> -> memref<1x16x125xi32, #tpu.memory_space<vmem>>
      %dma_start3A_28 = tpu.memref_squeeze %dma_start3A_27 : memref<1x16x125xi32, #tpu.memory_space<vmem>> -> memref<16x125xi32, #tpu.memory_space<vmem>>
      %dma_start3A_29 = arith.constant 0 : i32
      %dma_start3A_30 = tpu.memref_slice %arg4[%multiple_of3A_3, %dma_start3A_29] : memref<5120x125xi32, #tpu.memory_space<hbm>> -> memref<16x125xi32, #tpu.memory_space<hbm>>
      tpu.enqueue_dma source(%dma_start3A_30 : memref<16x125xi32, #tpu.memory_space<hbm>>) target(%dma_start3A_28 : memref<16x125xi32, #tpu.memory_space<vmem>>) target_semaphore(%run_scoped3A_19 : memref<!tpu.dma_semaphore, #tpu.memory_space<semaphore_mem>>)
      %dma_wait3A = arith.constant 0 : i32
      %dma_wait3A_31 = arith.constant 0 : i32
      %dma_wait3A_32 = tpu.memref_slice %arg9[%run_scoped3A_4, %dma_wait3A, %dma_wait3A_31] : memref<2x16x125xi32, #tpu.memory_space<vmem>> -> memref<1x16x125xi32, #tpu.memory_space<vmem>>
      %dma_wait3A_33 = tpu.memref_squeeze %dma_wait3A_32 : memref<1x16x125xi32, #tpu.memory_space<vmem>> -> memref<16x125xi32, #tpu.memory_space<vmem>>
      %dma_wait3A_34 = arith.constant 0 : i32
      %dma_wait3A_35 = tpu.memref_slice %arg4[%multiple_of3A_3, %dma_wait3A_34] : memref<5120x125xi32, #tpu.memory_space<hbm>> -> memref<16x125xi32, #tpu.memory_space<hbm>>
      %dma_wait3A_36 = arith.constant 0 : i32
      %dma_wait3A_37 = arith.constant 0 : i32
      %dma_wait3A_38 = tpu.memref_slice %arg9[%run_scoped3A_4, %dma_wait3A_36, %dma_wait3A_37] : memref<2x16x125xi32, #tpu.memory_space<vmem>> -> memref<1x16x125xi32, #tpu.memory_space<vmem>>
      %dma_wait3A_39 = tpu.memref_squeeze %dma_wait3A_38 : memref<1x16x125xi32, #tpu.memory_space<vmem>> -> memref<16x125xi32, #tpu.memory_space<vmem>>
      %dma_wait3A_40 = arith.constant 0 : i32
      %dma_wait3A_41 = tpu.memref_slice %arg4[%multiple_of3A_3, %dma_wait3A_40] : memref<5120x125xi32, #tpu.memory_space<hbm>> -> memref<16x125xi32, #tpu.memory_space<hbm>>
      tpu.wait_dma2 semaphore(%run_scoped3A_19 : memref<!tpu.dma_semaphore, #tpu.memory_space<semaphore_mem>>) src(%dma_wait3A_41 : memref<16x125xi32, #tpu.memory_space<hbm>>) dst(%dma_wait3A_39 : memref<16x125xi32, #tpu.memory_space<vmem>>)
      tpu.yield
    }) : () -> ()
    %mul3A_5 = arith.constant 640 : i32
    %mul3A_6 = arith.muli %arg1, %mul3A_5 : i32
    %mul3A_7 = arith.constant 640 : i32
    %mul3A_8 = arith.muli %arg1, %mul3A_7 : i32
    "tpu.region"() ({
      %run_scoped3A_19 = tpu.sem_alloc : memref<!tpu.dma_semaphore, #tpu.memory_space<semaphore_mem>>
      %dma_start3A = arith.constant 0 : i32
      %dma_start3A_20 = tpu.memref_slice %arg7[%mul3A_8, %dma_start3A] : memref<10240x128xf32, #tpu.memory_space<vmem_shared>> -> memref<640x128xf32, #tpu.memory_space<vmem_shared>>
      %dma_start3A_21 = arith.constant 0 : i32
      %dma_start3A_22 = tpu.memref_slice %arg5[%mul3A_6, %dma_start3A_21] : memref<10240x128xf32, #tpu.memory_space<hbm>> -> memref<640x128xf32, #tpu.memory_space<hbm>>
      tpu.enqueue_dma source(%dma_start3A_22 : memref<640x128xf32, #tpu.memory_space<hbm>>) target(%dma_start3A_20 : memref<640x128xf32, #tpu.memory_space<vmem_shared>>) target_semaphore(%run_scoped3A_19 : memref<!tpu.dma_semaphore, #tpu.memory_space<semaphore_mem>>)
      %dma_wait3A = arith.constant 0 : i32
      %dma_wait3A_23 = tpu.memref_slice %arg7[%mul3A_8, %dma_wait3A] : memref<10240x128xf32, #tpu.memory_space<vmem_shared>> -> memref<640x128xf32, #tpu.memory_space<vmem_shared>>
      %dma_wait3A_24 = arith.constant 0 : i32
      %dma_wait3A_25 = tpu.memref_slice %arg5[%mul3A_6, %dma_wait3A_24] : memref<10240x128xf32, #tpu.memory_space<hbm>> -> memref<640x128xf32, #tpu.memory_space<hbm>>
      tpu.wait_dma2 semaphore(%run_scoped3A_19 : memref<!tpu.dma_semaphore, #tpu.memory_space<semaphore_mem>>) src(%dma_wait3A_25 : memref<640x128xf32, #tpu.memory_space<hbm>>) dst(%dma_wait3A_23 : memref<640x128xf32, #tpu.memory_space<vmem_shared>>)
      tpu.yield
    }) : () -> ()
    %barrier3A = arith.constant 0 : index
    tpu.barrier barrier_id(%barrier3A)
    %scan3A = arith.constant 0 : i32
    %scan3A_9 = arith.constant 0 : i32
    %scan3A_10 = arith.constant 10 : i32
    %scan3A_11 = arith.addi %scan3A_9, %scan3A_10 : i32
    %scan3A_12 = arith.constant 1 : i32
    scf.for %scan3A_19 = %scan3A_9 to %scan3A_11 step %scan3A_12  : i32 {
      %and3A = arith.constant 1 : i32
      %and3A_20 = arith.andi %scan3A_19, %and3A : i32
      %sub3A = arith.constant 1 : i32
      %sub3A_21 = arith.subi %sub3A, %and3A_20 : i32
      %gt3A = arith.constant 0 : i32
      %gt3A_22 = arith.cmpi sgt, %scan3A_19, %gt3A : i32
      %convert_element_type3A = arith.extui %gt3A_22 : i1 to i32
      %cond3A = arith.constant 0 : i32
      %cond3A_23 = arith.cmpi ne, %convert_element_type3A, %cond3A : i32
      scf.if %cond3A_23 {
        %mul3A_44 = arith.constant 16 : i32
        %mul3A_45 = arith.muli %scan3A_19, %mul3A_44 : i32
        %add3A_46 = arith.addi %add3A, %mul3A_45 : i32
        %multiple_of3A_47 = tpu.assume_multiple %add3A_46, 8 : i32
        %dma_wait3A = arith.constant 0 : i32
        %dma_wait3A_48 = arith.constant 0 : i32
        %dma_wait3A_49 = tpu.memref_slice %arg8[%and3A_20, %dma_wait3A, %dma_wait3A_48] : memref<2x16x125xi32, #tpu.memory_space<vmem>> -> memref<1x16x125xi32, #tpu.memory_space<vmem>>
        %dma_wait3A_50 = tpu.memref_squeeze %dma_wait3A_49 : memref<1x16x125xi32, #tpu.memory_space<vmem>> -> memref<16x125xi32, #tpu.memory_space<vmem>>
        %dma_wait3A_51 = arith.constant 0 : i32
        %dma_wait3A_52 = tpu.memref_slice %arg3[%multiple_of3A_47, %dma_wait3A_51] : memref<5120x125xi32, #tpu.memory_space<hbm>> -> memref<16x125xi32, #tpu.memory_space<hbm>>
        %dma_wait3A_53 = arith.constant 0 : i32
        %dma_wait3A_54 = arith.constant 0 : i32
        %dma_wait3A_55 = tpu.memref_slice %arg8[%and3A_20, %dma_wait3A_53, %dma_wait3A_54] : memref<2x16x125xi32, #tpu.memory_space<vmem>> -> memref<1x16x125xi32, #tpu.memory_space<vmem>>
        %dma_wait3A_56 = tpu.memref_squeeze %dma_wait3A_55 : memref<1x16x125xi32, #tpu.memory_space<vmem>> -> memref<16x125xi32, #tpu.memory_space<vmem>>
        %dma_wait3A_57 = arith.constant 0 : i32
        %dma_wait3A_58 = tpu.memref_slice %arg3[%multiple_of3A_47, %dma_wait3A_57] : memref<5120x125xi32, #tpu.memory_space<hbm>> -> memref<16x125xi32, #tpu.memory_space<hbm>>
        tpu.wait_dma2 semaphore(%arg14 : memref<!tpu.dma_semaphore, #tpu.memory_space<semaphore_mem>>) src(%dma_wait3A_58 : memref<16x125xi32, #tpu.memory_space<hbm>>) dst(%dma_wait3A_56 : memref<16x125xi32, #tpu.memory_space<vmem>>)
        %dma_wait3A_59 = arith.constant 0 : i32
        %dma_wait3A_60 = arith.constant 0 : i32
        %dma_wait3A_61 = tpu.memref_slice %arg9[%and3A_20, %dma_wait3A_59, %dma_wait3A_60] : memref<2x16x125xi32, #tpu.memory_space<vmem>> -> memref<1x16x125xi32, #tpu.memory_space<vmem>>
        %dma_wait3A_62 = tpu.memref_squeeze %dma_wait3A_61 : memref<1x16x125xi32, #tpu.memory_space<vmem>> -> memref<16x125xi32, #tpu.memory_space<vmem>>
        %dma_wait3A_63 = arith.constant 0 : i32
        %dma_wait3A_64 = tpu.memref_slice %arg4[%multiple_of3A_47, %dma_wait3A_63] : memref<5120x125xi32, #tpu.memory_space<hbm>> -> memref<16x125xi32, #tpu.memory_space<hbm>>
        %dma_wait3A_65 = arith.constant 0 : i32
        %dma_wait3A_66 = arith.constant 0 : i32
        %dma_wait3A_67 = tpu.memref_slice %arg9[%and3A_20, %dma_wait3A_65, %dma_wait3A_66] : memref<2x16x125xi32, #tpu.memory_space<vmem>> -> memref<1x16x125xi32, #tpu.memory_space<vmem>>
        %dma_wait3A_68 = tpu.memref_squeeze %dma_wait3A_67 : memref<1x16x125xi32, #tpu.memory_space<vmem>> -> memref<16x125xi32, #tpu.memory_space<vmem>>
        %dma_wait3A_69 = arith.constant 0 : i32
        %dma_wait3A_70 = tpu.memref_slice %arg4[%multiple_of3A_47, %dma_wait3A_69] : memref<5120x125xi32, #tpu.memory_space<hbm>> -> memref<16x125xi32, #tpu.memory_space<hbm>>
        tpu.wait_dma2 semaphore(%arg14 : memref<!tpu.dma_semaphore, #tpu.memory_space<semaphore_mem>>) src(%dma_wait3A_70 : memref<16x125xi32, #tpu.memory_space<hbm>>) dst(%dma_wait3A_68 : memref<16x125xi32, #tpu.memory_space<vmem>>)
      } else {
      }
      %lt3A = arith.constant 9 : i32
      %lt3A_24 = arith.cmpi slt, %scan3A_19, %lt3A : i32
      %convert_element_type3A_25 = arith.extui %lt3A_24 : i1 to i32
      %cond3A_26 = arith.constant 0 : i32
      %cond3A_27 = arith.cmpi ne, %convert_element_type3A_25, %cond3A_26 : i32
      scf.if %cond3A_27 {
        %add3A_44 = arith.constant 1 : i32
        %add3A_45 = arith.addi %scan3A_19, %add3A_44 : i32
        %mul3A_46 = arith.constant 16 : i32
        %mul3A_47 = arith.muli %add3A_45, %mul3A_46 : i32
        %add3A_48 = arith.addi %add3A, %mul3A_47 : i32
        %multiple_of3A_49 = tpu.assume_multiple %add3A_48, 8 : i32
        %dma_start3A_50 = arith.constant 0 : i32
        %dma_start3A_51 = arith.constant 0 : i32
        %dma_start3A_52 = tpu.memref_slice %arg8[%sub3A_21, %dma_start3A_50, %dma_start3A_51] : memref<2x16x125xi32, #tpu.memory_space<vmem>> -> memref<1x16x125xi32, #tpu.memory_space<vmem>>
        %dma_start3A_53 = tpu.memref_squeeze %dma_start3A_52 : memref<1x16x125xi32, #tpu.memory_space<vmem>> -> memref<16x125xi32, #tpu.memory_space<vmem>>
        %dma_start3A_54 = arith.constant 0 : i32
        %dma_start3A_55 = tpu.memref_slice %arg3[%multiple_of3A_49, %dma_start3A_54] : memref<5120x125xi32, #tpu.memory_space<hbm>> -> memref<16x125xi32, #tpu.memory_space<hbm>>
        %dma_start3A_56 = arith.constant 0 : i32
        %dma_start3A_57 = arith.constant 0 : i32
        %dma_start3A_58 = tpu.memref_slice %arg8[%sub3A_21, %dma_start3A_56, %dma_start3A_57] : memref<2x16x125xi32, #tpu.memory_space<vmem>> -> memref<1x16x125xi32, #tpu.memory_space<vmem>>
        %dma_start3A_59 = tpu.memref_squeeze %dma_start3A_58 : memref<1x16x125xi32, #tpu.memory_space<vmem>> -> memref<16x125xi32, #tpu.memory_space<vmem>>
        %dma_start3A_60 = arith.constant 0 : i32
        %dma_start3A_61 = tpu.memref_slice %arg3[%multiple_of3A_49, %dma_start3A_60] : memref<5120x125xi32, #tpu.memory_space<hbm>> -> memref<16x125xi32, #tpu.memory_space<hbm>>
        tpu.enqueue_dma source(%dma_start3A_61 : memref<16x125xi32, #tpu.memory_space<hbm>>) target(%dma_start3A_59 : memref<16x125xi32, #tpu.memory_space<vmem>>) target_semaphore(%arg14 : memref<!tpu.dma_semaphore, #tpu.memory_space<semaphore_mem>>)
        %dma_start3A_62 = arith.constant 0 : i32
        %dma_start3A_63 = arith.constant 0 : i32
        %dma_start3A_64 = tpu.memref_slice %arg9[%sub3A_21, %dma_start3A_62, %dma_start3A_63] : memref<2x16x125xi32, #tpu.memory_space<vmem>> -> memref<1x16x125xi32, #tpu.memory_space<vmem>>
        %dma_start3A_65 = tpu.memref_squeeze %dma_start3A_64 : memref<1x16x125xi32, #tpu.memory_space<vmem>> -> memref<16x125xi32, #tpu.memory_space<vmem>>
        %dma_start3A_66 = arith.constant 0 : i32
        %dma_start3A_67 = tpu.memref_slice %arg4[%multiple_of3A_49, %dma_start3A_66] : memref<5120x125xi32, #tpu.memory_space<hbm>> -> memref<16x125xi32, #tpu.memory_space<hbm>>
        %dma_start3A_68 = arith.constant 0 : i32
        %dma_start3A_69 = arith.constant 0 : i32
        %dma_start3A_70 = tpu.memref_slice %arg9[%sub3A_21, %dma_start3A_68, %dma_start3A_69] : memref<2x16x125xi32, #tpu.memory_space<vmem>> -> memref<1x16x125xi32, #tpu.memory_space<vmem>>
        %dma_start3A_71 = tpu.memref_squeeze %dma_start3A_70 : memref<1x16x125xi32, #tpu.memory_space<vmem>> -> memref<16x125xi32, #tpu.memory_space<vmem>>
        %dma_start3A_72 = arith.constant 0 : i32
        %dma_start3A_73 = tpu.memref_slice %arg4[%multiple_of3A_49, %dma_start3A_72] : memref<5120x125xi32, #tpu.memory_space<hbm>> -> memref<16x125xi32, #tpu.memory_space<hbm>>
        tpu.enqueue_dma source(%dma_start3A_73 : memref<16x125xi32, #tpu.memory_space<hbm>>) target(%dma_start3A_71 : memref<16x125xi32, #tpu.memory_space<vmem>>) target_semaphore(%arg14 : memref<!tpu.dma_semaphore, #tpu.memory_space<semaphore_mem>>)
      } else {
      }
      %dma_start3A = arith.constant 0 : i32
      %dma_start3A_28 = arith.constant 0 : i32
      %dma_start3A_29 = arith.constant 0 : i32
      %dma_start3A_30 = tpu.memref_slice %arg8[%and3A_20, %dma_start3A_28, %dma_start3A_29] : memref<2x16x125xi32, #tpu.memory_space<vmem>> -> memref<1x16x125xi32, #tpu.memory_space<vmem>>
      %dma_start3A_31 = tpu.memref_squeeze %dma_start3A_30 : memref<1x16x125xi32, #tpu.memory_space<vmem>> -> memref<16x125xi32, #tpu.memory_space<vmem>>
      %dma_start3A_32 = arith.constant 0 : i32
      %dma_start3A_33 = tpu.memref_slice %dma_start3A_31[%dma_start3A, %dma_start3A_32] : memref<16x125xi32, #tpu.memory_space<vmem>> -> memref<1x125xi32, #tpu.memory_space<vmem>>
      %dma_start3A_34 = tpu.memref_squeeze %dma_start3A_33 : memref<1x125xi32, #tpu.memory_space<vmem>> -> memref<125xi32, #tpu.memory_space<vmem>>
      %dma_start3A_35 = arith.constant 0 : i32
      %dma_start3A_36 = arith.constant 0 : i32
      %dma_start3A_37 = tpu.memref_slice %arg2[%dma_start3A_35, %dma_start3A_36] : memref<20000x128xf32, #tpu.memory_space<hbm>> -> memref<20000x128xf32, #tpu.memory_space<hbm>>
      tpu.enqueue_indirect_dma source(%dma_start3A_37 : memref<20000x128xf32, #tpu.memory_space<hbm>>) target(%arg10 : memref<125x128xf32, #tpu.memory_space<vmem>>) offsets(%dma_start3A_34 : memref<125xi32, #tpu.memory_space<vmem>>) semaphore(%arg12 : memref<!tpu.dma_semaphore, #tpu.memory_space<semaphore_mem>>)
      %scan3A_38 = arith.constant 0 : i32
      %scan3A_39 = arith.constant 0 : i32
      %scan3A_40 = arith.constant 8 : i32
      %scan3A_41 = arith.addi %scan3A_39, %scan3A_40 : i32
      %scan3A_42 = arith.constant 1 : i32
      scf.for %scan3A_44 = %scan3A_39 to %scan3A_41 step %scan3A_42  : i32 {
        %mul3A_45 = arith.constant 2 : i32
        %mul3A_46 = arith.muli %mul3A_45, %scan3A_44 : i32
        %add3A_47 = arith.constant 1 : i32
        %add3A_48 = arith.addi %mul3A_46, %add3A_47 : i32
        %dma_start3A_49 = arith.constant 0 : i32
        %dma_start3A_50 = arith.constant 0 : i32
        %dma_start3A_51 = tpu.memref_slice %arg8[%and3A_20, %dma_start3A_49, %dma_start3A_50] : memref<2x16x125xi32, #tpu.memory_space<vmem>> -> memref<1x16x125xi32, #tpu.memory_space<vmem>>
        %dma_start3A_52 = tpu.memref_squeeze %dma_start3A_51 : memref<1x16x125xi32, #tpu.memory_space<vmem>> -> memref<16x125xi32, #tpu.memory_space<vmem>>
        %dma_start3A_53 = arith.constant 0 : i32
        %dma_start3A_54 = tpu.memref_slice %dma_start3A_52[%add3A_48, %dma_start3A_53] : memref<16x125xi32, #tpu.memory_space<vmem>> -> memref<1x125xi32, #tpu.memory_space<vmem>>
        %dma_start3A_55 = tpu.memref_squeeze %dma_start3A_54 : memref<1x125xi32, #tpu.memory_space<vmem>> -> memref<125xi32, #tpu.memory_space<vmem>>
        %dma_start3A_56 = arith.constant 0 : i32
        %dma_start3A_57 = arith.constant 0 : i32
        %dma_start3A_58 = tpu.memref_slice %arg2[%dma_start3A_56, %dma_start3A_57] : memref<20000x128xf32, #tpu.memory_space<hbm>> -> memref<20000x128xf32, #tpu.memory_space<hbm>>
        tpu.enqueue_indirect_dma source(%dma_start3A_58 : memref<20000x128xf32, #tpu.memory_space<hbm>>) target(%arg11 : memref<125x128xf32, #tpu.memory_space<vmem>>) offsets(%dma_start3A_55 : memref<125xi32, #tpu.memory_space<vmem>>) semaphore(%arg13 : memref<!tpu.dma_semaphore, #tpu.memory_space<semaphore_mem>>)
        %dma_wait3A = arith.constant 0 : i32
        %dma_wait3A_59 = arith.constant 0 : i32
        %dma_wait3A_60 = tpu.memref_slice %arg8[%and3A_20, %dma_wait3A, %dma_wait3A_59] : memref<2x16x125xi32, #tpu.memory_space<vmem>> -> memref<1x16x125xi32, #tpu.memory_space<vmem>>
        %dma_wait3A_61 = tpu.memref_squeeze %dma_wait3A_60 : memref<1x16x125xi32, #tpu.memory_space<vmem>> -> memref<16x125xi32, #tpu.memory_space<vmem>>
        %dma_wait3A_62 = arith.constant 0 : i32
        %dma_wait3A_63 = tpu.memref_slice %dma_wait3A_61[%mul3A_46, %dma_wait3A_62] : memref<16x125xi32, #tpu.memory_space<vmem>> -> memref<1x125xi32, #tpu.memory_space<vmem>>
        %dma_wait3A_64 = tpu.memref_squeeze %dma_wait3A_63 : memref<1x125xi32, #tpu.memory_space<vmem>> -> memref<125xi32, #tpu.memory_space<vmem>>
        %dma_wait3A_65 = arith.constant 0 : i32
        %dma_wait3A_66 = arith.constant 0 : i32
        %dma_wait3A_67 = tpu.memref_slice %arg2[%dma_wait3A_65, %dma_wait3A_66] : memref<20000x128xf32, #tpu.memory_space<hbm>> -> memref<20000x128xf32, #tpu.memory_space<hbm>>
        tpu.wait_indirect_dma semaphore(%arg12 : memref<!tpu.dma_semaphore, #tpu.memory_space<semaphore_mem>>) src(%dma_wait3A_67 : memref<20000x128xf32, #tpu.memory_space<hbm>>) dst(%arg10 : memref<125x128xf32, #tpu.memory_space<vmem>>)
        "tpu.region"() ({
          %run_scoped3A_87 = tpu.sem_alloc : memref<!tpu.dma_semaphore, #tpu.memory_space<semaphore_mem>>
          %dma_start3A_88 = arith.constant 0 : i32
          %dma_start3A_89 = arith.constant 0 : i32
          %dma_start3A_90 = tpu.memref_slice %arg9[%and3A_20, %dma_start3A_88, %dma_start3A_89] : memref<2x16x125xi32, #tpu.memory_space<vmem>> -> memref<1x16x125xi32, #tpu.memory_space<vmem>>
          %dma_start3A_91 = tpu.memref_squeeze %dma_start3A_90 : memref<1x16x125xi32, #tpu.memory_space<vmem>> -> memref<16x125xi32, #tpu.memory_space<vmem>>
          %dma_start3A_92 = arith.constant 0 : i32
          %dma_start3A_93 = tpu.memref_slice %dma_start3A_91[%mul3A_46, %dma_start3A_92] : memref<16x125xi32, #tpu.memory_space<vmem>> -> memref<1x125xi32, #tpu.memory_space<vmem>>
          %dma_start3A_94 = tpu.memref_squeeze %dma_start3A_93 : memref<1x125xi32, #tpu.memory_space<vmem>> -> memref<125xi32, #tpu.memory_space<vmem>>
          %dma_start3A_95 = arith.constant 0 : i32
          %dma_start3A_96 = arith.constant 0 : i32
          %dma_start3A_97 = tpu.memref_slice %arg7[%dma_start3A_95, %dma_start3A_96] : memref<10240x128xf32, #tpu.memory_space<vmem_shared>> -> memref<10240x128xf32, #tpu.memory_space<vmem_shared>>
          tpu.enqueue_indirect_dma source(%arg10 : memref<125x128xf32, #tpu.memory_space<vmem>>) target(%dma_start3A_97 : memref<10240x128xf32, #tpu.memory_space<vmem_shared>>) offsets(%dma_start3A_94 : memref<125xi32, #tpu.memory_space<vmem>>) semaphore(%run_scoped3A_87 : memref<!tpu.dma_semaphore, #tpu.memory_space<semaphore_mem>>) {add = true}
          %dma_wait3A_98 = arith.constant 0 : i32
          %dma_wait3A_99 = arith.constant 0 : i32
          %dma_wait3A_100 = tpu.memref_slice %arg9[%and3A_20, %dma_wait3A_98, %dma_wait3A_99] : memref<2x16x125xi32, #tpu.memory_space<vmem>> -> memref<1x16x125xi32, #tpu.memory_space<vmem>>
          %dma_wait3A_101 = tpu.memref_squeeze %dma_wait3A_100 : memref<1x16x125xi32, #tpu.memory_space<vmem>> -> memref<16x125xi32, #tpu.memory_space<vmem>>
          %dma_wait3A_102 = arith.constant 0 : i32
          %dma_wait3A_103 = tpu.memref_slice %dma_wait3A_101[%mul3A_46, %dma_wait3A_102] : memref<16x125xi32, #tpu.memory_space<vmem>> -> memref<1x125xi32, #tpu.memory_space<vmem>>
          %dma_wait3A_104 = tpu.memref_squeeze %dma_wait3A_103 : memref<1x125xi32, #tpu.memory_space<vmem>> -> memref<125xi32, #tpu.memory_space<vmem>>
          %dma_wait3A_105 = arith.constant 0 : i32
          %dma_wait3A_106 = arith.constant 0 : i32
          %dma_wait3A_107 = tpu.memref_slice %arg7[%dma_wait3A_105, %dma_wait3A_106] : memref<10240x128xf32, #tpu.memory_space<vmem_shared>> -> memref<10240x128xf32, #tpu.memory_space<vmem_shared>>
          tpu.wait_indirect_dma semaphore(%run_scoped3A_87 : memref<!tpu.dma_semaphore, #tpu.memory_space<semaphore_mem>>) src(%arg10 : memref<125x128xf32, #tpu.memory_space<vmem>>) dst(%dma_wait3A_107 : memref<10240x128xf32, #tpu.memory_space<vmem_shared>>)
          tpu.yield
        }) : () -> ()
        %lt3A_68 = arith.constant 7 : i32
        %lt3A_69 = arith.cmpi slt, %scan3A_44, %lt3A_68 : i32
        %convert_element_type3A_70 = arith.extui %lt3A_69 : i1 to i32
        %cond3A_71 = arith.constant 0 : i32
        %cond3A_72 = arith.cmpi ne, %convert_element_type3A_70, %cond3A_71 : i32
        scf.if %cond3A_72 {
          %add3A_87 = arith.constant 2 : i32
          %add3A_88 = arith.addi %mul3A_46, %add3A_87 : i32
          %dma_start3A_89 = arith.constant 0 : i32
          %dma_start3A_90 = arith.constant 0 : i32
          %dma_start3A_91 = tpu.memref_slice %arg8[%and3A_20, %dma_start3A_89, %dma_start3A_90] : memref<2x16x125xi32, #tpu.memory_space<vmem>> -> memref<1x16x125xi32, #tpu.memory_space<vmem>>
          %dma_start3A_92 = tpu.memref_squeeze %dma_start3A_91 : memref<1x16x125xi32, #tpu.memory_space<vmem>> -> memref<16x125xi32, #tpu.memory_space<vmem>>
          %dma_start3A_93 = arith.constant 0 : i32
          %dma_start3A_94 = tpu.memref_slice %dma_start3A_92[%add3A_88, %dma_start3A_93] : memref<16x125xi32, #tpu.memory_space<vmem>> -> memref<1x125xi32, #tpu.memory_space<vmem>>
          %dma_start3A_95 = tpu.memref_squeeze %dma_start3A_94 : memref<1x125xi32, #tpu.memory_space<vmem>> -> memref<125xi32, #tpu.memory_space<vmem>>
          %dma_start3A_96 = arith.constant 0 : i32
          %dma_start3A_97 = arith.constant 0 : i32
          %dma_start3A_98 = tpu.memref_slice %arg2[%dma_start3A_96, %dma_start3A_97] : memref<20000x128xf32, #tpu.memory_space<hbm>> -> memref<20000x128xf32, #tpu.memory_space<hbm>>
          tpu.enqueue_indirect_dma source(%dma_start3A_98 : memref<20000x128xf32, #tpu.memory_space<hbm>>) target(%arg10 : memref<125x128xf32, #tpu.memory_space<vmem>>) offsets(%dma_start3A_95 : memref<125xi32, #tpu.memory_space<vmem>>) semaphore(%arg12 : memref<!tpu.dma_semaphore, #tpu.memory_space<semaphore_mem>>)
        } else {
        }
        %add3A_73 = arith.constant 1 : i32
        %add3A_74 = arith.addi %mul3A_46, %add3A_73 : i32
        %dma_wait3A_75 = arith.constant 0 : i32
        %dma_wait3A_76 = arith.constant 0 : i32
        %dma_wait3A_77 = tpu.memref_slice %arg8[%and3A_20, %dma_wait3A_75, %dma_wait3A_76] : memref<2x16x125xi32, #tpu.memory_space<vmem>> -> memref<1x16x125xi32, #tpu.memory_space<vmem>>
        %dma_wait3A_78 = tpu.memref_squeeze %dma_wait3A_77 : memref<1x16x125xi32, #tpu.memory_space<vmem>> -> memref<16x125xi32, #tpu.memory_space<vmem>>
        %dma_wait3A_79 = arith.constant 0 : i32
        %dma_wait3A_80 = tpu.memref_slice %dma_wait3A_78[%add3A_74, %dma_wait3A_79] : memref<16x125xi32, #tpu.memory_space<vmem>> -> memref<1x125xi32, #tpu.memory_space<vmem>>
        %dma_wait3A_81 = tpu.memref_squeeze %dma_wait3A_80 : memref<1x125xi32, #tpu.memory_space<vmem>> -> memref<125xi32, #tpu.memory_space<vmem>>
        %dma_wait3A_82 = arith.constant 0 : i32
        %dma_wait3A_83 = arith.constant 0 : i32
        %dma_wait3A_84 = tpu.memref_slice %arg2[%dma_wait3A_82, %dma_wait3A_83] : memref<20000x128xf32, #tpu.memory_space<hbm>> -> memref<20000x128xf32, #tpu.memory_space<hbm>>
        tpu.wait_indirect_dma semaphore(%arg13 : memref<!tpu.dma_semaphore, #tpu.memory_space<semaphore_mem>>) src(%dma_wait3A_84 : memref<20000x128xf32, #tpu.memory_space<hbm>>) dst(%arg11 : memref<125x128xf32, #tpu.memory_space<vmem>>)
        %add3A_85 = arith.constant 1 : i32
        %add3A_86 = arith.addi %mul3A_46, %add3A_85 : i32
        "tpu.region"() ({
          %run_scoped3A_87 = tpu.sem_alloc : memref<!tpu.dma_semaphore, #tpu.memory_space<semaphore_mem>>
          %dma_start3A_88 = arith.constant 0 : i32
          %dma_start3A_89 = arith.constant 0 : i32
          %dma_start3A_90 = tpu.memref_slice %arg9[%and3A_20, %dma_start3A_88, %dma_start3A_89] : memref<2x16x125xi32, #tpu.memory_space<vmem>> -> memref<1x16x125xi32, #tpu.memory_space<vmem>>
          %dma_start3A_91 = tpu.memref_squeeze %dma_start3A_90 : memref<1x16x125xi32, #tpu.memory_space<vmem>> -> memref<16x125xi32, #tpu.memory_space<vmem>>
          %dma_start3A_92 = arith.constant 0 : i32
          %dma_start3A_93 = tpu.memref_slice %dma_start3A_91[%add3A_86, %dma_start3A_92] : memref<16x125xi32, #tpu.memory_space<vmem>> -> memref<1x125xi32, #tpu.memory_space<vmem>>
          %dma_start3A_94 = tpu.memref_squeeze %dma_start3A_93 : memref<1x125xi32, #tpu.memory_space<vmem>> -> memref<125xi32, #tpu.memory_space<vmem>>
          %dma_start3A_95 = arith.constant 0 : i32
          %dma_start3A_96 = arith.constant 0 : i32
          %dma_start3A_97 = tpu.memref_slice %arg7[%dma_start3A_95, %dma_start3A_96] : memref<10240x128xf32, #tpu.memory_space<vmem_shared>> -> memref<10240x128xf32, #tpu.memory_space<vmem_shared>>
          tpu.enqueue_indirect_dma source(%arg11 : memref<125x128xf32, #tpu.memory_space<vmem>>) target(%dma_start3A_97 : memref<10240x128xf32, #tpu.memory_space<vmem_shared>>) offsets(%dma_start3A_94 : memref<125xi32, #tpu.memory_space<vmem>>) semaphore(%run_scoped3A_87 : memref<!tpu.dma_semaphore, #tpu.memory_space<semaphore_mem>>) {add = true}
          %dma_wait3A_98 = arith.constant 0 : i32
          %dma_wait3A_99 = arith.constant 0 : i32
          %dma_wait3A_100 = tpu.memref_slice %arg9[%and3A_20, %dma_wait3A_98, %dma_wait3A_99] : memref<2x16x125xi32, #tpu.memory_space<vmem>> -> memref<1x16x125xi32, #tpu.memory_space<vmem>>
          %dma_wait3A_101 = tpu.memref_squeeze %dma_wait3A_100 : memref<1x16x125xi32, #tpu.memory_space<vmem>> -> memref<16x125xi32, #tpu.memory_space<vmem>>
          %dma_wait3A_102 = arith.constant 0 : i32
          %dma_wait3A_103 = tpu.memref_slice %dma_wait3A_101[%add3A_86, %dma_wait3A_102] : memref<16x125xi32, #tpu.memory_space<vmem>> -> memref<1x125xi32, #tpu.memory_space<vmem>>
          %dma_wait3A_104 = tpu.memref_squeeze %dma_wait3A_103 : memref<1x125xi32, #tpu.memory_space<vmem>> -> memref<125xi32, #tpu.memory_space<vmem>>
          %dma_wait3A_105 = arith.constant 0 : i32
          %dma_wait3A_106 = arith.constant 0 : i32
          %dma_wait3A_107 = tpu.memref_slice %arg7[%dma_wait3A_105, %dma_wait3A_106] : memref<10240x128xf32, #tpu.memory_space<vmem_shared>> -> memref<10240x128xf32, #tpu.memory_space<vmem_shared>>
          tpu.wait_indirect_dma semaphore(%run_scoped3A_87 : memref<!tpu.dma_semaphore, #tpu.memory_space<semaphore_mem>>) src(%arg11 : memref<125x128xf32, #tpu.memory_space<vmem>>) dst(%dma_wait3A_107 : memref<10240x128xf32, #tpu.memory_space<vmem_shared>>)
          tpu.yield
        }) : () -> ()
      }
      %scan3A_43 = arith.constant 8 : i32
    }
    %scan3A_13 = arith.constant 10 : i32
    %barrier3A_14 = arith.constant 0 : index
    tpu.barrier barrier_id(%barrier3A_14)
    %mul3A_15 = arith.constant 640 : i32
    %mul3A_16 = arith.muli %arg1, %mul3A_15 : i32
    %mul3A_17 = arith.constant 640 : i32
    %mul3A_18 = arith.muli %arg1, %mul3A_17 : i32
    "tpu.region"() ({
      %run_scoped3A_19 = tpu.sem_alloc : memref<!tpu.dma_semaphore, #tpu.memory_space<semaphore_mem>>
      %dma_start3A = arith.constant 0 : i32
      %dma_start3A_20 = tpu.memref_slice %arg6[%arg0, %mul3A_18, %dma_start3A] : memref<2x10240x128xf32, #tpu.memory_space<hbm>> -> memref<1x640x128xf32, #tpu.memory_space<hbm>>
      %dma_start3A_21 = tpu.memref_squeeze %dma_start3A_20 : memref<1x640x128xf32, #tpu.memory_space<hbm>> -> memref<640x128xf32, #tpu.memory_space<hbm>>
      %dma_start3A_22 = arith.constant 0 : i32
      %dma_start3A_23 = tpu.memref_slice %arg7[%mul3A_16, %dma_start3A_22] : memref<10240x128xf32, #tpu.memory_space<vmem_shared>> -> memref<640x128xf32, #tpu.memory_space<vmem_shared>>
      tpu.enqueue_dma source(%dma_start3A_23 : memref<640x128xf32, #tpu.memory_space<vmem_shared>>) target(%dma_start3A_21 : memref<640x128xf32, #tpu.memory_space<hbm>>) target_semaphore(%run_scoped3A_19 : memref<!tpu.dma_semaphore, #tpu.memory_space<semaphore_mem>>)
      %dma_wait3A = arith.constant 0 : i32
      %dma_wait3A_24 = tpu.memref_slice %arg6[%arg0, %mul3A_18, %dma_wait3A] : memref<2x10240x128xf32, #tpu.memory_space<hbm>> -> memref<1x640x128xf32, #tpu.memory_space<hbm>>
      %dma_wait3A_25 = tpu.memref_squeeze %dma_wait3A_24 : memref<1x640x128xf32, #tpu.memory_space<hbm>> -> memref<640x128xf32, #tpu.memory_space<hbm>>
      %dma_wait3A_26 = arith.constant 0 : i32
      %dma_wait3A_27 = tpu.memref_slice %arg7[%mul3A_16, %dma_wait3A_26] : memref<10240x128xf32, #tpu.memory_space<vmem_shared>> -> memref<640x128xf32, #tpu.memory_space<vmem_shared>>
      tpu.wait_dma2 semaphore(%run_scoped3A_19 : memref<!tpu.dma_semaphore, #tpu.memory_space<semaphore_mem>>) src(%dma_wait3A_27 : memref<640x128xf32, #tpu.memory_space<vmem_shared>>) dst(%dma_wait3A_25 : memref<640x128xf32, #tpu.memory_space<hbm>>)
      tpu.yield
    }) : () -> ()
    return
  }
}

module attributes {stable_mosaic.version = 14 : i64} {
  func.func @_pre_body(%arg0: i32, %arg1: i32, %arg2: memref<1x2000x128xf32, #tpu.memory_space<vmem>>, %arg3: memref<1x128x128xf32, #tpu.memory_space<vmem>>, %arg4: memref<1x1x128xf32, #tpu.memory_space<vmem>>, %arg5: memref<1x128x128xf32, #tpu.memory_space<vmem>>, %arg6: memref<1x2000x1xf32, #tpu.memory_space<vmem>>, %arg7: memref<1x2000x128xf32, #tpu.memory_space<vmem>>, %arg8: memref<1x2000x1xf32, #tpu.memory_space<vmem>>, %arg9: memref<1x2000x128xf32, #tpu.memory_space<vmem>>) attributes {dimension_semantics = [#tpu.dimension_semantics<arbitrary>, #tpu.dimension_semantics<arbitrary>], iteration_bounds = array<i64: 2, 5>, scalar_prefetch = 0 : i64, scratch_operands = 0 : i64, tpu.core_type = #tpu.core_type<tc>, window_params = [{transform_indices = @transform_0, window_bounds = array<i64: 1, 2000, 128>}, {transform_indices = @transform_1, window_bounds = array<i64: 1, 128, 128>}, {transform_indices = @transform_2, window_bounds = array<i64: 1, 1, 128>}, {transform_indices = @transform_3, window_bounds = array<i64: 1, 128, 128>}, {transform_indices = @transform_4, window_bounds = array<i64: 1, 2000, 1>}, {transform_indices = @transform_5, window_bounds = array<i64: 1, 2000, 128>}, {transform_indices = @transform_6, window_bounds = array<i64: 1, 2000, 1>}, {transform_indices = @transform_7, window_bounds = array<i64: 1, 2000, 128>}]} {
    %get3A = arith.constant 0 : index
    %get3A_0 = arith.constant 0 : index
    %get3A_1 = arith.constant 0 : index
    %get3A_2 = vector.load %arg2[%get3A, %get3A_0, %get3A_1] : memref<1x2000x128xf32, #tpu.memory_space<vmem>>, vector<1x2000x128xf32>
    %get3A_3 = vector.shape_cast %get3A_2 : vector<1x2000x128xf32> to vector<2000x128xf32>
    %get3A_4 = arith.constant 0 : index
    %get3A_5 = arith.constant 0 : index
    %get3A_6 = arith.constant 0 : index
    %get3A_7 = vector.load %arg3[%get3A_4, %get3A_5, %get3A_6] : memref<1x128x128xf32, #tpu.memory_space<vmem>>, vector<1x128x128xf32>
    %get3A_8 = vector.shape_cast %get3A_7 : vector<1x128x128xf32> to vector<128x128xf32>
    %dot_general3A = arith.constant dense<0.000000e+00> : vector<2000x128xf32>
    %dot_general3A_9 = tpu.matmul %get3A_3, %get3A_8, %dot_general3A {dimension_numbers = #tpu.dot_dimension_numbers<[1], [0], [0], [1], [0, 0, 1, 1], [], []>, transpose_lhs_hint = false} : vector<2000x128xf32>, vector<128x128xf32>, vector<2000x128xf32> -> vector<2000x128xf32>
    %get3A_10 = arith.constant 0 : index
    %get3A_11 = arith.constant 0 : index
    %get3A_12 = arith.constant 0 : index
    %get3A_13 = vector.load %arg4[%get3A_10, %get3A_11, %get3A_12] : memref<1x1x128xf32, #tpu.memory_space<vmem>>, vector<1x1x128xf32>
    %get3A_14 = vector.shape_cast %get3A_13 : vector<1x1x128xf32> to vector<1x128xf32>
    %add3A = vector.broadcast %get3A_14 : vector<1x128xf32> to vector<2000x128xf32>
    %add3A_15 = arith.addf %dot_general3A_9, %add3A : vector<2000x128xf32>
    %max3A = arith.constant 0.000000e+00 : f32
    %max3A_16 = vector.broadcast %max3A : f32 to vector<2000x128xf32>
    %max3A_17 = arith.maximumf %add3A_15, %max3A_16 : vector<2000x128xf32>
    %get3A_18 = arith.constant 0 : index
    %get3A_19 = arith.constant 0 : index
    %get3A_20 = arith.constant 0 : index
    %get3A_21 = vector.load %arg6[%get3A_18, %get3A_19, %get3A_20] : memref<1x2000x1xf32, #tpu.memory_space<vmem>>, vector<1x2000x1xf32>
    %get3A_22 = vector.shape_cast %get3A_21 : vector<1x2000x1xf32> to vector<2000x1xf32>
    %add3A_23 = arith.constant 1.000000e+00 : f32
    %add3A_24 = vector.broadcast %add3A_23 : f32 to vector<2000x1xf32>
    %add3A_25 = arith.addf %add3A_24, %get3A_22 : vector<2000x1xf32>
    %rsqrt3A = math.rsqrt %add3A_25 : vector<2000x1xf32>
    %swap3A = arith.constant 0 : index
    %swap3A_26 = arith.constant 0 : index
    %swap3A_27 = arith.constant 0 : index
    %swap3A_28 = vector.load %arg7[%swap3A, %swap3A_26, %swap3A_27] : memref<1x2000x128xf32, #tpu.memory_space<vmem>>, vector<1x2000x128xf32>
    %swap3A_29 = vector.shape_cast %swap3A_28 : vector<1x2000x128xf32> to vector<2000x128xf32>
    %swap3A_30 = vector.shape_cast %max3A_17 : vector<2000x128xf32> to vector<1x2000x128xf32>
    tpu.vector_store %arg7[%swap3A, %swap3A_26, %swap3A_27], %swap3A_30 {strides = array<i32>} : memref<1x2000x128xf32, #tpu.memory_space<vmem>>, vector<1x2000x128xf32>,
    %swap3A_31 = arith.constant 0 : index
    %swap3A_32 = arith.constant 0 : index
    %swap3A_33 = arith.constant 0 : index
    %swap3A_34 = vector.load %arg8[%swap3A_31, %swap3A_32, %swap3A_33] : memref<1x2000x1xf32, #tpu.memory_space<vmem>>, vector<1x2000x1xf32>
    %swap3A_35 = vector.shape_cast %swap3A_34 : vector<1x2000x1xf32> to vector<2000x1xf32>
    %swap3A_36 = vector.shape_cast %rsqrt3A : vector<2000x1xf32> to vector<1x2000x1xf32>
    tpu.vector_store %arg8[%swap3A_31, %swap3A_32, %swap3A_33], %swap3A_36 {strides = array<i32>} : memref<1x2000x1xf32, #tpu.memory_space<vmem>>, vector<1x2000x1xf32>,
    %get3A_37 = arith.constant 0 : index
    %get3A_38 = arith.constant 0 : index
    %get3A_39 = arith.constant 0 : index
    %get3A_40 = vector.load %arg5[%get3A_37, %get3A_38, %get3A_39] : memref<1x128x128xf32, #tpu.memory_space<vmem>>, vector<1x128x128xf32>
    %get3A_41 = vector.shape_cast %get3A_40 : vector<1x128x128xf32> to vector<128x128xf32>
    %dot_general3A_42 = arith.constant dense<0.000000e+00> : vector<2000x128xf32>
    %dot_general3A_43 = tpu.matmul %max3A_17, %get3A_41, %dot_general3A_42 {dimension_numbers = #tpu.dot_dimension_numbers<[1], [0], [0], [1], [0, 0, 1, 1], [], []>, transpose_lhs_hint = false} : vector<2000x128xf32>, vector<128x128xf32>, vector<2000x128xf32> -> vector<2000x128xf32>
    %mul3A = vector.broadcast %rsqrt3A : vector<2000x1xf32> to vector<2000x128xf32>
    %mul3A_44 = arith.mulf %mul3A, %dot_general3A_43 : vector<2000x128xf32>
    %swap3A_45 = arith.constant 0 : index
    %swap3A_46 = arith.constant 0 : index
    %swap3A_47 = arith.constant 0 : index
    %swap3A_48 = vector.load %arg9[%swap3A_45, %swap3A_46, %swap3A_47] : memref<1x2000x128xf32, #tpu.memory_space<vmem>>, vector<1x2000x128xf32>
    %swap3A_49 = vector.shape_cast %swap3A_48 : vector<1x2000x128xf32> to vector<2000x128xf32>
    %swap3A_50 = vector.shape_cast %mul3A_44 : vector<2000x128xf32> to vector<1x2000x128xf32>
    tpu.vector_store %arg9[%swap3A_45, %swap3A_46, %swap3A_47], %swap3A_50 {strides = array<i32>} : memref<1x2000x128xf32, #tpu.memory_space<vmem>>, vector<1x2000x128xf32>,
    return
  }
  func.func @transform_0(%arg0: i32, %arg1: i32) -> (i32, i32, i32) {
    %c0_i32 = arith.constant 0 : i32
    %c0_i32_0 = arith.constant 0 : i32
    return %arg0, %arg1, %c0_i32 : i32, i32, i32
  }
  func.func @transform_1(%arg0: i32, %arg1: i32) -> (i32, i32, i32) {
    %c0_i32 = arith.constant 0 : i32
    %c0_i32_0 = arith.constant 0 : i32
    %c0_i32_1 = arith.constant 0 : i32
    return %arg0, %c0_i32, %c0_i32_0 : i32, i32, i32
  }
  func.func @transform_2(%arg0: i32, %arg1: i32) -> (i32, i32, i32) {
    %c0_i32 = arith.constant 0 : i32
    %c0_i32_0 = arith.constant 0 : i32
    %c0_i32_1 = arith.constant 0 : i32
    return %arg0, %c0_i32, %c0_i32_0 : i32, i32, i32
  }
  func.func @transform_3(%arg0: i32, %arg1: i32) -> (i32, i32, i32) {
    %c0_i32 = arith.constant 0 : i32
    %c0_i32_0 = arith.constant 0 : i32
    %c0_i32_1 = arith.constant 0 : i32
    return %arg0, %c0_i32, %c0_i32_0 : i32, i32, i32
  }
  func.func @transform_4(%arg0: i32, %arg1: i32) -> (i32, i32, i32) {
    %c0_i32 = arith.constant 0 : i32
    %c0_i32_0 = arith.constant 0 : i32
    return %arg0, %arg1, %c0_i32 : i32, i32, i32
  }
  func.func @transform_5(%arg0: i32, %arg1: i32) -> (i32, i32, i32) {
    %c0_i32 = arith.constant 0 : i32
    %c0_i32_0 = arith.constant 0 : i32
    return %arg0, %arg1, %c0_i32 : i32, i32, i32
  }
  func.func @transform_6(%arg0: i32, %arg1: i32) -> (i32, i32, i32) {
    %c0_i32 = arith.constant 0 : i32
    %c0_i32_0 = arith.constant 0 : i32
    return %arg0, %arg1, %c0_i32 : i32, i32, i32
  }
  func.func @transform_7(%arg0: i32, %arg1: i32) -> (i32, i32, i32) {
    %c0_i32 = arith.constant 0 : i32
    %c0_i32_0 = arith.constant 0 : i32
    return %arg0, %arg1, %c0_i32 : i32, i32, i32
  }
}

module attributes {stable_mosaic.version = 14 : i64} {
  func.func @_gru_body(%arg0: i32, %arg1: i32, %arg2: memref<1x2000x128xf32, #tpu.memory_space<vmem>>, %arg3: memref<1x2000x128xf32, #tpu.memory_space<vmem>>, %arg4: memref<1x2000x1xf32, #tpu.memory_space<vmem>>, %arg5: memref<1x1x128xf32, #tpu.memory_space<vmem>>, %arg6: memref<1x2000x128xf32, #tpu.memory_space<vmem>>, %arg7: memref<1x128x384xf32, #tpu.memory_space<vmem>>, %arg8: memref<1x128x384xf32, #tpu.memory_space<vmem>>, %arg9: memref<1x1x384xf32, #tpu.memory_space<vmem>>, %arg10: memref<1x1x384xf32, #tpu.memory_space<vmem>>, %arg11: memref<1x128x128xf32, #tpu.memory_space<vmem>>, %arg12: memref<1x2000x128xf32, #tpu.memory_space<vmem>>, %arg13: memref<1x2000x128xf32, #tpu.memory_space<vmem>>) attributes {dimension_semantics = [#tpu.dimension_semantics<arbitrary>, #tpu.dimension_semantics<arbitrary>], iteration_bounds = array<i64: 2, 5>, scalar_prefetch = 0 : i64, scratch_operands = 0 : i64, tpu.core_type = #tpu.core_type<tc>, window_params = [{transform_indices = @transform_0, window_bounds = array<i64: 1, 2000, 128>}, {transform_indices = @transform_1, window_bounds = array<i64: 1, 2000, 128>}, {transform_indices = @transform_2, window_bounds = array<i64: 1, 2000, 1>}, {transform_indices = @transform_3, window_bounds = array<i64: 1, 1, 128>}, {transform_indices = @transform_4, window_bounds = array<i64: 1, 2000, 128>}, {transform_indices = @transform_5, window_bounds = array<i64: 1, 128, 384>}, {transform_indices = @transform_6, window_bounds = array<i64: 1, 128, 384>}, {transform_indices = @transform_7, window_bounds = array<i64: 1, 1, 384>}, {transform_indices = @transform_8, window_bounds = array<i64: 1, 1, 384>}, {transform_indices = @transform_9, window_bounds = array<i64: 1, 128, 128>}, {transform_indices = @transform_10, window_bounds = array<i64: 1, 2000, 128>}, {transform_indices = @transform_11, window_bounds = array<i64: 1, 2000, 128>}]} {
    %get3A = arith.constant 0 : index
    %get3A_0 = arith.constant 0 : index
    %get3A_1 = arith.constant 0 : index
    %get3A_2 = vector.load %arg4[%get3A, %get3A_0, %get3A_1] : memref<1x2000x1xf32, #tpu.memory_space<vmem>>, vector<1x2000x1xf32>
    %get3A_3 = vector.shape_cast %get3A_2 : vector<1x2000x1xf32> to vector<2000x1xf32>
    %get3A_4 = arith.constant 0 : index
    %get3A_5 = arith.constant 0 : index
    %get3A_6 = arith.constant 0 : index
    %get3A_7 = vector.load %arg2[%get3A_4, %get3A_5, %get3A_6] : memref<1x2000x128xf32, #tpu.memory_space<vmem>>, vector<1x2000x128xf32>
    %get3A_8 = vector.shape_cast %get3A_7 : vector<1x2000x128xf32> to vector<2000x128xf32>
    %get3A_9 = arith.constant 0 : index
    %get3A_10 = arith.constant 0 : index
    %get3A_11 = arith.constant 0 : index
    %get3A_12 = vector.load %arg3[%get3A_9, %get3A_10, %get3A_11] : memref<1x2000x128xf32, #tpu.memory_space<vmem>>, vector<1x2000x128xf32>
    %get3A_13 = vector.shape_cast %get3A_12 : vector<1x2000x128xf32> to vector<2000x128xf32>
    %add3A = arith.addf %get3A_8, %get3A_13 : vector<2000x128xf32>
    %mul3A = vector.broadcast %get3A_3 : vector<2000x1xf32> to vector<2000x128xf32>
    %mul3A_14 = arith.mulf %mul3A, %add3A : vector<2000x128xf32>
    %get3A_15 = arith.constant 0 : index
    %get3A_16 = arith.constant 0 : index
    %get3A_17 = arith.constant 0 : index
    %get3A_18 = vector.load %arg5[%get3A_15, %get3A_16, %get3A_17] : memref<1x1x128xf32, #tpu.memory_space<vmem>>, vector<1x1x128xf32>
    %get3A_19 = vector.shape_cast %get3A_18 : vector<1x1x128xf32> to vector<1x128xf32>
    %add3A_20 = vector.broadcast %get3A_19 : vector<1x128xf32> to vector<2000x128xf32>
    %add3A_21 = arith.addf %mul3A_14, %add3A_20 : vector<2000x128xf32>
    %max3A = arith.constant 0.000000e+00 : f32
    %max3A_22 = vector.broadcast %max3A : f32 to vector<2000x128xf32>
    %max3A_23 = arith.maximumf %add3A_21, %max3A_22 : vector<2000x128xf32>
    %get3A_24 = arith.constant 0 : index
    %get3A_25 = arith.constant 0 : index
    %get3A_26 = arith.constant 0 : index
    %get3A_27 = vector.load %arg7[%get3A_24, %get3A_25, %get3A_26] : memref<1x128x384xf32, #tpu.memory_space<vmem>>, vector<1x128x384xf32>
    %get3A_28 = vector.shape_cast %get3A_27 : vector<1x128x384xf32> to vector<128x384xf32>
    %dot_general3A = arith.constant dense<0.000000e+00> : vector<2000x384xf32>
    %dot_general3A_29 = tpu.matmul %max3A_23, %get3A_28, %dot_general3A {dimension_numbers = #tpu.dot_dimension_numbers<[1], [0], [0], [1], [0, 0, 1, 1], [], []>, transpose_lhs_hint = false} : vector<2000x128xf32>, vector<128x384xf32>, vector<2000x384xf32> -> vector<2000x384xf32>
    %get3A_30 = arith.constant 0 : index
    %get3A_31 = arith.constant 0 : index
    %get3A_32 = arith.constant 0 : index
    %get3A_33 = vector.load %arg9[%get3A_30, %get3A_31, %get3A_32] : memref<1x1x384xf32, #tpu.memory_space<vmem>>, vector<1x1x384xf32>
    %get3A_34 = vector.shape_cast %get3A_33 : vector<1x1x384xf32> to vector<1x384xf32>
    %add3A_35 = vector.broadcast %get3A_34 : vector<1x384xf32> to vector<2000x384xf32>
    %add3A_36 = arith.addf %dot_general3A_29, %add3A_35 : vector<2000x384xf32>
    %get3A_37 = arith.constant 0 : index
    %get3A_38 = arith.constant 0 : index
    %get3A_39 = arith.constant 0 : index
    %get3A_40 = vector.load %arg6[%get3A_37, %get3A_38, %get3A_39] : memref<1x2000x128xf32, #tpu.memory_space<vmem>>, vector<1x2000x128xf32>
    %get3A_41 = vector.shape_cast %get3A_40 : vector<1x2000x128xf32> to vector<2000x128xf32>
    %get3A_42 = arith.constant 0 : index
    %get3A_43 = arith.constant 0 : index
    %get3A_44 = arith.constant 0 : index
    %get3A_45 = vector.load %arg8[%get3A_42, %get3A_43, %get3A_44] : memref<1x128x384xf32, #tpu.memory_space<vmem>>, vector<1x128x384xf32>
    %get3A_46 = vector.shape_cast %get3A_45 : vector<1x128x384xf32> to vector<128x384xf32>
    %dot_general3A_47 = arith.constant dense<0.000000e+00> : vector<2000x384xf32>
    %dot_general3A_48 = tpu.matmul %get3A_41, %get3A_46, %dot_general3A_47 {dimension_numbers = #tpu.dot_dimension_numbers<[1], [0], [0], [1], [0, 0, 1, 1], [], []>, transpose_lhs_hint = false} : vector<2000x128xf32>, vector<128x384xf32>, vector<2000x384xf32> -> vector<2000x384xf32>
    %get3A_49 = arith.constant 0 : index
    %get3A_50 = arith.constant 0 : index
    %get3A_51 = arith.constant 0 : index
    %get3A_52 = vector.load %arg10[%get3A_49, %get3A_50, %get3A_51] : memref<1x1x384xf32, #tpu.memory_space<vmem>>, vector<1x1x384xf32>
    %get3A_53 = vector.shape_cast %get3A_52 : vector<1x1x384xf32> to vector<1x384xf32>
    %add3A_54 = vector.broadcast %get3A_53 : vector<1x384xf32> to vector<2000x384xf32>
    %add3A_55 = arith.addf %dot_general3A_48, %add3A_54 : vector<2000x384xf32>
    %slice3A = vector.extract_strided_slice %add3A_36 {offsets = [0, 0], sizes = [2000, 128], strides = [1, 1]} : vector<2000x384xf32> to vector<2000x128xf32>
    %slice3A_56 = vector.extract_strided_slice %add3A_55 {offsets = [0, 0], sizes = [2000, 128], strides = [1, 1]} : vector<2000x384xf32> to vector<2000x128xf32>
    %add3A_57 = arith.addf %slice3A, %slice3A_56 : vector<2000x128xf32>
    %logistic3A = arith.negf %add3A_57 : vector<2000x128xf32>
    %logistic3A_58 = math.exp %logistic3A : vector<2000x128xf32>
    %logistic3A_59 = arith.constant 1.000000e+00 : f32
    %logistic3A_60 = vector.broadcast %logistic3A_59 : f32 to vector<2000x128xf32>
    %logistic3A_61 = arith.addf %logistic3A_60, %logistic3A_58 : vector<2000x128xf32>
    %logistic3A_62 = arith.divf %logistic3A_60, %logistic3A_61 : vector<2000x128xf32>
    %slice3A_63 = vector.extract_strided_slice %add3A_36 {offsets = [0, 128], sizes = [2000, 128], strides = [1, 1]} : vector<2000x384xf32> to vector<2000x128xf32>
    %slice3A_64 = vector.extract_strided_slice %add3A_55 {offsets = [0, 128], sizes = [2000, 128], strides = [1, 1]} : vector<2000x384xf32> to vector<2000x128xf32>
    %add3A_65 = arith.addf %slice3A_63, %slice3A_64 : vector<2000x128xf32>
    %logistic3A_66 = arith.negf %add3A_65 : vector<2000x128xf32>
    %logistic3A_67 = math.exp %logistic3A_66 : vector<2000x128xf32>
    %logistic3A_68 = arith.constant 1.000000e+00 : f32
    %logistic3A_69 = vector.broadcast %logistic3A_68 : f32 to vector<2000x128xf32>
    %logistic3A_70 = arith.addf %logistic3A_69, %logistic3A_67 : vector<2000x128xf32>
    %logistic3A_71 = arith.divf %logistic3A_69, %logistic3A_70 : vector<2000x128xf32>
    %slice3A_72 = vector.extract_strided_slice %add3A_36 {offsets = [0, 256], sizes = [2000, 128], strides = [1, 1]} : vector<2000x384xf32> to vector<2000x128xf32>
    %slice3A_73 = vector.extract_strided_slice %add3A_55 {offsets = [0, 256], sizes = [2000, 128], strides = [1, 1]} : vector<2000x384xf32> to vector<2000x128xf32>
    %mul3A_74 = arith.mulf %logistic3A_62, %slice3A_73 : vector<2000x128xf32>
    %add3A_75 = arith.addf %slice3A_72, %mul3A_74 : vector<2000x128xf32>
    %tanh3A = math.tanh %add3A_75 : vector<2000x128xf32>
    %sub3A = arith.constant 1.000000e+00 : f32
    %sub3A_76 = vector.broadcast %sub3A : f32 to vector<2000x128xf32>
    %sub3A_77 = arith.subf %sub3A_76, %logistic3A_71 : vector<2000x128xf32>
    %mul3A_78 = arith.mulf %sub3A_77, %tanh3A : vector<2000x128xf32>
    %get3A_79 = arith.constant 0 : index
    %get3A_80 = arith.constant 0 : index
    %get3A_81 = arith.constant 0 : index
    %get3A_82 = vector.load %arg6[%get3A_79, %get3A_80, %get3A_81] : memref<1x2000x128xf32, #tpu.memory_space<vmem>>, vector<1x2000x128xf32>
    %get3A_83 = vector.shape_cast %get3A_82 : vector<1x2000x128xf32> to vector<2000x128xf32>
    %mul3A_84 = arith.mulf %logistic3A_71, %get3A_83 : vector<2000x128xf32>
    %add3A_85 = arith.addf %mul3A_78, %mul3A_84 : vector<2000x128xf32>
    %swap3A = arith.constant 0 : index
    %swap3A_86 = arith.constant 0 : index
    %swap3A_87 = arith.constant 0 : index
    %swap3A_88 = vector.load %arg12[%swap3A, %swap3A_86, %swap3A_87] : memref<1x2000x128xf32, #tpu.memory_space<vmem>>, vector<1x2000x128xf32>
    %swap3A_89 = vector.shape_cast %swap3A_88 : vector<1x2000x128xf32> to vector<2000x128xf32>
    %swap3A_90 = vector.shape_cast %add3A_85 : vector<2000x128xf32> to vector<1x2000x128xf32>
    tpu.vector_store %arg12[%swap3A, %swap3A_86, %swap3A_87], %swap3A_90 {strides = array<i32>} : memref<1x2000x128xf32, #tpu.memory_space<vmem>>, vector<1x2000x128xf32>,
    %get3A_91 = arith.constant 0 : index
    %get3A_92 = arith.constant 0 : index
    %get3A_93 = arith.constant 0 : index
    %get3A_94 = vector.load %arg11[%get3A_91, %get3A_92, %get3A_93] : memref<1x128x128xf32, #tpu.memory_space<vmem>>, vector<1x128x128xf32>
    %get3A_95 = vector.shape_cast %get3A_94 : vector<1x128x128xf32> to vector<128x128xf32>
    %dot_general3A_96 = arith.constant dense<0.000000e+00> : vector<2000x128xf32>
    %dot_general3A_97 = tpu.matmul %add3A_85, %get3A_95, %dot_general3A_96 {dimension_numbers = #tpu.dot_dimension_numbers<[1], [0], [0], [1], [0, 0, 1, 1], [], []>, transpose_lhs_hint = false} : vector<2000x128xf32>, vector<128x128xf32>, vector<2000x128xf32> -> vector<2000x128xf32>
    %mul3A_98 = vector.broadcast %get3A_3 : vector<2000x1xf32> to vector<2000x128xf32>
    %mul3A_99 = arith.mulf %mul3A_98, %dot_general3A_97 : vector<2000x128xf32>
    %swap3A_100 = arith.constant 0 : index
    %swap3A_101 = arith.constant 0 : index
    %swap3A_102 = arith.constant 0 : index
    %swap3A_103 = vector.load %arg13[%swap3A_100, %swap3A_101, %swap3A_102] : memref<1x2000x128xf32, #tpu.memory_space<vmem>>, vector<1x2000x128xf32>
    %swap3A_104 = vector.shape_cast %swap3A_103 : vector<1x2000x128xf32> to vector<2000x128xf32>
    %swap3A_105 = vector.shape_cast %mul3A_99 : vector<2000x128xf32> to vector<1x2000x128xf32>
    tpu.vector_store %arg13[%swap3A_100, %swap3A_101, %swap3A_102], %swap3A_105 {strides = array<i32>} : memref<1x2000x128xf32, #tpu.memory_space<vmem>>, vector<1x2000x128xf32>,
    return
  }
  func.func @transform_0(%arg0: i32, %arg1: i32) -> (i32, i32, i32) {
    %c0_i32 = arith.constant 0 : i32
    %c0_i32_0 = arith.constant 0 : i32
    return %arg0, %arg1, %c0_i32 : i32, i32, i32
  }
  func.func @transform_1(%arg0: i32, %arg1: i32) -> (i32, i32, i32) {
    %c0_i32 = arith.constant 0 : i32
    %c0_i32_0 = arith.constant 0 : i32
    return %arg0, %arg1, %c0_i32 : i32, i32, i32
  }
  func.func @transform_2(%arg0: i32, %arg1: i32) -> (i32, i32, i32) {
    %c0_i32 = arith.constant 0 : i32
    %c0_i32_0 = arith.constant 0 : i32
    return %arg0, %arg1, %c0_i32 : i32, i32, i32
  }
  func.func @transform_3(%arg0: i32, %arg1: i32) -> (i32, i32, i32) {
    %c0_i32 = arith.constant 0 : i32
    %c0_i32_0 = arith.constant 0 : i32
    %c0_i32_1 = arith.constant 0 : i32
    return %arg0, %c0_i32, %c0_i32_0 : i32, i32, i32
  }
  func.func @transform_4(%arg0: i32, %arg1: i32) -> (i32, i32, i32) {
    %c0_i32 = arith.constant 0 : i32
    %c0_i32_0 = arith.constant 0 : i32
    return %arg0, %arg1, %c0_i32 : i32, i32, i32
  }
  func.func @transform_5(%arg0: i32, %arg1: i32) -> (i32, i32, i32) {
    %c0_i32 = arith.constant 0 : i32
    %c0_i32_0 = arith.constant 0 : i32
    %c0_i32_1 = arith.constant 0 : i32
    return %arg0, %c0_i32, %c0_i32_0 : i32, i32, i32
  }
  func.func @transform_6(%arg0: i32, %arg1: i32) -> (i32, i32, i32) {
    %c0_i32 = arith.constant 0 : i32
    %c0_i32_0 = arith.constant 0 : i32
    %c0_i32_1 = arith.constant 0 : i32
    return %arg0, %c0_i32, %c0_i32_0 : i32, i32, i32
  }
  func.func @transform_7(%arg0: i32, %arg1: i32) -> (i32, i32, i32) {
    %c0_i32 = arith.constant 0 : i32
    %c0_i32_0 = arith.constant 0 : i32
    %c0_i32_1 = arith.constant 0 : i32
    return %arg0, %c0_i32, %c0_i32_0 : i32, i32, i32
  }
  func.func @transform_8(%arg0: i32, %arg1: i32) -> (i32, i32, i32) {
    %c0_i32 = arith.constant 0 : i32
    %c0_i32_0 = arith.constant 0 : i32
    %c0_i32_1 = arith.constant 0 : i32
    return %arg0, %c0_i32, %c0_i32_0 : i32, i32, i32
  }
  func.func @transform_9(%arg0: i32, %arg1: i32) -> (i32, i32, i32) {
    %c0_i32 = arith.constant 0 : i32
    %c0_i32_0 = arith.constant 0 : i32
    %c0_i32_1 = arith.constant 0 : i32
    return %arg0, %c0_i32, %c0_i32_0 : i32, i32, i32
  }
  func.func @transform_10(%arg0: i32, %arg1: i32) -> (i32, i32, i32) {
    %c0_i32 = arith.constant 0 : i32
    %c0_i32_0 = arith.constant 0 : i32
    return %arg0, %arg1, %c0_i32 : i32, i32, i32
  }
  func.func @transform_11(%arg0: i32, %arg1: i32) -> (i32, i32, i32) {
    %c0_i32 = arith.constant 0 : i32
    %c0_i32_0 = arith.constant 0 : i32
    return %arg0, %arg1, %c0_i32 : i32, i32, i32
  }
}

module attributes {stable_mosaic.version = 14 : i64} {
  func.func @_gru_body(%arg0: i32, %arg1: i32, %arg2: memref<1x2000x128xf32, #tpu.memory_space<vmem>>, %arg3: memref<1x2000x128xf32, #tpu.memory_space<vmem>>, %arg4: memref<1x2000x1xf32, #tpu.memory_space<vmem>>, %arg5: memref<1x1x128xf32, #tpu.memory_space<vmem>>, %arg6: memref<1x2000x128xf32, #tpu.memory_space<vmem>>, %arg7: memref<1x128x384xf32, #tpu.memory_space<vmem>>, %arg8: memref<1x128x384xf32, #tpu.memory_space<vmem>>, %arg9: memref<1x1x384xf32, #tpu.memory_space<vmem>>, %arg10: memref<1x1x384xf32, #tpu.memory_space<vmem>>, %arg11: memref<1x128x128xf32, #tpu.memory_space<vmem>>, %arg12: memref<1x2000x128xf32, #tpu.memory_space<vmem>>) attributes {dimension_semantics = [#tpu.dimension_semantics<arbitrary>, #tpu.dimension_semantics<arbitrary>], iteration_bounds = array<i64: 2, 5>, scalar_prefetch = 0 : i64, scratch_operands = 0 : i64, tpu.core_type = #tpu.core_type<tc>, window_params = [{transform_indices = @transform_0, window_bounds = array<i64: 1, 2000, 128>}, {transform_indices = @transform_1, window_bounds = array<i64: 1, 2000, 128>}, {transform_indices = @transform_2, window_bounds = array<i64: 1, 2000, 1>}, {transform_indices = @transform_3, window_bounds = array<i64: 1, 1, 128>}, {transform_indices = @transform_4, window_bounds = array<i64: 1, 2000, 128>}, {transform_indices = @transform_5, window_bounds = array<i64: 1, 128, 384>}, {transform_indices = @transform_6, window_bounds = array<i64: 1, 128, 384>}, {transform_indices = @transform_7, window_bounds = array<i64: 1, 1, 384>}, {transform_indices = @transform_8, window_bounds = array<i64: 1, 1, 384>}, {transform_indices = @transform_9, window_bounds = array<i64: 1, 128, 128>}, {transform_indices = @transform_10, window_bounds = array<i64: 1, 2000, 128>}]} {
    %get3A = arith.constant 0 : index
    %get3A_0 = arith.constant 0 : index
    %get3A_1 = arith.constant 0 : index
    %get3A_2 = vector.load %arg4[%get3A, %get3A_0, %get3A_1] : memref<1x2000x1xf32, #tpu.memory_space<vmem>>, vector<1x2000x1xf32>
    %get3A_3 = vector.shape_cast %get3A_2 : vector<1x2000x1xf32> to vector<2000x1xf32>
    %get3A_4 = arith.constant 0 : index
    %get3A_5 = arith.constant 0 : index
    %get3A_6 = arith.constant 0 : index
    %get3A_7 = vector.load %arg2[%get3A_4, %get3A_5, %get3A_6] : memref<1x2000x128xf32, #tpu.memory_space<vmem>>, vector<1x2000x128xf32>
    %get3A_8 = vector.shape_cast %get3A_7 : vector<1x2000x128xf32> to vector<2000x128xf32>
    %get3A_9 = arith.constant 0 : index
    %get3A_10 = arith.constant 0 : index
    %get3A_11 = arith.constant 0 : index
    %get3A_12 = vector.load %arg3[%get3A_9, %get3A_10, %get3A_11] : memref<1x2000x128xf32, #tpu.memory_space<vmem>>, vector<1x2000x128xf32>
    %get3A_13 = vector.shape_cast %get3A_12 : vector<1x2000x128xf32> to vector<2000x128xf32>
    %add3A = arith.addf %get3A_8, %get3A_13 : vector<2000x128xf32>
    %mul3A = vector.broadcast %get3A_3 : vector<2000x1xf32> to vector<2000x128xf32>
    %mul3A_14 = arith.mulf %mul3A, %add3A : vector<2000x128xf32>
    %get3A_15 = arith.constant 0 : index
    %get3A_16 = arith.constant 0 : index
    %get3A_17 = arith.constant 0 : index
    %get3A_18 = vector.load %arg5[%get3A_15, %get3A_16, %get3A_17] : memref<1x1x128xf32, #tpu.memory_space<vmem>>, vector<1x1x128xf32>
    %get3A_19 = vector.shape_cast %get3A_18 : vector<1x1x128xf32> to vector<1x128xf32>
    %add3A_20 = vector.broadcast %get3A_19 : vector<1x128xf32> to vector<2000x128xf32>
    %add3A_21 = arith.addf %mul3A_14, %add3A_20 : vector<2000x128xf32>
    %max3A = arith.constant 0.000000e+00 : f32
    %max3A_22 = vector.broadcast %max3A : f32 to vector<2000x128xf32>
    %max3A_23 = arith.maximumf %add3A_21, %max3A_22 : vector<2000x128xf32>
    %get3A_24 = arith.constant 0 : index
    %get3A_25 = arith.constant 0 : index
    %get3A_26 = arith.constant 0 : index
    %get3A_27 = vector.load %arg7[%get3A_24, %get3A_25, %get3A_26] : memref<1x128x384xf32, #tpu.memory_space<vmem>>, vector<1x128x384xf32>
    %get3A_28 = vector.shape_cast %get3A_27 : vector<1x128x384xf32> to vector<128x384xf32>
    %dot_general3A = arith.constant dense<0.000000e+00> : vector<2000x384xf32>
    %dot_general3A_29 = tpu.matmul %max3A_23, %get3A_28, %dot_general3A {dimension_numbers = #tpu.dot_dimension_numbers<[1], [0], [0], [1], [0, 0, 1, 1], [], []>, transpose_lhs_hint = false} : vector<2000x128xf32>, vector<128x384xf32>, vector<2000x384xf32> -> vector<2000x384xf32>
    %get3A_30 = arith.constant 0 : index
    %get3A_31 = arith.constant 0 : index
    %get3A_32 = arith.constant 0 : index
    %get3A_33 = vector.load %arg9[%get3A_30, %get3A_31, %get3A_32] : memref<1x1x384xf32, #tpu.memory_space<vmem>>, vector<1x1x384xf32>
    %get3A_34 = vector.shape_cast %get3A_33 : vector<1x1x384xf32> to vector<1x384xf32>
    %add3A_35 = vector.broadcast %get3A_34 : vector<1x384xf32> to vector<2000x384xf32>
    %add3A_36 = arith.addf %dot_general3A_29, %add3A_35 : vector<2000x384xf32>
    %get3A_37 = arith.constant 0 : index
    %get3A_38 = arith.constant 0 : index
    %get3A_39 = arith.constant 0 : index
    %get3A_40 = vector.load %arg6[%get3A_37, %get3A_38, %get3A_39] : memref<1x2000x128xf32, #tpu.memory_space<vmem>>, vector<1x2000x128xf32>
    %get3A_41 = vector.shape_cast %get3A_40 : vector<1x2000x128xf32> to vector<2000x128xf32>
    %get3A_42 = arith.constant 0 : index
    %get3A_43 = arith.constant 0 : index
    %get3A_44 = arith.constant 0 : index
    %get3A_45 = vector.load %arg8[%get3A_42, %get3A_43, %get3A_44] : memref<1x128x384xf32, #tpu.memory_space<vmem>>, vector<1x128x384xf32>
    %get3A_46 = vector.shape_cast %get3A_45 : vector<1x128x384xf32> to vector<128x384xf32>
    %dot_general3A_47 = arith.constant dense<0.000000e+00> : vector<2000x384xf32>
    %dot_general3A_48 = tpu.matmul %get3A_41, %get3A_46, %dot_general3A_47 {dimension_numbers = #tpu.dot_dimension_numbers<[1], [0], [0], [1], [0, 0, 1, 1], [], []>, transpose_lhs_hint = false} : vector<2000x128xf32>, vector<128x384xf32>, vector<2000x384xf32> -> vector<2000x384xf32>
    %get3A_49 = arith.constant 0 : index
    %get3A_50 = arith.constant 0 : index
    %get3A_51 = arith.constant 0 : index
    %get3A_52 = vector.load %arg10[%get3A_49, %get3A_50, %get3A_51] : memref<1x1x384xf32, #tpu.memory_space<vmem>>, vector<1x1x384xf32>
    %get3A_53 = vector.shape_cast %get3A_52 : vector<1x1x384xf32> to vector<1x384xf32>
    %add3A_54 = vector.broadcast %get3A_53 : vector<1x384xf32> to vector<2000x384xf32>
    %add3A_55 = arith.addf %dot_general3A_48, %add3A_54 : vector<2000x384xf32>
    %slice3A = vector.extract_strided_slice %add3A_36 {offsets = [0, 0], sizes = [2000, 128], strides = [1, 1]} : vector<2000x384xf32> to vector<2000x128xf32>
    %slice3A_56 = vector.extract_strided_slice %add3A_55 {offsets = [0, 0], sizes = [2000, 128], strides = [1, 1]} : vector<2000x384xf32> to vector<2000x128xf32>
    %add3A_57 = arith.addf %slice3A, %slice3A_56 : vector<2000x128xf32>
    %logistic3A = arith.negf %add3A_57 : vector<2000x128xf32>
    %logistic3A_58 = math.exp %logistic3A : vector<2000x128xf32>
    %logistic3A_59 = arith.constant 1.000000e+00 : f32
    %logistic3A_60 = vector.broadcast %logistic3A_59 : f32 to vector<2000x128xf32>
    %logistic3A_61 = arith.addf %logistic3A_60, %logistic3A_58 : vector<2000x128xf32>
    %logistic3A_62 = arith.divf %logistic3A_60, %logistic3A_61 : vector<2000x128xf32>
    %slice3A_63 = vector.extract_strided_slice %add3A_36 {offsets = [0, 128], sizes = [2000, 128], strides = [1, 1]} : vector<2000x384xf32> to vector<2000x128xf32>
    %slice3A_64 = vector.extract_strided_slice %add3A_55 {offsets = [0, 128], sizes = [2000, 128], strides = [1, 1]} : vector<2000x384xf32> to vector<2000x128xf32>
    %add3A_65 = arith.addf %slice3A_63, %slice3A_64 : vector<2000x128xf32>
    %logistic3A_66 = arith.negf %add3A_65 : vector<2000x128xf32>
    %logistic3A_67 = math.exp %logistic3A_66 : vector<2000x128xf32>
    %logistic3A_68 = arith.constant 1.000000e+00 : f32
    %logistic3A_69 = vector.broadcast %logistic3A_68 : f32 to vector<2000x128xf32>
    %logistic3A_70 = arith.addf %logistic3A_69, %logistic3A_67 : vector<2000x128xf32>
    %logistic3A_71 = arith.divf %logistic3A_69, %logistic3A_70 : vector<2000x128xf32>
    %slice3A_72 = vector.extract_strided_slice %add3A_36 {offsets = [0, 256], sizes = [2000, 128], strides = [1, 1]} : vector<2000x384xf32> to vector<2000x128xf32>
    %slice3A_73 = vector.extract_strided_slice %add3A_55 {offsets = [0, 256], sizes = [2000, 128], strides = [1, 1]} : vector<2000x384xf32> to vector<2000x128xf32>
    %mul3A_74 = arith.mulf %logistic3A_62, %slice3A_73 : vector<2000x128xf32>
    %add3A_75 = arith.addf %slice3A_72, %mul3A_74 : vector<2000x128xf32>
    %tanh3A = math.tanh %add3A_75 : vector<2000x128xf32>
    %sub3A = arith.constant 1.000000e+00 : f32
    %sub3A_76 = vector.broadcast %sub3A : f32 to vector<2000x128xf32>
    %sub3A_77 = arith.subf %sub3A_76, %logistic3A_71 : vector<2000x128xf32>
    %mul3A_78 = arith.mulf %sub3A_77, %tanh3A : vector<2000x128xf32>
    %get3A_79 = arith.constant 0 : index
    %get3A_80 = arith.constant 0 : index
    %get3A_81 = arith.constant 0 : index
    %get3A_82 = vector.load %arg6[%get3A_79, %get3A_80, %get3A_81] : memref<1x2000x128xf32, #tpu.memory_space<vmem>>, vector<1x2000x128xf32>
    %get3A_83 = vector.shape_cast %get3A_82 : vector<1x2000x128xf32> to vector<2000x128xf32>
    %mul3A_84 = arith.mulf %logistic3A_71, %get3A_83 : vector<2000x128xf32>
    %add3A_85 = arith.addf %mul3A_78, %mul3A_84 : vector<2000x128xf32>
    %swap3A = arith.constant 0 : index
    %swap3A_86 = arith.constant 0 : index
    %swap3A_87 = arith.constant 0 : index
    %swap3A_88 = vector.load %arg12[%swap3A, %swap3A_86, %swap3A_87] : memref<1x2000x128xf32, #tpu.memory_space<vmem>>, vector<1x2000x128xf32>
    %swap3A_89 = vector.shape_cast %swap3A_88 : vector<1x2000x128xf32> to vector<2000x128xf32>
    %swap3A_90 = vector.shape_cast %add3A_85 : vector<2000x128xf32> to vector<1x2000x128xf32>
    tpu.vector_store %arg12[%swap3A, %swap3A_86, %swap3A_87], %swap3A_90 {strides = array<i32>} : memref<1x2000x128xf32, #tpu.memory_space<vmem>>, vector<1x2000x128xf32>,
    return
  }
  func.func @transform_0(%arg0: i32, %arg1: i32) -> (i32, i32, i32) {
    %c0_i32 = arith.constant 0 : i32
    %c0_i32_0 = arith.constant 0 : i32
    return %arg0, %arg1, %c0_i32 : i32, i32, i32
  }
  func.func @transform_1(%arg0: i32, %arg1: i32) -> (i32, i32, i32) {
    %c0_i32 = arith.constant 0 : i32
    %c0_i32_0 = arith.constant 0 : i32
    return %arg0, %arg1, %c0_i32 : i32, i32, i32
  }
  func.func @transform_2(%arg0: i32, %arg1: i32) -> (i32, i32, i32) {
    %c0_i32 = arith.constant 0 : i32
    %c0_i32_0 = arith.constant 0 : i32
    return %arg0, %arg1, %c0_i32 : i32, i32, i32
  }
  func.func @transform_3(%arg0: i32, %arg1: i32) -> (i32, i32, i32) {
    %c0_i32 = arith.constant 0 : i32
    %c0_i32_0 = arith.constant 0 : i32
    %c0_i32_1 = arith.constant 0 : i32
    return %arg0, %c0_i32, %c0_i32_0 : i32, i32, i32
  }
  func.func @transform_4(%arg0: i32, %arg1: i32) -> (i32, i32, i32) {
    %c0_i32 = arith.constant 0 : i32
    %c0_i32_0 = arith.constant 0 : i32
    return %arg0, %arg1, %c0_i32 : i32, i32, i32
  }
  func.func @transform_5(%arg0: i32, %arg1: i32) -> (i32, i32, i32) {
    %c0_i32 = arith.constant 0 : i32
    %c0_i32_0 = arith.constant 0 : i32
    %c0_i32_1 = arith.constant 0 : i32
    return %arg0, %c0_i32, %c0_i32_0 : i32, i32, i32
  }
  func.func @transform_6(%arg0: i32, %arg1: i32) -> (i32, i32, i32) {
    %c0_i32 = arith.constant 0 : i32
    %c0_i32_0 = arith.constant 0 : i32
    %c0_i32_1 = arith.constant 0 : i32
    return %arg0, %c0_i32, %c0_i32_0 : i32, i32, i32
  }
  func.func @transform_7(%arg0: i32, %arg1: i32) -> (i32, i32, i32) {
    %c0_i32 = arith.constant 0 : i32
    %c0_i32_0 = arith.constant 0 : i32
    %c0_i32_1 = arith.constant 0 : i32
    return %arg0, %c0_i32, %c0_i32_0 : i32, i32, i32
  }
  func.func @transform_8(%arg0: i32, %arg1: i32) -> (i32, i32, i32) {
    %c0_i32 = arith.constant 0 : i32
    %c0_i32_0 = arith.constant 0 : i32
    %c0_i32_1 = arith.constant 0 : i32
    return %arg0, %c0_i32, %c0_i32_0 : i32, i32, i32
  }
  func.func @transform_9(%arg0: i32, %arg1: i32) -> (i32, i32, i32) {
    %c0_i32 = arith.constant 0 : i32
    %c0_i32_0 = arith.constant 0 : i32
    %c0_i32_1 = arith.constant 0 : i32
    return %arg0, %c0_i32, %c0_i32_0 : i32, i32, i32
  }
  func.func @transform_10(%arg0: i32, %arg1: i32) -> (i32, i32, i32) {
    %c0_i32 = arith.constant 0 : i32
    %c0_i32_0 = arith.constant 0 : i32
    return %arg0, %arg1, %c0_i32 : i32, i32, i32
  }
}

module attributes {stable_mosaic.version = 14 : i64} {
  func.func @_final_body(%arg0: memref<2x10000x128xf32, #tpu.memory_space<vmem>>, %arg1: memref<2x1x10000xi32, #tpu.memory_space<vmem>>, %arg2: memref<2x256x512xf32, #tpu.memory_space<vmem>>, %arg3: memref<2x128x512xf32, #tpu.memory_space<vmem>>, %arg4: memref<2x1x512xf32, #tpu.memory_space<vmem>>, %arg5: memref<2x1x512xf32, #tpu.memory_space<vmem>>, %arg6: memref<512x128xf32, #tpu.memory_space<vmem>>, %arg7: memref<1x128xf32, #tpu.memory_space<vmem>>, %arg8: memref<128x1xf32, #tpu.memory_space<vmem>>, %arg9: memref<1x1xf32, #tpu.memory_space<vmem>>, %arg10: memref<16x1xf32, #tpu.memory_space<vmem>>) attributes {dimension_semantics = [], scalar_prefetch = 0 : i64, scratch_operands = 0 : i64, tpu.core_type = #tpu.core_type<tc>} {
    %get3A = arith.constant 0 : index
    %get3A_0 = arith.constant 0 : index
    %get3A_1 = arith.constant 0 : index
    %get3A_2 = vector.load %arg0[%get3A, %get3A_0, %get3A_1] : memref<2x10000x128xf32, #tpu.memory_space<vmem>>, vector<1x10000x128xf32>
    %get3A_3 = vector.shape_cast %get3A_2 : vector<1x10000x128xf32> to vector<10000x128xf32>
    %get3A_4 = arith.constant 0 : index
    %get3A_5 = arith.constant 0 : index
    %get3A_6 = arith.constant 0 : index
    %get3A_7 = vector.load %arg1[%get3A_4, %get3A_5, %get3A_6] : memref<2x1x10000xi32, #tpu.memory_space<vmem>>, vector<1x1x10000xi32>
    %get3A_8 = vector.shape_cast %get3A_7 : vector<1x1x10000xi32> to vector<1x10000xi32>
    %iota3A = tpu.iota {dimensions = array<i32: 0>} : vector<16x10000xi32>
    %eq3A = vector.broadcast %get3A_8 : vector<1x10000xi32> to vector<16x10000xi32>
    %eq3A_9 = arith.cmpi eq, %eq3A, %iota3A : vector<16x10000xi32>
    %broadcast_in_dim3A = arith.constant 0.000000e+00 : f32
    %broadcast_in_dim3A_10 = vector.broadcast %broadcast_in_dim3A : f32 to vector<16x128xf32>
    %broadcast_in_dim3A_11 = arith.constant 0.000000e+00 : f32
    %broadcast_in_dim3A_12 = vector.broadcast %broadcast_in_dim3A_11 : f32 to vector<16x128xf32>
    %broadcast_in_dim3A_13 = arith.constant 0.000000e+00 : f32
    %broadcast_in_dim3A_14 = vector.broadcast %broadcast_in_dim3A_13 : f32 to vector<16x256xf32>
    %get3A_15 = arith.constant 0 : index
    %get3A_16 = arith.constant 0 : index
    %get3A_17 = arith.constant 0 : index
    %get3A_18 = vector.load %arg2[%get3A_15, %get3A_16, %get3A_17] : memref<2x256x512xf32, #tpu.memory_space<vmem>>, vector<1x256x512xf32>
    %get3A_19 = vector.shape_cast %get3A_18 : vector<1x256x512xf32> to vector<256x512xf32>
    %dot_general3A = arith.constant dense<0.000000e+00> : vector<16x512xf32>
    %dot_general3A_20 = tpu.matmul %broadcast_in_dim3A_14, %get3A_19, %dot_general3A {dimension_numbers = #tpu.dot_dimension_numbers<[1], [0], [0], [1], [0, 0, 1, 1], [], []>, transpose_lhs_hint = false} : vector<16x256xf32>, vector<256x512xf32>, vector<16x512xf32> -> vector<16x512xf32>
    %get3A_21 = arith.constant 0 : index
    %get3A_22 = arith.constant 0 : index
    %get3A_23 = arith.constant 0 : index
    %get3A_24 = vector.load %arg4[%get3A_21, %get3A_22, %get3A_23] : memref<2x1x512xf32, #tpu.memory_space<vmem>>, vector<1x1x512xf32>
    %get3A_25 = vector.shape_cast %get3A_24 : vector<1x1x512xf32> to vector<1x512xf32>
    %add3A = vector.broadcast %get3A_25 : vector<1x512xf32> to vector<16x512xf32>
    %add3A_26 = arith.addf %dot_general3A_20, %add3A : vector<16x512xf32>
    %get3A_27 = arith.constant 0 : index
    %get3A_28 = arith.constant 0 : index
    %get3A_29 = arith.constant 0 : index
    %get3A_30 = vector.load %arg3[%get3A_27, %get3A_28, %get3A_29] : memref<2x128x512xf32, #tpu.memory_space<vmem>>, vector<1x128x512xf32>
    %get3A_31 = vector.shape_cast %get3A_30 : vector<1x128x512xf32> to vector<128x512xf32>
    %dot_general3A_32 = arith.constant dense<0.000000e+00> : vector<16x512xf32>
    %dot_general3A_33 = tpu.matmul %broadcast_in_dim3A_10, %get3A_31, %dot_general3A_32 {dimension_numbers = #tpu.dot_dimension_numbers<[1], [0], [0], [1], [0, 0, 1, 1], [], []>, transpose_lhs_hint = false} : vector<16x128xf32>, vector<128x512xf32>, vector<16x512xf32> -> vector<16x512xf32>
    %add3A_34 = arith.addf %add3A_26, %dot_general3A_33 : vector<16x512xf32>
    %get3A_35 = arith.constant 0 : index
    %get3A_36 = arith.constant 0 : index
    %get3A_37 = arith.constant 0 : index
    %get3A_38 = vector.load %arg5[%get3A_35, %get3A_36, %get3A_37] : memref<2x1x512xf32, #tpu.memory_space<vmem>>, vector<1x1x512xf32>
    %get3A_39 = vector.shape_cast %get3A_38 : vector<1x1x512xf32> to vector<1x512xf32>
    %add3A_40 = vector.broadcast %get3A_39 : vector<1x512xf32> to vector<16x512xf32>
    %add3A_41 = arith.addf %add3A_34, %add3A_40 : vector<16x512xf32>
    %slice3A = vector.extract_strided_slice %add3A_41 {offsets = [0, 0], sizes = [16, 128], strides = [1, 1]} : vector<16x512xf32> to vector<16x128xf32>
    %logistic3A = arith.negf %slice3A : vector<16x128xf32>
    %logistic3A_42 = math.exp %logistic3A : vector<16x128xf32>
    %logistic3A_43 = arith.constant 1.000000e+00 : f32
    %logistic3A_44 = vector.broadcast %logistic3A_43 : f32 to vector<16x128xf32>
    %logistic3A_45 = arith.addf %logistic3A_44, %logistic3A_42 : vector<16x128xf32>
    %logistic3A_46 = arith.divf %logistic3A_44, %logistic3A_45 : vector<16x128xf32>
    %slice3A_47 = vector.extract_strided_slice %add3A_41 {offsets = [0, 128], sizes = [16, 128], strides = [1, 1]} : vector<16x512xf32> to vector<16x128xf32>
    %logistic3A_48 = arith.negf %slice3A_47 : vector<16x128xf32>
    %logistic3A_49 = math.exp %logistic3A_48 : vector<16x128xf32>
    %logistic3A_50 = arith.constant 1.000000e+00 : f32
    %logistic3A_51 = vector.broadcast %logistic3A_50 : f32 to vector<16x128xf32>
    %logistic3A_52 = arith.addf %logistic3A_51, %logistic3A_49 : vector<16x128xf32>
    %logistic3A_53 = arith.divf %logistic3A_51, %logistic3A_52 : vector<16x128xf32>
    %slice3A_54 = vector.extract_strided_slice %add3A_41 {offsets = [0, 256], sizes = [16, 128], strides = [1, 1]} : vector<16x512xf32> to vector<16x128xf32>
    %tanh3A = math.tanh %slice3A_54 : vector<16x128xf32>
    %slice3A_55 = vector.extract_strided_slice %add3A_41 {offsets = [0, 384], sizes = [16, 128], strides = [1, 1]} : vector<16x512xf32> to vector<16x128xf32>
    %logistic3A_56 = arith.negf %slice3A_55 : vector<16x128xf32>
    %logistic3A_57 = math.exp %logistic3A_56 : vector<16x128xf32>
    %logistic3A_58 = arith.constant 1.000000e+00 : f32
    %logistic3A_59 = vector.broadcast %logistic3A_58 : f32 to vector<16x128xf32>
    %logistic3A_60 = arith.addf %logistic3A_59, %logistic3A_57 : vector<16x128xf32>
    %logistic3A_61 = arith.divf %logistic3A_59, %logistic3A_60 : vector<16x128xf32>
    %mul3A = arith.mulf %logistic3A_53, %broadcast_in_dim3A_12 : vector<16x128xf32>
    %mul3A_62 = arith.mulf %logistic3A_46, %tanh3A : vector<16x128xf32>
    %add3A_63 = arith.addf %mul3A, %mul3A_62 : vector<16x128xf32>
    %tanh3A_64 = math.tanh %add3A_63 : vector<16x128xf32>
    %mul3A_65 = arith.mulf %logistic3A_61, %tanh3A_64 : vector<16x128xf32>
    %dot_general3A_66 = arith.constant dense<0.000000e+00> : vector<16x10000xf32>
    %dot_general3A_67 = tpu.matmul %mul3A_65, %get3A_3, %dot_general3A_66 {dimension_numbers = #tpu.dot_dimension_numbers<[1], [1], [0], [0], [0, 0, 1, 0], [], []>, transpose_lhs_hint = false} : vector<16x128xf32>, vector<10000x128xf32>, vector<16x10000xf32> -> vector<16x10000xf32>
    %jit3A = arith.constant 0xFF800000 : f32
    %broadcast_in_dim3A_68 = vector.broadcast %jit3A : f32 to vector<16x10000xf32>
    %select_n3A = arith.select %eq3A_9, %dot_general3A_67, %broadcast_in_dim3A_68 : vector<16x10000xi1>, vector<16x10000xf32>
    %reduce_max3A = arith.constant dense<0xFF800000> : vector<16xf32>
    %reduce_max3A_69 = vector.multi_reduction <maximumf>, %select_n3A, %reduce_max3A [1] : vector<16x10000xf32> to vector<16xf32>
    %broadcast_in_dim3A_70 = vector.shape_cast %reduce_max3A_69 : vector<16xf32> to vector<16x1xf32>
    %is_finite3A = tpu.weird %broadcast_in_dim3A_70 : vector<16x1xf32> -> vector<16x1xi1>
    %is_finite3A_71 = arith.constant dense<true> : vector<16x1xi1>
    %is_finite3A_72 = arith.xori %is_finite3A, %is_finite3A_71 : vector<16x1xi1>
    %jit3A_73 = arith.constant 0.000000e+00 : f32
    %broadcast_in_dim3A_74 = vector.broadcast %jit3A_73 : f32 to vector<16x1xf32>
    %select_n3A_75 = arith.select %is_finite3A_72, %broadcast_in_dim3A_70, %broadcast_in_dim3A_74 : vector<16x1xi1>, vector<16x1xf32>
    %sub3A = vector.broadcast %select_n3A_75 : vector<16x1xf32> to vector<16x10000xf32>
    %sub3A_76 = arith.subf %select_n3A, %sub3A : vector<16x10000xf32>
    %exp3A = math.exp %sub3A_76 : vector<16x10000xf32>
    %reduce_sum3A = arith.constant dense<0.000000e+00> : vector<16xf32>
    %reduce_sum3A_77 = vector.multi_reduction <add>, %exp3A, %reduce_sum3A [1] : vector<16x10000xf32> to vector<16xf32>
    %broadcast_in_dim3A_78 = vector.shape_cast %reduce_sum3A_77 : vector<16xf32> to vector<16x1xf32>
    %add3A_79 = arith.constant 1.000000e-16 : f32
    %add3A_80 = vector.broadcast %add3A_79 : f32 to vector<16x1xf32>
    %add3A_81 = arith.addf %broadcast_in_dim3A_78, %add3A_80 : vector<16x1xf32>
    %div3A = vector.broadcast %add3A_81 : vector<16x1xf32> to vector<16x10000xf32>
    %div3A_82 = arith.divf %exp3A, %div3A : vector<16x10000xf32>
    %dot_general3A_83 = arith.constant dense<0.000000e+00> : vector<16x128xf32>
    %dot_general3A_84 = tpu.matmul %div3A_82, %get3A_3, %dot_general3A_83 {dimension_numbers = #tpu.dot_dimension_numbers<[1], [0], [0], [1], [0, 0, 1, 1], [], []>, transpose_lhs_hint = false} : vector<16x10000xf32>, vector<10000x128xf32>, vector<16x128xf32> -> vector<16x128xf32>
    %concatenate3A = tpu.concatenate %mul3A_65, %dot_general3A_84 in 1 : vector<16x128xf32>, vector<16x128xf32> -> vector<16x256xf32>
    %get3A_85 = arith.constant 0 : index
    %get3A_86 = arith.constant 0 : index
    %get3A_87 = arith.constant 0 : index
    %get3A_88 = vector.load %arg2[%get3A_85, %get3A_86, %get3A_87] : memref<2x256x512xf32, #tpu.memory_space<vmem>>, vector<1x256x512xf32>
    %get3A_89 = vector.shape_cast %get3A_88 : vector<1x256x512xf32> to vector<256x512xf32>
    %dot_general3A_90 = arith.constant dense<0.000000e+00> : vector<16x512xf32>
    %dot_general3A_91 = tpu.matmul %concatenate3A, %get3A_89, %dot_general3A_90 {dimension_numbers = #tpu.dot_dimension_numbers<[1], [0], [0], [1], [0, 0, 1, 1], [], []>, transpose_lhs_hint = false} : vector<16x256xf32>, vector<256x512xf32>, vector<16x512xf32> -> vector<16x512xf32>
    %get3A_92 = arith.constant 0 : index
    %get3A_93 = arith.constant 0 : index
    %get3A_94 = arith.constant 0 : index
    %get3A_95 = vector.load %arg4[%get3A_92, %get3A_93, %get3A_94] : memref<2x1x512xf32, #tpu.memory_space<vmem>>, vector<1x1x512xf32>
    %get3A_96 = vector.shape_cast %get3A_95 : vector<1x1x512xf32> to vector<1x512xf32>
    %add3A_97 = vector.broadcast %get3A_96 : vector<1x512xf32> to vector<16x512xf32>
    %add3A_98 = arith.addf %dot_general3A_91, %add3A_97 : vector<16x512xf32>
    %get3A_99 = arith.constant 0 : index
    %get3A_100 = arith.constant 0 : index
    %get3A_101 = arith.constant 0 : index
    %get3A_102 = vector.load %arg3[%get3A_99, %get3A_100, %get3A_101] : memref<2x128x512xf32, #tpu.memory_space<vmem>>, vector<1x128x512xf32>
    %get3A_103 = vector.shape_cast %get3A_102 : vector<1x128x512xf32> to vector<128x512xf32>
    %dot_general3A_104 = arith.constant dense<0.000000e+00> : vector<16x512xf32>
    %dot_general3A_105 = tpu.matmul %mul3A_65, %get3A_103, %dot_general3A_104 {dimension_numbers = #tpu.dot_dimension_numbers<[1], [0], [0], [1], [0, 0, 1, 1], [], []>, transpose_lhs_hint = false} : vector<16x128xf32>, vector<128x512xf32>, vector<16x512xf32> -> vector<16x512xf32>
    %add3A_106 = arith.addf %add3A_98, %dot_general3A_105 : vector<16x512xf32>
    %get3A_107 = arith.constant 0 : index
    %get3A_108 = arith.constant 0 : index
    %get3A_109 = arith.constant 0 : index
    %get3A_110 = vector.load %arg5[%get3A_107, %get3A_108, %get3A_109] : memref<2x1x512xf32, #tpu.memory_space<vmem>>, vector<1x1x512xf32>
    %get3A_111 = vector.shape_cast %get3A_110 : vector<1x1x512xf32> to vector<1x512xf32>
    %add3A_112 = vector.broadcast %get3A_111 : vector<1x512xf32> to vector<16x512xf32>
    %add3A_113 = arith.addf %add3A_106, %add3A_112 : vector<16x512xf32>
    %slice3A_114 = vector.extract_strided_slice %add3A_113 {offsets = [0, 0], sizes = [16, 128], strides = [1, 1]} : vector<16x512xf32> to vector<16x128xf32>
    %logistic3A_115 = arith.negf %slice3A_114 : vector<16x128xf32>
    %logistic3A_116 = math.exp %logistic3A_115 : vector<16x128xf32>
    %logistic3A_117 = arith.constant 1.000000e+00 : f32
    %logistic3A_118 = vector.broadcast %logistic3A_117 : f32 to vector<16x128xf32>
    %logistic3A_119 = arith.addf %logistic3A_118, %logistic3A_116 : vector<16x128xf32>
    %logistic3A_120 = arith.divf %logistic3A_118, %logistic3A_119 : vector<16x128xf32>
    %slice3A_121 = vector.extract_strided_slice %add3A_113 {offsets = [0, 128], sizes = [16, 128], strides = [1, 1]} : vector<16x512xf32> to vector<16x128xf32>
    %logistic3A_122 = arith.negf %slice3A_121 : vector<16x128xf32>
    %logistic3A_123 = math.exp %logistic3A_122 : vector<16x128xf32>
    %logistic3A_124 = arith.constant 1.000000e+00 : f32
    %logistic3A_125 = vector.broadcast %logistic3A_124 : f32 to vector<16x128xf32>
    %logistic3A_126 = arith.addf %logistic3A_125, %logistic3A_123 : vector<16x128xf32>
    %logistic3A_127 = arith.divf %logistic3A_125, %logistic3A_126 : vector<16x128xf32>
    %slice3A_128 = vector.extract_strided_slice %add3A_113 {offsets = [0, 256], sizes = [16, 128], strides = [1, 1]} : vector<16x512xf32> to vector<16x128xf32>
    %tanh3A_129 = math.tanh %slice3A_128 : vector<16x128xf32>
    %slice3A_130 = vector.extract_strided_slice %add3A_113 {offsets = [0, 384], sizes = [16, 128], strides = [1, 1]} : vector<16x512xf32> to vector<16x128xf32>
    %logistic3A_131 = arith.negf %slice3A_130 : vector<16x128xf32>
    %logistic3A_132 = math.exp %logistic3A_131 : vector<16x128xf32>
    %logistic3A_133 = arith.constant 1.000000e+00 : f32
    %logistic3A_134 = vector.broadcast %logistic3A_133 : f32 to vector<16x128xf32>
    %logistic3A_135 = arith.addf %logistic3A_134, %logistic3A_132 : vector<16x128xf32>
    %logistic3A_136 = arith.divf %logistic3A_134, %logistic3A_135 : vector<16x128xf32>
    %mul3A_137 = arith.mulf %logistic3A_127, %add3A_63 : vector<16x128xf32>
    %mul3A_138 = arith.mulf %logistic3A_120, %tanh3A_129 : vector<16x128xf32>
    %add3A_139 = arith.addf %mul3A_137, %mul3A_138 : vector<16x128xf32>
    %tanh3A_140 = math.tanh %add3A_139 : vector<16x128xf32>
    %mul3A_141 = arith.mulf %logistic3A_136, %tanh3A_140 : vector<16x128xf32>
    %dot_general3A_142 = arith.constant dense<0.000000e+00> : vector<16x10000xf32>
    %dot_general3A_143 = tpu.matmul %mul3A_141, %get3A_3, %dot_general3A_142 {dimension_numbers = #tpu.dot_dimension_numbers<[1], [1], [0], [0], [0, 0, 1, 0], [], []>, transpose_lhs_hint = false} : vector<16x128xf32>, vector<10000x128xf32>, vector<16x10000xf32> -> vector<16x10000xf32>
    %jit3A_144 = arith.constant 0xFF800000 : f32
    %broadcast_in_dim3A_145 = vector.broadcast %jit3A_144 : f32 to vector<16x10000xf32>
    %select_n3A_146 = arith.select %eq3A_9, %dot_general3A_143, %broadcast_in_dim3A_145 : vector<16x10000xi1>, vector<16x10000xf32>
    %reduce_max3A_147 = arith.constant dense<0xFF800000> : vector<16xf32>
    %reduce_max3A_148 = vector.multi_reduction <maximumf>, %select_n3A_146, %reduce_max3A_147 [1] : vector<16x10000xf32> to vector<16xf32>
    %broadcast_in_dim3A_149 = vector.shape_cast %reduce_max3A_148 : vector<16xf32> to vector<16x1xf32>
    %is_finite3A_150 = tpu.weird %broadcast_in_dim3A_149 : vector<16x1xf32> -> vector<16x1xi1>
    %is_finite3A_151 = arith.constant dense<true> : vector<16x1xi1>
    %is_finite3A_152 = arith.xori %is_finite3A_150, %is_finite3A_151 : vector<16x1xi1>
    %jit3A_153 = arith.constant 0.000000e+00 : f32
    %broadcast_in_dim3A_154 = vector.broadcast %jit3A_153 : f32 to vector<16x1xf32>
    %select_n3A_155 = arith.select %is_finite3A_152, %broadcast_in_dim3A_149, %broadcast_in_dim3A_154 : vector<16x1xi1>, vector<16x1xf32>
    %sub3A_156 = vector.broadcast %select_n3A_155 : vector<16x1xf32> to vector<16x10000xf32>
    %sub3A_157 = arith.subf %select_n3A_146, %sub3A_156 : vector<16x10000xf32>
    %exp3A_158 = math.exp %sub3A_157 : vector<16x10000xf32>
    %reduce_sum3A_159 = arith.constant dense<0.000000e+00> : vector<16xf32>
    %reduce_sum3A_160 = vector.multi_reduction <add>, %exp3A_158, %reduce_sum3A_159 [1] : vector<16x10000xf32> to vector<16xf32>
    %broadcast_in_dim3A_161 = vector.shape_cast %reduce_sum3A_160 : vector<16xf32> to vector<16x1xf32>
    %add3A_162 = arith.constant 1.000000e-16 : f32
    %add3A_163 = vector.broadcast %add3A_162 : f32 to vector<16x1xf32>
    %add3A_164 = arith.addf %broadcast_in_dim3A_161, %add3A_163 : vector<16x1xf32>
    %div3A_165 = vector.broadcast %add3A_164 : vector<16x1xf32> to vector<16x10000xf32>
    %div3A_166 = arith.divf %exp3A_158, %div3A_165 : vector<16x10000xf32>
    %dot_general3A_167 = arith.constant dense<0.000000e+00> : vector<16x128xf32>
    %dot_general3A_168 = tpu.matmul %div3A_166, %get3A_3, %dot_general3A_167 {dimension_numbers = #tpu.dot_dimension_numbers<[1], [0], [0], [1], [0, 0, 1, 1], [], []>, transpose_lhs_hint = false} : vector<16x10000xf32>, vector<10000x128xf32>, vector<16x128xf32> -> vector<16x128xf32>
    %concatenate3A_169 = tpu.concatenate %mul3A_141, %dot_general3A_168 in 1 : vector<16x128xf32>, vector<16x128xf32> -> vector<16x256xf32>
    %get3A_170 = arith.constant 0 : index
    %get3A_171 = arith.constant 0 : index
    %get3A_172 = arith.constant 0 : index
    %get3A_173 = vector.load %arg2[%get3A_170, %get3A_171, %get3A_172] : memref<2x256x512xf32, #tpu.memory_space<vmem>>, vector<1x256x512xf32>
    %get3A_174 = vector.shape_cast %get3A_173 : vector<1x256x512xf32> to vector<256x512xf32>
    %dot_general3A_175 = arith.constant dense<0.000000e+00> : vector<16x512xf32>
    %dot_general3A_176 = tpu.matmul %concatenate3A_169, %get3A_174, %dot_general3A_175 {dimension_numbers = #tpu.dot_dimension_numbers<[1], [0], [0], [1], [0, 0, 1, 1], [], []>, transpose_lhs_hint = false} : vector<16x256xf32>, vector<256x512xf32>, vector<16x512xf32> -> vector<16x512xf32>
    %get3A_177 = arith.constant 0 : index
    %get3A_178 = arith.constant 0 : index
    %get3A_179 = arith.constant 0 : index
    %get3A_180 = vector.load %arg4[%get3A_177, %get3A_178, %get3A_179] : memref<2x1x512xf32, #tpu.memory_space<vmem>>, vector<1x1x512xf32>
    %get3A_181 = vector.shape_cast %get3A_180 : vector<1x1x512xf32> to vector<1x512xf32>
    %add3A_182 = vector.broadcast %get3A_181 : vector<1x512xf32> to vector<16x512xf32>
    %add3A_183 = arith.addf %dot_general3A_176, %add3A_182 : vector<16x512xf32>
    %get3A_184 = arith.constant 0 : index
    %get3A_185 = arith.constant 0 : index
    %get3A_186 = arith.constant 0 : index
    %get3A_187 = vector.load %arg3[%get3A_184, %get3A_185, %get3A_186] : memref<2x128x512xf32, #tpu.memory_space<vmem>>, vector<1x128x512xf32>
    %get3A_188 = vector.shape_cast %get3A_187 : vector<1x128x512xf32> to vector<128x512xf32>
    %dot_general3A_189 = arith.constant dense<0.000000e+00> : vector<16x512xf32>
    %dot_general3A_190 = tpu.matmul %mul3A_141, %get3A_188, %dot_general3A_189 {dimension_numbers = #tpu.dot_dimension_numbers<[1], [0], [0], [1], [0, 0, 1, 1], [], []>, transpose_lhs_hint = false} : vector<16x128xf32>, vector<128x512xf32>, vector<16x512xf32> -> vector<16x512xf32>
    %add3A_191 = arith.addf %add3A_183, %dot_general3A_190 : vector<16x512xf32>
    %get3A_192 = arith.constant 0 : index
    %get3A_193 = arith.constant 0 : index
    %get3A_194 = arith.constant 0 : index
    %get3A_195 = vector.load %arg5[%get3A_192, %get3A_193, %get3A_194] : memref<2x1x512xf32, #tpu.memory_space<vmem>>, vector<1x1x512xf32>
    %get3A_196 = vector.shape_cast %get3A_195 : vector<1x1x512xf32> to vector<1x512xf32>
    %add3A_197 = vector.broadcast %get3A_196 : vector<1x512xf32> to vector<16x512xf32>
    %add3A_198 = arith.addf %add3A_191, %add3A_197 : vector<16x512xf32>
    %slice3A_199 = vector.extract_strided_slice %add3A_198 {offsets = [0, 0], sizes = [16, 128], strides = [1, 1]} : vector<16x512xf32> to vector<16x128xf32>
    %logistic3A_200 = arith.negf %slice3A_199 : vector<16x128xf32>
    %logistic3A_201 = math.exp %logistic3A_200 : vector<16x128xf32>
    %logistic3A_202 = arith.constant 1.000000e+00 : f32
    %logistic3A_203 = vector.broadcast %logistic3A_202 : f32 to vector<16x128xf32>
    %logistic3A_204 = arith.addf %logistic3A_203, %logistic3A_201 : vector<16x128xf32>
    %logistic3A_205 = arith.divf %logistic3A_203, %logistic3A_204 : vector<16x128xf32>
    %slice3A_206 = vector.extract_strided_slice %add3A_198 {offsets = [0, 128], sizes = [16, 128], strides = [1, 1]} : vector<16x512xf32> to vector<16x128xf32>
    %logistic3A_207 = arith.negf %slice3A_206 : vector<16x128xf32>
    %logistic3A_208 = math.exp %logistic3A_207 : vector<16x128xf32>
    %logistic3A_209 = arith.constant 1.000000e+00 : f32
    %logistic3A_210 = vector.broadcast %logistic3A_209 : f32 to vector<16x128xf32>
    %logistic3A_211 = arith.addf %logistic3A_210, %logistic3A_208 : vector<16x128xf32>
    %logistic3A_212 = arith.divf %logistic3A_210, %logistic3A_211 : vector<16x128xf32>
    %slice3A_213 = vector.extract_strided_slice %add3A_198 {offsets = [0, 256], sizes = [16, 128], strides = [1, 1]} : vector<16x512xf32> to vector<16x128xf32>
    %tanh3A_214 = math.tanh %slice3A_213 : vector<16x128xf32>
    %slice3A_215 = vector.extract_strided_slice %add3A_198 {offsets = [0, 384], sizes = [16, 128], strides = [1, 1]} : vector<16x512xf32> to vector<16x128xf32>
    %logistic3A_216 = arith.negf %slice3A_215 : vector<16x128xf32>
    %logistic3A_217 = math.exp %logistic3A_216 : vector<16x128xf32>
    %logistic3A_218 = arith.constant 1.000000e+00 : f32
    %logistic3A_219 = vector.broadcast %logistic3A_218 : f32 to vector<16x128xf32>
    %logistic3A_220 = arith.addf %logistic3A_219, %logistic3A_217 : vector<16x128xf32>
    %logistic3A_221 = arith.divf %logistic3A_219, %logistic3A_220 : vector<16x128xf32>
    %mul3A_222 = arith.mulf %logistic3A_212, %add3A_139 : vector<16x128xf32>
    %mul3A_223 = arith.mulf %logistic3A_205, %tanh3A_214 : vector<16x128xf32>
    %add3A_224 = arith.addf %mul3A_222, %mul3A_223 : vector<16x128xf32>
    %tanh3A_225 = math.tanh %add3A_224 : vector<16x128xf32>
    %mul3A_226 = arith.mulf %logistic3A_221, %tanh3A_225 : vector<16x128xf32>
    %dot_general3A_227 = arith.constant dense<0.000000e+00> : vector<16x10000xf32>
    %dot_general3A_228 = tpu.matmul %mul3A_226, %get3A_3, %dot_general3A_227 {dimension_numbers = #tpu.dot_dimension_numbers<[1], [1], [0], [0], [0, 0, 1, 0], [], []>, transpose_lhs_hint = false} : vector<16x128xf32>, vector<10000x128xf32>, vector<16x10000xf32> -> vector<16x10000xf32>
    %jit3A_229 = arith.constant 0xFF800000 : f32
    %broadcast_in_dim3A_230 = vector.broadcast %jit3A_229 : f32 to vector<16x10000xf32>
    %select_n3A_231 = arith.select %eq3A_9, %dot_general3A_228, %broadcast_in_dim3A_230 : vector<16x10000xi1>, vector<16x10000xf32>
    %reduce_max3A_232 = arith.constant dense<0xFF800000> : vector<16xf32>
    %reduce_max3A_233 = vector.multi_reduction <maximumf>, %select_n3A_231, %reduce_max3A_232 [1] : vector<16x10000xf32> to vector<16xf32>
    %broadcast_in_dim3A_234 = vector.shape_cast %reduce_max3A_233 : vector<16xf32> to vector<16x1xf32>
    %is_finite3A_235 = tpu.weird %broadcast_in_dim3A_234 : vector<16x1xf32> -> vector<16x1xi1>
    %is_finite3A_236 = arith.constant dense<true> : vector<16x1xi1>
    %is_finite3A_237 = arith.xori %is_finite3A_235, %is_finite3A_236 : vector<16x1xi1>
    %jit3A_238 = arith.constant 0.000000e+00 : f32
    %broadcast_in_dim3A_239 = vector.broadcast %jit3A_238 : f32 to vector<16x1xf32>
    %select_n3A_240 = arith.select %is_finite3A_237, %broadcast_in_dim3A_234, %broadcast_in_dim3A_239 : vector<16x1xi1>, vector<16x1xf32>
    %sub3A_241 = vector.broadcast %select_n3A_240 : vector<16x1xf32> to vector<16x10000xf32>
    %sub3A_242 = arith.subf %select_n3A_231, %sub3A_241 : vector<16x10000xf32>
    %exp3A_243 = math.exp %sub3A_242 : vector<16x10000xf32>
    %reduce_sum3A_244 = arith.constant dense<0.000000e+00> : vector<16xf32>
    %reduce_sum3A_245 = vector.multi_reduction <add>, %exp3A_243, %reduce_sum3A_244 [1] : vector<16x10000xf32> to vector<16xf32>
    %broadcast_in_dim3A_246 = vector.shape_cast %reduce_sum3A_245 : vector<16xf32> to vector<16x1xf32>
    %add3A_247 = arith.constant 1.000000e-16 : f32
    %add3A_248 = vector.broadcast %add3A_247 : f32 to vector<16x1xf32>
    %add3A_249 = arith.addf %broadcast_in_dim3A_246, %add3A_248 : vector<16x1xf32>
    %div3A_250 = vector.broadcast %add3A_249 : vector<16x1xf32> to vector<16x10000xf32>
    %div3A_251 = arith.divf %exp3A_243, %div3A_250 : vector<16x10000xf32>
    %dot_general3A_252 = arith.constant dense<0.000000e+00> : vector<16x128xf32>
    %dot_general3A_253 = tpu.matmul %div3A_251, %get3A_3, %dot_general3A_252 {dimension_numbers = #tpu.dot_dimension_numbers<[1], [0], [0], [1], [0, 0, 1, 1], [], []>, transpose_lhs_hint = false} : vector<16x10000xf32>, vector<10000x128xf32>, vector<16x128xf32> -> vector<16x128xf32>
    %concatenate3A_254 = tpu.concatenate %mul3A_226, %dot_general3A_253 in 1 : vector<16x128xf32>, vector<16x128xf32> -> vector<16x256xf32>
    %get3A_255 = arith.constant 1 : index
    %get3A_256 = arith.constant 0 : index
    %get3A_257 = arith.constant 0 : index
    %get3A_258 = vector.load %arg0[%get3A_255, %get3A_256, %get3A_257] : memref<2x10000x128xf32, #tpu.memory_space<vmem>>, vector<1x10000x128xf32>
    %get3A_259 = vector.shape_cast %get3A_258 : vector<1x10000x128xf32> to vector<10000x128xf32>
    %get3A_260 = arith.constant 1 : index
    %get3A_261 = arith.constant 0 : index
    %get3A_262 = arith.constant 0 : index
    %get3A_263 = vector.load %arg1[%get3A_260, %get3A_261, %get3A_262] : memref<2x1x10000xi32, #tpu.memory_space<vmem>>, vector<1x1x10000xi32>
    %get3A_264 = vector.shape_cast %get3A_263 : vector<1x1x10000xi32> to vector<1x10000xi32>
    %iota3A_265 = tpu.iota {dimensions = array<i32: 0>} : vector<16x10000xi32>
    %eq3A_266 = vector.broadcast %get3A_264 : vector<1x10000xi32> to vector<16x10000xi32>
    %eq3A_267 = arith.cmpi eq, %eq3A_266, %iota3A_265 : vector<16x10000xi32>
    %broadcast_in_dim3A_268 = arith.constant 0.000000e+00 : f32
    %broadcast_in_dim3A_269 = vector.broadcast %broadcast_in_dim3A_268 : f32 to vector<16x128xf32>
    %broadcast_in_dim3A_270 = arith.constant 0.000000e+00 : f32
    %broadcast_in_dim3A_271 = vector.broadcast %broadcast_in_dim3A_270 : f32 to vector<16x128xf32>
    %broadcast_in_dim3A_272 = arith.constant 0.000000e+00 : f32
    %broadcast_in_dim3A_273 = vector.broadcast %broadcast_in_dim3A_272 : f32 to vector<16x256xf32>
    %get3A_274 = arith.constant 1 : index
    %get3A_275 = arith.constant 0 : index
    %get3A_276 = arith.constant 0 : index
    %get3A_277 = vector.load %arg2[%get3A_274, %get3A_275, %get3A_276] : memref<2x256x512xf32, #tpu.memory_space<vmem>>, vector<1x256x512xf32>
    %get3A_278 = vector.shape_cast %get3A_277 : vector<1x256x512xf32> to vector<256x512xf32>
    %dot_general3A_279 = arith.constant dense<0.000000e+00> : vector<16x512xf32>
    %dot_general3A_280 = tpu.matmul %broadcast_in_dim3A_273, %get3A_278, %dot_general3A_279 {dimension_numbers = #tpu.dot_dimension_numbers<[1], [0], [0], [1], [0, 0, 1, 1], [], []>, transpose_lhs_hint = false} : vector<16x256xf32>, vector<256x512xf32>, vector<16x512xf32> -> vector<16x512xf32>
    %get3A_281 = arith.constant 1 : index
    %get3A_282 = arith.constant 0 : index
    %get3A_283 = arith.constant 0 : index
    %get3A_284 = vector.load %arg4[%get3A_281, %get3A_282, %get3A_283] : memref<2x1x512xf32, #tpu.memory_space<vmem>>, vector<1x1x512xf32>
    %get3A_285 = vector.shape_cast %get3A_284 : vector<1x1x512xf32> to vector<1x512xf32>
    %add3A_286 = vector.broadcast %get3A_285 : vector<1x512xf32> to vector<16x512xf32>
    %add3A_287 = arith.addf %dot_general3A_280, %add3A_286 : vector<16x512xf32>
    %get3A_288 = arith.constant 1 : index
    %get3A_289 = arith.constant 0 : index
    %get3A_290 = arith.constant 0 : index
    %get3A_291 = vector.load %arg3[%get3A_288, %get3A_289, %get3A_290] : memref<2x128x512xf32, #tpu.memory_space<vmem>>, vector<1x128x512xf32>
    %get3A_292 = vector.shape_cast %get3A_291 : vector<1x128x512xf32> to vector<128x512xf32>
    %dot_general3A_293 = arith.constant dense<0.000000e+00> : vector<16x512xf32>
    %dot_general3A_294 = tpu.matmul %broadcast_in_dim3A_269, %get3A_292, %dot_general3A_293 {dimension_numbers = #tpu.dot_dimension_numbers<[1], [0], [0], [1], [0, 0, 1, 1], [], []>, transpose_lhs_hint = false} : vector<16x128xf32>, vector<128x512xf32>, vector<16x512xf32> -> vector<16x512xf32>
    %add3A_295 = arith.addf %add3A_287, %dot_general3A_294 : vector<16x512xf32>
    %get3A_296 = arith.constant 1 : index
    %get3A_297 = arith.constant 0 : index
    %get3A_298 = arith.constant 0 : index
    %get3A_299 = vector.load %arg5[%get3A_296, %get3A_297, %get3A_298] : memref<2x1x512xf32, #tpu.memory_space<vmem>>, vector<1x1x512xf32>
    %get3A_300 = vector.shape_cast %get3A_299 : vector<1x1x512xf32> to vector<1x512xf32>
    %add3A_301 = vector.broadcast %get3A_300 : vector<1x512xf32> to vector<16x512xf32>
    %add3A_302 = arith.addf %add3A_295, %add3A_301 : vector<16x512xf32>
    %slice3A_303 = vector.extract_strided_slice %add3A_302 {offsets = [0, 0], sizes = [16, 128], strides = [1, 1]} : vector<16x512xf32> to vector<16x128xf32>
    %logistic3A_304 = arith.negf %slice3A_303 : vector<16x128xf32>
    %logistic3A_305 = math.exp %logistic3A_304 : vector<16x128xf32>
    %logistic3A_306 = arith.constant 1.000000e+00 : f32
    %logistic3A_307 = vector.broadcast %logistic3A_306 : f32 to vector<16x128xf32>
    %logistic3A_308 = arith.addf %logistic3A_307, %logistic3A_305 : vector<16x128xf32>
    %logistic3A_309 = arith.divf %logistic3A_307, %logistic3A_308 : vector<16x128xf32>
    %slice3A_310 = vector.extract_strided_slice %add3A_302 {offsets = [0, 128], sizes = [16, 128], strides = [1, 1]} : vector<16x512xf32> to vector<16x128xf32>
    %logistic3A_311 = arith.negf %slice3A_310 : vector<16x128xf32>
    %logistic3A_312 = math.exp %logistic3A_311 : vector<16x128xf32>
    %logistic3A_313 = arith.constant 1.000000e+00 : f32
    %logistic3A_314 = vector.broadcast %logistic3A_313 : f32 to vector<16x128xf32>
    %logistic3A_315 = arith.addf %logistic3A_314, %logistic3A_312 : vector<16x128xf32>
    %logistic3A_316 = arith.divf %logistic3A_314, %logistic3A_315 : vector<16x128xf32>
    %slice3A_317 = vector.extract_strided_slice %add3A_302 {offsets = [0, 256], sizes = [16, 128], strides = [1, 1]} : vector<16x512xf32> to vector<16x128xf32>
    %tanh3A_318 = math.tanh %slice3A_317 : vector<16x128xf32>
    %slice3A_319 = vector.extract_strided_slice %add3A_302 {offsets = [0, 384], sizes = [16, 128], strides = [1, 1]} : vector<16x512xf32> to vector<16x128xf32>
    %logistic3A_320 = arith.negf %slice3A_319 : vector<16x128xf32>
    %logistic3A_321 = math.exp %logistic3A_320 : vector<16x128xf32>
    %logistic3A_322 = arith.constant 1.000000e+00 : f32
    %logistic3A_323 = vector.broadcast %logistic3A_322 : f32 to vector<16x128xf32>
    %logistic3A_324 = arith.addf %logistic3A_323, %logistic3A_321 : vector<16x128xf32>
    %logistic3A_325 = arith.divf %logistic3A_323, %logistic3A_324 : vector<16x128xf32>
    %mul3A_326 = arith.mulf %logistic3A_316, %broadcast_in_dim3A_271 : vector<16x128xf32>
    %mul3A_327 = arith.mulf %logistic3A_309, %tanh3A_318 : vector<16x128xf32>
    %add3A_328 = arith.addf %mul3A_326, %mul3A_327 : vector<16x128xf32>
    %tanh3A_329 = math.tanh %add3A_328 : vector<16x128xf32>
    %mul3A_330 = arith.mulf %logistic3A_325, %tanh3A_329 : vector<16x128xf32>
    %dot_general3A_331 = arith.constant dense<0.000000e+00> : vector<16x10000xf32>
    %dot_general3A_332 = tpu.matmul %mul3A_330, %get3A_259, %dot_general3A_331 {dimension_numbers = #tpu.dot_dimension_numbers<[1], [1], [0], [0], [0, 0, 1, 0], [], []>, transpose_lhs_hint = false} : vector<16x128xf32>, vector<10000x128xf32>, vector<16x10000xf32> -> vector<16x10000xf32>
    %jit3A_333 = arith.constant 0xFF800000 : f32
    %broadcast_in_dim3A_334 = vector.broadcast %jit3A_333 : f32 to vector<16x10000xf32>
    %select_n3A_335 = arith.select %eq3A_267, %dot_general3A_332, %broadcast_in_dim3A_334 : vector<16x10000xi1>, vector<16x10000xf32>
    %reduce_max3A_336 = arith.constant dense<0xFF800000> : vector<16xf32>
    %reduce_max3A_337 = vector.multi_reduction <maximumf>, %select_n3A_335, %reduce_max3A_336 [1] : vector<16x10000xf32> to vector<16xf32>
    %broadcast_in_dim3A_338 = vector.shape_cast %reduce_max3A_337 : vector<16xf32> to vector<16x1xf32>
    %is_finite3A_339 = tpu.weird %broadcast_in_dim3A_338 : vector<16x1xf32> -> vector<16x1xi1>
    %is_finite3A_340 = arith.constant dense<true> : vector<16x1xi1>
    %is_finite3A_341 = arith.xori %is_finite3A_339, %is_finite3A_340 : vector<16x1xi1>
    %jit3A_342 = arith.constant 0.000000e+00 : f32
    %broadcast_in_dim3A_343 = vector.broadcast %jit3A_342 : f32 to vector<16x1xf32>
    %select_n3A_344 = arith.select %is_finite3A_341, %broadcast_in_dim3A_338, %broadcast_in_dim3A_343 : vector<16x1xi1>, vector<16x1xf32>
    %sub3A_345 = vector.broadcast %select_n3A_344 : vector<16x1xf32> to vector<16x10000xf32>
    %sub3A_346 = arith.subf %select_n3A_335, %sub3A_345 : vector<16x10000xf32>
    %exp3A_347 = math.exp %sub3A_346 : vector<16x10000xf32>
    %reduce_sum3A_348 = arith.constant dense<0.000000e+00> : vector<16xf32>
    %reduce_sum3A_349 = vector.multi_reduction <add>, %exp3A_347, %reduce_sum3A_348 [1] : vector<16x10000xf32> to vector<16xf32>
    %broadcast_in_dim3A_350 = vector.shape_cast %reduce_sum3A_349 : vector<16xf32> to vector<16x1xf32>
    %add3A_351 = arith.constant 1.000000e-16 : f32
    %add3A_352 = vector.broadcast %add3A_351 : f32 to vector<16x1xf32>
    %add3A_353 = arith.addf %broadcast_in_dim3A_350, %add3A_352 : vector<16x1xf32>
    %div3A_354 = vector.broadcast %add3A_353 : vector<16x1xf32> to vector<16x10000xf32>
    %div3A_355 = arith.divf %exp3A_347, %div3A_354 : vector<16x10000xf32>
    %dot_general3A_356 = arith.constant dense<0.000000e+00> : vector<16x128xf32>
    %dot_general3A_357 = tpu.matmul %div3A_355, %get3A_259, %dot_general3A_356 {dimension_numbers = #tpu.dot_dimension_numbers<[1], [0], [0], [1], [0, 0, 1, 1], [], []>, transpose_lhs_hint = false} : vector<16x10000xf32>, vector<10000x128xf32>, vector<16x128xf32> -> vector<16x128xf32>
    %concatenate3A_358 = tpu.concatenate %mul3A_330, %dot_general3A_357 in 1 : vector<16x128xf32>, vector<16x128xf32> -> vector<16x256xf32>
    %get3A_359 = arith.constant 1 : index
    %get3A_360 = arith.constant 0 : index
    %get3A_361 = arith.constant 0 : index
    %get3A_362 = vector.load %arg2[%get3A_359, %get3A_360, %get3A_361] : memref<2x256x512xf32, #tpu.memory_space<vmem>>, vector<1x256x512xf32>
    %get3A_363 = vector.shape_cast %get3A_362 : vector<1x256x512xf32> to vector<256x512xf32>
    %dot_general3A_364 = arith.constant dense<0.000000e+00> : vector<16x512xf32>
    %dot_general3A_365 = tpu.matmul %concatenate3A_358, %get3A_363, %dot_general3A_364 {dimension_numbers = #tpu.dot_dimension_numbers<[1], [0], [0], [1], [0, 0, 1, 1], [], []>, transpose_lhs_hint = false} : vector<16x256xf32>, vector<256x512xf32>, vector<16x512xf32> -> vector<16x512xf32>
    %get3A_366 = arith.constant 1 : index
    %get3A_367 = arith.constant 0 : index
    %get3A_368 = arith.constant 0 : index
    %get3A_369 = vector.load %arg4[%get3A_366, %get3A_367, %get3A_368] : memref<2x1x512xf32, #tpu.memory_space<vmem>>, vector<1x1x512xf32>
    %get3A_370 = vector.shape_cast %get3A_369 : vector<1x1x512xf32> to vector<1x512xf32>
    %add3A_371 = vector.broadcast %get3A_370 : vector<1x512xf32> to vector<16x512xf32>
    %add3A_372 = arith.addf %dot_general3A_365, %add3A_371 : vector<16x512xf32>
    %get3A_373 = arith.constant 1 : index
    %get3A_374 = arith.constant 0 : index
    %get3A_375 = arith.constant 0 : index
    %get3A_376 = vector.load %arg3[%get3A_373, %get3A_374, %get3A_375] : memref<2x128x512xf32, #tpu.memory_space<vmem>>, vector<1x128x512xf32>
    %get3A_377 = vector.shape_cast %get3A_376 : vector<1x128x512xf32> to vector<128x512xf32>
    %dot_general3A_378 = arith.constant dense<0.000000e+00> : vector<16x512xf32>
    %dot_general3A_379 = tpu.matmul %mul3A_330, %get3A_377, %dot_general3A_378 {dimension_numbers = #tpu.dot_dimension_numbers<[1], [0], [0], [1], [0, 0, 1, 1], [], []>, transpose_lhs_hint = false} : vector<16x128xf32>, vector<128x512xf32>, vector<16x512xf32> -> vector<16x512xf32>
    %add3A_380 = arith.addf %add3A_372, %dot_general3A_379 : vector<16x512xf32>
    %get3A_381 = arith.constant 1 : index
    %get3A_382 = arith.constant 0 : index
    %get3A_383 = arith.constant 0 : index
    %get3A_384 = vector.load %arg5[%get3A_381, %get3A_382, %get3A_383] : memref<2x1x512xf32, #tpu.memory_space<vmem>>, vector<1x1x512xf32>
    %get3A_385 = vector.shape_cast %get3A_384 : vector<1x1x512xf32> to vector<1x512xf32>
    %add3A_386 = vector.broadcast %get3A_385 : vector<1x512xf32> to vector<16x512xf32>
    %add3A_387 = arith.addf %add3A_380, %add3A_386 : vector<16x512xf32>
    %slice3A_388 = vector.extract_strided_slice %add3A_387 {offsets = [0, 0], sizes = [16, 128], strides = [1, 1]} : vector<16x512xf32> to vector<16x128xf32>
    %logistic3A_389 = arith.negf %slice3A_388 : vector<16x128xf32>
    %logistic3A_390 = math.exp %logistic3A_389 : vector<16x128xf32>
    %logistic3A_391 = arith.constant 1.000000e+00 : f32
    %logistic3A_392 = vector.broadcast %logistic3A_391 : f32 to vector<16x128xf32>
    %logistic3A_393 = arith.addf %logistic3A_392, %logistic3A_390 : vector<16x128xf32>
    %logistic3A_394 = arith.divf %logistic3A_392, %logistic3A_393 : vector<16x128xf32>
    %slice3A_395 = vector.extract_strided_slice %add3A_387 {offsets = [0, 128], sizes = [16, 128], strides = [1, 1]} : vector<16x512xf32> to vector<16x128xf32>
    %logistic3A_396 = arith.negf %slice3A_395 : vector<16x128xf32>
    %logistic3A_397 = math.exp %logistic3A_396 : vector<16x128xf32>
    %logistic3A_398 = arith.constant 1.000000e+00 : f32
    %logistic3A_399 = vector.broadcast %logistic3A_398 : f32 to vector<16x128xf32>
    %logistic3A_400 = arith.addf %logistic3A_399, %logistic3A_397 : vector<16x128xf32>
    %logistic3A_401 = arith.divf %logistic3A_399, %logistic3A_400 : vector<16x128xf32>
    %slice3A_402 = vector.extract_strided_slice %add3A_387 {offsets = [0, 256], sizes = [16, 128], strides = [1, 1]} : vector<16x512xf32> to vector<16x128xf32>
    %tanh3A_403 = math.tanh %slice3A_402 : vector<16x128xf32>
    %slice3A_404 = vector.extract_strided_slice %add3A_387 {offsets = [0, 384], sizes = [16, 128], strides = [1, 1]} : vector<16x512xf32> to vector<16x128xf32>
    %logistic3A_405 = arith.negf %slice3A_404 : vector<16x128xf32>
    %logistic3A_406 = math.exp %logistic3A_405 : vector<16x128xf32>
    %logistic3A_407 = arith.constant 1.000000e+00 : f32
    %logistic3A_408 = vector.broadcast %logistic3A_407 : f32 to vector<16x128xf32>
    %logistic3A_409 = arith.addf %logistic3A_408, %logistic3A_406 : vector<16x128xf32>
    %logistic3A_410 = arith.divf %logistic3A_408, %logistic3A_409 : vector<16x128xf32>
    %mul3A_411 = arith.mulf %logistic3A_401, %add3A_328 : vector<16x128xf32>
    %mul3A_412 = arith.mulf %logistic3A_394, %tanh3A_403 : vector<16x128xf32>
    %add3A_413 = arith.addf %mul3A_411, %mul3A_412 : vector<16x128xf32>
    %tanh3A_414 = math.tanh %add3A_413 : vector<16x128xf32>
    %mul3A_415 = arith.mulf %logistic3A_410, %tanh3A_414 : vector<16x128xf32>
    %dot_general3A_416 = arith.constant dense<0.000000e+00> : vector<16x10000xf32>
    %dot_general3A_417 = tpu.matmul %mul3A_415, %get3A_259, %dot_general3A_416 {dimension_numbers = #tpu.dot_dimension_numbers<[1], [1], [0], [0], [0, 0, 1, 0], [], []>, transpose_lhs_hint = false} : vector<16x128xf32>, vector<10000x128xf32>, vector<16x10000xf32> -> vector<16x10000xf32>
    %jit3A_418 = arith.constant 0xFF800000 : f32
    %broadcast_in_dim3A_419 = vector.broadcast %jit3A_418 : f32 to vector<16x10000xf32>
    %select_n3A_420 = arith.select %eq3A_267, %dot_general3A_417, %broadcast_in_dim3A_419 : vector<16x10000xi1>, vector<16x10000xf32>
    %reduce_max3A_421 = arith.constant dense<0xFF800000> : vector<16xf32>
    %reduce_max3A_422 = vector.multi_reduction <maximumf>, %select_n3A_420, %reduce_max3A_421 [1] : vector<16x10000xf32> to vector<16xf32>
    %broadcast_in_dim3A_423 = vector.shape_cast %reduce_max3A_422 : vector<16xf32> to vector<16x1xf32>
    %is_finite3A_424 = tpu.weird %broadcast_in_dim3A_423 : vector<16x1xf32> -> vector<16x1xi1>
    %is_finite3A_425 = arith.constant dense<true> : vector<16x1xi1>
    %is_finite3A_426 = arith.xori %is_finite3A_424, %is_finite3A_425 : vector<16x1xi1>
    %jit3A_427 = arith.constant 0.000000e+00 : f32
    %broadcast_in_dim3A_428 = vector.broadcast %jit3A_427 : f32 to vector<16x1xf32>
    %select_n3A_429 = arith.select %is_finite3A_426, %broadcast_in_dim3A_423, %broadcast_in_dim3A_428 : vector<16x1xi1>, vector<16x1xf32>
    %sub3A_430 = vector.broadcast %select_n3A_429 : vector<16x1xf32> to vector<16x10000xf32>
    %sub3A_431 = arith.subf %select_n3A_420, %sub3A_430 : vector<16x10000xf32>
    %exp3A_432 = math.exp %sub3A_431 : vector<16x10000xf32>
    %reduce_sum3A_433 = arith.constant dense<0.000000e+00> : vector<16xf32>
    %reduce_sum3A_434 = vector.multi_reduction <add>, %exp3A_432, %reduce_sum3A_433 [1] : vector<16x10000xf32> to vector<16xf32>
    %broadcast_in_dim3A_435 = vector.shape_cast %reduce_sum3A_434 : vector<16xf32> to vector<16x1xf32>
    %add3A_436 = arith.constant 1.000000e-16 : f32
    %add3A_437 = vector.broadcast %add3A_436 : f32 to vector<16x1xf32>
    %add3A_438 = arith.addf %broadcast_in_dim3A_435, %add3A_437 : vector<16x1xf32>
    %div3A_439 = vector.broadcast %add3A_438 : vector<16x1xf32> to vector<16x10000xf32>
    %div3A_440 = arith.divf %exp3A_432, %div3A_439 : vector<16x10000xf32>
    %dot_general3A_441 = arith.constant dense<0.000000e+00> : vector<16x128xf32>
    %dot_general3A_442 = tpu.matmul %div3A_440, %get3A_259, %dot_general3A_441 {dimension_numbers = #tpu.dot_dimension_numbers<[1], [0], [0], [1], [0, 0, 1, 1], [], []>, transpose_lhs_hint = false} : vector<16x10000xf32>, vector<10000x128xf32>, vector<16x128xf32> -> vector<16x128xf32>
    %concatenate3A_443 = tpu.concatenate %mul3A_415, %dot_general3A_442 in 1 : vector<16x128xf32>, vector<16x128xf32> -> vector<16x256xf32>
    %get3A_444 = arith.constant 1 : index
    %get3A_445 = arith.constant 0 : index
    %get3A_446 = arith.constant 0 : index
    %get3A_447 = vector.load %arg2[%get3A_444, %get3A_445, %get3A_446] : memref<2x256x512xf32, #tpu.memory_space<vmem>>, vector<1x256x512xf32>
    %get3A_448 = vector.shape_cast %get3A_447 : vector<1x256x512xf32> to vector<256x512xf32>
    %dot_general3A_449 = arith.constant dense<0.000000e+00> : vector<16x512xf32>
    %dot_general3A_450 = tpu.matmul %concatenate3A_443, %get3A_448, %dot_general3A_449 {dimension_numbers = #tpu.dot_dimension_numbers<[1], [0], [0], [1], [0, 0, 1, 1], [], []>, transpose_lhs_hint = false} : vector<16x256xf32>, vector<256x512xf32>, vector<16x512xf32> -> vector<16x512xf32>
    %get3A_451 = arith.constant 1 : index
    %get3A_452 = arith.constant 0 : index
    %get3A_453 = arith.constant 0 : index
    %get3A_454 = vector.load %arg4[%get3A_451, %get3A_452, %get3A_453] : memref<2x1x512xf32, #tpu.memory_space<vmem>>, vector<1x1x512xf32>
    %get3A_455 = vector.shape_cast %get3A_454 : vector<1x1x512xf32> to vector<1x512xf32>
    %add3A_456 = vector.broadcast %get3A_455 : vector<1x512xf32> to vector<16x512xf32>
    %add3A_457 = arith.addf %dot_general3A_450, %add3A_456 : vector<16x512xf32>
    %get3A_458 = arith.constant 1 : index
    %get3A_459 = arith.constant 0 : index
    %get3A_460 = arith.constant 0 : index
    %get3A_461 = vector.load %arg3[%get3A_458, %get3A_459, %get3A_460] : memref<2x128x512xf32, #tpu.memory_space<vmem>>, vector<1x128x512xf32>
    %get3A_462 = vector.shape_cast %get3A_461 : vector<1x128x512xf32> to vector<128x512xf32>
    %dot_general3A_463 = arith.constant dense<0.000000e+00> : vector<16x512xf32>
    %dot_general3A_464 = tpu.matmul %mul3A_415, %get3A_462, %dot_general3A_463 {dimension_numbers = #tpu.dot_dimension_numbers<[1], [0], [0], [1], [0, 0, 1, 1], [], []>, transpose_lhs_hint = false} : vector<16x128xf32>, vector<128x512xf32>, vector<16x512xf32> -> vector<16x512xf32>
    %add3A_465 = arith.addf %add3A_457, %dot_general3A_464 : vector<16x512xf32>
    %get3A_466 = arith.constant 1 : index
    %get3A_467 = arith.constant 0 : index
    %get3A_468 = arith.constant 0 : index
    %get3A_469 = vector.load %arg5[%get3A_466, %get3A_467, %get3A_468] : memref<2x1x512xf32, #tpu.memory_space<vmem>>, vector<1x1x512xf32>
    %get3A_470 = vector.shape_cast %get3A_469 : vector<1x1x512xf32> to vector<1x512xf32>
    %add3A_471 = vector.broadcast %get3A_470 : vector<1x512xf32> to vector<16x512xf32>
    %add3A_472 = arith.addf %add3A_465, %add3A_471 : vector<16x512xf32>
    %slice3A_473 = vector.extract_strided_slice %add3A_472 {offsets = [0, 0], sizes = [16, 128], strides = [1, 1]} : vector<16x512xf32> to vector<16x128xf32>
    %logistic3A_474 = arith.negf %slice3A_473 : vector<16x128xf32>
    %logistic3A_475 = math.exp %logistic3A_474 : vector<16x128xf32>
    %logistic3A_476 = arith.constant 1.000000e+00 : f32
    %logistic3A_477 = vector.broadcast %logistic3A_476 : f32 to vector<16x128xf32>
    %logistic3A_478 = arith.addf %logistic3A_477, %logistic3A_475 : vector<16x128xf32>
    %logistic3A_479 = arith.divf %logistic3A_477, %logistic3A_478 : vector<16x128xf32>
    %slice3A_480 = vector.extract_strided_slice %add3A_472 {offsets = [0, 128], sizes = [16, 128], strides = [1, 1]} : vector<16x512xf32> to vector<16x128xf32>
    %logistic3A_481 = arith.negf %slice3A_480 : vector<16x128xf32>
    %logistic3A_482 = math.exp %logistic3A_481 : vector<16x128xf32>
    %logistic3A_483 = arith.constant 1.000000e+00 : f32
    %logistic3A_484 = vector.broadcast %logistic3A_483 : f32 to vector<16x128xf32>
    %logistic3A_485 = arith.addf %logistic3A_484, %logistic3A_482 : vector<16x128xf32>
    %logistic3A_486 = arith.divf %logistic3A_484, %logistic3A_485 : vector<16x128xf32>
    %slice3A_487 = vector.extract_strided_slice %add3A_472 {offsets = [0, 256], sizes = [16, 128], strides = [1, 1]} : vector<16x512xf32> to vector<16x128xf32>
    %tanh3A_488 = math.tanh %slice3A_487 : vector<16x128xf32>
    %slice3A_489 = vector.extract_strided_slice %add3A_472 {offsets = [0, 384], sizes = [16, 128], strides = [1, 1]} : vector<16x512xf32> to vector<16x128xf32>
    %logistic3A_490 = arith.negf %slice3A_489 : vector<16x128xf32>
    %logistic3A_491 = math.exp %logistic3A_490 : vector<16x128xf32>
    %logistic3A_492 = arith.constant 1.000000e+00 : f32
    %logistic3A_493 = vector.broadcast %logistic3A_492 : f32 to vector<16x128xf32>
    %logistic3A_494 = arith.addf %logistic3A_493, %logistic3A_491 : vector<16x128xf32>
    %logistic3A_495 = arith.divf %logistic3A_493, %logistic3A_494 : vector<16x128xf32>
    %mul3A_496 = arith.mulf %logistic3A_486, %add3A_413 : vector<16x128xf32>
    %mul3A_497 = arith.mulf %logistic3A_479, %tanh3A_488 : vector<16x128xf32>
    %add3A_498 = arith.addf %mul3A_496, %mul3A_497 : vector<16x128xf32>
    %tanh3A_499 = math.tanh %add3A_498 : vector<16x128xf32>
    %mul3A_500 = arith.mulf %logistic3A_495, %tanh3A_499 : vector<16x128xf32>
    %dot_general3A_501 = arith.constant dense<0.000000e+00> : vector<16x10000xf32>
    %dot_general3A_502 = tpu.matmul %mul3A_500, %get3A_259, %dot_general3A_501 {dimension_numbers = #tpu.dot_dimension_numbers<[1], [1], [0], [0], [0, 0, 1, 0], [], []>, transpose_lhs_hint = false} : vector<16x128xf32>, vector<10000x128xf32>, vector<16x10000xf32> -> vector<16x10000xf32>
    %jit3A_503 = arith.constant 0xFF800000 : f32
    %broadcast_in_dim3A_504 = vector.broadcast %jit3A_503 : f32 to vector<16x10000xf32>
    %select_n3A_505 = arith.select %eq3A_267, %dot_general3A_502, %broadcast_in_dim3A_504 : vector<16x10000xi1>, vector<16x10000xf32>
    %reduce_max3A_506 = arith.constant dense<0xFF800000> : vector<16xf32>
    %reduce_max3A_507 = vector.multi_reduction <maximumf>, %select_n3A_505, %reduce_max3A_506 [1] : vector<16x10000xf32> to vector<16xf32>
    %broadcast_in_dim3A_508 = vector.shape_cast %reduce_max3A_507 : vector<16xf32> to vector<16x1xf32>
    %is_finite3A_509 = tpu.weird %broadcast_in_dim3A_508 : vector<16x1xf32> -> vector<16x1xi1>
    %is_finite3A_510 = arith.constant dense<true> : vector<16x1xi1>
    %is_finite3A_511 = arith.xori %is_finite3A_509, %is_finite3A_510 : vector<16x1xi1>
    %jit3A_512 = arith.constant 0.000000e+00 : f32
    %broadcast_in_dim3A_513 = vector.broadcast %jit3A_512 : f32 to vector<16x1xf32>
    %select_n3A_514 = arith.select %is_finite3A_511, %broadcast_in_dim3A_508, %broadcast_in_dim3A_513 : vector<16x1xi1>, vector<16x1xf32>
    %sub3A_515 = vector.broadcast %select_n3A_514 : vector<16x1xf32> to vector<16x10000xf32>
    %sub3A_516 = arith.subf %select_n3A_505, %sub3A_515 : vector<16x10000xf32>
    %exp3A_517 = math.exp %sub3A_516 : vector<16x10000xf32>
    %reduce_sum3A_518 = arith.constant dense<0.000000e+00> : vector<16xf32>
    %reduce_sum3A_519 = vector.multi_reduction <add>, %exp3A_517, %reduce_sum3A_518 [1] : vector<16x10000xf32> to vector<16xf32>
    %broadcast_in_dim3A_520 = vector.shape_cast %reduce_sum3A_519 : vector<16xf32> to vector<16x1xf32>
    %add3A_521 = arith.constant 1.000000e-16 : f32
    %add3A_522 = vector.broadcast %add3A_521 : f32 to vector<16x1xf32>
    %add3A_523 = arith.addf %broadcast_in_dim3A_520, %add3A_522 : vector<16x1xf32>
    %div3A_524 = vector.broadcast %add3A_523 : vector<16x1xf32> to vector<16x10000xf32>
    %div3A_525 = arith.divf %exp3A_517, %div3A_524 : vector<16x10000xf32>
    %dot_general3A_526 = arith.constant dense<0.000000e+00> : vector<16x128xf32>
    %dot_general3A_527 = tpu.matmul %div3A_525, %get3A_259, %dot_general3A_526 {dimension_numbers = #tpu.dot_dimension_numbers<[1], [0], [0], [1], [0, 0, 1, 1], [], []>, transpose_lhs_hint = false} : vector<16x10000xf32>, vector<10000x128xf32>, vector<16x128xf32> -> vector<16x128xf32>
    %concatenate3A_528 = tpu.concatenate %mul3A_500, %dot_general3A_527 in 1 : vector<16x128xf32>, vector<16x128xf32> -> vector<16x256xf32>
    %concatenate3A_529 = tpu.concatenate %concatenate3A_254, %concatenate3A_528 in 1 : vector<16x256xf32>, vector<16x256xf32> -> vector<16x512xf32>
    %get3A_530 = arith.constant 0 : index
    %get3A_531 = arith.constant 0 : index
    %get3A_532 = vector.load %arg6[%get3A_530, %get3A_531] : memref<512x128xf32, #tpu.memory_space<vmem>>, vector<512x128xf32>
    %dot_general3A_533 = arith.constant dense<0.000000e+00> : vector<16x128xf32>
    %dot_general3A_534 = tpu.matmul %concatenate3A_529, %get3A_532, %dot_general3A_533 {dimension_numbers = #tpu.dot_dimension_numbers<[1], [0], [0], [1], [0, 0, 1, 1], [], []>, transpose_lhs_hint = false} : vector<16x512xf32>, vector<512x128xf32>, vector<16x128xf32> -> vector<16x128xf32>
    %get3A_535 = arith.constant 0 : index
    %get3A_536 = arith.constant 0 : index
    %get3A_537 = vector.load %arg7[%get3A_535, %get3A_536] : memref<1x128xf32, #tpu.memory_space<vmem>>, vector<1x128xf32>
    %add3A_538 = vector.broadcast %get3A_537 : vector<1x128xf32> to vector<16x128xf32>
    %add3A_539 = arith.addf %dot_general3A_534, %add3A_538 : vector<16x128xf32>
    %max3A = arith.constant 0.000000e+00 : f32
    %max3A_540 = vector.broadcast %max3A : f32 to vector<16x128xf32>
    %max3A_541 = arith.maximumf %add3A_539, %max3A_540 : vector<16x128xf32>
    %get3A_542 = arith.constant 0 : index
    %get3A_543 = arith.constant 0 : index
    %get3A_544 = vector.load %arg8[%get3A_542, %get3A_543] : memref<128x1xf32, #tpu.memory_space<vmem>>, vector<128x1xf32>
    %dot_general3A_545 = arith.constant dense<0.000000e+00> : vector<16x1xf32>
    %dot_general3A_546 = tpu.matmul %max3A_541, %get3A_544, %dot_general3A_545 {dimension_numbers = #tpu.dot_dimension_numbers<[1], [0], [0], [1], [0, 0, 1, 1], [], []>, transpose_lhs_hint = false} : vector<16x128xf32>, vector<128x1xf32>, vector<16x1xf32> -> vector<16x1xf32>
    %get3A_547 = arith.constant 0 : index
    %get3A_548 = arith.constant 0 : index
    %get3A_549 = vector.load %arg9[%get3A_547, %get3A_548] : memref<1x1xf32, #tpu.memory_space<vmem>>, vector<1x1xf32>
    %add3A_550 = vector.broadcast %get3A_549 : vector<1x1xf32> to vector<16x1xf32>
    %add3A_551 = arith.addf %dot_general3A_546, %add3A_550 : vector<16x1xf32>
    %swap3A = arith.constant 0 : index
    %swap3A_552 = arith.constant 0 : index
    %swap3A_553 = vector.load %arg10[%swap3A, %swap3A_552] : memref<16x1xf32, #tpu.memory_space<vmem>>, vector<16x1xf32>
    tpu.vector_store %arg10[%swap3A, %swap3A_552], %add3A_551 {strides = array<i32>} : memref<16x1xf32, #tpu.memory_space<vmem>>, vector<16x1xf32>,
    return
  }
}

</mosaic_0001>

<sc_bundles>
// kernel: kernel.11.cloned.1.call-start
scs
__scs_entry_jumppad:
0x0: {  	(pc) =	sbr.rel $0x88, $3  }
0x1: {  	(tag) =	ssettag $0x0;
	lr =	simm.s32 $0x1  }
0x2: {  	[smem:$0x3F7F] =	sst lr;
	_ =	strace $0xD0000000  }
0x3: {  	_ = 	snop  }
0x4: {  	_ = 	snop  }
0x5: {  	_ = 	snop  }
0x6: {  	_ = 	snop  }
0x7: {  	_ = 	snop  }
__scs_overlays_trampoline_lowered:
0x8: {  	[smem:$0x3F8E] =	sst s0  }
0x9: {  	[smem:$0x3F8F] =	sst s1  }
0xa: {  	[smem:$0x3F90] =	sst s2  }
0xb: {  	[smem:$0x3F91] =	sst s3  }
0xc: {  	[smem:$0x3F92] =	sst s4  }
0xd: {  	[smem:$0x3F93] =	sst s5  }
0xe: {  	[smem:$0x3F94] =	sst s6  }
0xf: {  	[smem:$0x3F95] =	sst s7  }
0x10: {  	[smem:$0x3F96] =	sst s8  }
0x11: {  	[smem:$0x3F97] =	sst s9;
	s0 =	simm.s32 @!p0 $0x0  }
0x12: {  	s1 =	sld [smem:$0x3F7D];
	s0 =	simm.s32 @p0 $0x1  }
0x13: {  	[smem:$0x3F98] =	sst s0;
	s0 =	simm.s32 @!p1 $0x0  }
0x14: {  	s2 =	sld [smem:$0x3F7C];
	s0 =	simm.s32 @p1 $0x1  }
0x15: {  	[smem:$0x3F99] =	sst s0;
	s0 =	simm.s32 @!p2 $0x0  }
0x16: {  	s3 =	sld [smem:$0x3FDB];
	s0 =	simm.s32 @p2 $0x1  }
0x17: {  	s4 =	simm.s32 $0x1BF5;
	[smem:$0x3F9B] =	sst s0  }
0x18: {  	s0 =	sld [smem:$0x3F7E];
	_ =	swait.ge [sflag:s4], $0x0  }
0x19: {  	s7 =	sld [smem:$0x3F7F]  }
0x1a: {  	s8 =	sadd.s32 $0xFFFFE003, lr  }
0x1b: {  	s9 =	sadd.s32 $0xFFFFFEF7, lr;
	s5 =	simm.s32 $0xFFFFFFFF;
	p2 =	slt.u32 s8, $0xFFFFF086  }
0x1c: {  	p1 =	slt.u32 s9, $0xF7A;
	s5 =	simm.s32 @!p2 $0x0  }
0x1d: {  	s5 =	simm.s32 @p1 $0x1;
	p0 =	seq.s32 s7, s2  }
0x1e: {  	s7 =	smul.u32 @!p0 $0xF7A, s2;
	p2 =	seq.s32 @!p0 s5, $0x0  }
0x1f: {  	s9 =	smul.u32 $0xF7A, s1;
	s8 =	simm.s32 @!p0 $0x1BF5;
	p2 =	por !p2, p0  }
0x20: {  	[sflag:s8] =	ssyncset.s32 @!p0 $0xFFFFF086;
	s6 =	sadd.s32 @!p0 s3, s7;
	s7 =	simm.s32 @!p0 $0x108  }
0x21: {  	s3 =	sadd.s32 s3, s9;
	s6 =	sadd.s32 @!p0 $0x88, s6;
	s7 =	simm.s32 @p2 $0x1082  }
0x22: {  	[simem:s7], [sflag:s8] =	dma.local @!p0 [hbm:s6], $0xF7A  }
0x23: {  	s9 =	sor.u32 $0xD0000000, s2;
	s6 =	simm.s32 $0x108;
	_ =	swait.ge @!p0 [sflag:s8], $0x0  }
0x24: {  	s3 =	sadd.s32 $0x88, s3;
	s6 =	simm.s32 @!p1 $0x1082;
	[sflag:s4] =	ssyncset.s32 $0xFFFFF086  }
0x25: {  	[simem:s6], [sflag:s4] =	dma.local [hbm:s3], $0xF7A  }
0x26: {  	[smem:$0x3F7F] =	sst s1;
	(tag) =	ssettag s2;
	_ =	strace s9  }
0x27: {  	s1 =	sld [smem:$0x3F8F]  }
0x28: {  	s2 =	sld [smem:$0x3F90]  }
0x29: {  	s4 =	sld [smem:$0x3F92]  }
0x2a: {  	p0 =	seq.s32 s5, $0x0;
	s5 =	sld [smem:$0x3F93]  }
0x2b: {  	s6 =	sld [smem:$0x3F94]  }
0x2c: {  	s7 =	sld [smem:$0x3F95]  }
0x2d: {  	s3 =	simm.s32 $0x108;
	s8 =	sld [smem:$0x3F96]  }
0x2e: {  	s3 =	simm.s32 @!p0 $0x1082;
	s9 =	sld [smem:$0x3F97]  }
0x2f: {  	lr =	sadd.s32 s0, s3;
	s0 =	sld [smem:$0x3F8E]  }
0x30: {  	s3 =	sld [smem:$0x3F91]  }
0x31: {  	[smem:$0x3F9A] =	sst s10  }
0x32: {  	s10 =	sld [smem:$0x3F98];
	_ =	sdelay $0x3  }
0x33: {  	p0 =	seq.s32 s10, $0x1;
	s10 =	sld [smem:$0x3F9A];
	_ =	sdelay $0x3  }
0x34: {  	[smem:$0x3F9A] =	sst s10  }
0x35: {  	s10 =	sld [smem:$0x3F99];
	_ =	sdelay $0x3  }
0x36: {  	p1 =	seq.s32 s10, $0x1;
	s10 =	sld [smem:$0x3F9A];
	_ =	sdelay $0x3  }
0x37: {  	[smem:$0x3F9A] =	sst s10  }
0x38: {  	s10 =	sld [smem:$0x3F9B]  }
0x39: {  	_ = 	snop;
	(pc) =	sbr.ind lr, $3  }
0x3a: {  	_ = 	snop  }
0x3b: {  	_ = 	snop  }
0x3c: {  	p2 =	seq.s32 s10, $0x1;
	s10 =	sld [smem:$0x3F9A]  }
0x3d: {  	_ =	shalt  }
0x3e: {  	_ =	shalt  }
0x3f: {  	_ =	shalt  }
0x40: {  	_ =	shalt  }
0x41: {  	_ =	shalt  }
0x42: {  	_ =	shalt  }
0x43: {  	_ =	shalt  }
0x44: {  	_ =	shalt  }
0x45: {  	_ =	shalt  }
0x46: {  	_ =	shalt  }
0x47: {  	_ =	shalt  }
0x48: {  	_ =	shalt  }
0x49: {  	_ =	shalt  }
0x4a: {  	_ =	shalt  }
0x4b: {  	_ =	shalt  }
0x4c: {  	_ =	shalt  }
0x4d: {  	_ =	shalt  }
0x4e: {  	_ =	shalt  }
0x4f: {  	_ =	shalt  }
0x50: {  	_ =	shalt  }
0x51: {  	_ =	shalt  }
0x52: {  	_ =	shalt  }
0x53: {  	_ =	shalt  }
0x54: {  	_ =	shalt  }
0x55: {  	_ =	shalt  }
0x56: {  	_ =	shalt  }
0x57: {  	_ =	shalt  }
0x58: {  	_ =	shalt  }
0x59: {  	_ =	shalt  }
0x5a: {  	_ =	shalt  }
0x5b: {  	_ =	shalt  }
0x5c: {  	_ =	shalt  }
0x5d: {  	_ =	shalt  }
0x5e: {  	_ =	shalt  }
0x5f: {  	_ =	shalt  }
0x60: {  	_ =	shalt  }
0x61: {  	_ =	shalt  }
0x62: {  	_ =	shalt  }
0x63: {  	_ =	shalt  }
0x64: {  	_ =	shalt  }
0x65: {  	_ =	shalt  }
0x66: {  	_ =	shalt  }
0x67: {  	_ =	shalt  }
0x68: {  	_ =	shalt  }
0x69: {  	_ =	shalt  }
0x6a: {  	_ =	shalt  }
0x6b: {  	_ =	shalt  }
0x6c: {  	_ =	shalt  }
0x6d: {  	_ =	shalt  }
0x6e: {  	_ =	shalt  }
0x6f: {  	_ =	shalt  }
0x70: {  	_ =	shalt  }
0x71: {  	_ =	shalt  }
0x72: {  	_ =	shalt  }
0x73: {  	_ =	shalt  }
0x74: {  	_ =	shalt  }
0x75: {  	_ =	shalt  }
0x76: {  	_ =	shalt  }
0x77: {  	_ =	shalt  }
0x78: {  	_ =	shalt  }
0x79: {  	_ =	shalt  }
0x7a: {  	_ =	shalt  }
0x7b: {  	_ =	shalt  }
0x7c: {  	_ =	shalt  }
0x7d: {  	_ =	shalt  }
0x7e: {  	_ =	shalt  }
0x7f: {  	_ =	shalt  }
0x80: {  	_ =	shalt  }
0x81: {  	_ =	shalt  }
0x82: {  	_ =	shalt  }
0x83: {  	_ =	shalt  }
0x84: {  	_ =	shalt  }
0x85: {  	_ =	shalt  }
0x86: {  	_ =	shalt  }
0x87: {  	_ =	shalt  }
.Lfunc_end0:
.L_simem_size_0:
called_computation_lowered:
.L_overlay_start_0:
0x88: {  	s2 =	sld [smem:$0x3FD9]  }
0x89: {  	s3 =	sld [smem:$0x3FFE];
	_ =	sdelay $0x1  }
0x8a: {  	s1 =	srdreg.scid  }
0x8b: {  	s0 =	sand.u32 $0x1, s1  }
0x8c: {  	s16 =	sshll.u32 s0, $0xA;
	s2 =	sadd.s32 s3, s2  }
0x8d: {  	s2 =	sadd.s32 s2, s16  }
0x8e: {  	[smem:$0x3FA6] =	sst s2  }
0x8f: {  	_ = 	snop  }
0x90: {  	(tm) =	ssettm $0x1  }
0x91: {  	s17 =	sld [smem:$0x3FFB];
	_ =	sdelay $0x3  }
0x92: {  	_ =	strace s17  }
0x93: {  	s2 =	sld [smem:$0x3FFC];
	_ =	sdelay $0x3  }
0x94: {  	_ =	strace s2  }
0x95: {  	s2 =	sld [smem:$0x3FFD];
	_ =	sdelay $0x3  }
0x96: {  	_ =	strace s2  }
0x97: {  	_ =	strace $0x8FFFFFFF  }
0x98: {  	s18 =	sld [smem:$0x3FDB];
	_ =	sdelay $0x1  }
0x99: {  	s19 =	simm.s32 $_scs_section_size  }
0x9a: {  	s4 =	simm.s32 $_size__tile_overlayer_lowered;
	s5 =	simm.s32 $_tile_overlayer_lowered  }
0x9b: {  	s22 =	simm.s32 $0x1BFF;
	s21 =	sshll.u32 s5, $0x1;
	s2 =	sadd.s32 s19, s18  }
0x9c: {  	s6 =	simm.s32 $0x0;
	s20 =	sshll.u32 s4, $0x1;
	s4 =	sadd.s32 s21, s2  }
0x9d: {  	[timem:s6], [sflag:s22] =	dma.local [hbm:s4], s20  }
0x9e: {  	_ =	swait.ge [sflag:s22], s20  }
0x9f: {  	s3 =	ssub.s32 $0x0, s20;
	[sflag:s22] =	ssyncset.done $0x0  }
0xa0: {  	[sflag:s22] =	ssyncadd.s32 s3;
	_ =	sdelay $0x1  }
0xa1: {  	s23 =	simm.s32 $0x1B8B  }
0xa2: {  	_ =	swait.ge [sflag:s23], $0x1  }
0xa3: {  	[sflag:s23] =	ssyncset.done $0x0  }
0xa4: {  	s25 =	simm.s32 $0x1B8E;
	s24 =	sld [smem:$0x3FFE];
	[sflag:s23] =	ssyncadd.s32 $0xFFFFFFFF  }
0xa5: {  	s26 =	simm.s32 $execute0_lowered;
	[smem:$0x3FD2] =	sst s25  }
0xa6: {  	s4 =	sshll.u32 s26, $0x1;
	_ =	strace $0x80000046;
	[dreg:$0x1] =	wrdreg $0xFFFFFFFF  }
0xa7: {  	s28 =	simm.s32 $_size_execute0_lowered;
	s2 =	sadd.s32 s2, s4;
	[dreg:$0x0] =	wrdreg $0x0  }
0xa8: {  	s4 =	sshll.u32 s28, $0x1;
	[dreg:$0x2] =	wrdreg s2  }
0xa9: {  	[dreg:$0x3] =	wrdreg s4  }
0xaa: {  	[dreg:$0x4] =	wrdreg $0xC0  }
0xab: {  	_ =	task [dreg:s6], $0x5FFFF  }
0xac: {  	[dreg:$0x1] =	wrdreg $0xFFFFFFFF  }
0xad: {  	[dreg:$0x0] =	wrdreg $0x60  }
0xae: {  	[dreg:$0x2] =	wrdreg s24  }
0xaf: {  	[dreg:$0x3] =	wrdreg $0x0  }
0xb0: {  	[dreg:$0x4] =	wrdreg $0x9  }
0xb1: {  	_ =	task.clear_ibuf [dreg:s6], $0x5FFFF;
	_ =	strace $0x90000046  }
0xb2: {  	s29 =	simm.s32 $0x9;
	_ =	strace $0x80000048  }
0xb3: {  	_ =	swait.ge [sflag:s29], $0x1  }
0xb4: {  	[sflag:s29] =	ssyncadd.s32 $0xFFFFFFFF  }
0xb5: {  	_ =	strace $0x90000048  }
0xb6: {  	_ =	sfence  }
0xb7: {  	s30 =	sld [smem:$0x0];
	_ =	sdelay $0x2  }
0xb8: {  	s31 =	sshll.u32 s1, $0xD;
	s1 =	sshrl.u32 s1, $0x2  }
0xb9: {  	s3 =	sand.u32 $0x4000, s31;
	s1 =	sadd.s32 s1, s30  }
0xba: {  	s0 =	sor.u32 s3, s0;
	s1 =	sshll.u32 s1, $0x11  }
0xbb: {  	s0 =	sor.u32 s1, s0  }
0xbc: {  	s0 =	sadd.s32 $0x8F2B, s0  }
0xbd: {  	[sflag:s0] =	ssyncadd.remote.s32 $0x1  }
0xbe: {  	_ =	sfence.sel $0xFFFF  }
0xbf: {  	[dreg:$0x0] =	wrdreg $0xFFFFFFFF;
	(pc) =	sbr.abs _section_cstart, $3  }
0xc0: {  	[dreg:$0x1] =	wrdreg $0xFFFFFFFF  }
0xc1: {  	_ =	task.clear_ibuf [dreg:s6], $0x2FFFF;
	_ =	strace $0x9FFFFFFF  }
0xc2: {  	(tm) =	ssettm $0x7FFFFFFF  }
0xc3: {  	_ =	shalt  }
tec
execute0_lowered:
.L_overlay_start_1:
0x0: {  	(tag) =	ssettag $0x1  }
0x1: {  	s4 =	rddreg [dreg:$0x0]  }
0x2: {  	s0 =	srdreg.scid;
	s2 =	rddreg [dreg:$0x1]  }
0x3: {  	s1 =	rddreg [dreg:$0x2];
	s5 =	sand.u32 $0x1, s0  }
0x4: {  	s3 =	simm.s32 $0x0;
	s0 =	stileid.u32;
	s6 =	smul.u32 $0xA000, s5  }
0x5: {  	s10 =	simm.s32 $0x5300;
	s11 =	simm.s32 $0x7D;
	s7 =	smul.u32 $0x280, s0  }
0x6: {  	s12 =	simm.s32 $0x5280;
	s13 =	simm.s32 $0x1;
	s8 =	smul.u32 $0x2800, s5  }
0x7: {  	s16 =	simm.s32 $0x0;
	[smem:$0x7FF] =	sst s3;
	s9 =	smul.u32 $0xA00, s0  }
0x8: {  	_ =	strace $0x80000047;
	s5 =	ssub.s32 $0x2, s5;
	s14 =	sshll.u32 s0, $0x6  }
0x9: {  	s30 =	sshrl.u32 s5, $0x1;
	s14 =	sor.u32 $0x1C02, s14;
	s8 =	sadd.s32 s7, s8  }
0xa: {  	s6 =	sadd.s32 s9, s6;
	s31 =	ssub.s32 s5, s30;
	s5 =	sadd.s32 s7, s2  }
0xb: {  	s9 =	simm.s32 $0x2;
	s8 =	sshrl.u32 s8, $0x3;
	s6 =	sadd.s32 s6, s4  }
0xc: {  	s7 =	smax.u32 s31, $0x1;
	s15 =	sshrl.u32 s5, $0x3;
	s8 =	sadd.s32 s8, s4  }
0xd: {  	v0 =	vimm.f32 $0.0e+00;
	v1 =	vimm.f32 $1.000000000e+00;
	s4 =	sadd.s32 $0x6C00, s6;
	s6 =	sadd.s32 $0x2EC00, s8;
	s8 =	simm.s32 $0x280  }
.LBB2_1:
0xe: {  	[tilespmem:$0x5300] =	vst v0  }
0xf: {  	[tilespmem:$0x5310] =	vst v0  }
0x10: {  	[tilespmem:$0x5320] =	vst v0  }
0x11: {  	[tilespmem:$0x5330] =	vst v0  }
0x12: {  	[tilespmem:$0x5340] =	vst v0  }
0x13: {  	[tilespmem:$0x5350] =	vst v0  }
0x14: {  	[tilespmem:$0x5360] =	vst v0  }
0x15: {  	[tilespmem:$0x5370] =	vst v0  }
0x16: {  	[tilespmem:$0x5380] =	vst v0  }
0x17: {  	[tilespmem:$0x5390] =	vst v0  }
0x18: {  	[tilespmem:$0x53A0] =	vst v0  }
0x19: {  	[tilespmem:$0x53B0] =	vst v0  }
0x1a: {  	[tilespmem:$0x53C0] =	vst v0  }
0x1b: {  	[tilespmem:$0x53D0] =	vst v0  }
0x1c: {  	[tilespmem:$0x53E0] =	vst v0  }
0x1d: {  	[tilespmem:$0x53F0] =	vst v0  }
0x1e: {  	[tilespmem:$0x5400] =	vst v0  }
0x1f: {  	[tilespmem:$0x5410] =	vst v0  }
0x20: {  	[tilespmem:$0x5420] =	vst v0  }
0x21: {  	[tilespmem:$0x5430] =	vst v0  }
0x22: {  	[tilespmem:$0x5440] =	vst v0  }
0x23: {  	[tilespmem:$0x5450] =	vst v0  }
0x24: {  	[tilespmem:$0x5460] =	vst v0  }
0x25: {  	[tilespmem:$0x5470] =	vst v0  }
0x26: {  	[tilespmem:$0x5480] =	vst v0  }
0x27: {  	[tilespmem:$0x5490] =	vst v0  }
0x28: {  	[tilespmem:$0x54A0] =	vst v0  }
0x29: {  	[tilespmem:$0x54B0] =	vst v0  }
0x2a: {  	[tilespmem:$0x54C0] =	vst v0  }
0x2b: {  	[tilespmem:$0x54D0] =	vst v0  }
0x2c: {  	[tilespmem:$0x54E0] =	vst v0  }
0x2d: {  	[tilespmem:$0x54F0] =	vst v0  }
0x2e: {  	[tilespmem:$0x5500] =	vst v0  }
0x2f: {  	[tilespmem:$0x5510] =	vst v0  }
0x30: {  	[tilespmem:$0x5520] =	vst v0  }
0x31: {  	[tilespmem:$0x5530] =	vst v0  }
0x32: {  	[tilespmem:$0x5540] =	vst v0  }
0x33: {  	[tilespmem:$0x5550] =	vst v0  }
0x34: {  	[tilespmem:$0x5560] =	vst v0  }
0x35: {  	[tilespmem:$0x5570] =	vst v0  }
0x36: {  	[tilespmem:$0x5280] =	vst v1  }
0x37: {  	[tilespmem:$0x5290] =	vst v1  }
0x38: {  	[tilespmem:$0x52A0] =	vst v1  }
0x39: {  	[tilespmem:$0x52B0] =	vst v1  }
0x3a: {  	[tilespmem:$0x52C0] =	vst v1  }
0x3b: {  	[tilespmem:$0x52D0] =	vst v1  }
0x3c: {  	[tilespmem:$0x52E0] =	vst v1  }
0x3d: {  	[tilespmem:$0x52F0] =	vst v1  }
0x3e: {  	[tilespmem:s8], [sflag:$0x2] =	stream.linear.gather [hbm4b:s4+s3], $0x5000, $0x38;
	[tilespmem:$0x5580] =	vst v63  }
0x3f: {  	_ =	swait.ge [sflag:s9], $0x5000  }
0x40: {  	[sflag:s9] =	ssyncset.done $0x0  }
0x41: {  	[sflag:s9] =	ssyncadd.s32 $0xFFFFB000  }
0x42: {  	[spmem:s5] =	stream.linear.scatter [tilespmem:s10], [sflag:$0x2], $0x280, $0x38;
	[tilespmem:$0x5580] =	vst v63  }
0x43: {  	_ =	swait.ge [sflag:s9], $0x280  }
0x44: {  	[sflag:s9] =	ssyncset.done $0x0  }
0x45: {  	[sflag:s9] =	ssyncadd.s32 $0xFFFFFD80  }
0x46: {  	s17 =	simm.s32 $0x280;
	[bflag:$0x0] =	sbarrier.arrive $0xFFFF  }
0x47: {  	[spmem:s2] =	stream.indirect.scatter.add.f32 [tilespmem:s12], [sflag:$0x1], $0x1, s17, s11, $0xb8;
	[tilespmem:$0x5580] =	vst v63  }
0x48: {  	s24 =	simm.s32 $0x300  }
0x49: {  	[spmem:s2] =	stream.indirect.scatter.add.f32 [tilespmem:s12], [sflag:$0x1], $0x1, s24, s11, $0xb8;
	[tilespmem:$0x5580] =	vst v63  }
0x4a: {  	s25 =	simm.s32 $0x380  }
0x4b: {  	[spmem:s2] =	stream.indirect.scatter.add.f32 [tilespmem:s12], [sflag:$0x1], $0x1, s25, s11, $0xb8;
	[tilespmem:$0x5580] =	vst v63  }
0x4c: {  	s26 =	simm.s32 $0x400  }
0x4d: {  	[spmem:s2] =	stream.indirect.scatter.add.f32 [tilespmem:s12], [sflag:$0x1], $0x1, s26, s11, $0xb8;
	[tilespmem:$0x5580] =	vst v63  }
0x4e: {  	s28 =	simm.s32 $0x480  }
0x4f: {  	[spmem:s2] =	stream.indirect.scatter.add.f32 [tilespmem:s12], [sflag:$0x1], $0x1, s28, s11, $0xb8;
	[tilespmem:$0x5580] =	vst v63  }
0x50: {  	s29 =	simm.s32 $0x500  }
0x51: {  	[spmem:s2] =	stream.indirect.scatter.add.f32 [tilespmem:s12], [sflag:$0x1], $0x1, s29, s11, $0xb8;
	[tilespmem:$0x5580] =	vst v63  }
0x52: {  	s30 =	simm.s32 $0x580  }
0x53: {  	[spmem:s2] =	stream.indirect.scatter.add.f32 [tilespmem:s12], [sflag:$0x1], $0x1, s30, s11, $0xb8;
	[tilespmem:$0x5580] =	vst v63  }
0x54: {  	s31 =	simm.s32 $0x600  }
0x55: {  	[spmem:s2] =	stream.indirect.scatter.add.f32 [tilespmem:s12], [sflag:$0x1], $0x1, s31, s11, $0xb8;
	[tilespmem:$0x5580] =	vst v63  }
0x56: {  	_ =	swait.ge [sflag:s13], $0x7D  }
0x57: {  	[sflag:s13] =	ssyncset.done $0x0  }
0x58: {  	[sflag:s13] =	ssyncadd.s32 $0xFFFFFF83  }
0x59: {  	_ =	swait.ge [sflag:s13], $0x7D  }
0x5a: {  	[sflag:s13] =	ssyncset.done $0x0  }
0x5b: {  	[sflag:s13] =	ssyncadd.s32 $0xFFFFFF83  }
0x5c: {  	_ =	swait.ge [sflag:s13], $0x7D  }
0x5d: {  	[sflag:s13] =	ssyncset.done $0x0  }
0x5e: {  	[sflag:s13] =	ssyncadd.s32 $0xFFFFFF83  }
0x5f: {  	_ =	swait.ge [sflag:s13], $0x7D  }
0x60: {  	[sflag:s13] =	ssyncset.done $0x0  }
0x61: {  	[sflag:s13] =	ssyncadd.s32 $0xFFFFFF83  }
0x62: {  	_ =	swait.ge [sflag:s13], $0x7D  }
0x63: {  	[sflag:s13] =	ssyncset.done $0x0  }
0x64: {  	[sflag:s13] =	ssyncadd.s32 $0xFFFFFF83  }
0x65: {  	_ =	swait.ge [sflag:s13], $0x7D  }
0x66: {  	[sflag:s13] =	ssyncset.done $0x0  }
0x67: {  	[sflag:s13] =	ssyncadd.s32 $0xFFFFFF83  }
0x68: {  	_ =	swait.ge [sflag:s13], $0x7D  }
0x69: {  	[sflag:s13] =	ssyncset.done $0x0  }
0x6a: {  	[sflag:s13] =	ssyncadd.s32 $0xFFFFFF83  }
0x6b: {  	_ =	swait.ge [sflag:s13], $0x7D  }
0x6c: {  	s20 =	simm.s32 $0x2000;
	s19 =	simm.s32 $0x400;
	[sflag:s13] =	ssyncset.done $0x0  }
.LBB2_2:
0x6d: {  	s21 =	sadd.s32 $0x280, s19  }
0x6e: {  	[sflag:s13] =	ssyncadd.s32 $0xFFFFFF83;
	s18 =	smov.u32 s20;
	s17 =	sadd.s32 $0x1000, s20  }
0x6f: {  	[spmem:s2] =	stream.indirect.scatter.add.f32 [tilespmem:s12], [sflag:$0x1], $0x1, s21, s11, $0xb8;
	[tilespmem:$0x5580] =	vst v63  }
0x70: {  	p0 =	sne.s32 s20, $0x13000;
	s20 =	sadd.s32 $0x300, s19  }
0x71: {  	[spmem:s2] =	stream.indirect.scatter.add.f32 [tilespmem:s12], [sflag:$0x1], $0x1, s20, s11, $0xb8;
	[tilespmem:$0x5580] =	vst v63  }
0x72: {  	s20 =	sadd.s32 $0x380, s19  }
0x73: {  	[spmem:s2] =	stream.indirect.scatter.add.f32 [tilespmem:s12], [sflag:$0x1], $0x1, s20, s11, $0xb8;
	[tilespmem:$0x5580] =	vst v63  }
0x74: {  	s20 =	sadd.s32 $0x400, s19  }
0x75: {  	[spmem:s2] =	stream.indirect.scatter.add.f32 [tilespmem:s12], [sflag:$0x1], $0x1, s20, s11, $0xb8;
	[tilespmem:$0x5580] =	vst v63  }
0x76: {  	s20 =	sadd.s32 $0x480, s19  }
0x77: {  	[spmem:s2] =	stream.indirect.scatter.add.f32 [tilespmem:s12], [sflag:$0x1], $0x1, s20, s11, $0xb8;
	[tilespmem:$0x5580] =	vst v63  }
0x78: {  	s20 =	sadd.s32 $0x500, s19  }
0x79: {  	[spmem:s2] =	stream.indirect.scatter.add.f32 [tilespmem:s12], [sflag:$0x1], $0x1, s20, s11, $0xb8;
	[tilespmem:$0x5580] =	vst v63  }
0x7a: {  	s20 =	sadd.s32 $0x580, s19  }
0x7b: {  	[spmem:s2] =	stream.indirect.scatter.add.f32 [tilespmem:s12], [sflag:$0x1], $0x1, s20, s11, $0xb8;
	[tilespmem:$0x5580] =	vst v63  }
0x7c: {  	s19 =	sadd.s32 $0x600, s19  }
0x7d: {  	[spmem:s2] =	stream.indirect.scatter.add.f32 [tilespmem:s12], [sflag:$0x1], $0x1, s19, s11, $0xb8;
	[tilespmem:$0x5580] =	vst v63  }
0x7e: {  	_ =	swait.ge [sflag:s13], $0x7D  }
0x7f: {  	[sflag:s13] =	ssyncset.done $0x0  }
0x80: {  	[sflag:s13] =	ssyncadd.s32 $0xFFFFFF83  }
0x81: {  	_ =	swait.ge [sflag:s13], $0x7D  }
0x82: {  	[sflag:s13] =	ssyncset.done $0x0  }
0x83: {  	[sflag:s13] =	ssyncadd.s32 $0xFFFFFF83  }
0x84: {  	_ =	swait.ge [sflag:s13], $0x7D  }
0x85: {  	[sflag:s13] =	ssyncset.done $0x0  }
0x86: {  	[sflag:s13] =	ssyncadd.s32 $0xFFFFFF83  }
0x87: {  	_ =	swait.ge [sflag:s13], $0x7D  }
0x88: {  	[sflag:s13] =	ssyncset.done $0x0  }
0x89: {  	[sflag:s13] =	ssyncadd.s32 $0xFFFFFF83  }
0x8a: {  	_ =	swait.ge [sflag:s13], $0x7D  }
0x8b: {  	[sflag:s13] =	ssyncset.done $0x0  }
0x8c: {  	[sflag:s13] =	ssyncadd.s32 $0xFFFFFF83  }
0x8d: {  	_ =	swait.ge [sflag:s13], $0x7D  }
0x8e: {  	[sflag:s13] =	ssyncset.done $0x0  }
0x8f: {  	[sflag:s13] =	ssyncadd.s32 $0xFFFFFF83  }
.Ltmp0:
0x90: {  	_ =	swait.ge [sflag:s13], $0x7D;
	(pc) =	sbr.rel @p0 .LBB2_2-.Ltmp0, $4  }
0x91: {  	[sflag:s13] =	ssyncset.done $0x0  }
0x92: {  	[sflag:s13] =	ssyncadd.s32 $0xFFFFFF83  }
0x93: {  	_ =	swait.ge [sflag:s13], $0x7D  }
0x94: {  	s20 =	smov.u32 s17;
	s19 =	sshra.s32 s18, $0x2;
	[sflag:s13] =	ssyncset.done $0x0  }
0x95: {  	s17 =	sadd.s32 $0x280, s19;
	[sflag:s13] =	ssyncadd.s32 $0xFFFFFF83  }
0x96: {  	[spmem:s2] =	stream.indirect.scatter.add.f32 [tilespmem:s12], [sflag:$0x1], $0x1, s17, s11, $0xb8;
	[tilespmem:$0x5580] =	vst v63  }
0x97: {  	s24 =	sadd.s32 $0x300, s19  }
0x98: {  	[spmem:s2] =	stream.indirect.scatter.add.f32 [tilespmem:s12], [sflag:$0x1], $0x1, s24, s11, $0xb8;
	[tilespmem:$0x5580] =	vst v63  }
0x99: {  	s25 =	sadd.s32 $0x380, s19  }
0x9a: {  	[spmem:s2] =	stream.indirect.scatter.add.f32 [tilespmem:s12], [sflag:$0x1], $0x1, s25, s11, $0xb8;
	[tilespmem:$0x5580] =	vst v63  }
0x9b: {  	s26 =	sadd.s32 $0x400, s19  }
0x9c: {  	[spmem:s2] =	stream.indirect.scatter.add.f32 [tilespmem:s12], [sflag:$0x1], $0x1, s26, s11, $0xb8;
	[tilespmem:$0x5580] =	vst v63  }
0x9d: {  	s28 =	sadd.s32 $0x480, s19  }
0x9e: {  	[spmem:s2] =	stream.indirect.scatter.add.f32 [tilespmem:s12], [sflag:$0x1], $0x1, s28, s11, $0xb8;
	[tilespmem:$0x5580] =	vst v63  }
0x9f: {  	s29 =	sadd.s32 $0x500, s19  }
0xa0: {  	[spmem:s2] =	stream.indirect.scatter.add.f32 [tilespmem:s12], [sflag:$0x1], $0x1, s29, s11, $0xb8;
	[tilespmem:$0x5580] =	vst v63  }
0xa1: {  	s30 =	sadd.s32 $0x580, s19  }
0xa2: {  	[spmem:s2] =	stream.indirect.scatter.add.f32 [tilespmem:s12], [sflag:$0x1], $0x1, s30, s11, $0xb8;
	[tilespmem:$0x5580] =	vst v63  }
0xa3: {  	s31 =	sadd.s32 $0x600, s19  }
0xa4: {  	[spmem:s2] =	stream.indirect.scatter.add.f32 [tilespmem:s12], [sflag:$0x1], $0x1, s31, s11, $0xb8;
	[tilespmem:$0x5580] =	vst v63  }
0xa5: {  	_ =	swait.ge [sflag:s13], $0x7D  }
0xa6: {  	[sflag:s13] =	ssyncset.done $0x0  }
0xa7: {  	[sflag:s13] =	ssyncadd.s32 $0xFFFFFF83  }
0xa8: {  	_ =	swait.ge [sflag:s13], $0x7D  }
0xa9: {  	[sflag:s13] =	ssyncset.done $0x0  }
0xaa: {  	[sflag:s13] =	ssyncadd.s32 $0xFFFFFF83  }
0xab: {  	_ =	swait.ge [sflag:s13], $0x7D  }
0xac: {  	[sflag:s13] =	ssyncset.done $0x0  }
0xad: {  	[sflag:s13] =	ssyncadd.s32 $0xFFFFFF83  }
0xae: {  	_ =	swait.ge [sflag:s13], $0x7D  }
0xaf: {  	[sflag:s13] =	ssyncset.done $0x0  }
0xb0: {  	[sflag:s13] =	ssyncadd.s32 $0xFFFFFF83  }
0xb1: {  	_ =	swait.ge [sflag:s13], $0x7D  }
0xb2: {  	[sflag:s13] =	ssyncset.done $0x0  }
0xb3: {  	[sflag:s13] =	ssyncadd.s32 $0xFFFFFF83  }
0xb4: {  	_ =	swait.ge [sflag:s13], $0x7D  }
0xb5: {  	[sflag:s13] =	ssyncset.done $0x0  }
0xb6: {  	[sflag:s13] =	ssyncadd.s32 $0xFFFFFF83  }
0xb7: {  	_ =	swait.ge [sflag:s13], $0x7D  }
0xb8: {  	[sflag:s13] =	ssyncset.done $0x0  }
0xb9: {  	[sflag:s13] =	ssyncadd.s32 $0xFFFFFF83  }
0xba: {  	_ =	swait.ge [sflag:s13], $0x7D  }
0xbb: {  	s16 =	sadd.s32 $0x1, s16;
	[sflag:s13] =	ssyncset.done $0x0  }
0xbc: {  	p0 =	sne.s32 s16, s7;
	[sflag:s13] =	ssyncadd.s32 $0xFFFFFF83  }
.Ltmp1:
0xbd: {  	[bflag:$0x0] =	sbarrier.arrive $0xFFFF;
	(pc) =	sbr.rel @p0 .LBB2_1-.Ltmp1, $4  }
0xbe: {  	[hbm:s6], [sflag:s14] =	dma.local [spmem:s15], $0x50  }
0xbf: {  	_ =	swait.ge [sflag:s9], $0x50  }
0xc0: {  	[sflag:s9] =	ssyncset.done $0x0  }
0xc1: {  	[sflag:s9] =	ssyncadd.s32 $0xFFFFFFB0  }
0xc2: {  	_ =	sfence.sel $0x180000  }
0xc3: {  	[bflag:$0x0] =	sbarrier.arrive $0xFFFF  }
0xc4: {  	p0 =	sne.s32 s0, $0x0;
	_ =	strace $0x90000047  }
0xc5: {  	s0 =	sadd.s32 @!p0 $0x100000, s1;
	[bflag:$0x2] =	sbarrier.arrive $0xFFFF  }
0xc6: {  	[sflag:s0] =	ssyncadd.tile.s32 @!p0 $0x1;
	_ =	shalt  }
.Lfunc_end2:
_tile_overlayer_lowered:
.L_overlay_start_2:
0xc7: {  	(tag) =	ssettag $0x2  }
0xc8: {  	s0 =	rddreg [dreg:$0x0];
	s2 =	stileid.u32  }
0xc9: {  	s1 =	rddreg [dreg:$0x1];
	p0 =	sne.s32 s2, $0x0  }
0xca: {  	s3 =	rddreg [dreg:$0x2];
	[bflag:$0x3] =	sbarrier.arrive $0xFFFF;
	s2 =	simm.s32 @!p0 $0x1C02  }
0xcb: {  	[timem:s3], [sflag:s2] =	dma.local @!p0 [hbm:s0], s1  }
0xcc: {  	s0 =	simm.s32 @!p0 $0x2  }
0xcd: {  	_ =	swait.ge @!p0 [sflag:s0], s1  }
0xce: {  	s1 =	ssub.s32 @!p0 $0x0, s1;
	[sflag:s0] =	ssyncset.done @!p0 $0x0  }
0xcf: {  	[sflag:s0] =	ssyncadd.s32 @!p0 s1  }
0xd0: {  	[bflag:$0x3] =	sbarrier.arrive $0xFFFF  }
0xd1: {  	_ =	shalt  }

// kernel: kernel.14.cloned.1.call-start
scs
__scs_entry_jumppad:
0x0: {  	(pc) =	sbr.rel $0x88, $3  }
0x1: {  	(tag) =	ssettag $0x0;
	lr =	simm.s32 $0x1  }
0x2: {  	[smem:$0x3F7F] =	sst lr;
	_ =	strace $0xD0000000  }
0x3: {  	_ = 	snop  }
0x4: {  	_ = 	snop  }
0x5: {  	_ = 	snop  }
0x6: {  	_ = 	snop  }
0x7: {  	_ = 	snop  }
__scs_overlays_trampoline_lowered:
0x8: {  	[smem:$0x3F8E] =	sst s0  }
0x9: {  	[smem:$0x3F8F] =	sst s1  }
0xa: {  	[smem:$0x3F90] =	sst s2  }
0xb: {  	[smem:$0x3F91] =	sst s3  }
0xc: {  	[smem:$0x3F92] =	sst s4  }
0xd: {  	[smem:$0x3F93] =	sst s5  }
0xe: {  	[smem:$0x3F94] =	sst s6  }
0xf: {  	[smem:$0x3F95] =	sst s7  }
0x10: {  	[smem:$0x3F96] =	sst s8  }
0x11: {  	[smem:$0x3F97] =	sst s9;
	s0 =	simm.s32 @!p0 $0x0  }
0x12: {  	s1 =	sld [smem:$0x3F7D];
	s0 =	simm.s32 @p0 $0x1  }
0x13: {  	[smem:$0x3F98] =	sst s0;
	s0 =	simm.s32 @!p1 $0x0  }
0x14: {  	s2 =	sld [smem:$0x3F7C];
	s0 =	simm.s32 @p1 $0x1  }
0x15: {  	[smem:$0x3F99] =	sst s0;
	s0 =	simm.s32 @!p2 $0x0  }
0x16: {  	s3 =	sld [smem:$0x3FDB];
	s0 =	simm.s32 @p2 $0x1  }
0x17: {  	s4 =	simm.s32 $0x1BF5;
	[smem:$0x3F9B] =	sst s0  }
0x18: {  	s0 =	sld [smem:$0x3F7E];
	_ =	swait.ge [sflag:s4], $0x0  }
0x19: {  	s7 =	sld [smem:$0x3F7F]  }
0x1a: {  	s8 =	sadd.s32 $0xFFFFE003, lr  }
0x1b: {  	s9 =	sadd.s32 $0xFFFFFEF7, lr;
	s5 =	simm.s32 $0xFFFFFFFF;
	p2 =	slt.u32 s8, $0xFFFFF086  }
0x1c: {  	p1 =	slt.u32 s9, $0xF7A;
	s5 =	simm.s32 @!p2 $0x0  }
0x1d: {  	s5 =	simm.s32 @p1 $0x1;
	p0 =	seq.s32 s7, s2  }
0x1e: {  	s7 =	smul.u32 @!p0 $0xF7A, s2;
	p2 =	seq.s32 @!p0 s5, $0x0  }
0x1f: {  	s9 =	smul.u32 $0xF7A, s1;
	s8 =	simm.s32 @!p0 $0x1BF5;
	p2 =	por !p2, p0  }
0x20: {  	[sflag:s8] =	ssyncset.s32 @!p0 $0xFFFFF086;
	s6 =	sadd.s32 @!p0 s3, s7;
	s7 =	simm.s32 @!p0 $0x108  }
0x21: {  	s3 =	sadd.s32 s3, s9;
	s6 =	sadd.s32 @!p0 $0x88, s6;
	s7 =	simm.s32 @p2 $0x1082  }
0x22: {  	[simem:s7], [sflag:s8] =	dma.local @!p0 [hbm:s6], $0xF7A  }
0x23: {  	s9 =	sor.u32 $0xD0000000, s2;
	s6 =	simm.s32 $0x108;
	_ =	swait.ge @!p0 [sflag:s8], $0x0  }
0x24: {  	s3 =	sadd.s32 $0x88, s3;
	s6 =	simm.s32 @!p1 $0x1082;
	[sflag:s4] =	ssyncset.s32 $0xFFFFF086  }
0x25: {  	[simem:s6], [sflag:s4] =	dma.local [hbm:s3], $0xF7A  }
0x26: {  	[smem:$0x3F7F] =	sst s1;
	(tag) =	ssettag s2;
	_ =	strace s9  }
0x27: {  	s1 =	sld [smem:$0x3F8F]  }
0x28: {  	s2 =	sld [smem:$0x3F90]  }
0x29: {  	s4 =	sld [smem:$0x3F92]  }
0x2a: {  	p0 =	seq.s32 s5, $0x0;
	s5 =	sld [smem:$0x3F93]  }
0x2b: {  	s6 =	sld [smem:$0x3F94]  }
0x2c: {  	s7 =	sld [smem:$0x3F95]  }
0x2d: {  	s3 =	simm.s32 $0x108;
	s8 =	sld [smem:$0x3F96]  }
0x2e: {  	s3 =	simm.s32 @!p0 $0x1082;
	s9 =	sld [smem:$0x3F97]  }
0x2f: {  	lr =	sadd.s32 s0, s3;
	s0 =	sld [smem:$0x3F8E]  }
0x30: {  	s3 =	sld [smem:$0x3F91]  }
0x31: {  	[smem:$0x3F9A] =	sst s10  }
0x32: {  	s10 =	sld [smem:$0x3F98];
	_ =	sdelay $0x3  }
0x33: {  	p0 =	seq.s32 s10, $0x1;
	s10 =	sld [smem:$0x3F9A];
	_ =	sdelay $0x3  }
0x34: {  	[smem:$0x3F9A] =	sst s10  }
0x35: {  	s10 =	sld [smem:$0x3F99];
	_ =	sdelay $0x3  }
0x36: {  	p1 =	seq.s32 s10, $0x1;
	s10 =	sld [smem:$0x3F9A];
	_ =	sdelay $0x3  }
0x37: {  	[smem:$0x3F9A] =	sst s10  }
0x38: {  	s10 =	sld [smem:$0x3F9B]  }
0x39: {  	_ = 	snop;
	(pc) =	sbr.ind lr, $3  }
0x3a: {  	_ = 	snop  }
0x3b: {  	_ = 	snop  }
0x3c: {  	p2 =	seq.s32 s10, $0x1;
	s10 =	sld [smem:$0x3F9A]  }
0x3d: {  	_ =	shalt  }
0x3e: {  	_ =	shalt  }
0x3f: {  	_ =	shalt  }
0x40: {  	_ =	shalt  }
0x41: {  	_ =	shalt  }
0x42: {  	_ =	shalt  }
0x43: {  	_ =	shalt  }
0x44: {  	_ =	shalt  }
0x45: {  	_ =	shalt  }
0x46: {  	_ =	shalt  }
0x47: {  	_ =	shalt  }
0x48: {  	_ =	shalt  }
0x49: {  	_ =	shalt  }
0x4a: {  	_ =	shalt  }
0x4b: {  	_ =	shalt  }
0x4c: {  	_ =	shalt  }
0x4d: {  	_ =	shalt  }
0x4e: {  	_ =	shalt  }
0x4f: {  	_ =	shalt  }
0x50: {  	_ =	shalt  }
0x51: {  	_ =	shalt  }
0x52: {  	_ =	shalt  }
0x53: {  	_ =	shalt  }
0x54: {  	_ =	shalt  }
0x55: {  	_ =	shalt  }
0x56: {  	_ =	shalt  }
0x57: {  	_ =	shalt  }
0x58: {  	_ =	shalt  }
0x59: {  	_ =	shalt  }
0x5a: {  	_ =	shalt  }
0x5b: {  	_ =	shalt  }
0x5c: {  	_ =	shalt  }
0x5d: {  	_ =	shalt  }
0x5e: {  	_ =	shalt  }
0x5f: {  	_ =	shalt  }
0x60: {  	_ =	shalt  }
0x61: {  	_ =	shalt  }
0x62: {  	_ =	shalt  }
0x63: {  	_ =	shalt  }
0x64: {  	_ =	shalt  }
0x65: {  	_ =	shalt  }
0x66: {  	_ =	shalt  }
0x67: {  	_ =	shalt  }
0x68: {  	_ =	shalt  }
0x69: {  	_ =	shalt  }
0x6a: {  	_ =	shalt  }
0x6b: {  	_ =	shalt  }
0x6c: {  	_ =	shalt  }
0x6d: {  	_ =	shalt  }
0x6e: {  	_ =	shalt  }
0x6f: {  	_ =	shalt  }
0x70: {  	_ =	shalt  }
0x71: {  	_ =	shalt  }
0x72: {  	_ =	shalt  }
0x73: {  	_ =	shalt  }
0x74: {  	_ =	shalt  }
0x75: {  	_ =	shalt  }
0x76: {  	_ =	shalt  }
0x77: {  	_ =	shalt  }
0x78: {  	_ =	shalt  }
0x79: {  	_ =	shalt  }
0x7a: {  	_ =	shalt  }
0x7b: {  	_ =	shalt  }
0x7c: {  	_ =	shalt  }
0x7d: {  	_ =	shalt  }
0x7e: {  	_ =	shalt  }
0x7f: {  	_ =	shalt  }
0x80: {  	_ =	shalt  }
0x81: {  	_ =	shalt  }
0x82: {  	_ =	shalt  }
0x83: {  	_ =	shalt  }
0x84: {  	_ =	shalt  }
0x85: {  	_ =	shalt  }
0x86: {  	_ =	shalt  }
0x87: {  	_ =	shalt  }
.Lfunc_end0:
.L_simem_size_0:
called_computation.1_lowered:
.L_overlay_start_0:
0x88: {  	s2 =	sld [smem:$0x3FD9]  }
0x89: {  	s3 =	sld [smem:$0x3FFE];
	_ =	sdelay $0x1  }
0x8a: {  	s1 =	srdreg.scid  }
0x8b: {  	s0 =	sand.u32 $0x1, s1  }
0x8c: {  	s16 =	sshll.u32 s0, $0xA;
	s2 =	sadd.s32 s3, s2  }
0x8d: {  	s2 =	sadd.s32 s2, s16  }
0x8e: {  	[smem:$0x3FA6] =	sst s2  }
0x8f: {  	_ = 	snop  }
0x90: {  	(tm) =	ssettm $0x1  }
0x91: {  	s17 =	sld [smem:$0x3FFB];
	_ =	sdelay $0x3  }
0x92: {  	_ =	strace s17  }
0x93: {  	s2 =	sld [smem:$0x3FFC];
	_ =	sdelay $0x3  }
0x94: {  	_ =	strace s2  }
0x95: {  	s2 =	sld [smem:$0x3FFD];
	_ =	sdelay $0x3  }
0x96: {  	_ =	strace s2  }
0x97: {  	_ =	strace $0x8FFFFFFF  }
0x98: {  	s18 =	sld [smem:$0x3FDB];
	_ =	sdelay $0x1  }
0x99: {  	s19 =	simm.s32 $_scs_section_size  }
0x9a: {  	s4 =	simm.s32 $_size__tile_overlayer_lowered;
	s5 =	simm.s32 $_tile_overlayer_lowered  }
0x9b: {  	s22 =	simm.s32 $0x1BFF;
	s21 =	sshll.u32 s5, $0x1;
	s2 =	sadd.s32 s19, s18  }
0x9c: {  	s6 =	simm.s32 $0x0;
	s20 =	sshll.u32 s4, $0x1;
	s4 =	sadd.s32 s21, s2  }
0x9d: {  	[timem:s6], [sflag:s22] =	dma.local [hbm:s4], s20  }
0x9e: {  	_ =	swait.ge [sflag:s22], s20  }
0x9f: {  	s3 =	ssub.s32 $0x0, s20;
	[sflag:s22] =	ssyncset.done $0x0  }
0xa0: {  	[sflag:s22] =	ssyncadd.s32 s3;
	_ =	sdelay $0x1  }
0xa1: {  	s23 =	simm.s32 $0x1B8B  }
0xa2: {  	_ =	swait.ge [sflag:s23], $0x1  }
0xa3: {  	[sflag:s23] =	ssyncset.done $0x0  }
0xa4: {  	s25 =	simm.s32 $0x1B8E;
	s24 =	sld [smem:$0x3FFE];
	[sflag:s23] =	ssyncadd.s32 $0xFFFFFFFF  }
0xa5: {  	s26 =	simm.s32 $execute0_lowered;
	[smem:$0x3FD2] =	sst s25  }
0xa6: {  	s4 =	sshll.u32 s26, $0x1;
	_ =	strace $0x80000049;
	[dreg:$0x1] =	wrdreg $0xFFFFFFFF  }
0xa7: {  	s28 =	simm.s32 $_size_execute0_lowered;
	s2 =	sadd.s32 s2, s4;
	[dreg:$0x0] =	wrdreg $0x0  }
0xa8: {  	s4 =	sshll.u32 s28, $0x1;
	[dreg:$0x2] =	wrdreg s2  }
0xa9: {  	[dreg:$0x3] =	wrdreg s4  }
0xaa: {  	[dreg:$0x4] =	wrdreg $0xC0  }
0xab: {  	_ =	task [dreg:s6], $0x5FFFF  }
0xac: {  	[dreg:$0x1] =	wrdreg $0xFFFFFFFF  }
0xad: {  	[dreg:$0x0] =	wrdreg $0x60  }
0xae: {  	[dreg:$0x2] =	wrdreg s24  }
0xaf: {  	[dreg:$0x3] =	wrdreg $0x0  }
0xb0: {  	[dreg:$0x4] =	wrdreg $0x9  }
0xb1: {  	_ =	task.clear_ibuf [dreg:s6], $0x5FFFF;
	_ =	strace $0x90000049  }
0xb2: {  	s29 =	simm.s32 $0x9;
	_ =	strace $0x8000004B  }
0xb3: {  	_ =	swait.ge [sflag:s29], $0x1  }
0xb4: {  	[sflag:s29] =	ssyncadd.s32 $0xFFFFFFFF  }
0xb5: {  	_ =	strace $0x9000004B  }
0xb6: {  	_ =	sfence  }
0xb7: {  	s30 =	sld [smem:$0x0];
	_ =	sdelay $0x2  }
0xb8: {  	s31 =	sshll.u32 s1, $0xD;
	s1 =	sshrl.u32 s1, $0x2  }
0xb9: {  	s3 =	sand.u32 $0x4000, s31;
	s1 =	sadd.s32 s1, s30  }
0xba: {  	s0 =	sor.u32 s3, s0;
	s1 =	sshll.u32 s1, $0x11  }
0xbb: {  	s0 =	sor.u32 s1, s0  }
0xbc: {  	s0 =	sadd.s32 $0x8F2B, s0  }
0xbd: {  	[sflag:s0] =	ssyncadd.remote.s32 $0x1  }
0xbe: {  	_ =	sfence.sel $0xFFFF  }
0xbf: {  	[dreg:$0x0] =	wrdreg $0xFFFFFFFF;
	(pc) =	sbr.abs _section_cstart, $3  }
0xc0: {  	[dreg:$0x1] =	wrdreg $0xFFFFFFFF  }
0xc1: {  	_ =	task.clear_ibuf [dreg:s6], $0x2FFFF;
	_ =	strace $0x9FFFFFFF  }
0xc2: {  	(tm) =	ssettm $0x7FFFFFFF  }
0xc3: {  	_ =	shalt  }
tec
execute0_lowered:
.L_overlay_start_1:
0x0: {  	(tag) =	ssettag $0x1  }
0x1: {  	s5 =	rddreg [dreg:$0x0]  }
0x2: {  	s2 =	rddreg [dreg:$0x1]  }
0x3: {  	s0 =	rddreg [dreg:$0x2]  }
0x4: {  	s3 =	simm.s32 $0x0;
	s1 =	stileid.u32;
	s4 =	srdreg.scid  }
0x5: {  	s17 =	simm.s32 $0x7D;
	s18 =	simm.s32 $0x16000;
	s6 =	smul.u32 $0x14000, s1  }
0x6: {  	s19 =	simm.s32 $0x1A000;
	s20 =	simm.s32 $0x1;
	s24 =	smul.u32 $0xA0, s1  }
0x7: {  	s21 =	simm.s32 $0x2;
	s22 =	simm.s32 $0x0;
	s25 =	smul.u32 $0x50000, s1  }
0x8: {  	[smem:$0x7FF] =	sst s3;
	s7 =	sand.u32 $0x1, s4;
	s30 =	smul.u32 $0xA00, s1  }
0x9: {  	s4 =	sadd.s32 $0xCBA00, s5;
	s9 =	sadd.s32 $0x1AC00, s5;
	s8 =	smul.u32 $0x140000, s7  }
0xa: {  	s10 =	sadd.s32 $0x6C00, s5;
	s31 =	sshll.u32 s1, $0x6;
	s11 =	smul.u32 $0xA00, s7  }
0xb: {  	_ =	strace $0x8000004A;
	s13 =	ssub.s32 $0x2, s7;
	s29 =	smul.u32 $0xA000, s7  }
0xc: {  	s12 =	sshrl.u32 s6, $0x3;
	s14 =	sshrl.u32 s13, $0x1;
	s28 =	sshrl.u32 s25, $0x2  }
0xd: {  	s6 =	sadd.s32 s6, s8;
	s12 =	sadd.s32 s12, s5;
	s8 =	sadd.s32 s24, s11  }
0xe: {  	s13 =	ssub.s32 s13, s14;
	s16 =	sadd.s32 s28, s2;
	s14 =	simm.s32 $0x15000  }
0xf: {  	s6 =	sshrl.u32 s6, $0x3;
	s26 =	sshll.u32 s8, $0x4;
	s7 =	sadd.s32 $0x119C00, s12  }
0x10: {  	s12 =	simm.s32 $0x14000;
	s16 =	sshrl.u32 s16, $0x3;
	s15 =	sadd.s32 s6, s5  }
0x11: {  	s5 =	sadd.s32 s9, s26;
	s6 =	sadd.s32 s10, s26;
	s10 =	sadd.s32 s29, s10  }
0x12: {  	s9 =	sadd.s32 s29, s9;
	s8 =	sadd.s32 $0x141C00, s15;
	s10 =	sadd.s32 s30, s10  }
0x13: {  	s11 =	sadd.s32 s30, s9;
	s9 =	smax.u32 s13, $0x1;
	s13 =	simm.s32 $0x4  }
0x14: {  	s15 =	sor.u32 $0x1C04, s31;
	s10 =	sadd.s32 $0x100, s10;
	s11 =	sadd.s32 $0x100, s11  }
.LBB2_1:
0x15: {  	[tilespmem:s12], [sflag:$0x4] =	stream.linear.gather [hbm4b:s5+s3], $0x800, $0x38;
	[tilespmem:$0x1E000] =	vst v63  }
0x16: {  	_ =	swait.ge [sflag:s13], $0x800  }
0x17: {  	[sflag:s13] =	ssyncset.done $0x0  }
0x18: {  	[sflag:s13] =	ssyncadd.s32 $0xFFFFF800  }
0x19: {  	[tilespmem:s14], [sflag:$0x4] =	stream.linear.gather [hbm4b:s6+s3], $0x800, $0x38;
	[tilespmem:$0x1E000] =	vst v63  }
0x1a: {  	_ =	swait.ge [sflag:s13], $0x800  }
0x1b: {  	[sflag:s13] =	ssyncset.done $0x0  }
0x1c: {  	[sflag:s13] =	ssyncadd.s32 $0xFFFFF800  }
0x1d: {  	[spmem:s16], [sflag:s15] =	dma.local [hbm:s7], $0x2800  }
0x1e: {  	_ =	swait.ge [sflag:s13], $0x2800  }
0x1f: {  	[sflag:s13] =	ssyncset.done $0x0  }
0x20: {  	[sflag:s13] =	ssyncadd.s32 $0xFFFFD800  }
0x21: {  	s23 =	simm.s32 $0x0;
	s24 =	simm.s32 $0x0;
	[bflag:$0x0] =	sbarrier.arrive $0xFFFF  }
.LBB2_2:
0x22: {  	p0 =	seq.s32 s23, $0x0  }
0x23: {  	s25 =	simm.s32 @!p0 $0x3  }
0x24: {  	_ =	swait.ge @!p0 [sflag:s25], $0x800  }
0x25: {  	[sflag:s25] =	ssyncset.done @!p0 $0x0  }
0x26: {  	[sflag:s25] =	ssyncadd.s32 @!p0 $0xFFFFF800  }
0x27: {  	_ =	swait.ge @!p0 [sflag:s25], $0x800  }
0x28: {  	p1 =	seq.s32 @!p0 s23, $0x900;
	[sflag:s25] =	ssyncset.done @!p0 $0x0  }
0x29: {  	p1 =	por p0, !p1;
	[sflag:s25] =	ssyncadd.s32 @!p0 $0xFFFFF800;
	s25 =	simm.s32 @!p0 $0x800  }
0x2a: {  	s25 =	sand.u32 @p1 $0x800, s24  }
0x2b: {  	s26 =	sxor.u32 @p1 $0x800, s25  }
0x2c: {  	s29 =	sadd.s32 @p1 s23, s11;
	s28 =	sor.u32 @p1 $0x14000, s26  }
0x2d: {  	[tilespmem:s28], [sflag:$0x3] =	stream.linear.gather @p1 [hbm4b:s29+s3], $0x800, $0x38;
	[tilespmem:$0x1E000] =	vst v63  }
0x2e: {  	s26 =	sor.u32 @p1 $0x15000, s26;
	s28 =	sadd.s32 @p1 s23, s10  }
0x2f: {  	[tilespmem:s26], [sflag:$0x3] =	stream.linear.gather @p1 [hbm4b:s28+s3], $0x800, $0x38;
	[tilespmem:$0x1E000] =	vst v63  }
0x30: {  	s29 =	sor.u32 $0x14000, s25  }
0x31: {  	[tilespmem:s18], [sflag:$0x1] =	stream.indirect.gather [hbm4b:s4+s17], $0x80, s29, s17, $0xb8;
	[tilespmem:$0x1E000] =	vst v63  }
0x32: {  	s30 =	sadd.s32 $0x14080, s25  }
0x33: {  	[tilespmem:s19], [sflag:$0x2] =	stream.indirect.gather [hbm4b:s4+s17], $0x80, s30, s17, $0xb8;
	[tilespmem:$0x1E000] =	vst v63  }
0x34: {  	_ =	swait.ge [sflag:s20], $0x3E80  }
0x35: {  	[sflag:s20] =	ssyncset.done $0x0  }
0x36: {  	s31 =	sor.u32 $0x15000, s25;
	[sflag:s20] =	ssyncadd.s32 $0xFFFFC180  }
0x37: {  	[spmem:s2] =	stream.indirect.scatter.add.f32 [tilespmem:s18], [sflag:$0x4], $0x80, s31, s17, $0xb8;
	[tilespmem:$0x1E000] =	vst v63  }
0x38: {  	_ =	swait.ge [sflag:s13], $0x3E80  }
0x39: {  	[sflag:s13] =	ssyncset.done $0x0  }
0x3a: {  	s28 =	sadd.s32 $0x14100, s25;
	[sflag:s13] =	ssyncadd.s32 $0xFFFFC180  }
0x3b: {  	[tilespmem:s18], [sflag:$0x1] =	stream.indirect.gather [hbm4b:s4+s17], $0x80, s28, s17, $0xb8;
	[tilespmem:$0x1E000] =	vst v63  }
0x3c: {  	_ =	swait.ge [sflag:s21], $0x3E80  }
0x3d: {  	[sflag:s21] =	ssyncset.done $0x0  }
0x3e: {  	s29 =	sadd.s32 $0x15080, s25;
	[sflag:s21] =	ssyncadd.s32 $0xFFFFC180  }
0x3f: {  	[spmem:s2] =	stream.indirect.scatter.add.f32 [tilespmem:s19], [sflag:$0x4], $0x80, s29, s17, $0xb8;
	[tilespmem:$0x1E000] =	vst v63  }
0x40: {  	_ =	swait.ge [sflag:s13], $0x3E80  }
0x41: {  	[sflag:s13] =	ssyncset.done $0x0  }
0x42: {  	s30 =	sadd.s32 $0x14180, s25;
	[sflag:s13] =	ssyncadd.s32 $0xFFFFC180  }
0x43: {  	[tilespmem:s19], [sflag:$0x2] =	stream.indirect.gather [hbm4b:s4+s17], $0x80, s30, s17, $0xb8;
	[tilespmem:$0x1E000] =	vst v63  }
0x44: {  	_ =	swait.ge [sflag:s20], $0x3E80  }
0x45: {  	[sflag:s20] =	ssyncset.done $0x0  }
0x46: {  	s31 =	sadd.s32 $0x15100, s25;
	[sflag:s20] =	ssyncadd.s32 $0xFFFFC180  }
0x47: {  	[spmem:s2] =	stream.indirect.scatter.add.f32 [tilespmem:s18], [sflag:$0x4], $0x80, s31, s17, $0xb8;
	[tilespmem:$0x1E000] =	vst v63  }
0x48: {  	_ =	swait.ge [sflag:s13], $0x3E80  }
0x49: {  	[sflag:s13] =	ssyncset.done $0x0  }
0x4a: {  	s28 =	sadd.s32 $0x14200, s25;
	[sflag:s13] =	ssyncadd.s32 $0xFFFFC180  }
0x4b: {  	[tilespmem:s18], [sflag:$0x1] =	stream.indirect.gather [hbm4b:s4+s17], $0x80, s28, s17, $0xb8;
	[tilespmem:$0x1E000] =	vst v63  }
0x4c: {  	_ =	swait.ge [sflag:s21], $0x3E80  }
0x4d: {  	[sflag:s21] =	ssyncset.done $0x0  }
0x4e: {  	s29 =	sadd.s32 $0x15180, s25;
	[sflag:s21] =	ssyncadd.s32 $0xFFFFC180  }
0x4f: {  	[spmem:s2] =	stream.indirect.scatter.add.f32 [tilespmem:s19], [sflag:$0x4], $0x80, s29, s17, $0xb8;
	[tilespmem:$0x1E000] =	vst v63  }
0x50: {  	_ =	swait.ge [sflag:s13], $0x3E80  }
0x51: {  	[sflag:s13] =	ssyncset.done $0x0  }
0x52: {  	s30 =	sadd.s32 $0x14280, s25;
	[sflag:s13] =	ssyncadd.s32 $0xFFFFC180  }
0x53: {  	[tilespmem:s19], [sflag:$0x2] =	stream.indirect.gather [hbm4b:s4+s17], $0x80, s30, s17, $0xb8;
	[tilespmem:$0x1E000] =	vst v63  }
0x54: {  	_ =	swait.ge [sflag:s20], $0x3E80  }
0x55: {  	[sflag:s20] =	ssyncset.done $0x0  }
0x56: {  	s31 =	sadd.s32 $0x15200, s25;
	[sflag:s20] =	ssyncadd.s32 $0xFFFFC180  }
0x57: {  	[spmem:s2] =	stream.indirect.scatter.add.f32 [tilespmem:s18], [sflag:$0x4], $0x80, s31, s17, $0xb8;
	[tilespmem:$0x1E000] =	vst v63  }
0x58: {  	_ =	swait.ge [sflag:s13], $0x3E80  }
0x59: {  	[sflag:s13] =	ssyncset.done $0x0  }
0x5a: {  	s28 =	sadd.s32 $0x14300, s25;
	[sflag:s13] =	ssyncadd.s32 $0xFFFFC180  }
0x5b: {  	[tilespmem:s18], [sflag:$0x1] =	stream.indirect.gather [hbm4b:s4+s17], $0x80, s28, s17, $0xb8;
	[tilespmem:$0x1E000] =	vst v63  }
0x5c: {  	_ =	swait.ge [sflag:s21], $0x3E80  }
0x5d: {  	[sflag:s21] =	ssyncset.done $0x0  }
0x5e: {  	s29 =	sadd.s32 $0x15280, s25;
	[sflag:s21] =	ssyncadd.s32 $0xFFFFC180  }
0x5f: {  	[spmem:s2] =	stream.indirect.scatter.add.f32 [tilespmem:s19], [sflag:$0x4], $0x80, s29, s17, $0xb8;
	[tilespmem:$0x1E000] =	vst v63  }
0x60: {  	_ =	swait.ge [sflag:s13], $0x3E80  }
0x61: {  	[sflag:s13] =	ssyncset.done $0x0  }
0x62: {  	s30 =	sadd.s32 $0x14380, s25;
	[sflag:s13] =	ssyncadd.s32 $0xFFFFC180  }
0x63: {  	[tilespmem:s19], [sflag:$0x2] =	stream.indirect.gather [hbm4b:s4+s17], $0x80, s30, s17, $0xb8;
	[tilespmem:$0x1E000] =	vst v63  }
0x64: {  	_ =	swait.ge [sflag:s20], $0x3E80  }
0x65: {  	[sflag:s20] =	ssyncset.done $0x0  }
0x66: {  	s31 =	sadd.s32 $0x15300, s25;
	[sflag:s20] =	ssyncadd.s32 $0xFFFFC180  }
0x67: {  	[spmem:s2] =	stream.indirect.scatter.add.f32 [tilespmem:s18], [sflag:$0x4], $0x80, s31, s17, $0xb8;
	[tilespmem:$0x1E000] =	vst v63  }
0x68: {  	_ =	swait.ge [sflag:s13], $0x3E80  }
0x69: {  	[sflag:s13] =	ssyncset.done $0x0  }
0x6a: {  	s28 =	sadd.s32 $0x14400, s25;
	[sflag:s13] =	ssyncadd.s32 $0xFFFFC180  }
0x6b: {  	[tilespmem:s18], [sflag:$0x1] =	stream.indirect.gather [hbm4b:s4+s17], $0x80, s28, s17, $0xb8;
	[tilespmem:$0x1E000] =	vst v63  }
0x6c: {  	_ =	swait.ge [sflag:s21], $0x3E80  }
0x6d: {  	[sflag:s21] =	ssyncset.done $0x0  }
0x6e: {  	s29 =	sadd.s32 $0x15380, s25;
	[sflag:s21] =	ssyncadd.s32 $0xFFFFC180  }
0x6f: {  	[spmem:s2] =	stream.indirect.scatter.add.f32 [tilespmem:s19], [sflag:$0x4], $0x80, s29, s17, $0xb8;
	[tilespmem:$0x1E000] =	vst v63  }
0x70: {  	_ =	swait.ge [sflag:s13], $0x3E80  }
0x71: {  	[sflag:s13] =	ssyncset.done $0x0  }
0x72: {  	s30 =	sadd.s32 $0x14480, s25;
	[sflag:s13] =	ssyncadd.s32 $0xFFFFC180  }
0x73: {  	[tilespmem:s19], [sflag:$0x2] =	stream.indirect.gather [hbm4b:s4+s17], $0x80, s30, s17, $0xb8;
	[tilespmem:$0x1E000] =	vst v63  }
0x74: {  	_ =	swait.ge [sflag:s20], $0x3E80  }
0x75: {  	[sflag:s20] =	ssyncset.done $0x0  }
0x76: {  	s31 =	sadd.s32 $0x15400, s25;
	[sflag:s20] =	ssyncadd.s32 $0xFFFFC180  }
0x77: {  	[spmem:s2] =	stream.indirect.scatter.add.f32 [tilespmem:s18], [sflag:$0x4], $0x80, s31, s17, $0xb8;
	[tilespmem:$0x1E000] =	vst v63  }
0x78: {  	_ =	swait.ge [sflag:s13], $0x3E80  }
0x79: {  	[sflag:s13] =	ssyncset.done $0x0  }
0x7a: {  	s28 =	sadd.s32 $0x14500, s25;
	[sflag:s13] =	ssyncadd.s32 $0xFFFFC180  }
0x7b: {  	[tilespmem:s18], [sflag:$0x1] =	stream.indirect.gather [hbm4b:s4+s17], $0x80, s28, s17, $0xb8;
	[tilespmem:$0x1E000] =	vst v63  }
0x7c: {  	_ =	swait.ge [sflag:s21], $0x3E80  }
0x7d: {  	[sflag:s21] =	ssyncset.done $0x0  }
0x7e: {  	s29 =	sadd.s32 $0x15480, s25;
	[sflag:s21] =	ssyncadd.s32 $0xFFFFC180  }
0x7f: {  	[spmem:s2] =	stream.indirect.scatter.add.f32 [tilespmem:s19], [sflag:$0x4], $0x80, s29, s17, $0xb8;
	[tilespmem:$0x1E000] =	vst v63  }
0x80: {  	_ =	swait.ge [sflag:s13], $0x3E80  }
0x81: {  	[sflag:s13] =	ssyncset.done $0x0  }
0x82: {  	s30 =	sadd.s32 $0x14580, s25;
	[sflag:s13] =	ssyncadd.s32 $0xFFFFC180  }
0x83: {  	[tilespmem:s19], [sflag:$0x2] =	stream.indirect.gather [hbm4b:s4+s17], $0x80, s30, s17, $0xb8;
	[tilespmem:$0x1E000] =	vst v63  }
0x84: {  	_ =	swait.ge [sflag:s20], $0x3E80  }
0x85: {  	[sflag:s20] =	ssyncset.done $0x0  }
0x86: {  	s31 =	sadd.s32 $0x15500, s25;
	[sflag:s20] =	ssyncadd.s32 $0xFFFFC180  }
0x87: {  	[spmem:s2] =	stream.indirect.scatter.add.f32 [tilespmem:s18], [sflag:$0x4], $0x80, s31, s17, $0xb8;
	[tilespmem:$0x1E000] =	vst v63  }
0x88: {  	_ =	swait.ge [sflag:s13], $0x3E80  }
0x89: {  	[sflag:s13] =	ssyncset.done $0x0  }
0x8a: {  	s28 =	sadd.s32 $0x14600, s25;
	[sflag:s13] =	ssyncadd.s32 $0xFFFFC180  }
0x8b: {  	[tilespmem:s18], [sflag:$0x1] =	stream.indirect.gather [hbm4b:s4+s17], $0x80, s28, s17, $0xb8;
	[tilespmem:$0x1E000] =	vst v63  }
0x8c: {  	_ =	swait.ge [sflag:s21], $0x3E80  }
0x8d: {  	[sflag:s21] =	ssyncset.done $0x0  }
0x8e: {  	s29 =	sadd.s32 $0x15580, s25;
	[sflag:s21] =	ssyncadd.s32 $0xFFFFC180  }
0x8f: {  	[spmem:s2] =	stream.indirect.scatter.add.f32 [tilespmem:s19], [sflag:$0x4], $0x80, s29, s17, $0xb8;
	[tilespmem:$0x1E000] =	vst v63  }
0x90: {  	_ =	swait.ge [sflag:s13], $0x3E80  }
0x91: {  	[sflag:s13] =	ssyncset.done $0x0  }
0x92: {  	s30 =	sadd.s32 $0x14680, s25;
	[sflag:s13] =	ssyncadd.s32 $0xFFFFC180  }
0x93: {  	[tilespmem:s19], [sflag:$0x2] =	stream.indirect.gather [hbm4b:s4+s17], $0x80, s30, s17, $0xb8;
	[tilespmem:$0x1E000] =	vst v63  }
0x94: {  	_ =	swait.ge [sflag:s20], $0x3E80  }
0x95: {  	[sflag:s20] =	ssyncset.done $0x0  }
0x96: {  	s31 =	sadd.s32 $0x15600, s25;
	[sflag:s20] =	ssyncadd.s32 $0xFFFFC180  }
0x97: {  	[spmem:s2] =	stream.indirect.scatter.add.f32 [tilespmem:s18], [sflag:$0x4], $0x80, s31, s17, $0xb8;
	[tilespmem:$0x1E000] =	vst v63  }
0x98: {  	_ =	swait.ge [sflag:s13], $0x3E80  }
0x99: {  	[sflag:s13] =	ssyncset.done $0x0  }
0x9a: {  	s28 =	sadd.s32 $0x14700, s25;
	[sflag:s13] =	ssyncadd.s32 $0xFFFFC180  }
0x9b: {  	[tilespmem:s18], [sflag:$0x1] =	stream.indirect.gather [hbm4b:s4+s17], $0x80, s28, s17, $0xb8;
	[tilespmem:$0x1E000] =	vst v63  }
0x9c: {  	_ =	swait.ge [sflag:s21], $0x3E80  }
0x9d: {  	[sflag:s21] =	ssyncset.done $0x0  }
0x9e: {  	s29 =	sadd.s32 $0x15680, s25;
	[sflag:s21] =	ssyncadd.s32 $0xFFFFC180  }
0x9f: {  	[spmem:s2] =	stream.indirect.scatter.add.f32 [tilespmem:s19], [sflag:$0x4], $0x80, s29, s17, $0xb8;
	[tilespmem:$0x1E000] =	vst v63  }
0xa0: {  	_ =	swait.ge [sflag:s13], $0x3E80  }
0xa1: {  	[sflag:s13] =	ssyncset.done $0x0  }
0xa2: {  	s30 =	sadd.s32 $0x14780, s25;
	[sflag:s13] =	ssyncadd.s32 $0xFFFFC180  }
0xa3: {  	[tilespmem:s19], [sflag:$0x2] =	stream.indirect.gather [hbm4b:s4+s17], $0x80, s30, s17, $0xb8;
	[tilespmem:$0x1E000] =	vst v63  }
0xa4: {  	_ =	swait.ge [sflag:s20], $0x3E80  }
0xa5: {  	[sflag:s20] =	ssyncset.done $0x0  }
0xa6: {  	s31 =	sadd.s32 $0x15700, s25;
	[sflag:s20] =	ssyncadd.s32 $0xFFFFC180  }
0xa7: {  	[spmem:s2] =	stream.indirect.scatter.add.f32 [tilespmem:s18], [sflag:$0x4], $0x80, s31, s17, $0xb8;
	[tilespmem:$0x1E000] =	vst v63  }
0xa8: {  	_ =	swait.ge [sflag:s13], $0x3E80  }
0xa9: {  	[sflag:s13] =	ssyncset.done $0x0  }
0xaa: {  	[sflag:s13] =	ssyncadd.s32 $0xFFFFC180  }
0xab: {  	s23 =	sadd.s32 $0x100, s23;
	_ =	swait.ge [sflag:s21], $0x3E80  }
0xac: {  	p0 =	sne.s32 s23, $0xA00;
	[sflag:s21] =	ssyncset.done $0x0  }
.Ltmp0:
0xad: {  	s25 =	sadd.s32 $0x15780, s25;
	[sflag:s21] =	ssyncadd.s32 $0xFFFFC180;
	(pc) =	sbr.rel @p0 .LBB2_2-.Ltmp0, $4  }
0xae: {  	[spmem:s2] =	stream.indirect.scatter.add.f32 [tilespmem:s19], [sflag:$0x4], $0x80, s25, s17, $0xb8;
	[tilespmem:$0x1E000] =	vst v63  }
0xaf: {  	_ =	swait.ge [sflag:s13], $0x3E80  }
0xb0: {  	[sflag:s13] =	ssyncset.done $0x0  }
0xb1: {  	s24 =	sadd.s32 $0x800, s24;
	[sflag:s13] =	ssyncadd.s32 $0xFFFFC180  }
0xb2: {  	s22 =	sadd.s32 $0x1, s22  }
0xb3: {  	p0 =	sne.s32 s22, s9  }
.Ltmp1:
0xb4: {  	[bflag:$0x0] =	sbarrier.arrive $0xFFFF;
	(pc) =	sbr.rel @p0 .LBB2_1-.Ltmp1, $4  }
0xb5: {  	[hbm:s8], [sflag:s15] =	dma.local [spmem:s16], $0x2800  }
0xb6: {  	_ =	swait.ge [sflag:s13], $0x2800  }
0xb7: {  	[sflag:s13] =	ssyncset.done $0x0  }
0xb8: {  	[sflag:s13] =	ssyncadd.s32 $0xFFFFD800  }
0xb9: {  	_ =	sfence.sel $0x180000  }
0xba: {  	[bflag:$0x0] =	sbarrier.arrive $0xFFFF  }
0xbb: {  	p0 =	sne.s32 s1, $0x0;
	_ =	strace $0x9000004A  }
0xbc: {  	s0 =	sadd.s32 @!p0 $0x100000, s0;
	[bflag:$0x2] =	sbarrier.arrive $0xFFFF  }
0xbd: {  	[sflag:s0] =	ssyncadd.tile.s32 @!p0 $0x1;
	_ =	shalt  }
.Lfunc_end2:
_tile_overlayer_lowered:
.L_overlay_start_2:
0xbe: {  	(tag) =	ssettag $0x2  }
0xbf: {  	s0 =	rddreg [dreg:$0x0];
	s2 =	stileid.u32  }
0xc0: {  	s1 =	rddreg [dreg:$0x1];
	p0 =	sne.s32 s2, $0x0  }
0xc1: {  	s3 =	rddreg [dreg:$0x2];
	[bflag:$0x3] =	sbarrier.arrive $0xFFFF;
	s2 =	simm.s32 @!p0 $0x1C04  }
0xc2: {  	[timem:s3], [sflag:s2] =	dma.local @!p0 [hbm:s0], s1  }
0xc3: {  	s0 =	simm.s32 @!p0 $0x4  }
0xc4: {  	_ =	swait.ge @!p0 [sflag:s0], s1  }
0xc5: {  	s1 =	ssub.s32 @!p0 $0x0, s1;
	[sflag:s0] =	ssyncset.done @!p0 $0x0  }
0xc6: {  	[sflag:s0] =	ssyncadd.s32 @!p0 s1  }
0xc7: {  	[bflag:$0x3] =	sbarrier.arrive $0xFFFF  }
0xc8: {  	_ =	shalt  }

// kernel: kernel.17.cloned.1.call-start
scs
__scs_entry_jumppad:
0x0: {  	(pc) =	sbr.rel $0x88, $3  }
0x1: {  	(tag) =	ssettag $0x0;
	lr =	simm.s32 $0x1  }
0x2: {  	[smem:$0x3F7F] =	sst lr;
	_ =	strace $0xD0000000  }
0x3: {  	_ = 	snop  }
0x4: {  	_ = 	snop  }
0x5: {  	_ = 	snop  }
0x6: {  	_ = 	snop  }
0x7: {  	_ = 	snop  }
__scs_overlays_trampoline_lowered:
0x8: {  	[smem:$0x3F8E] =	sst s0  }
0x9: {  	[smem:$0x3F8F] =	sst s1  }
0xa: {  	[smem:$0x3F90] =	sst s2  }
0xb: {  	[smem:$0x3F91] =	sst s3  }
0xc: {  	[smem:$0x3F92] =	sst s4  }
0xd: {  	[smem:$0x3F93] =	sst s5  }
0xe: {  	[smem:$0x3F94] =	sst s6  }
0xf: {  	[smem:$0x3F95] =	sst s7  }
0x10: {  	[smem:$0x3F96] =	sst s8  }
0x11: {  	[smem:$0x3F97] =	sst s9;
	s0 =	simm.s32 @!p0 $0x0  }
0x12: {  	s1 =	sld [smem:$0x3F7D];
	s0 =	simm.s32 @p0 $0x1  }
0x13: {  	[smem:$0x3F98] =	sst s0;
	s0 =	simm.s32 @!p1 $0x0  }
0x14: {  	s2 =	sld [smem:$0x3F7C];
	s0 =	simm.s32 @p1 $0x1  }
0x15: {  	[smem:$0x3F99] =	sst s0;
	s0 =	simm.s32 @!p2 $0x0  }
0x16: {  	s3 =	sld [smem:$0x3FDB];
	s0 =	simm.s32 @p2 $0x1  }
0x17: {  	s4 =	simm.s32 $0x1BF5;
	[smem:$0x3F9B] =	sst s0  }
0x18: {  	s0 =	sld [smem:$0x3F7E];
	_ =	swait.ge [sflag:s4], $0x0  }
0x19: {  	s7 =	sld [smem:$0x3F7F]  }
0x1a: {  	s8 =	sadd.s32 $0xFFFFE003, lr  }
0x1b: {  	s9 =	sadd.s32 $0xFFFFFEF7, lr;
	s5 =	simm.s32 $0xFFFFFFFF;
	p2 =	slt.u32 s8, $0xFFFFF086  }
0x1c: {  	p1 =	slt.u32 s9, $0xF7A;
	s5 =	simm.s32 @!p2 $0x0  }
0x1d: {  	s5 =	simm.s32 @p1 $0x1;
	p0 =	seq.s32 s7, s2  }
0x1e: {  	s7 =	smul.u32 @!p0 $0xF7A, s2;
	p2 =	seq.s32 @!p0 s5, $0x0  }
0x1f: {  	s9 =	smul.u32 $0xF7A, s1;
	s8 =	simm.s32 @!p0 $0x1BF5;
	p2 =	por !p2, p0  }
0x20: {  	[sflag:s8] =	ssyncset.s32 @!p0 $0xFFFFF086;
	s6 =	sadd.s32 @!p0 s3, s7;
	s7 =	simm.s32 @!p0 $0x108  }
0x21: {  	s3 =	sadd.s32 s3, s9;
	s6 =	sadd.s32 @!p0 $0x88, s6;
	s7 =	simm.s32 @p2 $0x1082  }
0x22: {  	[simem:s7], [sflag:s8] =	dma.local @!p0 [hbm:s6], $0xF7A  }
0x23: {  	s9 =	sor.u32 $0xD0000000, s2;
	s6 =	simm.s32 $0x108;
	_ =	swait.ge @!p0 [sflag:s8], $0x0  }
0x24: {  	s3 =	sadd.s32 $0x88, s3;
	s6 =	simm.s32 @!p1 $0x1082;
	[sflag:s4] =	ssyncset.s32 $0xFFFFF086  }
0x25: {  	[simem:s6], [sflag:s4] =	dma.local [hbm:s3], $0xF7A  }
0x26: {  	[smem:$0x3F7F] =	sst s1;
	(tag) =	ssettag s2;
	_ =	strace s9  }
0x27: {  	s1 =	sld [smem:$0x3F8F]  }
0x28: {  	s2 =	sld [smem:$0x3F90]  }
0x29: {  	s4 =	sld [smem:$0x3F92]  }
0x2a: {  	p0 =	seq.s32 s5, $0x0;
	s5 =	sld [smem:$0x3F93]  }
0x2b: {  	s6 =	sld [smem:$0x3F94]  }
0x2c: {  	s7 =	sld [smem:$0x3F95]  }
0x2d: {  	s3 =	simm.s32 $0x108;
	s8 =	sld [smem:$0x3F96]  }
0x2e: {  	s3 =	simm.s32 @!p0 $0x1082;
	s9 =	sld [smem:$0x3F97]  }
0x2f: {  	lr =	sadd.s32 s0, s3;
	s0 =	sld [smem:$0x3F8E]  }
0x30: {  	s3 =	sld [smem:$0x3F91]  }
0x31: {  	[smem:$0x3F9A] =	sst s10  }
0x32: {  	s10 =	sld [smem:$0x3F98];
	_ =	sdelay $0x3  }
0x33: {  	p0 =	seq.s32 s10, $0x1;
	s10 =	sld [smem:$0x3F9A];
	_ =	sdelay $0x3  }
0x34: {  	[smem:$0x3F9A] =	sst s10  }
0x35: {  	s10 =	sld [smem:$0x3F99];
	_ =	sdelay $0x3  }
0x36: {  	p1 =	seq.s32 s10, $0x1;
	s10 =	sld [smem:$0x3F9A];
	_ =	sdelay $0x3  }
0x37: {  	[smem:$0x3F9A] =	sst s10  }
0x38: {  	s10 =	sld [smem:$0x3F9B]  }
0x39: {  	_ = 	snop;
	(pc) =	sbr.ind lr, $3  }
0x3a: {  	_ = 	snop  }
0x3b: {  	_ = 	snop  }
0x3c: {  	p2 =	seq.s32 s10, $0x1;
	s10 =	sld [smem:$0x3F9A]  }
0x3d: {  	_ =	shalt  }
0x3e: {  	_ =	shalt  }
0x3f: {  	_ =	shalt  }
0x40: {  	_ =	shalt  }
0x41: {  	_ =	shalt  }
0x42: {  	_ =	shalt  }
0x43: {  	_ =	shalt  }
0x44: {  	_ =	shalt  }
0x45: {  	_ =	shalt  }
0x46: {  	_ =	shalt  }
0x47: {  	_ =	shalt  }
0x48: {  	_ =	shalt  }
0x49: {  	_ =	shalt  }
0x4a: {  	_ =	shalt  }
0x4b: {  	_ =	shalt  }
0x4c: {  	_ =	shalt  }
0x4d: {  	_ =	shalt  }
0x4e: {  	_ =	shalt  }
0x4f: {  	_ =	shalt  }
0x50: {  	_ =	shalt  }
0x51: {  	_ =	shalt  }
0x52: {  	_ =	shalt  }
0x53: {  	_ =	shalt  }
0x54: {  	_ =	shalt  }
0x55: {  	_ =	shalt  }
0x56: {  	_ =	shalt  }
0x57: {  	_ =	shalt  }
0x58: {  	_ =	shalt  }
0x59: {  	_ =	shalt  }
0x5a: {  	_ =	shalt  }
0x5b: {  	_ =	shalt  }
0x5c: {  	_ =	shalt  }
0x5d: {  	_ =	shalt  }
0x5e: {  	_ =	shalt  }
0x5f: {  	_ =	shalt  }
0x60: {  	_ =	shalt  }
0x61: {  	_ =	shalt  }
0x62: {  	_ =	shalt  }
0x63: {  	_ =	shalt  }
0x64: {  	_ =	shalt  }
0x65: {  	_ =	shalt  }
0x66: {  	_ =	shalt  }
0x67: {  	_ =	shalt  }
0x68: {  	_ =	shalt  }
0x69: {  	_ =	shalt  }
0x6a: {  	_ =	shalt  }
0x6b: {  	_ =	shalt  }
0x6c: {  	_ =	shalt  }
0x6d: {  	_ =	shalt  }
0x6e: {  	_ =	shalt  }
0x6f: {  	_ =	shalt  }
0x70: {  	_ =	shalt  }
0x71: {  	_ =	shalt  }
0x72: {  	_ =	shalt  }
0x73: {  	_ =	shalt  }
0x74: {  	_ =	shalt  }
0x75: {  	_ =	shalt  }
0x76: {  	_ =	shalt  }
0x77: {  	_ =	shalt  }
0x78: {  	_ =	shalt  }
0x79: {  	_ =	shalt  }
0x7a: {  	_ =	shalt  }
0x7b: {  	_ =	shalt  }
0x7c: {  	_ =	shalt  }
0x7d: {  	_ =	shalt  }
0x7e: {  	_ =	shalt  }
0x7f: {  	_ =	shalt  }
0x80: {  	_ =	shalt  }
0x81: {  	_ =	shalt  }
0x82: {  	_ =	shalt  }
0x83: {  	_ =	shalt  }
0x84: {  	_ =	shalt  }
0x85: {  	_ =	shalt  }
0x86: {  	_ =	shalt  }
0x87: {  	_ =	shalt  }
.Lfunc_end0:
.L_simem_size_0:
called_computation.2_lowered:
.L_overlay_start_0:
0x88: {  	s2 =	sld [smem:$0x3FD9]  }
0x89: {  	s3 =	sld [smem:$0x3FFE];
	_ =	sdelay $0x1  }
0x8a: {  	s1 =	srdreg.scid  }
0x8b: {  	s0 =	sand.u32 $0x1, s1  }
0x8c: {  	s16 =	sshll.u32 s0, $0xA;
	s2 =	sadd.s32 s3, s2  }
0x8d: {  	s2 =	sadd.s32 s2, s16  }
0x8e: {  	[smem:$0x3FA6] =	sst s2  }
0x8f: {  	_ = 	snop  }
0x90: {  	(tm) =	ssettm $0x1  }
0x91: {  	s17 =	sld [smem:$0x3FFB];
	_ =	sdelay $0x3  }
0x92: {  	_ =	strace s17  }
0x93: {  	s2 =	sld [smem:$0x3FFC];
	_ =	sdelay $0x3  }
0x94: {  	_ =	strace s2  }
0x95: {  	s2 =	sld [smem:$0x3FFD];
	_ =	sdelay $0x3  }
0x96: {  	_ =	strace s2  }
0x97: {  	_ =	strace $0x8FFFFFFF  }
0x98: {  	s18 =	sld [smem:$0x3FDB];
	_ =	sdelay $0x1  }
0x99: {  	s19 =	simm.s32 $_scs_section_size  }
0x9a: {  	s4 =	simm.s32 $_size__tile_overlayer_lowered;
	s5 =	simm.s32 $_tile_overlayer_lowered  }
0x9b: {  	s22 =	simm.s32 $0x1BFF;
	s21 =	sshll.u32 s5, $0x1;
	s2 =	sadd.s32 s19, s18  }
0x9c: {  	s6 =	simm.s32 $0x0;
	s20 =	sshll.u32 s4, $0x1;
	s4 =	sadd.s32 s21, s2  }
0x9d: {  	[timem:s6], [sflag:s22] =	dma.local [hbm:s4], s20  }
0x9e: {  	_ =	swait.ge [sflag:s22], s20  }
0x9f: {  	s3 =	ssub.s32 $0x0, s20;
	[sflag:s22] =	ssyncset.done $0x0  }
0xa0: {  	[sflag:s22] =	ssyncadd.s32 s3;
	_ =	sdelay $0x1  }
0xa1: {  	s23 =	simm.s32 $0x1B8B  }
0xa2: {  	_ =	swait.ge [sflag:s23], $0x1  }
0xa3: {  	[sflag:s23] =	ssyncset.done $0x0  }
0xa4: {  	s25 =	simm.s32 $0x1B8E;
	s24 =	sld [smem:$0x3FFE];
	[sflag:s23] =	ssyncadd.s32 $0xFFFFFFFF  }
0xa5: {  	s26 =	simm.s32 $execute0_lowered;
	[smem:$0x3FD2] =	sst s25  }
0xa6: {  	s4 =	sshll.u32 s26, $0x1;
	_ =	strace $0x8000004C;
	[dreg:$0x1] =	wrdreg $0xFFFFFFFF  }
0xa7: {  	s28 =	simm.s32 $_size_execute0_lowered;
	s2 =	sadd.s32 s2, s4;
	[dreg:$0x0] =	wrdreg $0x0  }
0xa8: {  	s4 =	sshll.u32 s28, $0x1;
	[dreg:$0x2] =	wrdreg s2  }
0xa9: {  	[dreg:$0x3] =	wrdreg s4  }
0xaa: {  	[dreg:$0x4] =	wrdreg $0xC0  }
0xab: {  	_ =	task [dreg:s6], $0x5FFFF  }
0xac: {  	[dreg:$0x1] =	wrdreg $0xFFFFFFFF  }
0xad: {  	[dreg:$0x0] =	wrdreg $0x60  }
0xae: {  	[dreg:$0x2] =	wrdreg s24  }
0xaf: {  	[dreg:$0x3] =	wrdreg $0x0  }
0xb0: {  	[dreg:$0x4] =	wrdreg $0x9  }
0xb1: {  	_ =	task.clear_ibuf [dreg:s6], $0x5FFFF;
	_ =	strace $0x9000004C  }
0xb2: {  	s29 =	simm.s32 $0x9;
	_ =	strace $0x8000004E  }
0xb3: {  	_ =	swait.ge [sflag:s29], $0x1  }
0xb4: {  	[sflag:s29] =	ssyncadd.s32 $0xFFFFFFFF  }
0xb5: {  	_ =	strace $0x9000004E  }
0xb6: {  	_ =	sfence  }
0xb7: {  	s30 =	sld [smem:$0x0];
	_ =	sdelay $0x2  }
0xb8: {  	s31 =	sshll.u32 s1, $0xD;
	s1 =	sshrl.u32 s1, $0x2  }
0xb9: {  	s3 =	sand.u32 $0x4000, s31;
	s1 =	sadd.s32 s1, s30  }
0xba: {  	s0 =	sor.u32 s3, s0;
	s1 =	sshll.u32 s1, $0x11  }
0xbb: {  	s0 =	sor.u32 s1, s0  }
0xbc: {  	s0 =	sadd.s32 $0x8F2B, s0  }
0xbd: {  	[sflag:s0] =	ssyncadd.remote.s32 $0x1  }
0xbe: {  	_ =	sfence.sel $0xFFFF  }
0xbf: {  	[dreg:$0x0] =	wrdreg $0xFFFFFFFF;
	(pc) =	sbr.abs _section_cstart, $3  }
0xc0: {  	[dreg:$0x1] =	wrdreg $0xFFFFFFFF  }
0xc1: {  	_ =	task.clear_ibuf [dreg:s6], $0x2FFFF;
	_ =	strace $0x9FFFFFFF  }
0xc2: {  	(tm) =	ssettm $0x7FFFFFFF  }
0xc3: {  	_ =	shalt  }
tec
execute0_lowered:
.L_overlay_start_1:
0x0: {  	(tag) =	ssettag $0x1  }
0x1: {  	s5 =	rddreg [dreg:$0x0]  }
0x2: {  	s2 =	rddreg [dreg:$0x1]  }
0x3: {  	s0 =	rddreg [dreg:$0x2]  }
0x4: {  	s3 =	simm.s32 $0x0;
	s1 =	stileid.u32;
	s4 =	srdreg.scid  }
0x5: {  	s17 =	simm.s32 $0x7D;
	s18 =	simm.s32 $0x16000;
	s6 =	smul.u32 $0x14000, s1  }
0x6: {  	s19 =	simm.s32 $0x1A000;
	s20 =	simm.s32 $0x1;
	s24 =	smul.u32 $0xA0, s1  }
0x7: {  	s21 =	simm.s32 $0x2;
	s22 =	simm.s32 $0x0;
	s25 =	smul.u32 $0x50000, s1  }
0x8: {  	[smem:$0x7FF] =	sst s3;
	s7 =	sand.u32 $0x1, s4;
	s30 =	smul.u32 $0xA00, s1  }
0x9: {  	s4 =	sadd.s32 $0x7CE00, s5;
	s9 =	sadd.s32 $0x1AC00, s5;
	s8 =	smul.u32 $0x140000, s7  }
0xa: {  	s10 =	sadd.s32 $0x6C00, s5;
	s31 =	sshll.u32 s1, $0x6;
	s11 =	smul.u32 $0xA00, s7  }
0xb: {  	_ =	strace $0x8000004D;
	s13 =	ssub.s32 $0x2, s7;
	s29 =	smul.u32 $0xA000, s7  }
0xc: {  	s12 =	sshrl.u32 s6, $0x3;
	s14 =	sshrl.u32 s13, $0x1;
	s28 =	sshrl.u32 s25, $0x2  }
0xd: {  	s6 =	sadd.s32 s6, s8;
	s12 =	sadd.s32 s12, s5;
	s8 =	sadd.s32 s24, s11  }
0xe: {  	s13 =	ssub.s32 s13, s14;
	s16 =	sadd.s32 s28, s2;
	s14 =	simm.s32 $0x15000  }
0xf: {  	s6 =	sshrl.u32 s6, $0x3;
	s26 =	sshll.u32 s8, $0x4;
	s7 =	sadd.s32 $0x119C00, s12  }
0x10: {  	s12 =	simm.s32 $0x14000;
	s16 =	sshrl.u32 s16, $0x3;
	s15 =	sadd.s32 s6, s5  }
0x11: {  	s5 =	sadd.s32 s9, s26;
	s6 =	sadd.s32 s10, s26;
	s10 =	sadd.s32 s29, s10  }
0x12: {  	s9 =	sadd.s32 s29, s9;
	s8 =	sadd.s32 $0x141C00, s15;
	s10 =	sadd.s32 s30, s10  }
0x13: {  	s11 =	sadd.s32 s30, s9;
	s9 =	smax.u32 s13, $0x1;
	s13 =	simm.s32 $0x4  }
0x14: {  	s15 =	sor.u32 $0x1C04, s31;
	s10 =	sadd.s32 $0x100, s10;
	s11 =	sadd.s32 $0x100, s11  }
.LBB2_1:
0x15: {  	[tilespmem:s12], [sflag:$0x4] =	stream.linear.gather [hbm4b:s5+s3], $0x800, $0x38;
	[tilespmem:$0x1E000] =	vst v63  }
0x16: {  	_ =	swait.ge [sflag:s13], $0x800  }
0x17: {  	[sflag:s13] =	ssyncset.done $0x0  }
0x18: {  	[sflag:s13] =	ssyncadd.s32 $0xFFFFF800  }
0x19: {  	[tilespmem:s14], [sflag:$0x4] =	stream.linear.gather [hbm4b:s6+s3], $0x800, $0x38;
	[tilespmem:$0x1E000] =	vst v63  }
0x1a: {  	_ =	swait.ge [sflag:s13], $0x800  }
0x1b: {  	[sflag:s13] =	ssyncset.done $0x0  }
0x1c: {  	[sflag:s13] =	ssyncadd.s32 $0xFFFFF800  }
0x1d: {  	[spmem:s16], [sflag:s15] =	dma.local [hbm:s7], $0x2800  }
0x1e: {  	_ =	swait.ge [sflag:s13], $0x2800  }
0x1f: {  	[sflag:s13] =	ssyncset.done $0x0  }
0x20: {  	[sflag:s13] =	ssyncadd.s32 $0xFFFFD800  }
0x21: {  	s23 =	simm.s32 $0x0;
	s24 =	simm.s32 $0x0;
	[bflag:$0x0] =	sbarrier.arrive $0xFFFF  }
.LBB2_2:
0x22: {  	p0 =	seq.s32 s23, $0x0  }
0x23: {  	s25 =	simm.s32 @!p0 $0x3  }
0x24: {  	_ =	swait.ge @!p0 [sflag:s25], $0x800  }
0x25: {  	[sflag:s25] =	ssyncset.done @!p0 $0x0  }
0x26: {  	[sflag:s25] =	ssyncadd.s32 @!p0 $0xFFFFF800  }
0x27: {  	_ =	swait.ge @!p0 [sflag:s25], $0x800  }
0x28: {  	p1 =	seq.s32 @!p0 s23, $0x900;
	[sflag:s25] =	ssyncset.done @!p0 $0x0  }
0x29: {  	p1 =	por p0, !p1;
	[sflag:s25] =	ssyncadd.s32 @!p0 $0xFFFFF800;
	s25 =	simm.s32 @!p0 $0x800  }
0x2a: {  	s25 =	sand.u32 @p1 $0x800, s24  }
0x2b: {  	s26 =	sxor.u32 @p1 $0x800, s25  }
0x2c: {  	s29 =	sadd.s32 @p1 s23, s11;
	s28 =	sor.u32 @p1 $0x14000, s26  }
0x2d: {  	[tilespmem:s28], [sflag:$0x3] =	stream.linear.gather @p1 [hbm4b:s29+s3], $0x800, $0x38;
	[tilespmem:$0x1E000] =	vst v63  }
0x2e: {  	s26 =	sor.u32 @p1 $0x15000, s26;
	s28 =	sadd.s32 @p1 s23, s10  }
0x2f: {  	[tilespmem:s26], [sflag:$0x3] =	stream.linear.gather @p1 [hbm4b:s28+s3], $0x800, $0x38;
	[tilespmem:$0x1E000] =	vst v63  }
0x30: {  	s29 =	sor.u32 $0x14000, s25  }
0x31: {  	[tilespmem:s18], [sflag:$0x1] =	stream.indirect.gather [hbm4b:s4+s17], $0x80, s29, s17, $0xb8;
	[tilespmem:$0x1E000] =	vst v63  }
0x32: {  	s30 =	sadd.s32 $0x14080, s25  }
0x33: {  	[tilespmem:s19], [sflag:$0x2] =	stream.indirect.gather [hbm4b:s4+s17], $0x80, s30, s17, $0xb8;
	[tilespmem:$0x1E000] =	vst v63  }
0x34: {  	_ =	swait.ge [sflag:s20], $0x3E80  }
0x35: {  	[sflag:s20] =	ssyncset.done $0x0  }
0x36: {  	s31 =	sor.u32 $0x15000, s25;
	[sflag:s20] =	ssyncadd.s32 $0xFFFFC180  }
0x37: {  	[spmem:s2] =	stream.indirect.scatter.add.f32 [tilespmem:s18], [sflag:$0x4], $0x80, s31, s17, $0xb8;
	[tilespmem:$0x1E000] =	vst v63  }
0x38: {  	_ =	swait.ge [sflag:s13], $0x3E80  }
0x39: {  	[sflag:s13] =	ssyncset.done $0x0  }
0x3a: {  	s28 =	sadd.s32 $0x14100, s25;
	[sflag:s13] =	ssyncadd.s32 $0xFFFFC180  }
0x3b: {  	[tilespmem:s18], [sflag:$0x1] =	stream.indirect.gather [hbm4b:s4+s17], $0x80, s28, s17, $0xb8;
	[tilespmem:$0x1E000] =	vst v63  }
0x3c: {  	_ =	swait.ge [sflag:s21], $0x3E80  }
0x3d: {  	[sflag:s21] =	ssyncset.done $0x0  }
0x3e: {  	s29 =	sadd.s32 $0x15080, s25;
	[sflag:s21] =	ssyncadd.s32 $0xFFFFC180  }
0x3f: {  	[spmem:s2] =	stream.indirect.scatter.add.f32 [tilespmem:s19], [sflag:$0x4], $0x80, s29, s17, $0xb8;
	[tilespmem:$0x1E000] =	vst v63  }
0x40: {  	_ =	swait.ge [sflag:s13], $0x3E80  }
0x41: {  	[sflag:s13] =	ssyncset.done $0x0  }
0x42: {  	s30 =	sadd.s32 $0x14180, s25;
	[sflag:s13] =	ssyncadd.s32 $0xFFFFC180  }
0x43: {  	[tilespmem:s19], [sflag:$0x2] =	stream.indirect.gather [hbm4b:s4+s17], $0x80, s30, s17, $0xb8;
	[tilespmem:$0x1E000] =	vst v63  }
0x44: {  	_ =	swait.ge [sflag:s20], $0x3E80  }
0x45: {  	[sflag:s20] =	ssyncset.done $0x0  }
0x46: {  	s31 =	sadd.s32 $0x15100, s25;
	[sflag:s20] =	ssyncadd.s32 $0xFFFFC180  }
0x47: {  	[spmem:s2] =	stream.indirect.scatter.add.f32 [tilespmem:s18], [sflag:$0x4], $0x80, s31, s17, $0xb8;
	[tilespmem:$0x1E000] =	vst v63  }
0x48: {  	_ =	swait.ge [sflag:s13], $0x3E80  }
0x49: {  	[sflag:s13] =	ssyncset.done $0x0  }
0x4a: {  	s28 =	sadd.s32 $0x14200, s25;
	[sflag:s13] =	ssyncadd.s32 $0xFFFFC180  }
0x4b: {  	[tilespmem:s18], [sflag:$0x1] =	stream.indirect.gather [hbm4b:s4+s17], $0x80, s28, s17, $0xb8;
	[tilespmem:$0x1E000] =	vst v63  }
0x4c: {  	_ =	swait.ge [sflag:s21], $0x3E80  }
0x4d: {  	[sflag:s21] =	ssyncset.done $0x0  }
0x4e: {  	s29 =	sadd.s32 $0x15180, s25;
	[sflag:s21] =	ssyncadd.s32 $0xFFFFC180  }
0x4f: {  	[spmem:s2] =	stream.indirect.scatter.add.f32 [tilespmem:s19], [sflag:$0x4], $0x80, s29, s17, $0xb8;
	[tilespmem:$0x1E000] =	vst v63  }
0x50: {  	_ =	swait.ge [sflag:s13], $0x3E80  }
0x51: {  	[sflag:s13] =	ssyncset.done $0x0  }
0x52: {  	s30 =	sadd.s32 $0x14280, s25;
	[sflag:s13] =	ssyncadd.s32 $0xFFFFC180  }
0x53: {  	[tilespmem:s19], [sflag:$0x2] =	stream.indirect.gather [hbm4b:s4+s17], $0x80, s30, s17, $0xb8;
	[tilespmem:$0x1E000] =	vst v63  }
0x54: {  	_ =	swait.ge [sflag:s20], $0x3E80  }
0x55: {  	[sflag:s20] =	ssyncset.done $0x0  }
0x56: {  	s31 =	sadd.s32 $0x15200, s25;
	[sflag:s20] =	ssyncadd.s32 $0xFFFFC180  }
0x57: {  	[spmem:s2] =	stream.indirect.scatter.add.f32 [tilespmem:s18], [sflag:$0x4], $0x80, s31, s17, $0xb8;
	[tilespmem:$0x1E000] =	vst v63  }
0x58: {  	_ =	swait.ge [sflag:s13], $0x3E80  }
0x59: {  	[sflag:s13] =	ssyncset.done $0x0  }
0x5a: {  	s28 =	sadd.s32 $0x14300, s25;
	[sflag:s13] =	ssyncadd.s32 $0xFFFFC180  }
0x5b: {  	[tilespmem:s18], [sflag:$0x1] =	stream.indirect.gather [hbm4b:s4+s17], $0x80, s28, s17, $0xb8;
	[tilespmem:$0x1E000] =	vst v63  }
0x5c: {  	_ =	swait.ge [sflag:s21], $0x3E80  }
0x5d: {  	[sflag:s21] =	ssyncset.done $0x0  }
0x5e: {  	s29 =	sadd.s32 $0x15280, s25;
	[sflag:s21] =	ssyncadd.s32 $0xFFFFC180  }
0x5f: {  	[spmem:s2] =	stream.indirect.scatter.add.f32 [tilespmem:s19], [sflag:$0x4], $0x80, s29, s17, $0xb8;
	[tilespmem:$0x1E000] =	vst v63  }
0x60: {  	_ =	swait.ge [sflag:s13], $0x3E80  }
0x61: {  	[sflag:s13] =	ssyncset.done $0x0  }
0x62: {  	s30 =	sadd.s32 $0x14380, s25;
	[sflag:s13] =	ssyncadd.s32 $0xFFFFC180  }
0x63: {  	[tilespmem:s19], [sflag:$0x2] =	stream.indirect.gather [hbm4b:s4+s17], $0x80, s30, s17, $0xb8;
	[tilespmem:$0x1E000] =	vst v63  }
0x64: {  	_ =	swait.ge [sflag:s20], $0x3E80  }
0x65: {  	[sflag:s20] =	ssyncset.done $0x0  }
0x66: {  	s31 =	sadd.s32 $0x15300, s25;
	[sflag:s20] =	ssyncadd.s32 $0xFFFFC180  }
0x67: {  	[spmem:s2] =	stream.indirect.scatter.add.f32 [tilespmem:s18], [sflag:$0x4], $0x80, s31, s17, $0xb8;
	[tilespmem:$0x1E000] =	vst v63  }
0x68: {  	_ =	swait.ge [sflag:s13], $0x3E80  }
0x69: {  	[sflag:s13] =	ssyncset.done $0x0  }
0x6a: {  	s28 =	sadd.s32 $0x14400, s25;
	[sflag:s13] =	ssyncadd.s32 $0xFFFFC180  }
0x6b: {  	[tilespmem:s18], [sflag:$0x1] =	stream.indirect.gather [hbm4b:s4+s17], $0x80, s28, s17, $0xb8;
	[tilespmem:$0x1E000] =	vst v63  }
0x6c: {  	_ =	swait.ge [sflag:s21], $0x3E80  }
0x6d: {  	[sflag:s21] =	ssyncset.done $0x0  }
0x6e: {  	s29 =	sadd.s32 $0x15380, s25;
	[sflag:s21] =	ssyncadd.s32 $0xFFFFC180  }
0x6f: {  	[spmem:s2] =	stream.indirect.scatter.add.f32 [tilespmem:s19], [sflag:$0x4], $0x80, s29, s17, $0xb8;
	[tilespmem:$0x1E000] =	vst v63  }
0x70: {  	_ =	swait.ge [sflag:s13], $0x3E80  }
0x71: {  	[sflag:s13] =	ssyncset.done $0x0  }
0x72: {  	s30 =	sadd.s32 $0x14480, s25;
	[sflag:s13] =	ssyncadd.s32 $0xFFFFC180  }
0x73: {  	[tilespmem:s19], [sflag:$0x2] =	stream.indirect.gather [hbm4b:s4+s17], $0x80, s30, s17, $0xb8;
	[tilespmem:$0x1E000] =	vst v63  }
0x74: {  	_ =	swait.ge [sflag:s20], $0x3E80  }
0x75: {  	[sflag:s20] =	ssyncset.done $0x0  }
0x76: {  	s31 =	sadd.s32 $0x15400, s25;
	[sflag:s20] =	ssyncadd.s32 $0xFFFFC180  }
0x77: {  	[spmem:s2] =	stream.indirect.scatter.add.f32 [tilespmem:s18], [sflag:$0x4], $0x80, s31, s17, $0xb8;
	[tilespmem:$0x1E000] =	vst v63  }
0x78: {  	_ =	swait.ge [sflag:s13], $0x3E80  }
0x79: {  	[sflag:s13] =	ssyncset.done $0x0  }
0x7a: {  	s28 =	sadd.s32 $0x14500, s25;
	[sflag:s13] =	ssyncadd.s32 $0xFFFFC180  }
0x7b: {  	[tilespmem:s18], [sflag:$0x1] =	stream.indirect.gather [hbm4b:s4+s17], $0x80, s28, s17, $0xb8;
	[tilespmem:$0x1E000] =	vst v63  }
0x7c: {  	_ =	swait.ge [sflag:s21], $0x3E80  }
0x7d: {  	[sflag:s21] =	ssyncset.done $0x0  }
0x7e: {  	s29 =	sadd.s32 $0x15480, s25;
	[sflag:s21] =	ssyncadd.s32 $0xFFFFC180  }
0x7f: {  	[spmem:s2] =	stream.indirect.scatter.add.f32 [tilespmem:s19], [sflag:$0x4], $0x80, s29, s17, $0xb8;
	[tilespmem:$0x1E000] =	vst v63  }
0x80: {  	_ =	swait.ge [sflag:s13], $0x3E80  }
0x81: {  	[sflag:s13] =	ssyncset.done $0x0  }
0x82: {  	s30 =	sadd.s32 $0x14580, s25;
	[sflag:s13] =	ssyncadd.s32 $0xFFFFC180  }
0x83: {  	[tilespmem:s19], [sflag:$0x2] =	stream.indirect.gather [hbm4b:s4+s17], $0x80, s30, s17, $0xb8;
	[tilespmem:$0x1E000] =	vst v63  }
0x84: {  	_ =	swait.ge [sflag:s20], $0x3E80  }
0x85: {  	[sflag:s20] =	ssyncset.done $0x0  }
0x86: {  	s31 =	sadd.s32 $0x15500, s25;
	[sflag:s20] =	ssyncadd.s32 $0xFFFFC180  }
0x87: {  	[spmem:s2] =	stream.indirect.scatter.add.f32 [tilespmem:s18], [sflag:$0x4], $0x80, s31, s17, $0xb8;
	[tilespmem:$0x1E000] =	vst v63  }
0x88: {  	_ =	swait.ge [sflag:s13], $0x3E80  }
0x89: {  	[sflag:s13] =	ssyncset.done $0x0  }
0x8a: {  	s28 =	sadd.s32 $0x14600, s25;
	[sflag:s13] =	ssyncadd.s32 $0xFFFFC180  }
0x8b: {  	[tilespmem:s18], [sflag:$0x1] =	stream.indirect.gather [hbm4b:s4+s17], $0x80, s28, s17, $0xb8;
	[tilespmem:$0x1E000] =	vst v63  }
0x8c: {  	_ =	swait.ge [sflag:s21], $0x3E80  }
0x8d: {  	[sflag:s21] =	ssyncset.done $0x0  }
0x8e: {  	s29 =	sadd.s32 $0x15580, s25;
	[sflag:s21] =	ssyncadd.s32 $0xFFFFC180  }
0x8f: {  	[spmem:s2] =	stream.indirect.scatter.add.f32 [tilespmem:s19], [sflag:$0x4], $0x80, s29, s17, $0xb8;
	[tilespmem:$0x1E000] =	vst v63  }
0x90: {  	_ =	swait.ge [sflag:s13], $0x3E80  }
0x91: {  	[sflag:s13] =	ssyncset.done $0x0  }
0x92: {  	s30 =	sadd.s32 $0x14680, s25;
	[sflag:s13] =	ssyncadd.s32 $0xFFFFC180  }
0x93: {  	[tilespmem:s19], [sflag:$0x2] =	stream.indirect.gather [hbm4b:s4+s17], $0x80, s30, s17, $0xb8;
	[tilespmem:$0x1E000] =	vst v63  }
0x94: {  	_ =	swait.ge [sflag:s20], $0x3E80  }
0x95: {  	[sflag:s20] =	ssyncset.done $0x0  }
0x96: {  	s31 =	sadd.s32 $0x15600, s25;
	[sflag:s20] =	ssyncadd.s32 $0xFFFFC180  }
0x97: {  	[spmem:s2] =	stream.indirect.scatter.add.f32 [tilespmem:s18], [sflag:$0x4], $0x80, s31, s17, $0xb8;
	[tilespmem:$0x1E000] =	vst v63  }
0x98: {  	_ =	swait.ge [sflag:s13], $0x3E80  }
0x99: {  	[sflag:s13] =	ssyncset.done $0x0  }
0x9a: {  	s28 =	sadd.s32 $0x14700, s25;
	[sflag:s13] =	ssyncadd.s32 $0xFFFFC180  }
0x9b: {  	[tilespmem:s18], [sflag:$0x1] =	stream.indirect.gather [hbm4b:s4+s17], $0x80, s28, s17, $0xb8;
	[tilespmem:$0x1E000] =	vst v63  }
0x9c: {  	_ =	swait.ge [sflag:s21], $0x3E80  }
0x9d: {  	[sflag:s21] =	ssyncset.done $0x0  }
0x9e: {  	s29 =	sadd.s32 $0x15680, s25;
	[sflag:s21] =	ssyncadd.s32 $0xFFFFC180  }
0x9f: {  	[spmem:s2] =	stream.indirect.scatter.add.f32 [tilespmem:s19], [sflag:$0x4], $0x80, s29, s17, $0xb8;
	[tilespmem:$0x1E000] =	vst v63  }
0xa0: {  	_ =	swait.ge [sflag:s13], $0x3E80  }
0xa1: {  	[sflag:s13] =	ssyncset.done $0x0  }
0xa2: {  	s30 =	sadd.s32 $0x14780, s25;
	[sflag:s13] =	ssyncadd.s32 $0xFFFFC180  }
0xa3: {  	[tilespmem:s19], [sflag:$0x2] =	stream.indirect.gather [hbm4b:s4+s17], $0x80, s30, s17, $0xb8;
	[tilespmem:$0x1E000] =	vst v63  }
0xa4: {  	_ =	swait.ge [sflag:s20], $0x3E80  }
0xa5: {  	[sflag:s20] =	ssyncset.done $0x0  }
0xa6: {  	s31 =	sadd.s32 $0x15700, s25;
	[sflag:s20] =	ssyncadd.s32 $0xFFFFC180  }
0xa7: {  	[spmem:s2] =	stream.indirect.scatter.add.f32 [tilespmem:s18], [sflag:$0x4], $0x80, s31, s17, $0xb8;
	[tilespmem:$0x1E000] =	vst v63  }
0xa8: {  	_ =	swait.ge [sflag:s13], $0x3E80  }
0xa9: {  	[sflag:s13] =	ssyncset.done $0x0  }
0xaa: {  	[sflag:s13] =	ssyncadd.s32 $0xFFFFC180  }
0xab: {  	s23 =	sadd.s32 $0x100, s23;
	_ =	swait.ge [sflag:s21], $0x3E80  }
0xac: {  	p0 =	sne.s32 s23, $0xA00;
	[sflag:s21] =	ssyncset.done $0x0  }
.Ltmp0:
0xad: {  	s25 =	sadd.s32 $0x15780, s25;
	[sflag:s21] =	ssyncadd.s32 $0xFFFFC180;
	(pc) =	sbr.rel @p0 .LBB2_2-.Ltmp0, $4  }
0xae: {  	[spmem:s2] =	stream.indirect.scatter.add.f32 [tilespmem:s19], [sflag:$0x4], $0x80, s25, s17, $0xb8;
	[tilespmem:$0x1E000] =	vst v63  }
0xaf: {  	_ =	swait.ge [sflag:s13], $0x3E80  }
0xb0: {  	[sflag:s13] =	ssyncset.done $0x0  }
0xb1: {  	s24 =	sadd.s32 $0x800, s24;
	[sflag:s13] =	ssyncadd.s32 $0xFFFFC180  }
0xb2: {  	s22 =	sadd.s32 $0x1, s22  }
0xb3: {  	p0 =	sne.s32 s22, s9  }
.Ltmp1:
0xb4: {  	[bflag:$0x0] =	sbarrier.arrive $0xFFFF;
	(pc) =	sbr.rel @p0 .LBB2_1-.Ltmp1, $4  }
0xb5: {  	[hbm:s8], [sflag:s15] =	dma.local [spmem:s16], $0x2800  }
0xb6: {  	_ =	swait.ge [sflag:s13], $0x2800  }
0xb7: {  	[sflag:s13] =	ssyncset.done $0x0  }
0xb8: {  	[sflag:s13] =	ssyncadd.s32 $0xFFFFD800  }
0xb9: {  	_ =	sfence.sel $0x180000  }
0xba: {  	[bflag:$0x0] =	sbarrier.arrive $0xFFFF  }
0xbb: {  	p0 =	sne.s32 s1, $0x0;
	_ =	strace $0x9000004D  }
0xbc: {  	s0 =	sadd.s32 @!p0 $0x100000, s0;
	[bflag:$0x2] =	sbarrier.arrive $0xFFFF  }
0xbd: {  	[sflag:s0] =	ssyncadd.tile.s32 @!p0 $0x1;
	_ =	shalt  }
.Lfunc_end2:
_tile_overlayer_lowered:
.L_overlay_start_2:
0xbe: {  	(tag) =	ssettag $0x2  }
0xbf: {  	s0 =	rddreg [dreg:$0x0];
	s2 =	stileid.u32  }
0xc0: {  	s1 =	rddreg [dreg:$0x1];
	p0 =	sne.s32 s2, $0x0  }
0xc1: {  	s3 =	rddreg [dreg:$0x2];
	[bflag:$0x3] =	sbarrier.arrive $0xFFFF;
	s2 =	simm.s32 @!p0 $0x1C04  }
0xc2: {  	[timem:s3], [sflag:s2] =	dma.local @!p0 [hbm:s0], s1  }
0xc3: {  	s0 =	simm.s32 @!p0 $0x4  }
0xc4: {  	_ =	swait.ge @!p0 [sflag:s0], s1  }
0xc5: {  	s1 =	ssub.s32 @!p0 $0x0, s1;
	[sflag:s0] =	ssyncset.done @!p0 $0x0  }
0xc6: {  	[sflag:s0] =	ssyncadd.s32 @!p0 s1  }
0xc7: {  	[bflag:$0x3] =	sbarrier.arrive $0xFFFF  }
0xc8: {  	_ =	shalt  }

// kernel: kernel.20.cloned.1.call-start
scs
__scs_entry_jumppad:
0x0: {  	(pc) =	sbr.rel $0x88, $3  }
0x1: {  	(tag) =	ssettag $0x0;
	lr =	simm.s32 $0x1  }
0x2: {  	[smem:$0x3F7F] =	sst lr;
	_ =	strace $0xD0000000  }
0x3: {  	_ = 	snop  }
0x4: {  	_ = 	snop  }
0x5: {  	_ = 	snop  }
0x6: {  	_ = 	snop  }
0x7: {  	_ = 	snop  }
__scs_overlays_trampoline_lowered:
0x8: {  	[smem:$0x3F8E] =	sst s0  }
0x9: {  	[smem:$0x3F8F] =	sst s1  }
0xa: {  	[smem:$0x3F90] =	sst s2  }
0xb: {  	[smem:$0x3F91] =	sst s3  }
0xc: {  	[smem:$0x3F92] =	sst s4  }
0xd: {  	[smem:$0x3F93] =	sst s5  }
0xe: {  	[smem:$0x3F94] =	sst s6  }
0xf: {  	[smem:$0x3F95] =	sst s7  }
0x10: {  	[smem:$0x3F96] =	sst s8  }
0x11: {  	[smem:$0x3F97] =	sst s9;
	s0 =	simm.s32 @!p0 $0x0  }
0x12: {  	s1 =	sld [smem:$0x3F7D];
	s0 =	simm.s32 @p0 $0x1  }
0x13: {  	[smem:$0x3F98] =	sst s0;
	s0 =	simm.s32 @!p1 $0x0  }
0x14: {  	s2 =	sld [smem:$0x3F7C];
	s0 =	simm.s32 @p1 $0x1  }
0x15: {  	[smem:$0x3F99] =	sst s0;
	s0 =	simm.s32 @!p2 $0x0  }
0x16: {  	s3 =	sld [smem:$0x3FDB];
	s0 =	simm.s32 @p2 $0x1  }
0x17: {  	s4 =	simm.s32 $0x1BF5;
	[smem:$0x3F9B] =	sst s0  }
0x18: {  	s0 =	sld [smem:$0x3F7E];
	_ =	swait.ge [sflag:s4], $0x0  }
0x19: {  	s7 =	sld [smem:$0x3F7F]  }
0x1a: {  	s8 =	sadd.s32 $0xFFFFE003, lr  }
0x1b: {  	s9 =	sadd.s32 $0xFFFFFEF7, lr;
	s5 =	simm.s32 $0xFFFFFFFF;
	p2 =	slt.u32 s8, $0xFFFFF086  }
0x1c: {  	p1 =	slt.u32 s9, $0xF7A;
	s5 =	simm.s32 @!p2 $0x0  }
0x1d: {  	s5 =	simm.s32 @p1 $0x1;
	p0 =	seq.s32 s7, s2  }
0x1e: {  	s7 =	smul.u32 @!p0 $0xF7A, s2;
	p2 =	seq.s32 @!p0 s5, $0x0  }
0x1f: {  	s9 =	smul.u32 $0xF7A, s1;
	s8 =	simm.s32 @!p0 $0x1BF5;
	p2 =	por !p2, p0  }
0x20: {  	[sflag:s8] =	ssyncset.s32 @!p0 $0xFFFFF086;
	s6 =	sadd.s32 @!p0 s3, s7;
	s7 =	simm.s32 @!p0 $0x108  }
0x21: {  	s3 =	sadd.s32 s3, s9;
	s6 =	sadd.s32 @!p0 $0x88, s6;
	s7 =	simm.s32 @p2 $0x1082  }
0x22: {  	[simem:s7], [sflag:s8] =	dma.local @!p0 [hbm:s6], $0xF7A  }
0x23: {  	s9 =	sor.u32 $0xD0000000, s2;
	s6 =	simm.s32 $0x108;
	_ =	swait.ge @!p0 [sflag:s8], $0x0  }
0x24: {  	s3 =	sadd.s32 $0x88, s3;
	s6 =	simm.s32 @!p1 $0x1082;
	[sflag:s4] =	ssyncset.s32 $0xFFFFF086  }
0x25: {  	[simem:s6], [sflag:s4] =	dma.local [hbm:s3], $0xF7A  }
0x26: {  	[smem:$0x3F7F] =	sst s1;
	(tag) =	ssettag s2;
	_ =	strace s9  }
0x27: {  	s1 =	sld [smem:$0x3F8F]  }
0x28: {  	s2 =	sld [smem:$0x3F90]  }
0x29: {  	s4 =	sld [smem:$0x3F92]  }
0x2a: {  	p0 =	seq.s32 s5, $0x0;
	s5 =	sld [smem:$0x3F93]  }
0x2b: {  	s6 =	sld [smem:$0x3F94]  }
0x2c: {  	s7 =	sld [smem:$0x3F95]  }
0x2d: {  	s3 =	simm.s32 $0x108;
	s8 =	sld [smem:$0x3F96]  }
0x2e: {  	s3 =	simm.s32 @!p0 $0x1082;
	s9 =	sld [smem:$0x3F97]  }
0x2f: {  	lr =	sadd.s32 s0, s3;
	s0 =	sld [smem:$0x3F8E]  }
0x30: {  	s3 =	sld [smem:$0x3F91]  }
0x31: {  	[smem:$0x3F9A] =	sst s10  }
0x32: {  	s10 =	sld [smem:$0x3F98];
	_ =	sdelay $0x3  }
0x33: {  	p0 =	seq.s32 s10, $0x1;
	s10 =	sld [smem:$0x3F9A];
	_ =	sdelay $0x3  }
0x34: {  	[smem:$0x3F9A] =	sst s10  }
0x35: {  	s10 =	sld [smem:$0x3F99];
	_ =	sdelay $0x3  }
0x36: {  	p1 =	seq.s32 s10, $0x1;
	s10 =	sld [smem:$0x3F9A];
	_ =	sdelay $0x3  }
0x37: {  	[smem:$0x3F9A] =	sst s10  }
0x38: {  	s10 =	sld [smem:$0x3F9B]  }
0x39: {  	_ = 	snop;
	(pc) =	sbr.ind lr, $3  }
0x3a: {  	_ = 	snop  }
0x3b: {  	_ = 	snop  }
0x3c: {  	p2 =	seq.s32 s10, $0x1;
	s10 =	sld [smem:$0x3F9A]  }
0x3d: {  	_ =	shalt  }
0x3e: {  	_ =	shalt  }
0x3f: {  	_ =	shalt  }
0x40: {  	_ =	shalt  }
0x41: {  	_ =	shalt  }
0x42: {  	_ =	shalt  }
0x43: {  	_ =	shalt  }
0x44: {  	_ =	shalt  }
0x45: {  	_ =	shalt  }
0x46: {  	_ =	shalt  }
0x47: {  	_ =	shalt  }
0x48: {  	_ =	shalt  }
0x49: {  	_ =	shalt  }
0x4a: {  	_ =	shalt  }
0x4b: {  	_ =	shalt  }
0x4c: {  	_ =	shalt  }
0x4d: {  	_ =	shalt  }
0x4e: {  	_ =	shalt  }
0x4f: {  	_ =	shalt  }
0x50: {  	_ =	shalt  }
0x51: {  	_ =	shalt  }
0x52: {  	_ =	shalt  }
0x53: {  	_ =	shalt  }
0x54: {  	_ =	shalt  }
0x55: {  	_ =	shalt  }
0x56: {  	_ =	shalt  }
0x57: {  	_ =	shalt  }
0x58: {  	_ =	shalt  }
0x59: {  	_ =	shalt  }
0x5a: {  	_ =	shalt  }
0x5b: {  	_ =	shalt  }
0x5c: {  	_ =	shalt  }
0x5d: {  	_ =	shalt  }
0x5e: {  	_ =	shalt  }
0x5f: {  	_ =	shalt  }
0x60: {  	_ =	shalt  }
0x61: {  	_ =	shalt  }
0x62: {  	_ =	shalt  }
0x63: {  	_ =	shalt  }
0x64: {  	_ =	shalt  }
0x65: {  	_ =	shalt  }
0x66: {  	_ =	shalt  }
0x67: {  	_ =	shalt  }
0x68: {  	_ =	shalt  }
0x69: {  	_ =	shalt  }
0x6a: {  	_ =	shalt  }
0x6b: {  	_ =	shalt  }
0x6c: {  	_ =	shalt  }
0x6d: {  	_ =	shalt  }
0x6e: {  	_ =	shalt  }
0x6f: {  	_ =	shalt  }
0x70: {  	_ =	shalt  }
0x71: {  	_ =	shalt  }
0x72: {  	_ =	shalt  }
0x73: {  	_ =	shalt  }
0x74: {  	_ =	shalt  }
0x75: {  	_ =	shalt  }
0x76: {  	_ =	shalt  }
0x77: {  	_ =	shalt  }
0x78: {  	_ =	shalt  }
0x79: {  	_ =	shalt  }
0x7a: {  	_ =	shalt  }
0x7b: {  	_ =	shalt  }
0x7c: {  	_ =	shalt  }
0x7d: {  	_ =	shalt  }
0x7e: {  	_ =	shalt  }
0x7f: {  	_ =	shalt  }
0x80: {  	_ =	shalt  }
0x81: {  	_ =	shalt  }
0x82: {  	_ =	shalt  }
0x83: {  	_ =	shalt  }
0x84: {  	_ =	shalt  }
0x85: {  	_ =	shalt  }
0x86: {  	_ =	shalt  }
0x87: {  	_ =	shalt  }
.Lfunc_end0:
.L_simem_size_0:
called_computation.3_lowered:
.L_overlay_start_0:
0x88: {  	s2 =	sld [smem:$0x3FD9]  }
0x89: {  	s3 =	sld [smem:$0x3FFE];
	_ =	sdelay $0x1  }
0x8a: {  	s1 =	srdreg.scid  }
0x8b: {  	s0 =	sand.u32 $0x1, s1  }
0x8c: {  	s16 =	sshll.u32 s0, $0xA;
	s2 =	sadd.s32 s3, s2  }
0x8d: {  	s2 =	sadd.s32 s2, s16  }
0x8e: {  	[smem:$0x3FA6] =	sst s2  }
0x8f: {  	_ = 	snop  }
0x90: {  	(tm) =	ssettm $0x1  }
0x91: {  	s17 =	sld [smem:$0x3FFB];
	_ =	sdelay $0x3  }
0x92: {  	_ =	strace s17  }
0x93: {  	s2 =	sld [smem:$0x3FFC];
	_ =	sdelay $0x3  }
0x94: {  	_ =	strace s2  }
0x95: {  	s2 =	sld [smem:$0x3FFD];
	_ =	sdelay $0x3  }
0x96: {  	_ =	strace s2  }
0x97: {  	_ =	strace $0x8FFFFFFF  }
0x98: {  	s18 =	sld [smem:$0x3FDB];
	_ =	sdelay $0x1  }
0x99: {  	s19 =	simm.s32 $_scs_section_size  }
0x9a: {  	s4 =	simm.s32 $_size__tile_overlayer_lowered;
	s5 =	simm.s32 $_tile_overlayer_lowered  }
0x9b: {  	s22 =	simm.s32 $0x1BFF;
	s21 =	sshll.u32 s5, $0x1;
	s2 =	sadd.s32 s19, s18  }
0x9c: {  	s6 =	simm.s32 $0x0;
	s20 =	sshll.u32 s4, $0x1;
	s4 =	sadd.s32 s21, s2  }
0x9d: {  	[timem:s6], [sflag:s22] =	dma.local [hbm:s4], s20  }
0x9e: {  	_ =	swait.ge [sflag:s22], s20  }
0x9f: {  	s3 =	ssub.s32 $0x0, s20;
	[sflag:s22] =	ssyncset.done $0x0  }
0xa0: {  	[sflag:s22] =	ssyncadd.s32 s3;
	_ =	sdelay $0x1  }
0xa1: {  	s23 =	simm.s32 $0x1B8B  }
0xa2: {  	_ =	swait.ge [sflag:s23], $0x1  }
0xa3: {  	[sflag:s23] =	ssyncset.done $0x0  }
0xa4: {  	s25 =	simm.s32 $0x1B8E;
	s24 =	sld [smem:$0x3FFE];
	[sflag:s23] =	ssyncadd.s32 $0xFFFFFFFF  }
0xa5: {  	s26 =	simm.s32 $execute0_lowered;
	[smem:$0x3FD2] =	sst s25  }
0xa6: {  	s4 =	sshll.u32 s26, $0x1;
	_ =	strace $0x8000004F;
	[dreg:$0x1] =	wrdreg $0xFFFFFFFF  }
0xa7: {  	s28 =	simm.s32 $_size_execute0_lowered;
	s2 =	sadd.s32 s2, s4;
	[dreg:$0x0] =	wrdreg $0x0  }
0xa8: {  	s4 =	sshll.u32 s28, $0x1;
	[dreg:$0x2] =	wrdreg s2  }
0xa9: {  	[dreg:$0x3] =	wrdreg s4  }
0xaa: {  	[dreg:$0x4] =	wrdreg $0xC0  }
0xab: {  	_ =	task [dreg:s6], $0x5FFFF  }
0xac: {  	[dreg:$0x1] =	wrdreg $0xFFFFFFFF  }
0xad: {  	[dreg:$0x0] =	wrdreg $0x60  }
0xae: {  	[dreg:$0x2] =	wrdreg s24  }
0xaf: {  	[dreg:$0x3] =	wrdreg $0x0  }
0xb0: {  	[dreg:$0x4] =	wrdreg $0x9  }
0xb1: {  	_ =	task.clear_ibuf [dreg:s6], $0x5FFFF;
	_ =	strace $0x9000004F  }
0xb2: {  	s29 =	simm.s32 $0x9;
	_ =	strace $0x80000051  }
0xb3: {  	_ =	swait.ge [sflag:s29], $0x1  }
0xb4: {  	[sflag:s29] =	ssyncadd.s32 $0xFFFFFFFF  }
0xb5: {  	_ =	strace $0x90000051  }
0xb6: {  	_ =	sfence  }
0xb7: {  	s30 =	sld [smem:$0x0];
	_ =	sdelay $0x2  }
0xb8: {  	s31 =	sshll.u32 s1, $0xD;
	s1 =	sshrl.u32 s1, $0x2  }
0xb9: {  	s3 =	sand.u32 $0x4000, s31;
	s1 =	sadd.s32 s1, s30  }
0xba: {  	s0 =	sor.u32 s3, s0;
	s1 =	sshll.u32 s1, $0x11  }
0xbb: {  	s0 =	sor.u32 s1, s0  }
0xbc: {  	s0 =	sadd.s32 $0x8F2B, s0  }
0xbd: {  	[sflag:s0] =	ssyncadd.remote.s32 $0x1  }
0xbe: {  	_ =	sfence.sel $0xFFFF  }
0xbf: {  	[dreg:$0x0] =	wrdreg $0xFFFFFFFF;
	(pc) =	sbr.abs _section_cstart, $3  }
0xc0: {  	[dreg:$0x1] =	wrdreg $0xFFFFFFFF  }
0xc1: {  	_ =	task.clear_ibuf [dreg:s6], $0x2FFFF;
	_ =	strace $0x9FFFFFFF  }
0xc2: {  	(tm) =	ssettm $0x7FFFFFFF  }
0xc3: {  	_ =	shalt  }
tec
execute0_lowered:
.L_overlay_start_1:
0x0: {  	(tag) =	ssettag $0x1  }
0x1: {  	s5 =	rddreg [dreg:$0x0]  }
0x2: {  	s2 =	rddreg [dreg:$0x1]  }
0x3: {  	s0 =	rddreg [dreg:$0x2]  }
0x4: {  	s3 =	simm.s32 $0x0;
	s1 =	stileid.u32;
	s4 =	srdreg.scid  }
0x5: {  	s17 =	simm.s32 $0x7D;
	s18 =	simm.s32 $0x16000;
	s6 =	smul.u32 $0x14000, s1  }
0x6: {  	s19 =	simm.s32 $0x1A000;
	s20 =	simm.s32 $0x1;
	s24 =	smul.u32 $0xA0, s1  }
0x7: {  	s21 =	simm.s32 $0x2;
	s22 =	simm.s32 $0x0;
	s25 =	smul.u32 $0x50000, s1  }
0x8: {  	[smem:$0x7FF] =	sst s3;
	s7 =	sand.u32 $0x1, s4;
	s30 =	smul.u32 $0xA00, s1  }
0x9: {  	s4 =	sadd.s32 $0x7CE00, s5;
	s9 =	sadd.s32 $0x1AC00, s5;
	s8 =	smul.u32 $0x140000, s7  }
0xa: {  	s10 =	sadd.s32 $0x6C00, s5;
	s31 =	sshll.u32 s1, $0x6;
	s11 =	smul.u32 $0xA00, s7  }
0xb: {  	_ =	strace $0x80000050;
	s13 =	ssub.s32 $0x2, s7;
	s29 =	smul.u32 $0xA000, s7  }
0xc: {  	s12 =	sshrl.u32 s6, $0x3;
	s14 =	sshrl.u32 s13, $0x1;
	s28 =	sshrl.u32 s25, $0x2  }
0xd: {  	s6 =	sadd.s32 s6, s8;
	s12 =	sadd.s32 s12, s5;
	s8 =	sadd.s32 s24, s11  }
0xe: {  	s13 =	ssub.s32 s13, s14;
	s16 =	sadd.s32 s28, s2;
	s14 =	simm.s32 $0x15000  }
0xf: {  	s6 =	sshrl.u32 s6, $0x3;
	s26 =	sshll.u32 s8, $0x4;
	s7 =	sadd.s32 $0x119C00, s12  }
0x10: {  	s12 =	simm.s32 $0x14000;
	s16 =	sshrl.u32 s16, $0x3;
	s15 =	sadd.s32 s6, s5  }
0x11: {  	s5 =	sadd.s32 s9, s26;
	s6 =	sadd.s32 s10, s26;
	s10 =	sadd.s32 s29, s10  }
0x12: {  	s9 =	sadd.s32 s29, s9;
	s8 =	sadd.s32 $0x141C00, s15;
	s10 =	sadd.s32 s30, s10  }
0x13: {  	s11 =	sadd.s32 s30, s9;
	s9 =	smax.u32 s13, $0x1;
	s13 =	simm.s32 $0x4  }
0x14: {  	s15 =	sor.u32 $0x1C04, s31;
	s10 =	sadd.s32 $0x100, s10;
	s11 =	sadd.s32 $0x100, s11  }
.LBB2_1:
0x15: {  	[tilespmem:s12], [sflag:$0x4] =	stream.linear.gather [hbm4b:s5+s3], $0x800, $0x38;
	[tilespmem:$0x1E000] =	vst v63  }
0x16: {  	_ =	swait.ge [sflag:s13], $0x800  }
0x17: {  	[sflag:s13] =	ssyncset.done $0x0  }
0x18: {  	[sflag:s13] =	ssyncadd.s32 $0xFFFFF800  }
0x19: {  	[tilespmem:s14], [sflag:$0x4] =	stream.linear.gather [hbm4b:s6+s3], $0x800, $0x38;
	[tilespmem:$0x1E000] =	vst v63  }
0x1a: {  	_ =	swait.ge [sflag:s13], $0x800  }
0x1b: {  	[sflag:s13] =	ssyncset.done $0x0  }
0x1c: {  	[sflag:s13] =	ssyncadd.s32 $0xFFFFF800  }
0x1d: {  	[spmem:s16], [sflag:s15] =	dma.local [hbm:s7], $0x2800  }
0x1e: {  	_ =	swait.ge [sflag:s13], $0x2800  }
0x1f: {  	[sflag:s13] =	ssyncset.done $0x0  }
0x20: {  	[sflag:s13] =	ssyncadd.s32 $0xFFFFD800  }
0x21: {  	s23 =	simm.s32 $0x0;
	s24 =	simm.s32 $0x0;
	[bflag:$0x0] =	sbarrier.arrive $0xFFFF  }
.LBB2_2:
0x22: {  	p0 =	seq.s32 s23, $0x0  }
0x23: {  	s25 =	simm.s32 @!p0 $0x3  }
0x24: {  	_ =	swait.ge @!p0 [sflag:s25], $0x800  }
0x25: {  	[sflag:s25] =	ssyncset.done @!p0 $0x0  }
0x26: {  	[sflag:s25] =	ssyncadd.s32 @!p0 $0xFFFFF800  }
0x27: {  	_ =	swait.ge @!p0 [sflag:s25], $0x800  }
0x28: {  	p1 =	seq.s32 @!p0 s23, $0x900;
	[sflag:s25] =	ssyncset.done @!p0 $0x0  }
0x29: {  	p1 =	por p0, !p1;
	[sflag:s25] =	ssyncadd.s32 @!p0 $0xFFFFF800;
	s25 =	simm.s32 @!p0 $0x800  }
0x2a: {  	s25 =	sand.u32 @p1 $0x800, s24  }
0x2b: {  	s26 =	sxor.u32 @p1 $0x800, s25  }
0x2c: {  	s29 =	sadd.s32 @p1 s23, s11;
	s28 =	sor.u32 @p1 $0x14000, s26  }
0x2d: {  	[tilespmem:s28], [sflag:$0x3] =	stream.linear.gather @p1 [hbm4b:s29+s3], $0x800, $0x38;
	[tilespmem:$0x1E000] =	vst v63  }
0x2e: {  	s26 =	sor.u32 @p1 $0x15000, s26;
	s28 =	sadd.s32 @p1 s23, s10  }
0x2f: {  	[tilespmem:s26], [sflag:$0x3] =	stream.linear.gather @p1 [hbm4b:s28+s3], $0x800, $0x38;
	[tilespmem:$0x1E000] =	vst v63  }
0x30: {  	s29 =	sor.u32 $0x14000, s25  }
0x31: {  	[tilespmem:s18], [sflag:$0x1] =	stream.indirect.gather [hbm4b:s4+s17], $0x80, s29, s17, $0xb8;
	[tilespmem:$0x1E000] =	vst v63  }
0x32: {  	s30 =	sadd.s32 $0x14080, s25  }
0x33: {  	[tilespmem:s19], [sflag:$0x2] =	stream.indirect.gather [hbm4b:s4+s17], $0x80, s30, s17, $0xb8;
	[tilespmem:$0x1E000] =	vst v63  }
0x34: {  	_ =	swait.ge [sflag:s20], $0x3E80  }
0x35: {  	[sflag:s20] =	ssyncset.done $0x0  }
0x36: {  	s31 =	sor.u32 $0x15000, s25;
	[sflag:s20] =	ssyncadd.s32 $0xFFFFC180  }
0x37: {  	[spmem:s2] =	stream.indirect.scatter.add.f32 [tilespmem:s18], [sflag:$0x4], $0x80, s31, s17, $0xb8;
	[tilespmem:$0x1E000] =	vst v63  }
0x38: {  	_ =	swait.ge [sflag:s13], $0x3E80  }
0x39: {  	[sflag:s13] =	ssyncset.done $0x0  }
0x3a: {  	s28 =	sadd.s32 $0x14100, s25;
	[sflag:s13] =	ssyncadd.s32 $0xFFFFC180  }
0x3b: {  	[tilespmem:s18], [sflag:$0x1] =	stream.indirect.gather [hbm4b:s4+s17], $0x80, s28, s17, $0xb8;
	[tilespmem:$0x1E000] =	vst v63  }
0x3c: {  	_ =	swait.ge [sflag:s21], $0x3E80  }
0x3d: {  	[sflag:s21] =	ssyncset.done $0x0  }
0x3e: {  	s29 =	sadd.s32 $0x15080, s25;
	[sflag:s21] =	ssyncadd.s32 $0xFFFFC180  }
0x3f: {  	[spmem:s2] =	stream.indirect.scatter.add.f32 [tilespmem:s19], [sflag:$0x4], $0x80, s29, s17, $0xb8;
	[tilespmem:$0x1E000] =	vst v63  }
0x40: {  	_ =	swait.ge [sflag:s13], $0x3E80  }
0x41: {  	[sflag:s13] =	ssyncset.done $0x0  }
0x42: {  	s30 =	sadd.s32 $0x14180, s25;
	[sflag:s13] =	ssyncadd.s32 $0xFFFFC180  }
0x43: {  	[tilespmem:s19], [sflag:$0x2] =	stream.indirect.gather [hbm4b:s4+s17], $0x80, s30, s17, $0xb8;
	[tilespmem:$0x1E000] =	vst v63  }
0x44: {  	_ =	swait.ge [sflag:s20], $0x3E80  }
0x45: {  	[sflag:s20] =	ssyncset.done $0x0  }
0x46: {  	s31 =	sadd.s32 $0x15100, s25;
	[sflag:s20] =	ssyncadd.s32 $0xFFFFC180  }
0x47: {  	[spmem:s2] =	stream.indirect.scatter.add.f32 [tilespmem:s18], [sflag:$0x4], $0x80, s31, s17, $0xb8;
	[tilespmem:$0x1E000] =	vst v63  }
0x48: {  	_ =	swait.ge [sflag:s13], $0x3E80  }
0x49: {  	[sflag:s13] =	ssyncset.done $0x0  }
0x4a: {  	s28 =	sadd.s32 $0x14200, s25;
	[sflag:s13] =	ssyncadd.s32 $0xFFFFC180  }
0x4b: {  	[tilespmem:s18], [sflag:$0x1] =	stream.indirect.gather [hbm4b:s4+s17], $0x80, s28, s17, $0xb8;
	[tilespmem:$0x1E000] =	vst v63  }
0x4c: {  	_ =	swait.ge [sflag:s21], $0x3E80  }
0x4d: {  	[sflag:s21] =	ssyncset.done $0x0  }
0x4e: {  	s29 =	sadd.s32 $0x15180, s25;
	[sflag:s21] =	ssyncadd.s32 $0xFFFFC180  }
0x4f: {  	[spmem:s2] =	stream.indirect.scatter.add.f32 [tilespmem:s19], [sflag:$0x4], $0x80, s29, s17, $0xb8;
	[tilespmem:$0x1E000] =	vst v63  }
0x50: {  	_ =	swait.ge [sflag:s13], $0x3E80  }
0x51: {  	[sflag:s13] =	ssyncset.done $0x0  }
0x52: {  	s30 =	sadd.s32 $0x14280, s25;
	[sflag:s13] =	ssyncadd.s32 $0xFFFFC180  }
0x53: {  	[tilespmem:s19], [sflag:$0x2] =	stream.indirect.gather [hbm4b:s4+s17], $0x80, s30, s17, $0xb8;
	[tilespmem:$0x1E000] =	vst v63  }
0x54: {  	_ =	swait.ge [sflag:s20], $0x3E80  }
0x55: {  	[sflag:s20] =	ssyncset.done $0x0  }
0x56: {  	s31 =	sadd.s32 $0x15200, s25;
	[sflag:s20] =	ssyncadd.s32 $0xFFFFC180  }
0x57: {  	[spmem:s2] =	stream.indirect.scatter.add.f32 [tilespmem:s18], [sflag:$0x4], $0x80, s31, s17, $0xb8;
	[tilespmem:$0x1E000] =	vst v63  }
0x58: {  	_ =	swait.ge [sflag:s13], $0x3E80  }
0x59: {  	[sflag:s13] =	ssyncset.done $0x0  }
0x5a: {  	s28 =	sadd.s32 $0x14300, s25;
	[sflag:s13] =	ssyncadd.s32 $0xFFFFC180  }
0x5b: {  	[tilespmem:s18], [sflag:$0x1] =	stream.indirect.gather [hbm4b:s4+s17], $0x80, s28, s17, $0xb8;
	[tilespmem:$0x1E000] =	vst v63  }
0x5c: {  	_ =	swait.ge [sflag:s21], $0x3E80  }
0x5d: {  	[sflag:s21] =	ssyncset.done $0x0  }
0x5e: {  	s29 =	sadd.s32 $0x15280, s25;
	[sflag:s21] =	ssyncadd.s32 $0xFFFFC180  }
0x5f: {  	[spmem:s2] =	stream.indirect.scatter.add.f32 [tilespmem:s19], [sflag:$0x4], $0x80, s29, s17, $0xb8;
	[tilespmem:$0x1E000] =	vst v63  }
0x60: {  	_ =	swait.ge [sflag:s13], $0x3E80  }
0x61: {  	[sflag:s13] =	ssyncset.done $0x0  }
0x62: {  	s30 =	sadd.s32 $0x14380, s25;
	[sflag:s13] =	ssyncadd.s32 $0xFFFFC180  }
0x63: {  	[tilespmem:s19], [sflag:$0x2] =	stream.indirect.gather [hbm4b:s4+s17], $0x80, s30, s17, $0xb8;
	[tilespmem:$0x1E000] =	vst v63  }
0x64: {  	_ =	swait.ge [sflag:s20], $0x3E80  }
0x65: {  	[sflag:s20] =	ssyncset.done $0x0  }
0x66: {  	s31 =	sadd.s32 $0x15300, s25;
	[sflag:s20] =	ssyncadd.s32 $0xFFFFC180  }
0x67: {  	[spmem:s2] =	stream.indirect.scatter.add.f32 [tilespmem:s18], [sflag:$0x4], $0x80, s31, s17, $0xb8;
	[tilespmem:$0x1E000] =	vst v63  }
0x68: {  	_ =	swait.ge [sflag:s13], $0x3E80  }
0x69: {  	[sflag:s13] =	ssyncset.done $0x0  }
0x6a: {  	s28 =	sadd.s32 $0x14400, s25;
	[sflag:s13] =	ssyncadd.s32 $0xFFFFC180  }
0x6b: {  	[tilespmem:s18], [sflag:$0x1] =	stream.indirect.gather [hbm4b:s4+s17], $0x80, s28, s17, $0xb8;
	[tilespmem:$0x1E000] =	vst v63  }
0x6c: {  	_ =	swait.ge [sflag:s21], $0x3E80  }
0x6d: {  	[sflag:s21] =	ssyncset.done $0x0  }
0x6e: {  	s29 =	sadd.s32 $0x15380, s25;
	[sflag:s21] =	ssyncadd.s32 $0xFFFFC180  }
0x6f: {  	[spmem:s2] =	stream.indirect.scatter.add.f32 [tilespmem:s19], [sflag:$0x4], $0x80, s29, s17, $0xb8;
	[tilespmem:$0x1E000] =	vst v63  }
0x70: {  	_ =	swait.ge [sflag:s13], $0x3E80  }
0x71: {  	[sflag:s13] =	ssyncset.done $0x0  }
0x72: {  	s30 =	sadd.s32 $0x14480, s25;
	[sflag:s13] =	ssyncadd.s32 $0xFFFFC180  }
0x73: {  	[tilespmem:s19], [sflag:$0x2] =	stream.indirect.gather [hbm4b:s4+s17], $0x80, s30, s17, $0xb8;
	[tilespmem:$0x1E000] =	vst v63  }
0x74: {  	_ =	swait.ge [sflag:s20], $0x3E80  }
0x75: {  	[sflag:s20] =	ssyncset.done $0x0  }
0x76: {  	s31 =	sadd.s32 $0x15400, s25;
	[sflag:s20] =	ssyncadd.s32 $0xFFFFC180  }
0x77: {  	[spmem:s2] =	stream.indirect.scatter.add.f32 [tilespmem:s18], [sflag:$0x4], $0x80, s31, s17, $0xb8;
	[tilespmem:$0x1E000] =	vst v63  }
0x78: {  	_ =	swait.ge [sflag:s13], $0x3E80  }
0x79: {  	[sflag:s13] =	ssyncset.done $0x0  }
0x7a: {  	s28 =	sadd.s32 $0x14500, s25;
	[sflag:s13] =	ssyncadd.s32 $0xFFFFC180  }
0x7b: {  	[tilespmem:s18], [sflag:$0x1] =	stream.indirect.gather [hbm4b:s4+s17], $0x80, s28, s17, $0xb8;
	[tilespmem:$0x1E000] =	vst v63  }
0x7c: {  	_ =	swait.ge [sflag:s21], $0x3E80  }
0x7d: {  	[sflag:s21] =	ssyncset.done $0x0  }
0x7e: {  	s29 =	sadd.s32 $0x15480, s25;
	[sflag:s21] =	ssyncadd.s32 $0xFFFFC180  }
0x7f: {  	[spmem:s2] =	stream.indirect.scatter.add.f32 [tilespmem:s19], [sflag:$0x4], $0x80, s29, s17, $0xb8;
	[tilespmem:$0x1E000] =	vst v63  }
0x80: {  	_ =	swait.ge [sflag:s13], $0x3E80  }
0x81: {  	[sflag:s13] =	ssyncset.done $0x0  }
0x82: {  	s30 =	sadd.s32 $0x14580, s25;
	[sflag:s13] =	ssyncadd.s32 $0xFFFFC180  }
0x83: {  	[tilespmem:s19], [sflag:$0x2] =	stream.indirect.gather [hbm4b:s4+s17], $0x80, s30, s17, $0xb8;
	[tilespmem:$0x1E000] =	vst v63  }
0x84: {  	_ =	swait.ge [sflag:s20], $0x3E80  }
0x85: {  	[sflag:s20] =	ssyncset.done $0x0  }
0x86: {  	s31 =	sadd.s32 $0x15500, s25;
	[sflag:s20] =	ssyncadd.s32 $0xFFFFC180  }
0x87: {  	[spmem:s2] =	stream.indirect.scatter.add.f32 [tilespmem:s18], [sflag:$0x4], $0x80, s31, s17, $0xb8;
	[tilespmem:$0x1E000] =	vst v63  }
0x88: {  	_ =	swait.ge [sflag:s13], $0x3E80  }
0x89: {  	[sflag:s13] =	ssyncset.done $0x0  }
0x8a: {  	s28 =	sadd.s32 $0x14600, s25;
	[sflag:s13] =	ssyncadd.s32 $0xFFFFC180  }
0x8b: {  	[tilespmem:s18], [sflag:$0x1] =	stream.indirect.gather [hbm4b:s4+s17], $0x80, s28, s17, $0xb8;
	[tilespmem:$0x1E000] =	vst v63  }
0x8c: {  	_ =	swait.ge [sflag:s21], $0x3E80  }
0x8d: {  	[sflag:s21] =	ssyncset.done $0x0  }
0x8e: {  	s29 =	sadd.s32 $0x15580, s25;
	[sflag:s21] =	ssyncadd.s32 $0xFFFFC180  }
0x8f: {  	[spmem:s2] =	stream.indirect.scatter.add.f32 [tilespmem:s19], [sflag:$0x4], $0x80, s29, s17, $0xb8;
	[tilespmem:$0x1E000] =	vst v63  }
0x90: {  	_ =	swait.ge [sflag:s13], $0x3E80  }
0x91: {  	[sflag:s13] =	ssyncset.done $0x0  }
0x92: {  	s30 =	sadd.s32 $0x14680, s25;
	[sflag:s13] =	ssyncadd.s32 $0xFFFFC180  }
0x93: {  	[tilespmem:s19], [sflag:$0x2] =	stream.indirect.gather [hbm4b:s4+s17], $0x80, s30, s17, $0xb8;
	[tilespmem:$0x1E000] =	vst v63  }
0x94: {  	_ =	swait.ge [sflag:s20], $0x3E80  }
0x95: {  	[sflag:s20] =	ssyncset.done $0x0  }
0x96: {  	s31 =	sadd.s32 $0x15600, s25;
	[sflag:s20] =	ssyncadd.s32 $0xFFFFC180  }
0x97: {  	[spmem:s2] =	stream.indirect.scatter.add.f32 [tilespmem:s18], [sflag:$0x4], $0x80, s31, s17, $0xb8;
	[tilespmem:$0x1E000] =	vst v63  }
0x98: {  	_ =	swait.ge [sflag:s13], $0x3E80  }
0x99: {  	[sflag:s13] =	ssyncset.done $0x0  }
0x9a: {  	s28 =	sadd.s32 $0x14700, s25;
	[sflag:s13] =	ssyncadd.s32 $0xFFFFC180  }
0x9b: {  	[tilespmem:s18], [sflag:$0x1] =	stream.indirect.gather [hbm4b:s4+s17], $0x80, s28, s17, $0xb8;
	[tilespmem:$0x1E000] =	vst v63  }
0x9c: {  	_ =	swait.ge [sflag:s21], $0x3E80  }
0x9d: {  	[sflag:s21] =	ssyncset.done $0x0  }
0x9e: {  	s29 =	sadd.s32 $0x15680, s25;
	[sflag:s21] =	ssyncadd.s32 $0xFFFFC180  }
0x9f: {  	[spmem:s2] =	stream.indirect.scatter.add.f32 [tilespmem:s19], [sflag:$0x4], $0x80, s29, s17, $0xb8;
	[tilespmem:$0x1E000] =	vst v63  }
0xa0: {  	_ =	swait.ge [sflag:s13], $0x3E80  }
0xa1: {  	[sflag:s13] =	ssyncset.done $0x0  }
0xa2: {  	s30 =	sadd.s32 $0x14780, s25;
	[sflag:s13] =	ssyncadd.s32 $0xFFFFC180  }
0xa3: {  	[tilespmem:s19], [sflag:$0x2] =	stream.indirect.gather [hbm4b:s4+s17], $0x80, s30, s17, $0xb8;
	[tilespmem:$0x1E000] =	vst v63  }
0xa4: {  	_ =	swait.ge [sflag:s20], $0x3E80  }
0xa5: {  	[sflag:s20] =	ssyncset.done $0x0  }
0xa6: {  	s31 =	sadd.s32 $0x15700, s25;
	[sflag:s20] =	ssyncadd.s32 $0xFFFFC180  }
0xa7: {  	[spmem:s2] =	stream.indirect.scatter.add.f32 [tilespmem:s18], [sflag:$0x4], $0x80, s31, s17, $0xb8;
	[tilespmem:$0x1E000] =	vst v63  }
0xa8: {  	_ =	swait.ge [sflag:s13], $0x3E80  }
0xa9: {  	[sflag:s13] =	ssyncset.done $0x0  }
0xaa: {  	[sflag:s13] =	ssyncadd.s32 $0xFFFFC180  }
0xab: {  	s23 =	sadd.s32 $0x100, s23;
	_ =	swait.ge [sflag:s21], $0x3E80  }
0xac: {  	p0 =	sne.s32 s23, $0xA00;
	[sflag:s21] =	ssyncset.done $0x0  }
.Ltmp0:
0xad: {  	s25 =	sadd.s32 $0x15780, s25;
	[sflag:s21] =	ssyncadd.s32 $0xFFFFC180;
	(pc) =	sbr.rel @p0 .LBB2_2-.Ltmp0, $4  }
0xae: {  	[spmem:s2] =	stream.indirect.scatter.add.f32 [tilespmem:s19], [sflag:$0x4], $0x80, s25, s17, $0xb8;
	[tilespmem:$0x1E000] =	vst v63  }
0xaf: {  	_ =	swait.ge [sflag:s13], $0x3E80  }
0xb0: {  	[sflag:s13] =	ssyncset.done $0x0  }
0xb1: {  	s24 =	sadd.s32 $0x800, s24;
	[sflag:s13] =	ssyncadd.s32 $0xFFFFC180  }
0xb2: {  	s22 =	sadd.s32 $0x1, s22  }
0xb3: {  	p0 =	sne.s32 s22, s9  }
.Ltmp1:
0xb4: {  	[bflag:$0x0] =	sbarrier.arrive $0xFFFF;
	(pc) =	sbr.rel @p0 .LBB2_1-.Ltmp1, $4  }
0xb5: {  	[hbm:s8], [sflag:s15] =	dma.local [spmem:s16], $0x2800  }
0xb6: {  	_ =	swait.ge [sflag:s13], $0x2800  }
0xb7: {  	[sflag:s13] =	ssyncset.done $0x0  }
0xb8: {  	[sflag:s13] =	ssyncadd.s32 $0xFFFFD800  }
0xb9: {  	_ =	sfence.sel $0x180000  }
0xba: {  	[bflag:$0x0] =	sbarrier.arrive $0xFFFF  }
0xbb: {  	p0 =	sne.s32 s1, $0x0;
	_ =	strace $0x90000050  }
0xbc: {  	s0 =	sadd.s32 @!p0 $0x100000, s0;
	[bflag:$0x2] =	sbarrier.arrive $0xFFFF  }
0xbd: {  	[sflag:s0] =	ssyncadd.tile.s32 @!p0 $0x1;
	_ =	shalt  }
.Lfunc_end2:
_tile_overlayer_lowered:
.L_overlay_start_2:
0xbe: {  	(tag) =	ssettag $0x2  }
0xbf: {  	s0 =	rddreg [dreg:$0x0];
	s2 =	stileid.u32  }
0xc0: {  	s1 =	rddreg [dreg:$0x1];
	p0 =	sne.s32 s2, $0x0  }
0xc1: {  	s3 =	rddreg [dreg:$0x2];
	[bflag:$0x3] =	sbarrier.arrive $0xFFFF;
	s2 =	simm.s32 @!p0 $0x1C04  }
0xc2: {  	[timem:s3], [sflag:s2] =	dma.local @!p0 [hbm:s0], s1  }
0xc3: {  	s0 =	simm.s32 @!p0 $0x4  }
0xc4: {  	_ =	swait.ge @!p0 [sflag:s0], s1  }
0xc5: {  	s1 =	ssub.s32 @!p0 $0x0, s1;
	[sflag:s0] =	ssyncset.done @!p0 $0x0  }
0xc6: {  	[sflag:s0] =	ssyncadd.s32 @!p0 s1  }
0xc7: {  	[bflag:$0x3] =	sbarrier.arrive $0xFFFF  }
0xc8: {  	_ =	shalt  }

</sc_bundles>
